<compile_context>
chip_gen: v7x
topology: tpu7x:2x2x1
jax: 0.10.2.dev20260603
libtpu: 0.0.44.dev20260713+nightly
codegen_flags: <defaults>
</compile_context>

<pallas_src>
import functools

import jax
import jax.numpy as jnp
from jax import lax
from jax.experimental import pallas as pl
from jax.experimental.pallas import tpu as pltpu
from jax.experimental.pallas import tpu_sc as plsc

N = 10000
SVD = 128
H = 4
D = 16
HD = H * D
EMB = 64
M = 2
NEG = 0.1

NTILE = 16
K = 128
E = 640000
EPT = 40960
E_PAD = NTILE * EPT
NCHUNK = EPT // K
NBLK = 16
NBLOCK = NCHUNK // NBLK
NPAD = N + 8
ACCW = 72
SR = 200
NSLICE = N // SR

TM = 400
TR = 2000




def _prep_body(feat_ref, preW_ref, preb_ref, linS_ref, linD_ref,
               AS_ref, AD_ref, xs_ref, asrc_ref, dpk_ref):
    f = feat_ref[...]
    for i in range(M):
        x = jnp.dot(f, preW_ref[i], preferred_element_type=jnp.float32)
        x = x + preb_ref[i]
        xs = jnp.dot(x, linS_ref[i], preferred_element_type=jnp.float32)
        xd = jnp.dot(x, linD_ref[i], preferred_element_type=jnp.float32)
        a_s = jnp.dot(xs, AS_ref[i], preferred_element_type=jnp.float32)
        a_d = jnp.dot(xd, AD_ref[i], preferred_element_type=jnp.float32)
        g = jnp.max(a_s, axis=0, keepdims=True)
        z = g + a_d
        ub = jnp.maximum(z, NEG * z)
        xs_ref[i, ...] = xs
        asrc_ref[i, ...] = a_s
        dpk_ref[i, :, 0:4] = a_d
        dpk_ref[i, :, 4:8] = ub


def _prep(features, preW, preb, linS, linD, AS, AD):
    return pl.pallas_call(
        _prep_body,
        out_shape=(
            jax.ShapeDtypeStruct((M, N, HD), jnp.float32),
            jax.ShapeDtypeStruct((M, N, H), jnp.float32),
            jax.ShapeDtypeStruct((M, N, 2 * H), jnp.float32),
        ),
    )(features, preW, preb, linS, linD, AS, AD)



_mesh = plsc.VectorSubcoreMesh(core_axis_name="c", subcore_axis_name="s")


@functools.partial(
    pl.kernel,
    out_type=jax.ShapeDtypeStruct((M, N, ACCW), jnp.float32),
    mesh=_mesh,
    compiler_params=pltpu.CompilerParams(needs_layout_passes=False,
                                         use_tc_tiling_on_sc=False),
    scratch_types=[
        pltpu.VMEM_SHARED((NPAD, ACCW), jnp.float32),
        pltpu.VMEM_SHARED((2 * N, 2 * H), jnp.float32),
        pltpu.VMEM_SHARED((NPAD, 2 * H), jnp.float32),
        pltpu.VMEM((NBLK, K), jnp.int32),
        pltpu.VMEM((NBLK, K), jnp.int32),
        pltpu.VMEM((NBLK, K), jnp.float32),
        pltpu.VMEM((K, HD), jnp.float32),
        pltpu.VMEM((K, 2 * H), jnp.float32),
        pltpu.VMEM((K, 2 * H), jnp.float32),
        pltpu.VMEM((K, H), jnp.float32),
        pltpu.VMEM((K, ACCW), jnp.float32),
        pltpu.VMEM((SR, ACCW), jnp.float32),
        pltpu.VMEM((SR, 2 * H), jnp.float32),
        pltpu.VMEM((SR, 2 * H), jnp.float32),
        pltpu.VMEM((8, 2 * H), jnp.float32),
        pltpu.SemaphoreType.DMA,
        pltpu.SemaphoreType.DMA,
        pltpu.SemaphoreType.DMA,
    ],
)
def _sc_edge(src_hbm, dst_hbm, ew_hbm, xs_hbm, asrc_hbm, dpk_hbm, zrow_hbm,
             z8_hbm, out_hbm, acc_sh, asrc_sh, dpk_sh, srcb, dstb, ewb,
             xsb, asb, dpb, wb, sb, tmp, stg4, stg8, z8v, sem0, sem1, sem2):
    c = lax.axis_index("c")
    t = lax.axis_index("s")

    pltpu.sync_copy(zrow_hbm, tmp)
    for qi in range(2 * NSLICE // NTILE + 1):
        q = t + qi * NTILE

        @pl.when(q < 2 * NSLICE)
        def _():
            r = q * SR
            pltpu.sync_copy(asrc_hbm.at[pl.ds(r, SR)], stg4)
            pltpu.sync_copy(stg4, asrc_sh.at[pl.ds(r, SR)])

    for qi in range(4):
        q = t + qi * NTILE

        @pl.when(q < NSLICE)
        def _():
            r = q * SR
            pltpu.sync_copy(dpk_hbm.at[c, pl.ds(r, SR)], stg8)
            pltpu.sync_copy(stg8, dpk_sh.at[pl.ds(r, SR)])
            pltpu.sync_copy(tmp, acc_sh.at[pl.ds(r, SR)])

    @pl.when(t == 0)
    def _():
        pltpu.sync_copy(tmp.at[pl.ds(0, 8)], acc_sh.at[pl.ds(N, 8)])
        pltpu.sync_copy(z8_hbm, z8v)
        pltpu.sync_copy(z8v, dpk_sh.at[pl.ds(N, 8)])

    lanes = lax.iota(jnp.int32, 16)
    zv = jnp.zeros((16,), jnp.float32)
    for g in range(K // 16):
        for pc in range(HD + H, ACCW):
            plsc.store_scatter(sb, [lanes + g * 16,
                                    jnp.full((16,), pc, jnp.int32)], zv)

    plsc.subcore_barrier()

    quad = lanes // 4
    hmod = lanes - quad * 4

    def blk_body(bi, carry):
        rowb = c * (E_PAD // K) + t * (EPT // K) + bi * NBLK
        b1 = pltpu.async_copy(src_hbm.at[pl.ds(rowb, NBLK)], srcb, sem0)
        b2 = pltpu.async_copy(dst_hbm.at[pl.ds(rowb, NBLK)], dstb, sem1)
        b3 = pltpu.async_copy(ew_hbm.at[pl.ds(rowb, NBLK)], ewb, sem2)
        b1.wait()
        b2.wait()
        b3.wait()

        def chunk_body(ci, carry2):
            srcv = srcb.at[ci]
            dstv = dstb.at[ci]
            d1 = pltpu.async_copy(xs_hbm.at[srcv], xsb, sem0)
            d2 = pltpu.async_copy(asrc_sh.at[srcv], asb, sem1)
            d3 = pltpu.async_copy(dpk_sh.at[dstv], dpb, sem2)
            d1.wait()
            d2.wait()
            d3.wait()
            civ = jnp.full((16,), ci, jnp.int32)

            for j in range(K * H // 16):
                ev = quad + j * 4
                a_s = plsc.load_gather(asb, [ev, hmod])
                a_d = plsc.load_gather(dpb, [ev, hmod])
                ubv = plsc.load_gather(dpb, [ev, hmod + H])
                eww = plsc.load_gather(ewb, [civ, ev])
                a = a_s + a_d
                a = jnp.maximum(a, NEG * a)
                ex = jnp.exp(a - ubv)
                plsc.store_scatter(sb, [ev, hmod + HD], ex)
                plsc.store_scatter(wb, [ev, hmod], ex * eww)

            def grp(g, carry3):
                evg = lanes + g * 16
                for h in range(H):
                    wv = plsc.load_gather(
                        wb, [evg, jnp.full((16,), h, jnp.int32)])
                    for d in range(D):
                        col = jnp.full((16,), h * D + d, jnp.int32)
                        xv = plsc.load_gather(xsb, [evg, col])
                        plsc.store_scatter(sb, [evg, col], xv * wv)
                return carry3

            lax.fori_loop(0, K // 16, grp, 0)

            pltpu.sync_copy(sb, acc_sh.at[dstv], add=True)
            return carry2

        lax.fori_loop(0, NBLK, chunk_body, 0)
        return carry

    lax.fori_loop(0, NBLOCK, blk_body, 0)

    plsc.subcore_barrier()

    for qi in range(4):
        q = t + qi * NTILE

        @pl.when(q < NSLICE)
        def _():
            r = q * SR
            pltpu.sync_copy(acc_sh.at[pl.ds(r, SR)], tmp)
            pltpu.sync_copy(tmp, out_hbm.at[c, pl.ds(r, SR)])




def _final_body(acc_ref, xs_ref, asrc_ref, dpk_ref, gatb_ref, masks_ref,
                scales_ref, embW_ref, embb_ref, R_ref, emb_ref, ns_ref):
    ns = jax.nn.softmax(scales_ref[...], axis=-1)
    im = jax.nn.softmax(masks_ref[...], axis=-1)
    R = R_ref[...]
    accn = jnp.zeros((TR, HD), jnp.float32)
    for i in range(M):
        msg = acc_ref[i, :, 0:HD]
        dsum = acc_ref[i, :, HD:HD + H]
        s = asrc_ref[i] + dpk_ref[i, :, 0:H]
        ub = dpk_ref[i, :, H:2 * H]
        asl = jnp.exp(jnp.maximum(s, NEG * s) - ub)
        rec = 1.0 / (dsum + asl + 1e-16)
        asl64 = jnp.dot(asl, R, preferred_element_type=jnp.float32)
        rec64 = jnp.dot(rec, R, preferred_element_type=jnp.float32)
        conv = (msg + asl64 * xs_ref[i]) * rec64 + gatb_ref[i]
        accn = accn + conv * (im[:, i:i + 1] * ns[:, i:i + 1])
    emb_ref[...] = jnp.dot(accn, embW_ref[...],
                           preferred_element_type=jnp.float32) + embb_ref[...]
    ns_ref[...] = ns


def _final(acc, xs_all, asrc_all, dpk_all, gatb, masks, scales, embW, embb, R):
    return pl.pallas_call(
        _final_body,
        grid=(N // TR,),
        in_specs=[
            pl.BlockSpec((M, TR, ACCW), lambda r: (0, r, 0)),
            pl.BlockSpec((M, TR, HD), lambda r: (0, r, 0)),
            pl.BlockSpec((M, TR, H), lambda r: (0, r, 0)),
            pl.BlockSpec((M, TR, 2 * H), lambda r: (0, r, 0)),
            pl.BlockSpec((M, 1, HD), lambda r: (0, 0, 0)),
            pl.BlockSpec((TR, M), lambda r: (r, 0)),
            pl.BlockSpec((1, M), lambda r: (0, 0)),
            pl.BlockSpec((HD, EMB), lambda r: (0, 0)),
            pl.BlockSpec((1, EMB), lambda r: (0, 0)),
            pl.BlockSpec((H, HD), lambda r: (0, 0)),
        ],
        out_specs=(
            pl.BlockSpec((TR, EMB), lambda r: (r, 0)),
            pl.BlockSpec((1, M), lambda r: (0, 0)),
        ),
        out_shape=(
            jax.ShapeDtypeStruct((N, EMB), jnp.float32),
            jax.ShapeDtypeStruct((1, M), jnp.float32),
        ),
    )(acc, xs_all, asrc_all, dpk_all, gatb, masks, scales, embW, embb, R)


def _dot_body(a_ref, b_ref, o_ref):
    o_ref[...] = lax.dot_general(
        a_ref[...], b_ref[...], (((1,), (1,)), ((), ())),
        preferred_element_type=jnp.float32)


def _dot(emb):
    return pl.pallas_call(
        _dot_body,
        grid=(N // TM,),
        in_specs=[
            pl.BlockSpec((TM, EMB), lambda i: (i, 0)),
            pl.BlockSpec((N, EMB), lambda i: (0, 0)),
        ],
        out_specs=pl.BlockSpec((TM, N), lambda i: (i, 0)),
        out_shape=jax.ShapeDtypeStruct((N, N), jnp.float32),
    )(emb, emb)




def kernel(features, masks, edge_index0, edge_weight0, edge_index1, edge_weight1,
           pre_W0, pre_b0, pre_W1, pre_b1,
           lin_src_W0, lin_dst_W0, att_src0, att_dst0, gat_b0,
           lin_src_W1, lin_dst_W1, att_src1, att_dst1, gat_b1,
           scales, emb_W, emb_b):
    f32 = jnp.float32
    i32 = jnp.int32
    preW = jnp.stack([pre_W0, pre_W1])
    preb = jnp.stack([pre_b0.reshape(1, HD), pre_b1.reshape(1, HD)])
    linS = jnp.stack([lin_src_W0, lin_src_W1])
    linD = jnp.stack([lin_dst_W0, lin_dst_W1])
    R = jnp.kron(jnp.eye(H, dtype=f32), jnp.ones((1, D), f32))
    AS = jnp.stack([R.T * att_src0.reshape(HD, 1),
                    R.T * att_src1.reshape(HD, 1)])
    AD = jnp.stack([R.T * att_dst0.reshape(HD, 1),
                    R.T * att_dst1.reshape(HD, 1)])
    gatb = jnp.stack([gat_b0.reshape(1, HD), gat_b1.reshape(1, HD)])

    xs_all, asrc_all, dpk_all = _prep(features, preW, preb, linS, linD, AS, AD)

    pad = E_PAD - E
    src_flat = jnp.concatenate([
        edge_index0[0], jnp.zeros((pad,), i32),
        edge_index1[0] + N, jnp.full((pad,), N, i32)])
    dst_flat = jnp.concatenate([
        edge_index0[1], jnp.full((pad,), N, i32),
        edge_index1[1], jnp.full((pad,), N, i32)])
    ew_flat = jnp.concatenate([
        edge_weight0, jnp.zeros((pad,), f32),
        edge_weight1, jnp.zeros((pad,), f32)])
    zrow = jnp.zeros((SR, ACCW), f32)
    z8 = jnp.zeros((8, 2 * H), f32)

    asrc8 = jnp.concatenate(
        [asrc_all.reshape(M * N, H), jnp.zeros((M * N, H), f32)], axis=1)
    acc = _sc_edge(src_flat.reshape(-1, K), dst_flat.reshape(-1, K),
                   ew_flat.reshape(-1, K), xs_all.reshape(M * N, HD),
                   asrc8, dpk_all, zrow, z8)

    emb, ns = _final(acc, xs_all, asrc_all, dpk_all, gatb, masks,
                     scales.reshape(1, M), emb_W, emb_b.reshape(1, EMB), R)
    dot = _dot(emb)
    return dot, emb, ns

# --- scband reference (transcript-rebuilt; emitter-appended) ---
"""Pipeline reference for scband-bionic-56590489092307 (READ-ONLY COPY).

The authoritative reference and input builder live on the scoring server;
editing this copy changes nothing except your own understanding.
"""

import jax, jax.numpy as jnp
import numpy as np

N = 10000
E = 640000
SVD = 128
H = 4
D = 16
HD = H * D
EMB = 64
M = 2
NEG_SLOPE = 0.1


def setup_inputs(seed: int = 0):
    key = jax.random.key(seed)
    ks = jax.random.split(key, 32)
    s = 0.05
    inp = {}
    inp["features"] = jax.random.normal(ks[0], (N, SVD), dtype=jnp.float32)
    inp["masks"] = jnp.ones((N, M), dtype=jnp.float32)
    inp["edge_index0"] = jax.random.randint(ks[1], (2, E), 0, N)
    inp["edge_weight0"] = jax.random.uniform(ks[2], (E,), dtype=jnp.float32)
    inp["edge_index1"] = jax.random.randint(ks[3], (2, E), 0, N)
    inp["edge_weight1"] = jax.random.uniform(ks[4], (E,), dtype=jnp.float32)
    # pre-GAT dense layers (one per modality): Linear(svd_dim, dimension*n_heads)
    inp["pre_W0"] = jax.random.normal(ks[5], (SVD, HD), dtype=jnp.float32) * s
    inp["pre_b0"] = jnp.zeros((HD,), dtype=jnp.float32)
    inp["pre_W1"] = jax.random.normal(ks[6], (SVD, HD), dtype=jnp.float32) * s
    inp["pre_b1"] = jnp.zeros((HD,), dtype=jnp.float32)
    # WGATConv params per modality: bipartite lin_src/lin_dst, attention vectors, bias
    inp["lin_src_W0"] = jax.random.normal(ks[7], (HD, HD), dtype=jnp.float32) * s
    inp["lin_dst_W0"] = jax.random.normal(ks[8], (HD, HD), dtype=jnp.float32) * s
    inp["att_src0"] = jax.random.normal(ks[9], (H, D), dtype=jnp.float32) * s
    inp["att_dst0"] = jax.random.normal(ks[10], (H, D), dtype=jnp.float32) * s
    inp["gat_b0"] = jnp.zeros((HD,), dtype=jnp.float32)
    inp["lin_src_W1"] = jax.random.normal(ks[11], (HD, HD), dtype=jnp.float32) * s
    inp["lin_dst_W1"] = jax.random.normal(ks[12], (HD, HD), dtype=jnp.float32) * s
    inp["att_src1"] = jax.random.normal(ks[13], (H, D), dtype=jnp.float32) * s
    inp["att_dst1"] = jax.random.normal(ks[14], (H, D), dtype=jnp.float32) * s
    inp["gat_b1"] = jnp.zeros((HD,), dtype=jnp.float32)
    # Interp learned network scaling coefficients
    inp["scales"] = jnp.ones((M,), dtype=jnp.float32) / M
    # final embedding layer
    inp["emb_W"] = jax.random.normal(ks[15], (HD, EMB), dtype=jnp.float32) * s
    inp["emb_b"] = jnp.zeros((EMB,), dtype=jnp.float32)
    return inp


def _wgat_conv(x, edge_index, edge_weight, lin_src_W, lin_dst_W, att_src, att_dst, bias):
    # Weighted GAT conv (WGATConv) with add_self_loops=True, dropout=0.
    src = edge_index[0]
    dst = edge_index[1]
    loops = jnp.arange(N)
    src = jnp.concatenate([src, loops])
    dst = jnp.concatenate([dst, loops])
    ew = jnp.concatenate([edge_weight, jnp.ones((N,), dtype=edge_weight.dtype)])
    xs = (x @ lin_src_W).reshape(N, H, D)
    xd = (x @ lin_dst_W).reshape(N, H, D)
    a_src = (xs * att_src[None, :, :]).sum(-1)  # [N, H]
    a_dst = (xd * att_dst[None, :, :]).sum(-1)  # [N, H]
    alpha = a_src[src] + a_dst[dst]            # [E+N, H]
    alpha = jax.nn.leaky_relu(alpha, NEG_SLOPE)
    amax = jax.ops.segment_max(alpha, dst, num_segments=N)
    amax = jnp.where(jnp.isfinite(amax), amax, 0.0)
    ex = jnp.exp(alpha - amax[dst])
    denom = jax.ops.segment_sum(ex, dst, num_segments=N)
    alpha = ex / (denom[dst] + 1e-16)
    alpha = alpha * ew[:, None]                # edge weights applied post-softmax
    msg = xs[src] * alpha[:, :, None]          # [E+N, H, D]
    out = jax.ops.segment_sum(msg, dst, num_segments=N)
    return out.reshape(N, HD) + bias


def reference(features, masks, edge_index0, edge_weight0, edge_index1, edge_weight1,
              pre_W0, pre_b0, pre_W1, pre_b1,
              lin_src_W0, lin_dst_W0, att_src0, att_dst0, gat_b0,
              lin_src_W1, lin_dst_W1, att_src1, att_dst1, gat_b1,
              scales, emb_W, emb_b):
    # Interp (evaluate=True -> random_mask is all ones, deterministic)
    net_scales = jax.nn.softmax(scales.reshape(1, -1), axis=-1)
    random_mask = jnp.ones_like(masks)
    interp_masks = jax.nn.softmax(masks * random_mask + (1.0 - random_mask) * -1e10, axis=-1)
    pre = [(pre_W0, pre_b0), (pre_W1, pre_b1)]
    gat = [(lin_src_W0, lin_dst_W0, att_src0, att_dst0, gat_b0),
           (lin_src_W1, lin_dst_W1, att_src1, att_dst1, gat_b1)]
    edges = [(edge_index0, edge_weight0), (edge_index1, edge_weight1)]
    acc = jnp.zeros((N, HD), dtype=jnp.float32)
    for i in range(M):
        x = features @ pre[i][0] + pre[i][1]
        x = _wgat_conv(x, edges[i][0], edges[i][1], *gat[i])
        x = net_scales[0, i] * interp_masks[:, i].reshape(-1, 1) * x
        acc = acc + x
    emb = acc @ emb_W + emb_b
    dot = emb @ emb.T
    return dot, emb, net_scales

if __name__ == "__main__":
    import jax
    _d = setup_inputs()
    print(jax.jit(kernel)(*tuple(_d.values())))

</pallas_src>

<mosaic_0001>
#map = affine_map<(d0, d1) -> (0, 0)>
#map1 = affine_map<(d0, d1) -> (0, 0, 0)>
module attributes {stable_mosaic.version = 14 : i64} {
  func.func @_sc_edge(%arg0: i32, %arg1: i32, %arg2: memref<10240x128xi32, #tpu.memory_space<hbm>>, %arg3: memref<10240x128xi32, #tpu.memory_space<hbm>>, %arg4: memref<10240x128xf32, #tpu.memory_space<hbm>>, %arg5: memref<20000x64xf32, #tpu.memory_space<hbm>>, %arg6: memref<20000x8xf32, #tpu.memory_space<hbm>>, %arg7: memref<2x10000x8xf32, #tpu.memory_space<hbm>>, %arg8: memref<200x72xf32, #tpu.memory_space<hbm>>, %arg9: memref<8x8xf32, #tpu.memory_space<hbm>>, %arg10: memref<2x10000x72xf32, #tpu.memory_space<hbm>>, %arg11: memref<10008x72xf32, #tpu.memory_space<vmem_shared>>, %arg12: memref<20000x8xf32, #tpu.memory_space<vmem_shared>>, %arg13: memref<10008x8xf32, #tpu.memory_space<vmem_shared>>, %arg14: memref<16x128xi32, #tpu.memory_space<vmem>>, %arg15: memref<16x128xi32, #tpu.memory_space<vmem>>, %arg16: memref<16x128xf32, #tpu.memory_space<vmem>>, %arg17: memref<128x64xf32, #tpu.memory_space<vmem>>, %arg18: memref<128x8xf32, #tpu.memory_space<vmem>>, %arg19: memref<128x8xf32, #tpu.memory_space<vmem>>, %arg20: memref<128x4xf32, #tpu.memory_space<vmem>>, %arg21: memref<128x72xf32, #tpu.memory_space<vmem>>, %arg22: memref<200x72xf32, #tpu.memory_space<vmem>>, %arg23: memref<200x8xf32, #tpu.memory_space<vmem>>, %arg24: memref<200x8xf32, #tpu.memory_space<vmem>>, %arg25: memref<8x8xf32, #tpu.memory_space<vmem>>, %arg26: memref<!tpu.dma_semaphore, #tpu.memory_space<semaphore_mem>>, %arg27: memref<!tpu.dma_semaphore, #tpu.memory_space<semaphore_mem>>, %arg28: memref<!tpu.dma_semaphore, #tpu.memory_space<semaphore_mem>>) attributes {dimension_semantics = [#tpu.dimension_semantics<core_parallel>, #tpu.dimension_semantics<subcore_parallel>], iteration_bounds = array<i64: 2, 16>, scalar_prefetch = 0 : i64, scratch_operands = 18 : i64, tpu.core_type = #tpu.core_type<sc_vector_subcore>, window_params = [{transform_indices = #map}, {transform_indices = #map}, {transform_indices = #map}, {transform_indices = #map}, {transform_indices = #map}, {transform_indices = #map1}, {transform_indices = #map}, {transform_indices = #map}, {transform_indices = #map1}]} {
    "tpu.region"() ({
      %run_scoped3A = tpu.sem_alloc : memref<!tpu.dma_semaphore, #tpu.memory_space<semaphore_mem>>
      tpu.enqueue_dma source(%arg8 : memref<200x72xf32, #tpu.memory_space<hbm>>) target(%arg22 : memref<200x72xf32, #tpu.memory_space<vmem>>) target_semaphore(%run_scoped3A : memref<!tpu.dma_semaphore, #tpu.memory_space<semaphore_mem>>)
      tpu.wait_dma2 semaphore(%run_scoped3A : memref<!tpu.dma_semaphore, #tpu.memory_space<semaphore_mem>>) src(%arg8 : memref<200x72xf32, #tpu.memory_space<hbm>>) dst(%arg22 : memref<200x72xf32, #tpu.memory_space<vmem>>)
      tpu.yield
    }) : () -> ()
    %add3A = arith.constant 0 : i32
    %add3A_0 = arith.addi %arg1, %add3A : i32
    %lt3A = arith.constant 100 : i32
    %lt3A_1 = arith.cmpi slt, %add3A_0, %lt3A : i32
    %convert_element_type3A = arith.extui %lt3A_1 : i1 to i32
    %cond3A = arith.constant 0 : i32
    %cond3A_2 = arith.cmpi ne, %convert_element_type3A, %cond3A : i32
    scf.if %cond3A_2 {
      %mul3A_298 = arith.constant 200 : i32
      %mul3A_299 = arith.muli %add3A_0, %mul3A_298 : i32
      "tpu.region"() ({
        %run_scoped3A = tpu.sem_alloc : memref<!tpu.dma_semaphore, #tpu.memory_space<semaphore_mem>>
        %dma_start3A = arith.constant 0 : i32
        %dma_start3A_300 = tpu.memref_slice %arg6[%mul3A_299, %dma_start3A] : memref<20000x8xf32, #tpu.memory_space<hbm>> -> memref<200x8xf32, #tpu.memory_space<hbm>>
        %dma_start3A_301 = arith.constant 0 : i32
        %dma_start3A_302 = tpu.memref_slice %arg6[%mul3A_299, %dma_start3A_301] : memref<20000x8xf32, #tpu.memory_space<hbm>> -> memref<200x8xf32, #tpu.memory_space<hbm>>
        tpu.enqueue_dma source(%dma_start3A_302 : memref<200x8xf32, #tpu.memory_space<hbm>>) target(%arg23 : memref<200x8xf32, #tpu.memory_space<vmem>>) target_semaphore(%run_scoped3A : memref<!tpu.dma_semaphore, #tpu.memory_space<semaphore_mem>>)
        %dma_wait3A = arith.constant 0 : i32
        %dma_wait3A_303 = tpu.memref_slice %arg6[%mul3A_299, %dma_wait3A] : memref<20000x8xf32, #tpu.memory_space<hbm>> -> memref<200x8xf32, #tpu.memory_space<hbm>>
        %dma_wait3A_304 = arith.constant 0 : i32
        %dma_wait3A_305 = tpu.memref_slice %arg6[%mul3A_299, %dma_wait3A_304] : memref<20000x8xf32, #tpu.memory_space<hbm>> -> memref<200x8xf32, #tpu.memory_space<hbm>>
        tpu.wait_dma2 semaphore(%run_scoped3A : memref<!tpu.dma_semaphore, #tpu.memory_space<semaphore_mem>>) src(%dma_wait3A_305 : memref<200x8xf32, #tpu.memory_space<hbm>>) dst(%arg23 : memref<200x8xf32, #tpu.memory_space<vmem>>)
        tpu.yield
      }) : () -> ()
      "tpu.region"() ({
        %run_scoped3A = tpu.sem_alloc : memref<!tpu.dma_semaphore, #tpu.memory_space<semaphore_mem>>
        %dma_start3A = arith.constant 0 : i32
        %dma_start3A_300 = tpu.memref_slice %arg12[%mul3A_299, %dma_start3A] : memref<20000x8xf32, #tpu.memory_space<vmem_shared>> -> memref<200x8xf32, #tpu.memory_space<vmem_shared>>
        %dma_start3A_301 = arith.constant 0 : i32
        %dma_start3A_302 = tpu.memref_slice %arg12[%mul3A_299, %dma_start3A_301] : memref<20000x8xf32, #tpu.memory_space<vmem_shared>> -> memref<200x8xf32, #tpu.memory_space<vmem_shared>>
        tpu.enqueue_dma source(%arg23 : memref<200x8xf32, #tpu.memory_space<vmem>>) target(%dma_start3A_302 : memref<200x8xf32, #tpu.memory_space<vmem_shared>>) target_semaphore(%run_scoped3A : memref<!tpu.dma_semaphore, #tpu.memory_space<semaphore_mem>>)
        %dma_wait3A = arith.constant 0 : i32
        %dma_wait3A_303 = tpu.memref_slice %arg12[%mul3A_299, %dma_wait3A] : memref<20000x8xf32, #tpu.memory_space<vmem_shared>> -> memref<200x8xf32, #tpu.memory_space<vmem_shared>>
        %dma_wait3A_304 = arith.constant 0 : i32
        %dma_wait3A_305 = tpu.memref_slice %arg12[%mul3A_299, %dma_wait3A_304] : memref<20000x8xf32, #tpu.memory_space<vmem_shared>> -> memref<200x8xf32, #tpu.memory_space<vmem_shared>>
        tpu.wait_dma2 semaphore(%run_scoped3A : memref<!tpu.dma_semaphore, #tpu.memory_space<semaphore_mem>>) src(%arg23 : memref<200x8xf32, #tpu.memory_space<vmem>>) dst(%dma_wait3A_305 : memref<200x8xf32, #tpu.memory_space<vmem_shared>>)
        tpu.yield
      }) : () -> ()
    } else {
    }
    %add3A_3 = arith.constant 16 : i32
    %add3A_4 = arith.addi %arg1, %add3A_3 : i32
    %lt3A_5 = arith.constant 100 : i32
    %lt3A_6 = arith.cmpi slt, %add3A_4, %lt3A_5 : i32
    %convert_element_type3A_7 = arith.extui %lt3A_6 : i1 to i32
    %cond3A_8 = arith.constant 0 : i32
    %cond3A_9 = arith.cmpi ne, %convert_element_type3A_7, %cond3A_8 : i32
    scf.if %cond3A_9 {
      %mul3A_298 = arith.constant 200 : i32
      %mul3A_299 = arith.muli %add3A_4, %mul3A_298 : i32
      "tpu.region"() ({
        %run_scoped3A = tpu.sem_alloc : memref<!tpu.dma_semaphore, #tpu.memory_space<semaphore_mem>>
        %dma_start3A = arith.constant 0 : i32
        %dma_start3A_300 = tpu.memref_slice %arg6[%mul3A_299, %dma_start3A] : memref<20000x8xf32, #tpu.memory_space<hbm>> -> memref<200x8xf32, #tpu.memory_space<hbm>>
        %dma_start3A_301 = arith.constant 0 : i32
        %dma_start3A_302 = tpu.memref_slice %arg6[%mul3A_299, %dma_start3A_301] : memref<20000x8xf32, #tpu.memory_space<hbm>> -> memref<200x8xf32, #tpu.memory_space<hbm>>
        tpu.enqueue_dma source(%dma_start3A_302 : memref<200x8xf32, #tpu.memory_space<hbm>>) target(%arg23 : memref<200x8xf32, #tpu.memory_space<vmem>>) target_semaphore(%run_scoped3A : memref<!tpu.dma_semaphore, #tpu.memory_space<semaphore_mem>>)
        %dma_wait3A = arith.constant 0 : i32
        %dma_wait3A_303 = tpu.memref_slice %arg6[%mul3A_299, %dma_wait3A] : memref<20000x8xf32, #tpu.memory_space<hbm>> -> memref<200x8xf32, #tpu.memory_space<hbm>>
        %dma_wait3A_304 = arith.constant 0 : i32
        %dma_wait3A_305 = tpu.memref_slice %arg6[%mul3A_299, %dma_wait3A_304] : memref<20000x8xf32, #tpu.memory_space<hbm>> -> memref<200x8xf32, #tpu.memory_space<hbm>>
        tpu.wait_dma2 semaphore(%run_scoped3A : memref<!tpu.dma_semaphore, #tpu.memory_space<semaphore_mem>>) src(%dma_wait3A_305 : memref<200x8xf32, #tpu.memory_space<hbm>>) dst(%arg23 : memref<200x8xf32, #tpu.memory_space<vmem>>)
        tpu.yield
      }) : () -> ()
      "tpu.region"() ({
        %run_scoped3A = tpu.sem_alloc : memref<!tpu.dma_semaphore, #tpu.memory_space<semaphore_mem>>
        %dma_start3A = arith.constant 0 : i32
        %dma_start3A_300 = tpu.memref_slice %arg12[%mul3A_299, %dma_start3A] : memref<20000x8xf32, #tpu.memory_space<vmem_shared>> -> memref<200x8xf32, #tpu.memory_space<vmem_shared>>
        %dma_start3A_301 = arith.constant 0 : i32
        %dma_start3A_302 = tpu.memref_slice %arg12[%mul3A_299, %dma_start3A_301] : memref<20000x8xf32, #tpu.memory_space<vmem_shared>> -> memref<200x8xf32, #tpu.memory_space<vmem_shared>>
        tpu.enqueue_dma source(%arg23 : memref<200x8xf32, #tpu.memory_space<vmem>>) target(%dma_start3A_302 : memref<200x8xf32, #tpu.memory_space<vmem_shared>>) target_semaphore(%run_scoped3A : memref<!tpu.dma_semaphore, #tpu.memory_space<semaphore_mem>>)
        %dma_wait3A = arith.constant 0 : i32
        %dma_wait3A_303 = tpu.memref_slice %arg12[%mul3A_299, %dma_wait3A] : memref<20000x8xf32, #tpu.memory_space<vmem_shared>> -> memref<200x8xf32, #tpu.memory_space<vmem_shared>>
        %dma_wait3A_304 = arith.constant 0 : i32
        %dma_wait3A_305 = tpu.memref_slice %arg12[%mul3A_299, %dma_wait3A_304] : memref<20000x8xf32, #tpu.memory_space<vmem_shared>> -> memref<200x8xf32, #tpu.memory_space<vmem_shared>>
        tpu.wait_dma2 semaphore(%run_scoped3A : memref<!tpu.dma_semaphore, #tpu.memory_space<semaphore_mem>>) src(%arg23 : memref<200x8xf32, #tpu.memory_space<vmem>>) dst(%dma_wait3A_305 : memref<200x8xf32, #tpu.memory_space<vmem_shared>>)
        tpu.yield
      }) : () -> ()
    } else {
    }
    %add3A_10 = arith.constant 32 : i32
    %add3A_11 = arith.addi %arg1, %add3A_10 : i32
    %lt3A_12 = arith.constant 100 : i32
    %lt3A_13 = arith.cmpi slt, %add3A_11, %lt3A_12 : i32
    %convert_element_type3A_14 = arith.extui %lt3A_13 : i1 to i32
    %cond3A_15 = arith.constant 0 : i32
    %cond3A_16 = arith.cmpi ne, %convert_element_type3A_14, %cond3A_15 : i32
    scf.if %cond3A_16 {
      %mul3A_298 = arith.constant 200 : i32
      %mul3A_299 = arith.muli %add3A_11, %mul3A_298 : i32
      "tpu.region"() ({
        %run_scoped3A = tpu.sem_alloc : memref<!tpu.dma_semaphore, #tpu.memory_space<semaphore_mem>>
        %dma_start3A = arith.constant 0 : i32
        %dma_start3A_300 = tpu.memref_slice %arg6[%mul3A_299, %dma_start3A] : memref<20000x8xf32, #tpu.memory_space<hbm>> -> memref<200x8xf32, #tpu.memory_space<hbm>>
        %dma_start3A_301 = arith.constant 0 : i32
        %dma_start3A_302 = tpu.memref_slice %arg6[%mul3A_299, %dma_start3A_301] : memref<20000x8xf32, #tpu.memory_space<hbm>> -> memref<200x8xf32, #tpu.memory_space<hbm>>
        tpu.enqueue_dma source(%dma_start3A_302 : memref<200x8xf32, #tpu.memory_space<hbm>>) target(%arg23 : memref<200x8xf32, #tpu.memory_space<vmem>>) target_semaphore(%run_scoped3A : memref<!tpu.dma_semaphore, #tpu.memory_space<semaphore_mem>>)
        %dma_wait3A = arith.constant 0 : i32
        %dma_wait3A_303 = tpu.memref_slice %arg6[%mul3A_299, %dma_wait3A] : memref<20000x8xf32, #tpu.memory_space<hbm>> -> memref<200x8xf32, #tpu.memory_space<hbm>>
        %dma_wait3A_304 = arith.constant 0 : i32
        %dma_wait3A_305 = tpu.memref_slice %arg6[%mul3A_299, %dma_wait3A_304] : memref<20000x8xf32, #tpu.memory_space<hbm>> -> memref<200x8xf32, #tpu.memory_space<hbm>>
        tpu.wait_dma2 semaphore(%run_scoped3A : memref<!tpu.dma_semaphore, #tpu.memory_space<semaphore_mem>>) src(%dma_wait3A_305 : memref<200x8xf32, #tpu.memory_space<hbm>>) dst(%arg23 : memref<200x8xf32, #tpu.memory_space<vmem>>)
        tpu.yield
      }) : () -> ()
      "tpu.region"() ({
        %run_scoped3A = tpu.sem_alloc : memref<!tpu.dma_semaphore, #tpu.memory_space<semaphore_mem>>
        %dma_start3A = arith.constant 0 : i32
        %dma_start3A_300 = tpu.memref_slice %arg12[%mul3A_299, %dma_start3A] : memref<20000x8xf32, #tpu.memory_space<vmem_shared>> -> memref<200x8xf32, #tpu.memory_space<vmem_shared>>
        %dma_start3A_301 = arith.constant 0 : i32
        %dma_start3A_302 = tpu.memref_slice %arg12[%mul3A_299, %dma_start3A_301] : memref<20000x8xf32, #tpu.memory_space<vmem_shared>> -> memref<200x8xf32, #tpu.memory_space<vmem_shared>>
        tpu.enqueue_dma source(%arg23 : memref<200x8xf32, #tpu.memory_space<vmem>>) target(%dma_start3A_302 : memref<200x8xf32, #tpu.memory_space<vmem_shared>>) target_semaphore(%run_scoped3A : memref<!tpu.dma_semaphore, #tpu.memory_space<semaphore_mem>>)
        %dma_wait3A = arith.constant 0 : i32
        %dma_wait3A_303 = tpu.memref_slice %arg12[%mul3A_299, %dma_wait3A] : memref<20000x8xf32, #tpu.memory_space<vmem_shared>> -> memref<200x8xf32, #tpu.memory_space<vmem_shared>>
        %dma_wait3A_304 = arith.constant 0 : i32
        %dma_wait3A_305 = tpu.memref_slice %arg12[%mul3A_299, %dma_wait3A_304] : memref<20000x8xf32, #tpu.memory_space<vmem_shared>> -> memref<200x8xf32, #tpu.memory_space<vmem_shared>>
        tpu.wait_dma2 semaphore(%run_scoped3A : memref<!tpu.dma_semaphore, #tpu.memory_space<semaphore_mem>>) src(%arg23 : memref<200x8xf32, #tpu.memory_space<vmem>>) dst(%dma_wait3A_305 : memref<200x8xf32, #tpu.memory_space<vmem_shared>>)
        tpu.yield
      }) : () -> ()
    } else {
    }
    %add3A_17 = arith.constant 48 : i32
    %add3A_18 = arith.addi %arg1, %add3A_17 : i32
    %lt3A_19 = arith.constant 100 : i32
    %lt3A_20 = arith.cmpi slt, %add3A_18, %lt3A_19 : i32
    %convert_element_type3A_21 = arith.extui %lt3A_20 : i1 to i32
    %cond3A_22 = arith.constant 0 : i32
    %cond3A_23 = arith.cmpi ne, %convert_element_type3A_21, %cond3A_22 : i32
    scf.if %cond3A_23 {
      %mul3A_298 = arith.constant 200 : i32
      %mul3A_299 = arith.muli %add3A_18, %mul3A_298 : i32
      "tpu.region"() ({
        %run_scoped3A = tpu.sem_alloc : memref<!tpu.dma_semaphore, #tpu.memory_space<semaphore_mem>>
        %dma_start3A = arith.constant 0 : i32
        %dma_start3A_300 = tpu.memref_slice %arg6[%mul3A_299, %dma_start3A] : memref<20000x8xf32, #tpu.memory_space<hbm>> -> memref<200x8xf32, #tpu.memory_space<hbm>>
        %dma_start3A_301 = arith.constant 0 : i32
        %dma_start3A_302 = tpu.memref_slice %arg6[%mul3A_299, %dma_start3A_301] : memref<20000x8xf32, #tpu.memory_space<hbm>> -> memref<200x8xf32, #tpu.memory_space<hbm>>
        tpu.enqueue_dma source(%dma_start3A_302 : memref<200x8xf32, #tpu.memory_space<hbm>>) target(%arg23 : memref<200x8xf32, #tpu.memory_space<vmem>>) target_semaphore(%run_scoped3A : memref<!tpu.dma_semaphore, #tpu.memory_space<semaphore_mem>>)
        %dma_wait3A = arith.constant 0 : i32
        %dma_wait3A_303 = tpu.memref_slice %arg6[%mul3A_299, %dma_wait3A] : memref<20000x8xf32, #tpu.memory_space<hbm>> -> memref<200x8xf32, #tpu.memory_space<hbm>>
        %dma_wait3A_304 = arith.constant 0 : i32
        %dma_wait3A_305 = tpu.memref_slice %arg6[%mul3A_299, %dma_wait3A_304] : memref<20000x8xf32, #tpu.memory_space<hbm>> -> memref<200x8xf32, #tpu.memory_space<hbm>>
        tpu.wait_dma2 semaphore(%run_scoped3A : memref<!tpu.dma_semaphore, #tpu.memory_space<semaphore_mem>>) src(%dma_wait3A_305 : memref<200x8xf32, #tpu.memory_space<hbm>>) dst(%arg23 : memref<200x8xf32, #tpu.memory_space<vmem>>)
        tpu.yield
      }) : () -> ()
      "tpu.region"() ({
        %run_scoped3A = tpu.sem_alloc : memref<!tpu.dma_semaphore, #tpu.memory_space<semaphore_mem>>
        %dma_start3A = arith.constant 0 : i32
        %dma_start3A_300 = tpu.memref_slice %arg12[%mul3A_299, %dma_start3A] : memref<20000x8xf32, #tpu.memory_space<vmem_shared>> -> memref<200x8xf32, #tpu.memory_space<vmem_shared>>
        %dma_start3A_301 = arith.constant 0 : i32
        %dma_start3A_302 = tpu.memref_slice %arg12[%mul3A_299, %dma_start3A_301] : memref<20000x8xf32, #tpu.memory_space<vmem_shared>> -> memref<200x8xf32, #tpu.memory_space<vmem_shared>>
        tpu.enqueue_dma source(%arg23 : memref<200x8xf32, #tpu.memory_space<vmem>>) target(%dma_start3A_302 : memref<200x8xf32, #tpu.memory_space<vmem_shared>>) target_semaphore(%run_scoped3A : memref<!tpu.dma_semaphore, #tpu.memory_space<semaphore_mem>>)
        %dma_wait3A = arith.constant 0 : i32
        %dma_wait3A_303 = tpu.memref_slice %arg12[%mul3A_299, %dma_wait3A] : memref<20000x8xf32, #tpu.memory_space<vmem_shared>> -> memref<200x8xf32, #tpu.memory_space<vmem_shared>>
        %dma_wait3A_304 = arith.constant 0 : i32
        %dma_wait3A_305 = tpu.memref_slice %arg12[%mul3A_299, %dma_wait3A_304] : memref<20000x8xf32, #tpu.memory_space<vmem_shared>> -> memref<200x8xf32, #tpu.memory_space<vmem_shared>>
        tpu.wait_dma2 semaphore(%run_scoped3A : memref<!tpu.dma_semaphore, #tpu.memory_space<semaphore_mem>>) src(%arg23 : memref<200x8xf32, #tpu.memory_space<vmem>>) dst(%dma_wait3A_305 : memref<200x8xf32, #tpu.memory_space<vmem_shared>>)
        tpu.yield
      }) : () -> ()
    } else {
    }
    %add3A_24 = arith.constant 64 : i32
    %add3A_25 = arith.addi %arg1, %add3A_24 : i32
    %lt3A_26 = arith.constant 100 : i32
    %lt3A_27 = arith.cmpi slt, %add3A_25, %lt3A_26 : i32
    %convert_element_type3A_28 = arith.extui %lt3A_27 : i1 to i32
    %cond3A_29 = arith.constant 0 : i32
    %cond3A_30 = arith.cmpi ne, %convert_element_type3A_28, %cond3A_29 : i32
    scf.if %cond3A_30 {
      %mul3A_298 = arith.constant 200 : i32
      %mul3A_299 = arith.muli %add3A_25, %mul3A_298 : i32
      "tpu.region"() ({
        %run_scoped3A = tpu.sem_alloc : memref<!tpu.dma_semaphore, #tpu.memory_space<semaphore_mem>>
        %dma_start3A = arith.constant 0 : i32
        %dma_start3A_300 = tpu.memref_slice %arg6[%mul3A_299, %dma_start3A] : memref<20000x8xf32, #tpu.memory_space<hbm>> -> memref<200x8xf32, #tpu.memory_space<hbm>>
        %dma_start3A_301 = arith.constant 0 : i32
        %dma_start3A_302 = tpu.memref_slice %arg6[%mul3A_299, %dma_start3A_301] : memref<20000x8xf32, #tpu.memory_space<hbm>> -> memref<200x8xf32, #tpu.memory_space<hbm>>
        tpu.enqueue_dma source(%dma_start3A_302 : memref<200x8xf32, #tpu.memory_space<hbm>>) target(%arg23 : memref<200x8xf32, #tpu.memory_space<vmem>>) target_semaphore(%run_scoped3A : memref<!tpu.dma_semaphore, #tpu.memory_space<semaphore_mem>>)
        %dma_wait3A = arith.constant 0 : i32
        %dma_wait3A_303 = tpu.memref_slice %arg6[%mul3A_299, %dma_wait3A] : memref<20000x8xf32, #tpu.memory_space<hbm>> -> memref<200x8xf32, #tpu.memory_space<hbm>>
        %dma_wait3A_304 = arith.constant 0 : i32
        %dma_wait3A_305 = tpu.memref_slice %arg6[%mul3A_299, %dma_wait3A_304] : memref<20000x8xf32, #tpu.memory_space<hbm>> -> memref<200x8xf32, #tpu.memory_space<hbm>>
        tpu.wait_dma2 semaphore(%run_scoped3A : memref<!tpu.dma_semaphore, #tpu.memory_space<semaphore_mem>>) src(%dma_wait3A_305 : memref<200x8xf32, #tpu.memory_space<hbm>>) dst(%arg23 : memref<200x8xf32, #tpu.memory_space<vmem>>)
        tpu.yield
      }) : () -> ()
      "tpu.region"() ({
        %run_scoped3A = tpu.sem_alloc : memref<!tpu.dma_semaphore, #tpu.memory_space<semaphore_mem>>
        %dma_start3A = arith.constant 0 : i32
        %dma_start3A_300 = tpu.memref_slice %arg12[%mul3A_299, %dma_start3A] : memref<20000x8xf32, #tpu.memory_space<vmem_shared>> -> memref<200x8xf32, #tpu.memory_space<vmem_shared>>
        %dma_start3A_301 = arith.constant 0 : i32
        %dma_start3A_302 = tpu.memref_slice %arg12[%mul3A_299, %dma_start3A_301] : memref<20000x8xf32, #tpu.memory_space<vmem_shared>> -> memref<200x8xf32, #tpu.memory_space<vmem_shared>>
        tpu.enqueue_dma source(%arg23 : memref<200x8xf32, #tpu.memory_space<vmem>>) target(%dma_start3A_302 : memref<200x8xf32, #tpu.memory_space<vmem_shared>>) target_semaphore(%run_scoped3A : memref<!tpu.dma_semaphore, #tpu.memory_space<semaphore_mem>>)
        %dma_wait3A = arith.constant 0 : i32
        %dma_wait3A_303 = tpu.memref_slice %arg12[%mul3A_299, %dma_wait3A] : memref<20000x8xf32, #tpu.memory_space<vmem_shared>> -> memref<200x8xf32, #tpu.memory_space<vmem_shared>>
        %dma_wait3A_304 = arith.constant 0 : i32
        %dma_wait3A_305 = tpu.memref_slice %arg12[%mul3A_299, %dma_wait3A_304] : memref<20000x8xf32, #tpu.memory_space<vmem_shared>> -> memref<200x8xf32, #tpu.memory_space<vmem_shared>>
        tpu.wait_dma2 semaphore(%run_scoped3A : memref<!tpu.dma_semaphore, #tpu.memory_space<semaphore_mem>>) src(%arg23 : memref<200x8xf32, #tpu.memory_space<vmem>>) dst(%dma_wait3A_305 : memref<200x8xf32, #tpu.memory_space<vmem_shared>>)
        tpu.yield
      }) : () -> ()
    } else {
    }
    %add3A_31 = arith.constant 80 : i32
    %add3A_32 = arith.addi %arg1, %add3A_31 : i32
    %lt3A_33 = arith.constant 100 : i32
    %lt3A_34 = arith.cmpi slt, %add3A_32, %lt3A_33 : i32
    %convert_element_type3A_35 = arith.extui %lt3A_34 : i1 to i32
    %cond3A_36 = arith.constant 0 : i32
    %cond3A_37 = arith.cmpi ne, %convert_element_type3A_35, %cond3A_36 : i32
    scf.if %cond3A_37 {
      %mul3A_298 = arith.constant 200 : i32
      %mul3A_299 = arith.muli %add3A_32, %mul3A_298 : i32
      "tpu.region"() ({
        %run_scoped3A = tpu.sem_alloc : memref<!tpu.dma_semaphore, #tpu.memory_space<semaphore_mem>>
        %dma_start3A = arith.constant 0 : i32
        %dma_start3A_300 = tpu.memref_slice %arg6[%mul3A_299, %dma_start3A] : memref<20000x8xf32, #tpu.memory_space<hbm>> -> memref<200x8xf32, #tpu.memory_space<hbm>>
        %dma_start3A_301 = arith.constant 0 : i32
        %dma_start3A_302 = tpu.memref_slice %arg6[%mul3A_299, %dma_start3A_301] : memref<20000x8xf32, #tpu.memory_space<hbm>> -> memref<200x8xf32, #tpu.memory_space<hbm>>
        tpu.enqueue_dma source(%dma_start3A_302 : memref<200x8xf32, #tpu.memory_space<hbm>>) target(%arg23 : memref<200x8xf32, #tpu.memory_space<vmem>>) target_semaphore(%run_scoped3A : memref<!tpu.dma_semaphore, #tpu.memory_space<semaphore_mem>>)
        %dma_wait3A = arith.constant 0 : i32
        %dma_wait3A_303 = tpu.memref_slice %arg6[%mul3A_299, %dma_wait3A] : memref<20000x8xf32, #tpu.memory_space<hbm>> -> memref<200x8xf32, #tpu.memory_space<hbm>>
        %dma_wait3A_304 = arith.constant 0 : i32
        %dma_wait3A_305 = tpu.memref_slice %arg6[%mul3A_299, %dma_wait3A_304] : memref<20000x8xf32, #tpu.memory_space<hbm>> -> memref<200x8xf32, #tpu.memory_space<hbm>>
        tpu.wait_dma2 semaphore(%run_scoped3A : memref<!tpu.dma_semaphore, #tpu.memory_space<semaphore_mem>>) src(%dma_wait3A_305 : memref<200x8xf32, #tpu.memory_space<hbm>>) dst(%arg23 : memref<200x8xf32, #tpu.memory_space<vmem>>)
        tpu.yield
      }) : () -> ()
      "tpu.region"() ({
        %run_scoped3A = tpu.sem_alloc : memref<!tpu.dma_semaphore, #tpu.memory_space<semaphore_mem>>
        %dma_start3A = arith.constant 0 : i32
        %dma_start3A_300 = tpu.memref_slice %arg12[%mul3A_299, %dma_start3A] : memref<20000x8xf32, #tpu.memory_space<vmem_shared>> -> memref<200x8xf32, #tpu.memory_space<vmem_shared>>
        %dma_start3A_301 = arith.constant 0 : i32
        %dma_start3A_302 = tpu.memref_slice %arg12[%mul3A_299, %dma_start3A_301] : memref<20000x8xf32, #tpu.memory_space<vmem_shared>> -> memref<200x8xf32, #tpu.memory_space<vmem_shared>>
        tpu.enqueue_dma source(%arg23 : memref<200x8xf32, #tpu.memory_space<vmem>>) target(%dma_start3A_302 : memref<200x8xf32, #tpu.memory_space<vmem_shared>>) target_semaphore(%run_scoped3A : memref<!tpu.dma_semaphore, #tpu.memory_space<semaphore_mem>>)
        %dma_wait3A = arith.constant 0 : i32
        %dma_wait3A_303 = tpu.memref_slice %arg12[%mul3A_299, %dma_wait3A] : memref<20000x8xf32, #tpu.memory_space<vmem_shared>> -> memref<200x8xf32, #tpu.memory_space<vmem_shared>>
        %dma_wait3A_304 = arith.constant 0 : i32
        %dma_wait3A_305 = tpu.memref_slice %arg12[%mul3A_299, %dma_wait3A_304] : memref<20000x8xf32, #tpu.memory_space<vmem_shared>> -> memref<200x8xf32, #tpu.memory_space<vmem_shared>>
        tpu.wait_dma2 semaphore(%run_scoped3A : memref<!tpu.dma_semaphore, #tpu.memory_space<semaphore_mem>>) src(%arg23 : memref<200x8xf32, #tpu.memory_space<vmem>>) dst(%dma_wait3A_305 : memref<200x8xf32, #tpu.memory_space<vmem_shared>>)
        tpu.yield
      }) : () -> ()
    } else {
    }
    %add3A_38 = arith.constant 96 : i32
    %add3A_39 = arith.addi %arg1, %add3A_38 : i32
    %lt3A_40 = arith.constant 100 : i32
    %lt3A_41 = arith.cmpi slt, %add3A_39, %lt3A_40 : i32
    %convert_element_type3A_42 = arith.extui %lt3A_41 : i1 to i32
    %cond3A_43 = arith.constant 0 : i32
    %cond3A_44 = arith.cmpi ne, %convert_element_type3A_42, %cond3A_43 : i32
    scf.if %cond3A_44 {
      %mul3A_298 = arith.constant 200 : i32
      %mul3A_299 = arith.muli %add3A_39, %mul3A_298 : i32
      "tpu.region"() ({
        %run_scoped3A = tpu.sem_alloc : memref<!tpu.dma_semaphore, #tpu.memory_space<semaphore_mem>>
        %dma_start3A = arith.constant 0 : i32
        %dma_start3A_300 = tpu.memref_slice %arg6[%mul3A_299, %dma_start3A] : memref<20000x8xf32, #tpu.memory_space<hbm>> -> memref<200x8xf32, #tpu.memory_space<hbm>>
        %dma_start3A_301 = arith.constant 0 : i32
        %dma_start3A_302 = tpu.memref_slice %arg6[%mul3A_299, %dma_start3A_301] : memref<20000x8xf32, #tpu.memory_space<hbm>> -> memref<200x8xf32, #tpu.memory_space<hbm>>
        tpu.enqueue_dma source(%dma_start3A_302 : memref<200x8xf32, #tpu.memory_space<hbm>>) target(%arg23 : memref<200x8xf32, #tpu.memory_space<vmem>>) target_semaphore(%run_scoped3A : memref<!tpu.dma_semaphore, #tpu.memory_space<semaphore_mem>>)
        %dma_wait3A = arith.constant 0 : i32
        %dma_wait3A_303 = tpu.memref_slice %arg6[%mul3A_299, %dma_wait3A] : memref<20000x8xf32, #tpu.memory_space<hbm>> -> memref<200x8xf32, #tpu.memory_space<hbm>>
        %dma_wait3A_304 = arith.constant 0 : i32
        %dma_wait3A_305 = tpu.memref_slice %arg6[%mul3A_299, %dma_wait3A_304] : memref<20000x8xf32, #tpu.memory_space<hbm>> -> memref<200x8xf32, #tpu.memory_space<hbm>>
        tpu.wait_dma2 semaphore(%run_scoped3A : memref<!tpu.dma_semaphore, #tpu.memory_space<semaphore_mem>>) src(%dma_wait3A_305 : memref<200x8xf32, #tpu.memory_space<hbm>>) dst(%arg23 : memref<200x8xf32, #tpu.memory_space<vmem>>)
        tpu.yield
      }) : () -> ()
      "tpu.region"() ({
        %run_scoped3A = tpu.sem_alloc : memref<!tpu.dma_semaphore, #tpu.memory_space<semaphore_mem>>
        %dma_start3A = arith.constant 0 : i32
        %dma_start3A_300 = tpu.memref_slice %arg12[%mul3A_299, %dma_start3A] : memref<20000x8xf32, #tpu.memory_space<vmem_shared>> -> memref<200x8xf32, #tpu.memory_space<vmem_shared>>
        %dma_start3A_301 = arith.constant 0 : i32
        %dma_start3A_302 = tpu.memref_slice %arg12[%mul3A_299, %dma_start3A_301] : memref<20000x8xf32, #tpu.memory_space<vmem_shared>> -> memref<200x8xf32, #tpu.memory_space<vmem_shared>>
        tpu.enqueue_dma source(%arg23 : memref<200x8xf32, #tpu.memory_space<vmem>>) target(%dma_start3A_302 : memref<200x8xf32, #tpu.memory_space<vmem_shared>>) target_semaphore(%run_scoped3A : memref<!tpu.dma_semaphore, #tpu.memory_space<semaphore_mem>>)
        %dma_wait3A = arith.constant 0 : i32
        %dma_wait3A_303 = tpu.memref_slice %arg12[%mul3A_299, %dma_wait3A] : memref<20000x8xf32, #tpu.memory_space<vmem_shared>> -> memref<200x8xf32, #tpu.memory_space<vmem_shared>>
        %dma_wait3A_304 = arith.constant 0 : i32
        %dma_wait3A_305 = tpu.memref_slice %arg12[%mul3A_299, %dma_wait3A_304] : memref<20000x8xf32, #tpu.memory_space<vmem_shared>> -> memref<200x8xf32, #tpu.memory_space<vmem_shared>>
        tpu.wait_dma2 semaphore(%run_scoped3A : memref<!tpu.dma_semaphore, #tpu.memory_space<semaphore_mem>>) src(%arg23 : memref<200x8xf32, #tpu.memory_space<vmem>>) dst(%dma_wait3A_305 : memref<200x8xf32, #tpu.memory_space<vmem_shared>>)
        tpu.yield
      }) : () -> ()
    } else {
    }
    %add3A_45 = arith.constant 0 : i32
    %add3A_46 = arith.addi %arg1, %add3A_45 : i32
    %lt3A_47 = arith.constant 50 : i32
    %lt3A_48 = arith.cmpi slt, %add3A_46, %lt3A_47 : i32
    %convert_element_type3A_49 = arith.extui %lt3A_48 : i1 to i32
    %cond3A_50 = arith.constant 0 : i32
    %cond3A_51 = arith.cmpi ne, %convert_element_type3A_49, %cond3A_50 : i32
    scf.if %cond3A_51 {
      %mul3A_298 = arith.constant 200 : i32
      %mul3A_299 = arith.muli %add3A_46, %mul3A_298 : i32
      "tpu.region"() ({
        %run_scoped3A = tpu.sem_alloc : memref<!tpu.dma_semaphore, #tpu.memory_space<semaphore_mem>>
        %dma_start3A = arith.constant 0 : i32
        %dma_start3A_300 = tpu.memref_slice %arg7[%arg0, %mul3A_299, %dma_start3A] : memref<2x10000x8xf32, #tpu.memory_space<hbm>> -> memref<1x200x8xf32, #tpu.memory_space<hbm>>
        %dma_start3A_301 = tpu.memref_squeeze %dma_start3A_300 : memref<1x200x8xf32, #tpu.memory_space<hbm>> -> memref<200x8xf32, #tpu.memory_space<hbm>>
        %dma_start3A_302 = arith.constant 0 : i32
        %dma_start3A_303 = tpu.memref_slice %arg7[%arg0, %mul3A_299, %dma_start3A_302] : memref<2x10000x8xf32, #tpu.memory_space<hbm>> -> memref<1x200x8xf32, #tpu.memory_space<hbm>>
        %dma_start3A_304 = tpu.memref_squeeze %dma_start3A_303 : memref<1x200x8xf32, #tpu.memory_space<hbm>> -> memref<200x8xf32, #tpu.memory_space<hbm>>
        tpu.enqueue_dma source(%dma_start3A_304 : memref<200x8xf32, #tpu.memory_space<hbm>>) target(%arg24 : memref<200x8xf32, #tpu.memory_space<vmem>>) target_semaphore(%run_scoped3A : memref<!tpu.dma_semaphore, #tpu.memory_space<semaphore_mem>>)
        %dma_wait3A = arith.constant 0 : i32
        %dma_wait3A_305 = tpu.memref_slice %arg7[%arg0, %mul3A_299, %dma_wait3A] : memref<2x10000x8xf32, #tpu.memory_space<hbm>> -> memref<1x200x8xf32, #tpu.memory_space<hbm>>
        %dma_wait3A_306 = tpu.memref_squeeze %dma_wait3A_305 : memref<1x200x8xf32, #tpu.memory_space<hbm>> -> memref<200x8xf32, #tpu.memory_space<hbm>>
        %dma_wait3A_307 = arith.constant 0 : i32
        %dma_wait3A_308 = tpu.memref_slice %arg7[%arg0, %mul3A_299, %dma_wait3A_307] : memref<2x10000x8xf32, #tpu.memory_space<hbm>> -> memref<1x200x8xf32, #tpu.memory_space<hbm>>
        %dma_wait3A_309 = tpu.memref_squeeze %dma_wait3A_308 : memref<1x200x8xf32, #tpu.memory_space<hbm>> -> memref<200x8xf32, #tpu.memory_space<hbm>>
        tpu.wait_dma2 semaphore(%run_scoped3A : memref<!tpu.dma_semaphore, #tpu.memory_space<semaphore_mem>>) src(%dma_wait3A_309 : memref<200x8xf32, #tpu.memory_space<hbm>>) dst(%arg24 : memref<200x8xf32, #tpu.memory_space<vmem>>)
        tpu.yield
      }) : () -> ()
      "tpu.region"() ({
        %run_scoped3A = tpu.sem_alloc : memref<!tpu.dma_semaphore, #tpu.memory_space<semaphore_mem>>
        %dma_start3A = arith.constant 0 : i32
        %dma_start3A_300 = tpu.memref_slice %arg13[%mul3A_299, %dma_start3A] : memref<10008x8xf32, #tpu.memory_space<vmem_shared>> -> memref<200x8xf32, #tpu.memory_space<vmem_shared>>
        %dma_start3A_301 = arith.constant 0 : i32
        %dma_start3A_302 = tpu.memref_slice %arg13[%mul3A_299, %dma_start3A_301] : memref<10008x8xf32, #tpu.memory_space<vmem_shared>> -> memref<200x8xf32, #tpu.memory_space<vmem_shared>>
        tpu.enqueue_dma source(%arg24 : memref<200x8xf32, #tpu.memory_space<vmem>>) target(%dma_start3A_302 : memref<200x8xf32, #tpu.memory_space<vmem_shared>>) target_semaphore(%run_scoped3A : memref<!tpu.dma_semaphore, #tpu.memory_space<semaphore_mem>>)
        %dma_wait3A = arith.constant 0 : i32
        %dma_wait3A_303 = tpu.memref_slice %arg13[%mul3A_299, %dma_wait3A] : memref<10008x8xf32, #tpu.memory_space<vmem_shared>> -> memref<200x8xf32, #tpu.memory_space<vmem_shared>>
        %dma_wait3A_304 = arith.constant 0 : i32
        %dma_wait3A_305 = tpu.memref_slice %arg13[%mul3A_299, %dma_wait3A_304] : memref<10008x8xf32, #tpu.memory_space<vmem_shared>> -> memref<200x8xf32, #tpu.memory_space<vmem_shared>>
        tpu.wait_dma2 semaphore(%run_scoped3A : memref<!tpu.dma_semaphore, #tpu.memory_space<semaphore_mem>>) src(%arg24 : memref<200x8xf32, #tpu.memory_space<vmem>>) dst(%dma_wait3A_305 : memref<200x8xf32, #tpu.memory_space<vmem_shared>>)
        tpu.yield
      }) : () -> ()
      "tpu.region"() ({
        %run_scoped3A = tpu.sem_alloc : memref<!tpu.dma_semaphore, #tpu.memory_space<semaphore_mem>>
        %dma_start3A = arith.constant 0 : i32
        %dma_start3A_300 = tpu.memref_slice %arg11[%mul3A_299, %dma_start3A] : memref<10008x72xf32, #tpu.memory_space<vmem_shared>> -> memref<200x72xf32, #tpu.memory_space<vmem_shared>>
        %dma_start3A_301 = arith.constant 0 : i32
        %dma_start3A_302 = tpu.memref_slice %arg11[%mul3A_299, %dma_start3A_301] : memref<10008x72xf32, #tpu.memory_space<vmem_shared>> -> memref<200x72xf32, #tpu.memory_space<vmem_shared>>
        tpu.enqueue_dma source(%arg22 : memref<200x72xf32, #tpu.memory_space<vmem>>) target(%dma_start3A_302 : memref<200x72xf32, #tpu.memory_space<vmem_shared>>) target_semaphore(%run_scoped3A : memref<!tpu.dma_semaphore, #tpu.memory_space<semaphore_mem>>)
        %dma_wait3A = arith.constant 0 : i32
        %dma_wait3A_303 = tpu.memref_slice %arg11[%mul3A_299, %dma_wait3A] : memref<10008x72xf32, #tpu.memory_space<vmem_shared>> -> memref<200x72xf32, #tpu.memory_space<vmem_shared>>
        %dma_wait3A_304 = arith.constant 0 : i32
        %dma_wait3A_305 = tpu.memref_slice %arg11[%mul3A_299, %dma_wait3A_304] : memref<10008x72xf32, #tpu.memory_space<vmem_shared>> -> memref<200x72xf32, #tpu.memory_space<vmem_shared>>
        tpu.wait_dma2 semaphore(%run_scoped3A : memref<!tpu.dma_semaphore, #tpu.memory_space<semaphore_mem>>) src(%arg22 : memref<200x72xf32, #tpu.memory_space<vmem>>) dst(%dma_wait3A_305 : memref<200x72xf32, #tpu.memory_space<vmem_shared>>)
        tpu.yield
      }) : () -> ()
    } else {
    }
    %add3A_52 = arith.constant 16 : i32
    %add3A_53 = arith.addi %arg1, %add3A_52 : i32
    %lt3A_54 = arith.constant 50 : i32
    %lt3A_55 = arith.cmpi slt, %add3A_53, %lt3A_54 : i32
    %convert_element_type3A_56 = arith.extui %lt3A_55 : i1 to i32
    %cond3A_57 = arith.constant 0 : i32
    %cond3A_58 = arith.cmpi ne, %convert_element_type3A_56, %cond3A_57 : i32
    scf.if %cond3A_58 {
      %mul3A_298 = arith.constant 200 : i32
      %mul3A_299 = arith.muli %add3A_53, %mul3A_298 : i32
      "tpu.region"() ({
        %run_scoped3A = tpu.sem_alloc : memref<!tpu.dma_semaphore, #tpu.memory_space<semaphore_mem>>
        %dma_start3A = arith.constant 0 : i32
        %dma_start3A_300 = tpu.memref_slice %arg7[%arg0, %mul3A_299, %dma_start3A] : memref<2x10000x8xf32, #tpu.memory_space<hbm>> -> memref<1x200x8xf32, #tpu.memory_space<hbm>>
        %dma_start3A_301 = tpu.memref_squeeze %dma_start3A_300 : memref<1x200x8xf32, #tpu.memory_space<hbm>> -> memref<200x8xf32, #tpu.memory_space<hbm>>
        %dma_start3A_302 = arith.constant 0 : i32
        %dma_start3A_303 = tpu.memref_slice %arg7[%arg0, %mul3A_299, %dma_start3A_302] : memref<2x10000x8xf32, #tpu.memory_space<hbm>> -> memref<1x200x8xf32, #tpu.memory_space<hbm>>
        %dma_start3A_304 = tpu.memref_squeeze %dma_start3A_303 : memref<1x200x8xf32, #tpu.memory_space<hbm>> -> memref<200x8xf32, #tpu.memory_space<hbm>>
        tpu.enqueue_dma source(%dma_start3A_304 : memref<200x8xf32, #tpu.memory_space<hbm>>) target(%arg24 : memref<200x8xf32, #tpu.memory_space<vmem>>) target_semaphore(%run_scoped3A : memref<!tpu.dma_semaphore, #tpu.memory_space<semaphore_mem>>)
        %dma_wait3A = arith.constant 0 : i32
        %dma_wait3A_305 = tpu.memref_slice %arg7[%arg0, %mul3A_299, %dma_wait3A] : memref<2x10000x8xf32, #tpu.memory_space<hbm>> -> memref<1x200x8xf32, #tpu.memory_space<hbm>>
        %dma_wait3A_306 = tpu.memref_squeeze %dma_wait3A_305 : memref<1x200x8xf32, #tpu.memory_space<hbm>> -> memref<200x8xf32, #tpu.memory_space<hbm>>
        %dma_wait3A_307 = arith.constant 0 : i32
        %dma_wait3A_308 = tpu.memref_slice %arg7[%arg0, %mul3A_299, %dma_wait3A_307] : memref<2x10000x8xf32, #tpu.memory_space<hbm>> -> memref<1x200x8xf32, #tpu.memory_space<hbm>>
        %dma_wait3A_309 = tpu.memref_squeeze %dma_wait3A_308 : memref<1x200x8xf32, #tpu.memory_space<hbm>> -> memref<200x8xf32, #tpu.memory_space<hbm>>
        tpu.wait_dma2 semaphore(%run_scoped3A : memref<!tpu.dma_semaphore, #tpu.memory_space<semaphore_mem>>) src(%dma_wait3A_309 : memref<200x8xf32, #tpu.memory_space<hbm>>) dst(%arg24 : memref<200x8xf32, #tpu.memory_space<vmem>>)
        tpu.yield
      }) : () -> ()
      "tpu.region"() ({
        %run_scoped3A = tpu.sem_alloc : memref<!tpu.dma_semaphore, #tpu.memory_space<semaphore_mem>>
        %dma_start3A = arith.constant 0 : i32
        %dma_start3A_300 = tpu.memref_slice %arg13[%mul3A_299, %dma_start3A] : memref<10008x8xf32, #tpu.memory_space<vmem_shared>> -> memref<200x8xf32, #tpu.memory_space<vmem_shared>>
        %dma_start3A_301 = arith.constant 0 : i32
        %dma_start3A_302 = tpu.memref_slice %arg13[%mul3A_299, %dma_start3A_301] : memref<10008x8xf32, #tpu.memory_space<vmem_shared>> -> memref<200x8xf32, #tpu.memory_space<vmem_shared>>
        tpu.enqueue_dma source(%arg24 : memref<200x8xf32, #tpu.memory_space<vmem>>) target(%dma_start3A_302 : memref<200x8xf32, #tpu.memory_space<vmem_shared>>) target_semaphore(%run_scoped3A : memref<!tpu.dma_semaphore, #tpu.memory_space<semaphore_mem>>)
        %dma_wait3A = arith.constant 0 : i32
        %dma_wait3A_303 = tpu.memref_slice %arg13[%mul3A_299, %dma_wait3A] : memref<10008x8xf32, #tpu.memory_space<vmem_shared>> -> memref<200x8xf32, #tpu.memory_space<vmem_shared>>
        %dma_wait3A_304 = arith.constant 0 : i32
        %dma_wait3A_305 = tpu.memref_slice %arg13[%mul3A_299, %dma_wait3A_304] : memref<10008x8xf32, #tpu.memory_space<vmem_shared>> -> memref<200x8xf32, #tpu.memory_space<vmem_shared>>
        tpu.wait_dma2 semaphore(%run_scoped3A : memref<!tpu.dma_semaphore, #tpu.memory_space<semaphore_mem>>) src(%arg24 : memref<200x8xf32, #tpu.memory_space<vmem>>) dst(%dma_wait3A_305 : memref<200x8xf32, #tpu.memory_space<vmem_shared>>)
        tpu.yield
      }) : () -> ()
      "tpu.region"() ({
        %run_scoped3A = tpu.sem_alloc : memref<!tpu.dma_semaphore, #tpu.memory_space<semaphore_mem>>
        %dma_start3A = arith.constant 0 : i32
        %dma_start3A_300 = tpu.memref_slice %arg11[%mul3A_299, %dma_start3A] : memref<10008x72xf32, #tpu.memory_space<vmem_shared>> -> memref<200x72xf32, #tpu.memory_space<vmem_shared>>
        %dma_start3A_301 = arith.constant 0 : i32
        %dma_start3A_302 = tpu.memref_slice %arg11[%mul3A_299, %dma_start3A_301] : memref<10008x72xf32, #tpu.memory_space<vmem_shared>> -> memref<200x72xf32, #tpu.memory_space<vmem_shared>>
        tpu.enqueue_dma source(%arg22 : memref<200x72xf32, #tpu.memory_space<vmem>>) target(%dma_start3A_302 : memref<200x72xf32, #tpu.memory_space<vmem_shared>>) target_semaphore(%run_scoped3A : memref<!tpu.dma_semaphore, #tpu.memory_space<semaphore_mem>>)
        %dma_wait3A = arith.constant 0 : i32
        %dma_wait3A_303 = tpu.memref_slice %arg11[%mul3A_299, %dma_wait3A] : memref<10008x72xf32, #tpu.memory_space<vmem_shared>> -> memref<200x72xf32, #tpu.memory_space<vmem_shared>>
        %dma_wait3A_304 = arith.constant 0 : i32
        %dma_wait3A_305 = tpu.memref_slice %arg11[%mul3A_299, %dma_wait3A_304] : memref<10008x72xf32, #tpu.memory_space<vmem_shared>> -> memref<200x72xf32, #tpu.memory_space<vmem_shared>>
        tpu.wait_dma2 semaphore(%run_scoped3A : memref<!tpu.dma_semaphore, #tpu.memory_space<semaphore_mem>>) src(%arg22 : memref<200x72xf32, #tpu.memory_space<vmem>>) dst(%dma_wait3A_305 : memref<200x72xf32, #tpu.memory_space<vmem_shared>>)
        tpu.yield
      }) : () -> ()
    } else {
    }
    %add3A_59 = arith.constant 32 : i32
    %add3A_60 = arith.addi %arg1, %add3A_59 : i32
    %lt3A_61 = arith.constant 50 : i32
    %lt3A_62 = arith.cmpi slt, %add3A_60, %lt3A_61 : i32
    %convert_element_type3A_63 = arith.extui %lt3A_62 : i1 to i32
    %cond3A_64 = arith.constant 0 : i32
    %cond3A_65 = arith.cmpi ne, %convert_element_type3A_63, %cond3A_64 : i32
    scf.if %cond3A_65 {
      %mul3A_298 = arith.constant 200 : i32
      %mul3A_299 = arith.muli %add3A_60, %mul3A_298 : i32
      "tpu.region"() ({
        %run_scoped3A = tpu.sem_alloc : memref<!tpu.dma_semaphore, #tpu.memory_space<semaphore_mem>>
        %dma_start3A = arith.constant 0 : i32
        %dma_start3A_300 = tpu.memref_slice %arg7[%arg0, %mul3A_299, %dma_start3A] : memref<2x10000x8xf32, #tpu.memory_space<hbm>> -> memref<1x200x8xf32, #tpu.memory_space<hbm>>
        %dma_start3A_301 = tpu.memref_squeeze %dma_start3A_300 : memref<1x200x8xf32, #tpu.memory_space<hbm>> -> memref<200x8xf32, #tpu.memory_space<hbm>>
        %dma_start3A_302 = arith.constant 0 : i32
        %dma_start3A_303 = tpu.memref_slice %arg7[%arg0, %mul3A_299, %dma_start3A_302] : memref<2x10000x8xf32, #tpu.memory_space<hbm>> -> memref<1x200x8xf32, #tpu.memory_space<hbm>>
        %dma_start3A_304 = tpu.memref_squeeze %dma_start3A_303 : memref<1x200x8xf32, #tpu.memory_space<hbm>> -> memref<200x8xf32, #tpu.memory_space<hbm>>
        tpu.enqueue_dma source(%dma_start3A_304 : memref<200x8xf32, #tpu.memory_space<hbm>>) target(%arg24 : memref<200x8xf32, #tpu.memory_space<vmem>>) target_semaphore(%run_scoped3A : memref<!tpu.dma_semaphore, #tpu.memory_space<semaphore_mem>>)
        %dma_wait3A = arith.constant 0 : i32
        %dma_wait3A_305 = tpu.memref_slice %arg7[%arg0, %mul3A_299, %dma_wait3A] : memref<2x10000x8xf32, #tpu.memory_space<hbm>> -> memref<1x200x8xf32, #tpu.memory_space<hbm>>
        %dma_wait3A_306 = tpu.memref_squeeze %dma_wait3A_305 : memref<1x200x8xf32, #tpu.memory_space<hbm>> -> memref<200x8xf32, #tpu.memory_space<hbm>>
        %dma_wait3A_307 = arith.constant 0 : i32
        %dma_wait3A_308 = tpu.memref_slice %arg7[%arg0, %mul3A_299, %dma_wait3A_307] : memref<2x10000x8xf32, #tpu.memory_space<hbm>> -> memref<1x200x8xf32, #tpu.memory_space<hbm>>
        %dma_wait3A_309 = tpu.memref_squeeze %dma_wait3A_308 : memref<1x200x8xf32, #tpu.memory_space<hbm>> -> memref<200x8xf32, #tpu.memory_space<hbm>>
        tpu.wait_dma2 semaphore(%run_scoped3A : memref<!tpu.dma_semaphore, #tpu.memory_space<semaphore_mem>>) src(%dma_wait3A_309 : memref<200x8xf32, #tpu.memory_space<hbm>>) dst(%arg24 : memref<200x8xf32, #tpu.memory_space<vmem>>)
        tpu.yield
      }) : () -> ()
      "tpu.region"() ({
        %run_scoped3A = tpu.sem_alloc : memref<!tpu.dma_semaphore, #tpu.memory_space<semaphore_mem>>
        %dma_start3A = arith.constant 0 : i32
        %dma_start3A_300 = tpu.memref_slice %arg13[%mul3A_299, %dma_start3A] : memref<10008x8xf32, #tpu.memory_space<vmem_shared>> -> memref<200x8xf32, #tpu.memory_space<vmem_shared>>
        %dma_start3A_301 = arith.constant 0 : i32
        %dma_start3A_302 = tpu.memref_slice %arg13[%mul3A_299, %dma_start3A_301] : memref<10008x8xf32, #tpu.memory_space<vmem_shared>> -> memref<200x8xf32, #tpu.memory_space<vmem_shared>>
        tpu.enqueue_dma source(%arg24 : memref<200x8xf32, #tpu.memory_space<vmem>>) target(%dma_start3A_302 : memref<200x8xf32, #tpu.memory_space<vmem_shared>>) target_semaphore(%run_scoped3A : memref<!tpu.dma_semaphore, #tpu.memory_space<semaphore_mem>>)
        %dma_wait3A = arith.constant 0 : i32
        %dma_wait3A_303 = tpu.memref_slice %arg13[%mul3A_299, %dma_wait3A] : memref<10008x8xf32, #tpu.memory_space<vmem_shared>> -> memref<200x8xf32, #tpu.memory_space<vmem_shared>>
        %dma_wait3A_304 = arith.constant 0 : i32
        %dma_wait3A_305 = tpu.memref_slice %arg13[%mul3A_299, %dma_wait3A_304] : memref<10008x8xf32, #tpu.memory_space<vmem_shared>> -> memref<200x8xf32, #tpu.memory_space<vmem_shared>>
        tpu.wait_dma2 semaphore(%run_scoped3A : memref<!tpu.dma_semaphore, #tpu.memory_space<semaphore_mem>>) src(%arg24 : memref<200x8xf32, #tpu.memory_space<vmem>>) dst(%dma_wait3A_305 : memref<200x8xf32, #tpu.memory_space<vmem_shared>>)
        tpu.yield
      }) : () -> ()
      "tpu.region"() ({
        %run_scoped3A = tpu.sem_alloc : memref<!tpu.dma_semaphore, #tpu.memory_space<semaphore_mem>>
        %dma_start3A = arith.constant 0 : i32
        %dma_start3A_300 = tpu.memref_slice %arg11[%mul3A_299, %dma_start3A] : memref<10008x72xf32, #tpu.memory_space<vmem_shared>> -> memref<200x72xf32, #tpu.memory_space<vmem_shared>>
        %dma_start3A_301 = arith.constant 0 : i32
        %dma_start3A_302 = tpu.memref_slice %arg11[%mul3A_299, %dma_start3A_301] : memref<10008x72xf32, #tpu.memory_space<vmem_shared>> -> memref<200x72xf32, #tpu.memory_space<vmem_shared>>
        tpu.enqueue_dma source(%arg22 : memref<200x72xf32, #tpu.memory_space<vmem>>) target(%dma_start3A_302 : memref<200x72xf32, #tpu.memory_space<vmem_shared>>) target_semaphore(%run_scoped3A : memref<!tpu.dma_semaphore, #tpu.memory_space<semaphore_mem>>)
        %dma_wait3A = arith.constant 0 : i32
        %dma_wait3A_303 = tpu.memref_slice %arg11[%mul3A_299, %dma_wait3A] : memref<10008x72xf32, #tpu.memory_space<vmem_shared>> -> memref<200x72xf32, #tpu.memory_space<vmem_shared>>
        %dma_wait3A_304 = arith.constant 0 : i32
        %dma_wait3A_305 = tpu.memref_slice %arg11[%mul3A_299, %dma_wait3A_304] : memref<10008x72xf32, #tpu.memory_space<vmem_shared>> -> memref<200x72xf32, #tpu.memory_space<vmem_shared>>
        tpu.wait_dma2 semaphore(%run_scoped3A : memref<!tpu.dma_semaphore, #tpu.memory_space<semaphore_mem>>) src(%arg22 : memref<200x72xf32, #tpu.memory_space<vmem>>) dst(%dma_wait3A_305 : memref<200x72xf32, #tpu.memory_space<vmem_shared>>)
        tpu.yield
      }) : () -> ()
    } else {
    }
    %add3A_66 = arith.constant 48 : i32
    %add3A_67 = arith.addi %arg1, %add3A_66 : i32
    %lt3A_68 = arith.constant 50 : i32
    %lt3A_69 = arith.cmpi slt, %add3A_67, %lt3A_68 : i32
    %convert_element_type3A_70 = arith.extui %lt3A_69 : i1 to i32
    %cond3A_71 = arith.constant 0 : i32
    %cond3A_72 = arith.cmpi ne, %convert_element_type3A_70, %cond3A_71 : i32
    scf.if %cond3A_72 {
      %mul3A_298 = arith.constant 200 : i32
      %mul3A_299 = arith.muli %add3A_67, %mul3A_298 : i32
      "tpu.region"() ({
        %run_scoped3A = tpu.sem_alloc : memref<!tpu.dma_semaphore, #tpu.memory_space<semaphore_mem>>
        %dma_start3A = arith.constant 0 : i32
        %dma_start3A_300 = tpu.memref_slice %arg7[%arg0, %mul3A_299, %dma_start3A] : memref<2x10000x8xf32, #tpu.memory_space<hbm>> -> memref<1x200x8xf32, #tpu.memory_space<hbm>>
        %dma_start3A_301 = tpu.memref_squeeze %dma_start3A_300 : memref<1x200x8xf32, #tpu.memory_space<hbm>> -> memref<200x8xf32, #tpu.memory_space<hbm>>
        %dma_start3A_302 = arith.constant 0 : i32
        %dma_start3A_303 = tpu.memref_slice %arg7[%arg0, %mul3A_299, %dma_start3A_302] : memref<2x10000x8xf32, #tpu.memory_space<hbm>> -> memref<1x200x8xf32, #tpu.memory_space<hbm>>
        %dma_start3A_304 = tpu.memref_squeeze %dma_start3A_303 : memref<1x200x8xf32, #tpu.memory_space<hbm>> -> memref<200x8xf32, #tpu.memory_space<hbm>>
        tpu.enqueue_dma source(%dma_start3A_304 : memref<200x8xf32, #tpu.memory_space<hbm>>) target(%arg24 : memref<200x8xf32, #tpu.memory_space<vmem>>) target_semaphore(%run_scoped3A : memref<!tpu.dma_semaphore, #tpu.memory_space<semaphore_mem>>)
        %dma_wait3A = arith.constant 0 : i32
        %dma_wait3A_305 = tpu.memref_slice %arg7[%arg0, %mul3A_299, %dma_wait3A] : memref<2x10000x8xf32, #tpu.memory_space<hbm>> -> memref<1x200x8xf32, #tpu.memory_space<hbm>>
        %dma_wait3A_306 = tpu.memref_squeeze %dma_wait3A_305 : memref<1x200x8xf32, #tpu.memory_space<hbm>> -> memref<200x8xf32, #tpu.memory_space<hbm>>
        %dma_wait3A_307 = arith.constant 0 : i32
        %dma_wait3A_308 = tpu.memref_slice %arg7[%arg0, %mul3A_299, %dma_wait3A_307] : memref<2x10000x8xf32, #tpu.memory_space<hbm>> -> memref<1x200x8xf32, #tpu.memory_space<hbm>>
        %dma_wait3A_309 = tpu.memref_squeeze %dma_wait3A_308 : memref<1x200x8xf32, #tpu.memory_space<hbm>> -> memref<200x8xf32, #tpu.memory_space<hbm>>
        tpu.wait_dma2 semaphore(%run_scoped3A : memref<!tpu.dma_semaphore, #tpu.memory_space<semaphore_mem>>) src(%dma_wait3A_309 : memref<200x8xf32, #tpu.memory_space<hbm>>) dst(%arg24 : memref<200x8xf32, #tpu.memory_space<vmem>>)
        tpu.yield
      }) : () -> ()
      "tpu.region"() ({
        %run_scoped3A = tpu.sem_alloc : memref<!tpu.dma_semaphore, #tpu.memory_space<semaphore_mem>>
        %dma_start3A = arith.constant 0 : i32
        %dma_start3A_300 = tpu.memref_slice %arg13[%mul3A_299, %dma_start3A] : memref<10008x8xf32, #tpu.memory_space<vmem_shared>> -> memref<200x8xf32, #tpu.memory_space<vmem_shared>>
        %dma_start3A_301 = arith.constant 0 : i32
        %dma_start3A_302 = tpu.memref_slice %arg13[%mul3A_299, %dma_start3A_301] : memref<10008x8xf32, #tpu.memory_space<vmem_shared>> -> memref<200x8xf32, #tpu.memory_space<vmem_shared>>
        tpu.enqueue_dma source(%arg24 : memref<200x8xf32, #tpu.memory_space<vmem>>) target(%dma_start3A_302 : memref<200x8xf32, #tpu.memory_space<vmem_shared>>) target_semaphore(%run_scoped3A : memref<!tpu.dma_semaphore, #tpu.memory_space<semaphore_mem>>)
        %dma_wait3A = arith.constant 0 : i32
        %dma_wait3A_303 = tpu.memref_slice %arg13[%mul3A_299, %dma_wait3A] : memref<10008x8xf32, #tpu.memory_space<vmem_shared>> -> memref<200x8xf32, #tpu.memory_space<vmem_shared>>
        %dma_wait3A_304 = arith.constant 0 : i32
        %dma_wait3A_305 = tpu.memref_slice %arg13[%mul3A_299, %dma_wait3A_304] : memref<10008x8xf32, #tpu.memory_space<vmem_shared>> -> memref<200x8xf32, #tpu.memory_space<vmem_shared>>
        tpu.wait_dma2 semaphore(%run_scoped3A : memref<!tpu.dma_semaphore, #tpu.memory_space<semaphore_mem>>) src(%arg24 : memref<200x8xf32, #tpu.memory_space<vmem>>) dst(%dma_wait3A_305 : memref<200x8xf32, #tpu.memory_space<vmem_shared>>)
        tpu.yield
      }) : () -> ()
      "tpu.region"() ({
        %run_scoped3A = tpu.sem_alloc : memref<!tpu.dma_semaphore, #tpu.memory_space<semaphore_mem>>
        %dma_start3A = arith.constant 0 : i32
        %dma_start3A_300 = tpu.memref_slice %arg11[%mul3A_299, %dma_start3A] : memref<10008x72xf32, #tpu.memory_space<vmem_shared>> -> memref<200x72xf32, #tpu.memory_space<vmem_shared>>
        %dma_start3A_301 = arith.constant 0 : i32
        %dma_start3A_302 = tpu.memref_slice %arg11[%mul3A_299, %dma_start3A_301] : memref<10008x72xf32, #tpu.memory_space<vmem_shared>> -> memref<200x72xf32, #tpu.memory_space<vmem_shared>>
        tpu.enqueue_dma source(%arg22 : memref<200x72xf32, #tpu.memory_space<vmem>>) target(%dma_start3A_302 : memref<200x72xf32, #tpu.memory_space<vmem_shared>>) target_semaphore(%run_scoped3A : memref<!tpu.dma_semaphore, #tpu.memory_space<semaphore_mem>>)
        %dma_wait3A = arith.constant 0 : i32
        %dma_wait3A_303 = tpu.memref_slice %arg11[%mul3A_299, %dma_wait3A] : memref<10008x72xf32, #tpu.memory_space<vmem_shared>> -> memref<200x72xf32, #tpu.memory_space<vmem_shared>>
        %dma_wait3A_304 = arith.constant 0 : i32
        %dma_wait3A_305 = tpu.memref_slice %arg11[%mul3A_299, %dma_wait3A_304] : memref<10008x72xf32, #tpu.memory_space<vmem_shared>> -> memref<200x72xf32, #tpu.memory_space<vmem_shared>>
        tpu.wait_dma2 semaphore(%run_scoped3A : memref<!tpu.dma_semaphore, #tpu.memory_space<semaphore_mem>>) src(%arg22 : memref<200x72xf32, #tpu.memory_space<vmem>>) dst(%dma_wait3A_305 : memref<200x72xf32, #tpu.memory_space<vmem_shared>>)
        tpu.yield
      }) : () -> ()
    } else {
    }
    %eq3A = arith.constant 0 : i32
    %eq3A_73 = arith.cmpi eq, %arg1, %eq3A : i32
    %convert_element_type3A_74 = arith.extui %eq3A_73 : i1 to i32
    %cond3A_75 = arith.constant 0 : i32
    %cond3A_76 = arith.cmpi ne, %convert_element_type3A_74, %cond3A_75 : i32
    scf.if %cond3A_76 {
      "tpu.region"() ({
        %run_scoped3A = tpu.sem_alloc : memref<!tpu.dma_semaphore, #tpu.memory_space<semaphore_mem>>
        %dma_start3A = arith.constant 0 : i32
        %dma_start3A_298 = arith.constant 0 : i32
        %dma_start3A_299 = tpu.memref_slice %arg22[%dma_start3A, %dma_start3A_298] : memref<200x72xf32, #tpu.memory_space<vmem>> -> memref<8x72xf32, #tpu.memory_space<vmem>>
        %dma_start3A_300 = arith.constant 10000 : i32
        %dma_start3A_301 = arith.constant 0 : i32
        %dma_start3A_302 = tpu.memref_slice %arg11[%dma_start3A_300, %dma_start3A_301] : memref<10008x72xf32, #tpu.memory_space<vmem_shared>> -> memref<8x72xf32, #tpu.memory_space<vmem_shared>>
        %dma_start3A_303 = arith.constant 10000 : i32
        %dma_start3A_304 = arith.constant 0 : i32
        %dma_start3A_305 = tpu.memref_slice %arg11[%dma_start3A_303, %dma_start3A_304] : memref<10008x72xf32, #tpu.memory_space<vmem_shared>> -> memref<8x72xf32, #tpu.memory_space<vmem_shared>>
        %dma_start3A_306 = arith.constant 0 : i32
        %dma_start3A_307 = arith.constant 0 : i32
        %dma_start3A_308 = tpu.memref_slice %arg22[%dma_start3A_306, %dma_start3A_307] : memref<200x72xf32, #tpu.memory_space<vmem>> -> memref<8x72xf32, #tpu.memory_space<vmem>>
        tpu.enqueue_dma source(%dma_start3A_308 : memref<8x72xf32, #tpu.memory_space<vmem>>) target(%dma_start3A_305 : memref<8x72xf32, #tpu.memory_space<vmem_shared>>) target_semaphore(%run_scoped3A : memref<!tpu.dma_semaphore, #tpu.memory_space<semaphore_mem>>)
        %dma_wait3A = arith.constant 0 : i32
        %dma_wait3A_309 = arith.constant 0 : i32
        %dma_wait3A_310 = tpu.memref_slice %arg22[%dma_wait3A, %dma_wait3A_309] : memref<200x72xf32, #tpu.memory_space<vmem>> -> memref<8x72xf32, #tpu.memory_space<vmem>>
        %dma_wait3A_311 = arith.constant 10000 : i32
        %dma_wait3A_312 = arith.constant 0 : i32
        %dma_wait3A_313 = tpu.memref_slice %arg11[%dma_wait3A_311, %dma_wait3A_312] : memref<10008x72xf32, #tpu.memory_space<vmem_shared>> -> memref<8x72xf32, #tpu.memory_space<vmem_shared>>
        %dma_wait3A_314 = arith.constant 10000 : i32
        %dma_wait3A_315 = arith.constant 0 : i32
        %dma_wait3A_316 = tpu.memref_slice %arg11[%dma_wait3A_314, %dma_wait3A_315] : memref<10008x72xf32, #tpu.memory_space<vmem_shared>> -> memref<8x72xf32, #tpu.memory_space<vmem_shared>>
        %dma_wait3A_317 = arith.constant 0 : i32
        %dma_wait3A_318 = arith.constant 0 : i32
        %dma_wait3A_319 = tpu.memref_slice %arg22[%dma_wait3A_317, %dma_wait3A_318] : memref<200x72xf32, #tpu.memory_space<vmem>> -> memref<8x72xf32, #tpu.memory_space<vmem>>
        tpu.wait_dma2 semaphore(%run_scoped3A : memref<!tpu.dma_semaphore, #tpu.memory_space<semaphore_mem>>) src(%dma_wait3A_319 : memref<8x72xf32, #tpu.memory_space<vmem>>) dst(%dma_wait3A_316 : memref<8x72xf32, #tpu.memory_space<vmem_shared>>)
        tpu.yield
      }) : () -> ()
      "tpu.region"() ({
        %run_scoped3A = tpu.sem_alloc : memref<!tpu.dma_semaphore, #tpu.memory_space<semaphore_mem>>
        tpu.enqueue_dma source(%arg9 : memref<8x8xf32, #tpu.memory_space<hbm>>) target(%arg25 : memref<8x8xf32, #tpu.memory_space<vmem>>) target_semaphore(%run_scoped3A : memref<!tpu.dma_semaphore, #tpu.memory_space<semaphore_mem>>)
        tpu.wait_dma2 semaphore(%run_scoped3A : memref<!tpu.dma_semaphore, #tpu.memory_space<semaphore_mem>>) src(%arg9 : memref<8x8xf32, #tpu.memory_space<hbm>>) dst(%arg25 : memref<8x8xf32, #tpu.memory_space<vmem>>)
        tpu.yield
      }) : () -> ()
      "tpu.region"() ({
        %run_scoped3A = tpu.sem_alloc : memref<!tpu.dma_semaphore, #tpu.memory_space<semaphore_mem>>
        %dma_start3A = arith.constant 10000 : i32
        %dma_start3A_298 = arith.constant 0 : i32
        %dma_start3A_299 = tpu.memref_slice %arg13[%dma_start3A, %dma_start3A_298] : memref<10008x8xf32, #tpu.memory_space<vmem_shared>> -> memref<8x8xf32, #tpu.memory_space<vmem_shared>>
        %dma_start3A_300 = arith.constant 10000 : i32
        %dma_start3A_301 = arith.constant 0 : i32
        %dma_start3A_302 = tpu.memref_slice %arg13[%dma_start3A_300, %dma_start3A_301] : memref<10008x8xf32, #tpu.memory_space<vmem_shared>> -> memref<8x8xf32, #tpu.memory_space<vmem_shared>>
        tpu.enqueue_dma source(%arg25 : memref<8x8xf32, #tpu.memory_space<vmem>>) target(%dma_start3A_302 : memref<8x8xf32, #tpu.memory_space<vmem_shared>>) target_semaphore(%run_scoped3A : memref<!tpu.dma_semaphore, #tpu.memory_space<semaphore_mem>>)
        %dma_wait3A = arith.constant 10000 : i32
        %dma_wait3A_303 = arith.constant 0 : i32
        %dma_wait3A_304 = tpu.memref_slice %arg13[%dma_wait3A, %dma_wait3A_303] : memref<10008x8xf32, #tpu.memory_space<vmem_shared>> -> memref<8x8xf32, #tpu.memory_space<vmem_shared>>
        %dma_wait3A_305 = arith.constant 10000 : i32
        %dma_wait3A_306 = arith.constant 0 : i32
        %dma_wait3A_307 = tpu.memref_slice %arg13[%dma_wait3A_305, %dma_wait3A_306] : memref<10008x8xf32, #tpu.memory_space<vmem_shared>> -> memref<8x8xf32, #tpu.memory_space<vmem_shared>>
        tpu.wait_dma2 semaphore(%run_scoped3A : memref<!tpu.dma_semaphore, #tpu.memory_space<semaphore_mem>>) src(%arg25 : memref<8x8xf32, #tpu.memory_space<vmem>>) dst(%dma_wait3A_307 : memref<8x8xf32, #tpu.memory_space<vmem_shared>>)
        tpu.yield
      }) : () -> ()
    } else {
    }
    %iota3A = tpu.iota {dimensions = array<i32: 0>} : vector<16xi32>
    %broadcast_in_dim3A = arith.constant 0.000000e+00 : f32
    %broadcast_in_dim3A_77 = vector.broadcast %broadcast_in_dim3A : f32 to vector<16xf32>
    %add3A_78 = arith.constant 0 : i32
    %add3A_79 = vector.broadcast %add3A_78 : i32 to vector<16xi32>
    %add3A_80 = arith.addi %iota3A, %add3A_79 : vector<16xi32>
    %broadcast_in_dim3A_81 = arith.constant 68 : i32
    %broadcast_in_dim3A_82 = vector.broadcast %broadcast_in_dim3A_81 : i32 to vector<16xi32>
    tpu.vector_store_idx %arg21[%add3A_80, %broadcast_in_dim3A_82], %broadcast_in_dim3A_77 : memref<128x72xf32, #tpu.memory_space<vmem>>[vector<16xi32>, vector<16xi32>], vector<16xf32>,
    %add3A_83 = arith.constant 0 : i32
    %add3A_84 = vector.broadcast %add3A_83 : i32 to vector<16xi32>
    %add3A_85 = arith.addi %iota3A, %add3A_84 : vector<16xi32>
    %broadcast_in_dim3A_86 = arith.constant 69 : i32
    %broadcast_in_dim3A_87 = vector.broadcast %broadcast_in_dim3A_86 : i32 to vector<16xi32>
    tpu.vector_store_idx %arg21[%add3A_85, %broadcast_in_dim3A_87], %broadcast_in_dim3A_77 : memref<128x72xf32, #tpu.memory_space<vmem>>[vector<16xi32>, vector<16xi32>], vector<16xf32>,
    %add3A_88 = arith.constant 0 : i32
    %add3A_89 = vector.broadcast %add3A_88 : i32 to vector<16xi32>
    %add3A_90 = arith.addi %iota3A, %add3A_89 : vector<16xi32>
    %broadcast_in_dim3A_91 = arith.constant 70 : i32
    %broadcast_in_dim3A_92 = vector.broadcast %broadcast_in_dim3A_91 : i32 to vector<16xi32>
    tpu.vector_store_idx %arg21[%add3A_90, %broadcast_in_dim3A_92], %broadcast_in_dim3A_77 : memref<128x72xf32, #tpu.memory_space<vmem>>[vector<16xi32>, vector<16xi32>], vector<16xf32>,
    %add3A_93 = arith.constant 0 : i32
    %add3A_94 = vector.broadcast %add3A_93 : i32 to vector<16xi32>
    %add3A_95 = arith.addi %iota3A, %add3A_94 : vector<16xi32>
    %broadcast_in_dim3A_96 = arith.constant 71 : i32
    %broadcast_in_dim3A_97 = vector.broadcast %broadcast_in_dim3A_96 : i32 to vector<16xi32>
    tpu.vector_store_idx %arg21[%add3A_95, %broadcast_in_dim3A_97], %broadcast_in_dim3A_77 : memref<128x72xf32, #tpu.memory_space<vmem>>[vector<16xi32>, vector<16xi32>], vector<16xf32>,
    %add3A_98 = arith.constant 16 : i32
    %add3A_99 = vector.broadcast %add3A_98 : i32 to vector<16xi32>
    %add3A_100 = arith.addi %iota3A, %add3A_99 : vector<16xi32>
    %broadcast_in_dim3A_101 = arith.constant 68 : i32
    %broadcast_in_dim3A_102 = vector.broadcast %broadcast_in_dim3A_101 : i32 to vector<16xi32>
    tpu.vector_store_idx %arg21[%add3A_100, %broadcast_in_dim3A_102], %broadcast_in_dim3A_77 : memref<128x72xf32, #tpu.memory_space<vmem>>[vector<16xi32>, vector<16xi32>], vector<16xf32>,
    %add3A_103 = arith.constant 16 : i32
    %add3A_104 = vector.broadcast %add3A_103 : i32 to vector<16xi32>
    %add3A_105 = arith.addi %iota3A, %add3A_104 : vector<16xi32>
    %broadcast_in_dim3A_106 = arith.constant 69 : i32
    %broadcast_in_dim3A_107 = vector.broadcast %broadcast_in_dim3A_106 : i32 to vector<16xi32>
    tpu.vector_store_idx %arg21[%add3A_105, %broadcast_in_dim3A_107], %broadcast_in_dim3A_77 : memref<128x72xf32, #tpu.memory_space<vmem>>[vector<16xi32>, vector<16xi32>], vector<16xf32>,
    %add3A_108 = arith.constant 16 : i32
    %add3A_109 = vector.broadcast %add3A_108 : i32 to vector<16xi32>
    %add3A_110 = arith.addi %iota3A, %add3A_109 : vector<16xi32>
    %broadcast_in_dim3A_111 = arith.constant 70 : i32
    %broadcast_in_dim3A_112 = vector.broadcast %broadcast_in_dim3A_111 : i32 to vector<16xi32>
    tpu.vector_store_idx %arg21[%add3A_110, %broadcast_in_dim3A_112], %broadcast_in_dim3A_77 : memref<128x72xf32, #tpu.memory_space<vmem>>[vector<16xi32>, vector<16xi32>], vector<16xf32>,
    %add3A_113 = arith.constant 16 : i32
    %add3A_114 = vector.broadcast %add3A_113 : i32 to vector<16xi32>
    %add3A_115 = arith.addi %iota3A, %add3A_114 : vector<16xi32>
    %broadcast_in_dim3A_116 = arith.constant 71 : i32
    %broadcast_in_dim3A_117 = vector.broadcast %broadcast_in_dim3A_116 : i32 to vector<16xi32>
    tpu.vector_store_idx %arg21[%add3A_115, %broadcast_in_dim3A_117], %broadcast_in_dim3A_77 : memref<128x72xf32, #tpu.memory_space<vmem>>[vector<16xi32>, vector<16xi32>], vector<16xf32>,
    %add3A_118 = arith.constant 32 : i32
    %add3A_119 = vector.broadcast %add3A_118 : i32 to vector<16xi32>
    %add3A_120 = arith.addi %iota3A, %add3A_119 : vector<16xi32>
    %broadcast_in_dim3A_121 = arith.constant 68 : i32
    %broadcast_in_dim3A_122 = vector.broadcast %broadcast_in_dim3A_121 : i32 to vector<16xi32>
    tpu.vector_store_idx %arg21[%add3A_120, %broadcast_in_dim3A_122], %broadcast_in_dim3A_77 : memref<128x72xf32, #tpu.memory_space<vmem>>[vector<16xi32>, vector<16xi32>], vector<16xf32>,
    %add3A_123 = arith.constant 32 : i32
    %add3A_124 = vector.broadcast %add3A_123 : i32 to vector<16xi32>
    %add3A_125 = arith.addi %iota3A, %add3A_124 : vector<16xi32>
    %broadcast_in_dim3A_126 = arith.constant 69 : i32
    %broadcast_in_dim3A_127 = vector.broadcast %broadcast_in_dim3A_126 : i32 to vector<16xi32>
    tpu.vector_store_idx %arg21[%add3A_125, %broadcast_in_dim3A_127], %broadcast_in_dim3A_77 : memref<128x72xf32, #tpu.memory_space<vmem>>[vector<16xi32>, vector<16xi32>], vector<16xf32>,
    %add3A_128 = arith.constant 32 : i32
    %add3A_129 = vector.broadcast %add3A_128 : i32 to vector<16xi32>
    %add3A_130 = arith.addi %iota3A, %add3A_129 : vector<16xi32>
    %broadcast_in_dim3A_131 = arith.constant 70 : i32
    %broadcast_in_dim3A_132 = vector.broadcast %broadcast_in_dim3A_131 : i32 to vector<16xi32>
    tpu.vector_store_idx %arg21[%add3A_130, %broadcast_in_dim3A_132], %broadcast_in_dim3A_77 : memref<128x72xf32, #tpu.memory_space<vmem>>[vector<16xi32>, vector<16xi32>], vector<16xf32>,
    %add3A_133 = arith.constant 32 : i32
    %add3A_134 = vector.broadcast %add3A_133 : i32 to vector<16xi32>
    %add3A_135 = arith.addi %iota3A, %add3A_134 : vector<16xi32>
    %broadcast_in_dim3A_136 = arith.constant 71 : i32
    %broadcast_in_dim3A_137 = vector.broadcast %broadcast_in_dim3A_136 : i32 to vector<16xi32>
    tpu.vector_store_idx %arg21[%add3A_135, %broadcast_in_dim3A_137], %broadcast_in_dim3A_77 : memref<128x72xf32, #tpu.memory_space<vmem>>[vector<16xi32>, vector<16xi32>], vector<16xf32>,
    %add3A_138 = arith.constant 48 : i32
    %add3A_139 = vector.broadcast %add3A_138 : i32 to vector<16xi32>
    %add3A_140 = arith.addi %iota3A, %add3A_139 : vector<16xi32>
    %broadcast_in_dim3A_141 = arith.constant 68 : i32
    %broadcast_in_dim3A_142 = vector.broadcast %broadcast_in_dim3A_141 : i32 to vector<16xi32>
    tpu.vector_store_idx %arg21[%add3A_140, %broadcast_in_dim3A_142], %broadcast_in_dim3A_77 : memref<128x72xf32, #tpu.memory_space<vmem>>[vector<16xi32>, vector<16xi32>], vector<16xf32>,
    %add3A_143 = arith.constant 48 : i32
    %add3A_144 = vector.broadcast %add3A_143 : i32 to vector<16xi32>
    %add3A_145 = arith.addi %iota3A, %add3A_144 : vector<16xi32>
    %broadcast_in_dim3A_146 = arith.constant 69 : i32
    %broadcast_in_dim3A_147 = vector.broadcast %broadcast_in_dim3A_146 : i32 to vector<16xi32>
    tpu.vector_store_idx %arg21[%add3A_145, %broadcast_in_dim3A_147], %broadcast_in_dim3A_77 : memref<128x72xf32, #tpu.memory_space<vmem>>[vector<16xi32>, vector<16xi32>], vector<16xf32>,
    %add3A_148 = arith.constant 48 : i32
    %add3A_149 = vector.broadcast %add3A_148 : i32 to vector<16xi32>
    %add3A_150 = arith.addi %iota3A, %add3A_149 : vector<16xi32>
    %broadcast_in_dim3A_151 = arith.constant 70 : i32
    %broadcast_in_dim3A_152 = vector.broadcast %broadcast_in_dim3A_151 : i32 to vector<16xi32>
    tpu.vector_store_idx %arg21[%add3A_150, %broadcast_in_dim3A_152], %broadcast_in_dim3A_77 : memref<128x72xf32, #tpu.memory_space<vmem>>[vector<16xi32>, vector<16xi32>], vector<16xf32>,
    %add3A_153 = arith.constant 48 : i32
    %add3A_154 = vector.broadcast %add3A_153 : i32 to vector<16xi32>
    %add3A_155 = arith.addi %iota3A, %add3A_154 : vector<16xi32>
    %broadcast_in_dim3A_156 = arith.constant 71 : i32
    %broadcast_in_dim3A_157 = vector.broadcast %broadcast_in_dim3A_156 : i32 to vector<16xi32>
    tpu.vector_store_idx %arg21[%add3A_155, %broadcast_in_dim3A_157], %broadcast_in_dim3A_77 : memref<128x72xf32, #tpu.memory_space<vmem>>[vector<16xi32>, vector<16xi32>], vector<16xf32>,
    %add3A_158 = arith.constant 64 : i32
    %add3A_159 = vector.broadcast %add3A_158 : i32 to vector<16xi32>
    %add3A_160 = arith.addi %iota3A, %add3A_159 : vector<16xi32>
    %broadcast_in_dim3A_161 = arith.constant 68 : i32
    %broadcast_in_dim3A_162 = vector.broadcast %broadcast_in_dim3A_161 : i32 to vector<16xi32>
    tpu.vector_store_idx %arg21[%add3A_160, %broadcast_in_dim3A_162], %broadcast_in_dim3A_77 : memref<128x72xf32, #tpu.memory_space<vmem>>[vector<16xi32>, vector<16xi32>], vector<16xf32>,
    %add3A_163 = arith.constant 64 : i32
    %add3A_164 = vector.broadcast %add3A_163 : i32 to vector<16xi32>
    %add3A_165 = arith.addi %iota3A, %add3A_164 : vector<16xi32>
    %broadcast_in_dim3A_166 = arith.constant 69 : i32
    %broadcast_in_dim3A_167 = vector.broadcast %broadcast_in_dim3A_166 : i32 to vector<16xi32>
    tpu.vector_store_idx %arg21[%add3A_165, %broadcast_in_dim3A_167], %broadcast_in_dim3A_77 : memref<128x72xf32, #tpu.memory_space<vmem>>[vector<16xi32>, vector<16xi32>], vector<16xf32>,
    %add3A_168 = arith.constant 64 : i32
    %add3A_169 = vector.broadcast %add3A_168 : i32 to vector<16xi32>
    %add3A_170 = arith.addi %iota3A, %add3A_169 : vector<16xi32>
    %broadcast_in_dim3A_171 = arith.constant 70 : i32
    %broadcast_in_dim3A_172 = vector.broadcast %broadcast_in_dim3A_171 : i32 to vector<16xi32>
    tpu.vector_store_idx %arg21[%add3A_170, %broadcast_in_dim3A_172], %broadcast_in_dim3A_77 : memref<128x72xf32, #tpu.memory_space<vmem>>[vector<16xi32>, vector<16xi32>], vector<16xf32>,
    %add3A_173 = arith.constant 64 : i32
    %add3A_174 = vector.broadcast %add3A_173 : i32 to vector<16xi32>
    %add3A_175 = arith.addi %iota3A, %add3A_174 : vector<16xi32>
    %broadcast_in_dim3A_176 = arith.constant 71 : i32
    %broadcast_in_dim3A_177 = vector.broadcast %broadcast_in_dim3A_176 : i32 to vector<16xi32>
    tpu.vector_store_idx %arg21[%add3A_175, %broadcast_in_dim3A_177], %broadcast_in_dim3A_77 : memref<128x72xf32, #tpu.memory_space<vmem>>[vector<16xi32>, vector<16xi32>], vector<16xf32>,
    %add3A_178 = arith.constant 80 : i32
    %add3A_179 = vector.broadcast %add3A_178 : i32 to vector<16xi32>
    %add3A_180 = arith.addi %iota3A, %add3A_179 : vector<16xi32>
    %broadcast_in_dim3A_181 = arith.constant 68 : i32
    %broadcast_in_dim3A_182 = vector.broadcast %broadcast_in_dim3A_181 : i32 to vector<16xi32>
    tpu.vector_store_idx %arg21[%add3A_180, %broadcast_in_dim3A_182], %broadcast_in_dim3A_77 : memref<128x72xf32, #tpu.memory_space<vmem>>[vector<16xi32>, vector<16xi32>], vector<16xf32>,
    %add3A_183 = arith.constant 80 : i32
    %add3A_184 = vector.broadcast %add3A_183 : i32 to vector<16xi32>
    %add3A_185 = arith.addi %iota3A, %add3A_184 : vector<16xi32>
    %broadcast_in_dim3A_186 = arith.constant 69 : i32
    %broadcast_in_dim3A_187 = vector.broadcast %broadcast_in_dim3A_186 : i32 to vector<16xi32>
    tpu.vector_store_idx %arg21[%add3A_185, %broadcast_in_dim3A_187], %broadcast_in_dim3A_77 : memref<128x72xf32, #tpu.memory_space<vmem>>[vector<16xi32>, vector<16xi32>], vector<16xf32>,
    %add3A_188 = arith.constant 80 : i32
    %add3A_189 = vector.broadcast %add3A_188 : i32 to vector<16xi32>
    %add3A_190 = arith.addi %iota3A, %add3A_189 : vector<16xi32>
    %broadcast_in_dim3A_191 = arith.constant 70 : i32
    %broadcast_in_dim3A_192 = vector.broadcast %broadcast_in_dim3A_191 : i32 to vector<16xi32>
    tpu.vector_store_idx %arg21[%add3A_190, %broadcast_in_dim3A_192], %broadcast_in_dim3A_77 : memref<128x72xf32, #tpu.memory_space<vmem>>[vector<16xi32>, vector<16xi32>], vector<16xf32>,
    %add3A_193 = arith.constant 80 : i32
    %add3A_194 = vector.broadcast %add3A_193 : i32 to vector<16xi32>
    %add3A_195 = arith.addi %iota3A, %add3A_194 : vector<16xi32>
    %broadcast_in_dim3A_196 = arith.constant 71 : i32
    %broadcast_in_dim3A_197 = vector.broadcast %broadcast_in_dim3A_196 : i32 to vector<16xi32>
    tpu.vector_store_idx %arg21[%add3A_195, %broadcast_in_dim3A_197], %broadcast_in_dim3A_77 : memref<128x72xf32, #tpu.memory_space<vmem>>[vector<16xi32>, vector<16xi32>], vector<16xf32>,
    %add3A_198 = arith.constant 96 : i32
    %add3A_199 = vector.broadcast %add3A_198 : i32 to vector<16xi32>
    %add3A_200 = arith.addi %iota3A, %add3A_199 : vector<16xi32>
    %broadcast_in_dim3A_201 = arith.constant 68 : i32
    %broadcast_in_dim3A_202 = vector.broadcast %broadcast_in_dim3A_201 : i32 to vector<16xi32>
    tpu.vector_store_idx %arg21[%add3A_200, %broadcast_in_dim3A_202], %broadcast_in_dim3A_77 : memref<128x72xf32, #tpu.memory_space<vmem>>[vector<16xi32>, vector<16xi32>], vector<16xf32>,
    %add3A_203 = arith.constant 96 : i32
    %add3A_204 = vector.broadcast %add3A_203 : i32 to vector<16xi32>
    %add3A_205 = arith.addi %iota3A, %add3A_204 : vector<16xi32>
    %broadcast_in_dim3A_206 = arith.constant 69 : i32
    %broadcast_in_dim3A_207 = vector.broadcast %broadcast_in_dim3A_206 : i32 to vector<16xi32>
    tpu.vector_store_idx %arg21[%add3A_205, %broadcast_in_dim3A_207], %broadcast_in_dim3A_77 : memref<128x72xf32, #tpu.memory_space<vmem>>[vector<16xi32>, vector<16xi32>], vector<16xf32>,
    %add3A_208 = arith.constant 96 : i32
    %add3A_209 = vector.broadcast %add3A_208 : i32 to vector<16xi32>
    %add3A_210 = arith.addi %iota3A, %add3A_209 : vector<16xi32>
    %broadcast_in_dim3A_211 = arith.constant 70 : i32
    %broadcast_in_dim3A_212 = vector.broadcast %broadcast_in_dim3A_211 : i32 to vector<16xi32>
    tpu.vector_store_idx %arg21[%add3A_210, %broadcast_in_dim3A_212], %broadcast_in_dim3A_77 : memref<128x72xf32, #tpu.memory_space<vmem>>[vector<16xi32>, vector<16xi32>], vector<16xf32>,
    %add3A_213 = arith.constant 96 : i32
    %add3A_214 = vector.broadcast %add3A_213 : i32 to vector<16xi32>
    %add3A_215 = arith.addi %iota3A, %add3A_214 : vector<16xi32>
    %broadcast_in_dim3A_216 = arith.constant 71 : i32
    %broadcast_in_dim3A_217 = vector.broadcast %broadcast_in_dim3A_216 : i32 to vector<16xi32>
    tpu.vector_store_idx %arg21[%add3A_215, %broadcast_in_dim3A_217], %broadcast_in_dim3A_77 : memref<128x72xf32, #tpu.memory_space<vmem>>[vector<16xi32>, vector<16xi32>], vector<16xf32>,
    %add3A_218 = arith.constant 112 : i32
    %add3A_219 = vector.broadcast %add3A_218 : i32 to vector<16xi32>
    %add3A_220 = arith.addi %iota3A, %add3A_219 : vector<16xi32>
    %broadcast_in_dim3A_221 = arith.constant 68 : i32
    %broadcast_in_dim3A_222 = vector.broadcast %broadcast_in_dim3A_221 : i32 to vector<16xi32>
    tpu.vector_store_idx %arg21[%add3A_220, %broadcast_in_dim3A_222], %broadcast_in_dim3A_77 : memref<128x72xf32, #tpu.memory_space<vmem>>[vector<16xi32>, vector<16xi32>], vector<16xf32>,
    %add3A_223 = arith.constant 112 : i32
    %add3A_224 = vector.broadcast %add3A_223 : i32 to vector<16xi32>
    %add3A_225 = arith.addi %iota3A, %add3A_224 : vector<16xi32>
    %broadcast_in_dim3A_226 = arith.constant 69 : i32
    %broadcast_in_dim3A_227 = vector.broadcast %broadcast_in_dim3A_226 : i32 to vector<16xi32>
    tpu.vector_store_idx %arg21[%add3A_225, %broadcast_in_dim3A_227], %broadcast_in_dim3A_77 : memref<128x72xf32, #tpu.memory_space<vmem>>[vector<16xi32>, vector<16xi32>], vector<16xf32>,
    %add3A_228 = arith.constant 112 : i32
    %add3A_229 = vector.broadcast %add3A_228 : i32 to vector<16xi32>
    %add3A_230 = arith.addi %iota3A, %add3A_229 : vector<16xi32>
    %broadcast_in_dim3A_231 = arith.constant 70 : i32
    %broadcast_in_dim3A_232 = vector.broadcast %broadcast_in_dim3A_231 : i32 to vector<16xi32>
    tpu.vector_store_idx %arg21[%add3A_230, %broadcast_in_dim3A_232], %broadcast_in_dim3A_77 : memref<128x72xf32, #tpu.memory_space<vmem>>[vector<16xi32>, vector<16xi32>], vector<16xf32>,
    %add3A_233 = arith.constant 112 : i32
    %add3A_234 = vector.broadcast %add3A_233 : i32 to vector<16xi32>
    %add3A_235 = arith.addi %iota3A, %add3A_234 : vector<16xi32>
    %broadcast_in_dim3A_236 = arith.constant 71 : i32
    %broadcast_in_dim3A_237 = vector.broadcast %broadcast_in_dim3A_236 : i32 to vector<16xi32>
    tpu.vector_store_idx %arg21[%add3A_235, %broadcast_in_dim3A_237], %broadcast_in_dim3A_77 : memref<128x72xf32, #tpu.memory_space<vmem>>[vector<16xi32>, vector<16xi32>], vector<16xf32>,
    %barrier3A = arith.constant 0 : index
    tpu.barrier barrier_id(%barrier3A)
    %jit3A = arith.constant 4 : i32
    %div3A = vector.broadcast %jit3A : i32 to vector<16xi32>
    %div3A_238 = arith.divsi %iota3A, %div3A : vector<16xi32>
    %sign3A = arith.constant 0 : i32
    %sign3A_239 = vector.broadcast %sign3A : i32 to vector<16xi32>
    %sign3A_240 = arith.cmpi sgt, %iota3A, %sign3A_239 : vector<16xi32>
    %sign3A_241 = arith.extui %sign3A_240 : vector<16xi1> to vector<16xi32>
    %sign3A_242 = arith.constant 0 : i32
    %sign3A_243 = vector.broadcast %sign3A_242 : i32 to vector<16xi32>
    %sign3A_244 = arith.cmpi slt, %iota3A, %sign3A_243 : vector<16xi32>
    %sign3A_245 = arith.extui %sign3A_244 : vector<16xi1> to vector<16xi32>
    %sign3A_246 = arith.subi %sign3A_241, %sign3A_245 : vector<16xi32>
    %sign3A_247 = arith.constant 0 : i32
    %sign3A_248 = arith.cmpi sgt, %jit3A, %sign3A_247 : i32
    %sign3A_249 = arith.extui %sign3A_248 : i1 to i32
    %sign3A_250 = arith.constant 0 : i32
    %sign3A_251 = arith.cmpi slt, %jit3A, %sign3A_250 : i32
    %sign3A_252 = arith.extui %sign3A_251 : i1 to i32
    %sign3A_253 = arith.subi %sign3A_249, %sign3A_252 : i32
    %ne3A = vector.broadcast %sign3A_253 : i32 to vector<16xi32>
    %ne3A_254 = arith.cmpi ne, %sign3A_246, %ne3A : vector<16xi32>
    %rem3A = vector.broadcast %jit3A : i32 to vector<16xi32>
    %rem3A_255 = arith.remsi %iota3A, %rem3A : vector<16xi32>
    %ne3A_256 = arith.constant 0 : i32
    %ne3A_257 = vector.broadcast %ne3A_256 : i32 to vector<16xi32>
    %ne3A_258 = arith.cmpi ne, %rem3A_255, %ne3A_257 : vector<16xi32>
    %and3A = arith.andi %ne3A_254, %ne3A_258 : vector<16xi1>
    %sub3A = arith.constant 1 : i32
    %sub3A_259 = vector.broadcast %sub3A : i32 to vector<16xi32>
    %sub3A_260 = arith.subi %div3A_238, %sub3A_259 : vector<16xi32>
    %select_n3A = arith.select %and3A, %sub3A_260, %div3A_238 : vector<16xi1>, vector<16xi32>
    %mul3A = arith.constant 4 : i32
    %mul3A_261 = vector.broadcast %mul3A : i32 to vector<16xi32>
    %mul3A_262 = arith.muli %select_n3A, %mul3A_261 : vector<16xi32>
    %sub3A_263 = arith.subi %iota3A, %mul3A_262 : vector<16xi32>
    %scan3A = arith.constant 0 : i32
    %scan3A_264 = arith.constant 0 : i32
    %scan3A_265 = arith.constant 20 : i32
    %scan3A_266 = arith.addi %scan3A_264, %scan3A_265 : i32
    %scan3A_267 = arith.constant 1 : i32
    scf.for %scan3A_298 = %scan3A_264 to %scan3A_266 step %scan3A_267  : i32 {
      %mul3A_299 = arith.constant 5120 : i32
      %mul3A_300 = arith.muli %arg0, %mul3A_299 : i32
      %mul3A_301 = arith.constant 320 : i32
      %mul3A_302 = arith.muli %arg1, %mul3A_301 : i32
      %add3A_303 = arith.addi %mul3A_300, %mul3A_302 : i32
      %mul3A_304 = arith.constant 16 : i32
      %mul3A_305 = arith.muli %scan3A_298, %mul3A_304 : i32
      %add3A_306 = arith.addi %add3A_303, %mul3A_305 : i32
      %dma_start3A = arith.constant 0 : i32
      %dma_start3A_307 = tpu.memref_slice %arg2[%add3A_306, %dma_start3A] : memref<10240x128xi32, #tpu.memory_space<hbm>> -> memref<16x128xi32, #tpu.memory_space<hbm>>
      %dma_start3A_308 = arith.constant 0 : i32
      %dma_start3A_309 = tpu.memref_slice %arg2[%add3A_306, %dma_start3A_308] : memref<10240x128xi32, #tpu.memory_space<hbm>> -> memref<16x128xi32, #tpu.memory_space<hbm>>
      tpu.enqueue_dma source(%dma_start3A_309 : memref<16x128xi32, #tpu.memory_space<hbm>>) target(%arg14 : memref<16x128xi32, #tpu.memory_space<vmem>>) target_semaphore(%arg26 : memref<!tpu.dma_semaphore, #tpu.memory_space<semaphore_mem>>)
      %dma_start3A_310 = arith.constant 0 : i32
      %dma_start3A_311 = tpu.memref_slice %arg3[%add3A_306, %dma_start3A_310] : memref<10240x128xi32, #tpu.memory_space<hbm>> -> memref<16x128xi32, #tpu.memory_space<hbm>>
      %dma_start3A_312 = arith.constant 0 : i32
      %dma_start3A_313 = tpu.memref_slice %arg3[%add3A_306, %dma_start3A_312] : memref<10240x128xi32, #tpu.memory_space<hbm>> -> memref<16x128xi32, #tpu.memory_space<hbm>>
      tpu.enqueue_dma source(%dma_start3A_313 : memref<16x128xi32, #tpu.memory_space<hbm>>) target(%arg15 : memref<16x128xi32, #tpu.memory_space<vmem>>) target_semaphore(%arg27 : memref<!tpu.dma_semaphore, #tpu.memory_space<semaphore_mem>>)
      %dma_start3A_314 = arith.constant 0 : i32
      %dma_start3A_315 = tpu.memref_slice %arg4[%add3A_306, %dma_start3A_314] : memref<10240x128xf32, #tpu.memory_space<hbm>> -> memref<16x128xf32, #tpu.memory_space<hbm>>
      %dma_start3A_316 = arith.constant 0 : i32
      %dma_start3A_317 = tpu.memref_slice %arg4[%add3A_306, %dma_start3A_316] : memref<10240x128xf32, #tpu.memory_space<hbm>> -> memref<16x128xf32, #tpu.memory_space<hbm>>
      tpu.enqueue_dma source(%dma_start3A_317 : memref<16x128xf32, #tpu.memory_space<hbm>>) target(%arg16 : memref<16x128xf32, #tpu.memory_space<vmem>>) target_semaphore(%arg28 : memref<!tpu.dma_semaphore, #tpu.memory_space<semaphore_mem>>)
      %dma_wait3A = arith.constant 0 : i32
      %dma_wait3A_318 = tpu.memref_slice %arg2[%add3A_306, %dma_wait3A] : memref<10240x128xi32, #tpu.memory_space<hbm>> -> memref<16x128xi32, #tpu.memory_space<hbm>>
      %dma_wait3A_319 = arith.constant 0 : i32
      %dma_wait3A_320 = tpu.memref_slice %arg2[%add3A_306, %dma_wait3A_319] : memref<10240x128xi32, #tpu.memory_space<hbm>> -> memref<16x128xi32, #tpu.memory_space<hbm>>
      tpu.wait_dma2 semaphore(%arg26 : memref<!tpu.dma_semaphore, #tpu.memory_space<semaphore_mem>>) src(%dma_wait3A_320 : memref<16x128xi32, #tpu.memory_space<hbm>>) dst(%arg14 : memref<16x128xi32, #tpu.memory_space<vmem>>)
      %dma_wait3A_321 = arith.constant 0 : i32
      %dma_wait3A_322 = tpu.memref_slice %arg3[%add3A_306, %dma_wait3A_321] : memref<10240x128xi32, #tpu.memory_space<hbm>> -> memref<16x128xi32, #tpu.memory_space<hbm>>
      %dma_wait3A_323 = arith.constant 0 : i32
      %dma_wait3A_324 = tpu.memref_slice %arg3[%add3A_306, %dma_wait3A_323] : memref<10240x128xi32, #tpu.memory_space<hbm>> -> memref<16x128xi32, #tpu.memory_space<hbm>>
      tpu.wait_dma2 semaphore(%arg27 : memref<!tpu.dma_semaphore, #tpu.memory_space<semaphore_mem>>) src(%dma_wait3A_324 : memref<16x128xi32, #tpu.memory_space<hbm>>) dst(%arg15 : memref<16x128xi32, #tpu.memory_space<vmem>>)
      %dma_wait3A_325 = arith.constant 0 : i32
      %dma_wait3A_326 = tpu.memref_slice %arg4[%add3A_306, %dma_wait3A_325] : memref<10240x128xf32, #tpu.memory_space<hbm>> -> memref<16x128xf32, #tpu.memory_space<hbm>>
      %dma_wait3A_327 = arith.constant 0 : i32
      %dma_wait3A_328 = tpu.memref_slice %arg4[%add3A_306, %dma_wait3A_327] : memref<10240x128xf32, #tpu.memory_space<hbm>> -> memref<16x128xf32, #tpu.memory_space<hbm>>
      tpu.wait_dma2 semaphore(%arg28 : memref<!tpu.dma_semaphore, #tpu.memory_space<semaphore_mem>>) src(%dma_wait3A_328 : memref<16x128xf32, #tpu.memory_space<hbm>>) dst(%arg16 : memref<16x128xf32, #tpu.memory_space<vmem>>)
      %scan3A_329 = arith.constant 0 : i32
      %scan3A_330 = arith.constant 0 : i32
      %scan3A_331 = arith.constant 16 : i32
      %scan3A_332 = arith.addi %scan3A_330, %scan3A_331 : i32
      %scan3A_333 = arith.constant 1 : i32
      scf.for %scan3A_335 = %scan3A_330 to %scan3A_332 step %scan3A_333  : i32 {
        %dma_start3A_336 = arith.constant 0 : i32
        %dma_start3A_337 = tpu.memref_slice %arg14[%scan3A_335, %dma_start3A_336] : memref<16x128xi32, #tpu.memory_space<vmem>> -> memref<1x128xi32, #tpu.memory_space<vmem>>
        %dma_start3A_338 = tpu.memref_squeeze %dma_start3A_337 : memref<1x128xi32, #tpu.memory_space<vmem>> -> memref<128xi32, #tpu.memory_space<vmem>>
        %dma_start3A_339 = arith.constant 0 : i32
        %dma_start3A_340 = arith.constant 0 : i32
        %dma_start3A_341 = tpu.memref_slice %arg5[%dma_start3A_339, %dma_start3A_340] : memref<20000x64xf32, #tpu.memory_space<hbm>> -> memref<20000x64xf32, #tpu.memory_space<hbm>>
        tpu.enqueue_indirect_dma source(%dma_start3A_341 : memref<20000x64xf32, #tpu.memory_space<hbm>>) target(%arg17 : memref<128x64xf32, #tpu.memory_space<vmem>>) offsets(%dma_start3A_338 : memref<128xi32, #tpu.memory_space<vmem>>) semaphore(%arg26 : memref<!tpu.dma_semaphore, #tpu.memory_space<semaphore_mem>>)
        %dma_start3A_342 = arith.constant 0 : i32
        %dma_start3A_343 = tpu.memref_slice %arg14[%scan3A_335, %dma_start3A_342] : memref<16x128xi32, #tpu.memory_space<vmem>> -> memref<1x128xi32, #tpu.memory_space<vmem>>
        %dma_start3A_344 = tpu.memref_squeeze %dma_start3A_343 : memref<1x128xi32, #tpu.memory_space<vmem>> -> memref<128xi32, #tpu.memory_space<vmem>>
        %dma_start3A_345 = arith.constant 0 : i32
        %dma_start3A_346 = arith.constant 0 : i32
        %dma_start3A_347 = tpu.memref_slice %arg12[%dma_start3A_345, %dma_start3A_346] : memref<20000x8xf32, #tpu.memory_space<vmem_shared>> -> memref<20000x8xf32, #tpu.memory_space<vmem_shared>>
        tpu.enqueue_indirect_dma source(%dma_start3A_347 : memref<20000x8xf32, #tpu.memory_space<vmem_shared>>) target(%arg18 : memref<128x8xf32, #tpu.memory_space<vmem>>) offsets(%dma_start3A_344 : memref<128xi32, #tpu.memory_space<vmem>>) semaphore(%arg27 : memref<!tpu.dma_semaphore, #tpu.memory_space<semaphore_mem>>)
        %dma_start3A_348 = arith.constant 0 : i32
        %dma_start3A_349 = tpu.memref_slice %arg15[%scan3A_335, %dma_start3A_348] : memref<16x128xi32, #tpu.memory_space<vmem>> -> memref<1x128xi32, #tpu.memory_space<vmem>>
        %dma_start3A_350 = tpu.memref_squeeze %dma_start3A_349 : memref<1x128xi32, #tpu.memory_space<vmem>> -> memref<128xi32, #tpu.memory_space<vmem>>
        %dma_start3A_351 = arith.constant 0 : i32
        %dma_start3A_352 = arith.constant 0 : i32
        %dma_start3A_353 = tpu.memref_slice %arg13[%dma_start3A_351, %dma_start3A_352] : memref<10008x8xf32, #tpu.memory_space<vmem_shared>> -> memref<10008x8xf32, #tpu.memory_space<vmem_shared>>
        tpu.enqueue_indirect_dma source(%dma_start3A_353 : memref<10008x8xf32, #tpu.memory_space<vmem_shared>>) target(%arg19 : memref<128x8xf32, #tpu.memory_space<vmem>>) offsets(%dma_start3A_350 : memref<128xi32, #tpu.memory_space<vmem>>) semaphore(%arg28 : memref<!tpu.dma_semaphore, #tpu.memory_space<semaphore_mem>>)
        %dma_wait3A_354 = arith.constant 0 : i32
        %dma_wait3A_355 = tpu.memref_slice %arg14[%scan3A_335, %dma_wait3A_354] : memref<16x128xi32, #tpu.memory_space<vmem>> -> memref<1x128xi32, #tpu.memory_space<vmem>>
        %dma_wait3A_356 = tpu.memref_squeeze %dma_wait3A_355 : memref<1x128xi32, #tpu.memory_space<vmem>> -> memref<128xi32, #tpu.memory_space<vmem>>
        %dma_wait3A_357 = arith.constant 0 : i32
        %dma_wait3A_358 = arith.constant 0 : i32
        %dma_wait3A_359 = tpu.memref_slice %arg5[%dma_wait3A_357, %dma_wait3A_358] : memref<20000x64xf32, #tpu.memory_space<hbm>> -> memref<20000x64xf32, #tpu.memory_space<hbm>>
        tpu.wait_indirect_dma semaphore(%arg26 : memref<!tpu.dma_semaphore, #tpu.memory_space<semaphore_mem>>) src(%dma_wait3A_359 : memref<20000x64xf32, #tpu.memory_space<hbm>>) dst(%arg17 : memref<128x64xf32, #tpu.memory_space<vmem>>)
        %dma_wait3A_360 = arith.constant 0 : i32
        %dma_wait3A_361 = tpu.memref_slice %arg14[%scan3A_335, %dma_wait3A_360] : memref<16x128xi32, #tpu.memory_space<vmem>> -> memref<1x128xi32, #tpu.memory_space<vmem>>
        %dma_wait3A_362 = tpu.memref_squeeze %dma_wait3A_361 : memref<1x128xi32, #tpu.memory_space<vmem>> -> memref<128xi32, #tpu.memory_space<vmem>>
        %dma_wait3A_363 = arith.constant 0 : i32
        %dma_wait3A_364 = arith.constant 0 : i32
        %dma_wait3A_365 = tpu.memref_slice %arg12[%dma_wait3A_363, %dma_wait3A_364] : memref<20000x8xf32, #tpu.memory_space<vmem_shared>> -> memref<20000x8xf32, #tpu.memory_space<vmem_shared>>
        tpu.wait_indirect_dma semaphore(%arg27 : memref<!tpu.dma_semaphore, #tpu.memory_space<semaphore_mem>>) src(%dma_wait3A_365 : memref<20000x8xf32, #tpu.memory_space<vmem_shared>>) dst(%arg18 : memref<128x8xf32, #tpu.memory_space<vmem>>)
        %dma_wait3A_366 = arith.constant 0 : i32
        %dma_wait3A_367 = tpu.memref_slice %arg15[%scan3A_335, %dma_wait3A_366] : memref<16x128xi32, #tpu.memory_space<vmem>> -> memref<1x128xi32, #tpu.memory_space<vmem>>
        %dma_wait3A_368 = tpu.memref_squeeze %dma_wait3A_367 : memref<1x128xi32, #tpu.memory_space<vmem>> -> memref<128xi32, #tpu.memory_space<vmem>>
        %dma_wait3A_369 = arith.constant 0 : i32
        %dma_wait3A_370 = arith.constant 0 : i32
        %dma_wait3A_371 = tpu.memref_slice %arg13[%dma_wait3A_369, %dma_wait3A_370] : memref<10008x8xf32, #tpu.memory_space<vmem_shared>> -> memref<10008x8xf32, #tpu.memory_space<vmem_shared>>
        tpu.wait_indirect_dma semaphore(%arg28 : memref<!tpu.dma_semaphore, #tpu.memory_space<semaphore_mem>>) src(%dma_wait3A_371 : memref<10008x8xf32, #tpu.memory_space<vmem_shared>>) dst(%arg19 : memref<128x8xf32, #tpu.memory_space<vmem>>)
        %broadcast_in_dim3A_372 = vector.broadcast %scan3A_335 : i32 to vector<16xi32>
        %add3A_373 = arith.constant 0 : i32
        %add3A_374 = vector.broadcast %add3A_373 : i32 to vector<16xi32>
        %add3A_375 = arith.addi %select_n3A, %add3A_374 : vector<16xi32>
        %gather3A = tpu.vector_load_idx %arg18[%add3A_375, %sub3A_263] : memref<128x8xf32, #tpu.memory_space<vmem>>[vector<16xi32>, vector<16xi32>], vector<16xf32>,
        %gather3A_376 = tpu.vector_load_idx %arg19[%add3A_375, %sub3A_263] : memref<128x8xf32, #tpu.memory_space<vmem>>[vector<16xi32>, vector<16xi32>], vector<16xf32>,
        %add3A_377 = arith.constant 4 : i32
        %add3A_378 = vector.broadcast %add3A_377 : i32 to vector<16xi32>
        %add3A_379 = arith.addi %sub3A_263, %add3A_378 : vector<16xi32>
        %gather3A_380 = tpu.vector_load_idx %arg19[%add3A_375, %add3A_379] : memref<128x8xf32, #tpu.memory_space<vmem>>[vector<16xi32>, vector<16xi32>], vector<16xf32>,
        %gather3A_381 = tpu.vector_load_idx %arg16[%broadcast_in_dim3A_372, %add3A_375] : memref<16x128xf32, #tpu.memory_space<vmem>>[vector<16xi32>, vector<16xi32>], vector<16xf32>,
        %add3A_382 = arith.addf %gather3A, %gather3A_376 : vector<16xf32>
        %mul3A_383 = arith.constant 1.000000e-01 : f32
        %mul3A_384 = vector.broadcast %mul3A_383 : f32 to vector<16xf32>
        %mul3A_385 = arith.mulf %mul3A_384, %add3A_382 : vector<16xf32>
        %max3A = arith.maximumf %add3A_382, %mul3A_385 : vector<16xf32>
        %sub3A_386 = arith.subf %max3A, %gather3A_380 : vector<16xf32>
        %exp3A = math.exp %sub3A_386 : vector<16xf32>
        %add3A_387 = arith.constant 64 : i32
        %add3A_388 = vector.broadcast %add3A_387 : i32 to vector<16xi32>
        %add3A_389 = arith.addi %sub3A_263, %add3A_388 : vector<16xi32>
        tpu.vector_store_idx %arg21[%add3A_375, %add3A_389], %exp3A : memref<128x72xf32, #tpu.memory_space<vmem>>[vector<16xi32>, vector<16xi32>], vector<16xf32>,
        %mul3A_390 = arith.mulf %exp3A, %gather3A_381 : vector<16xf32>
        tpu.vector_store_idx %arg20[%add3A_375, %sub3A_263], %mul3A_390 : memref<128x4xf32, #tpu.memory_space<vmem>>[vector<16xi32>, vector<16xi32>], vector<16xf32>,
        %add3A_391 = arith.constant 4 : i32
        %add3A_392 = vector.broadcast %add3A_391 : i32 to vector<16xi32>
        %add3A_393 = arith.addi %select_n3A, %add3A_392 : vector<16xi32>
        %gather3A_394 = tpu.vector_load_idx %arg18[%add3A_393, %sub3A_263] : memref<128x8xf32, #tpu.memory_space<vmem>>[vector<16xi32>, vector<16xi32>], vector<16xf32>,
        %gather3A_395 = tpu.vector_load_idx %arg19[%add3A_393, %sub3A_263] : memref<128x8xf32, #tpu.memory_space<vmem>>[vector<16xi32>, vector<16xi32>], vector<16xf32>,
        %add3A_396 = arith.constant 4 : i32
        %add3A_397 = vector.broadcast %add3A_396 : i32 to vector<16xi32>
        %add3A_398 = arith.addi %sub3A_263, %add3A_397 : vector<16xi32>
        %gather3A_399 = tpu.vector_load_idx %arg19[%add3A_393, %add3A_398] : memref<128x8xf32, #tpu.memory_space<vmem>>[vector<16xi32>, vector<16xi32>], vector<16xf32>,
        %gather3A_400 = tpu.vector_load_idx %arg16[%broadcast_in_dim3A_372, %add3A_393] : memref<16x128xf32, #tpu.memory_space<vmem>>[vector<16xi32>, vector<16xi32>], vector<16xf32>,
        %add3A_401 = arith.addf %gather3A_394, %gather3A_395 : vector<16xf32>
        %mul3A_402 = arith.constant 1.000000e-01 : f32
        %mul3A_403 = vector.broadcast %mul3A_402 : f32 to vector<16xf32>
        %mul3A_404 = arith.mulf %mul3A_403, %add3A_401 : vector<16xf32>
        %max3A_405 = arith.maximumf %add3A_401, %mul3A_404 : vector<16xf32>
        %sub3A_406 = arith.subf %max3A_405, %gather3A_399 : vector<16xf32>
        %exp3A_407 = math.exp %sub3A_406 : vector<16xf32>
        %add3A_408 = arith.constant 64 : i32
        %add3A_409 = vector.broadcast %add3A_408 : i32 to vector<16xi32>
        %add3A_410 = arith.addi %sub3A_263, %add3A_409 : vector<16xi32>
        tpu.vector_store_idx %arg21[%add3A_393, %add3A_410], %exp3A_407 : memref<128x72xf32, #tpu.memory_space<vmem>>[vector<16xi32>, vector<16xi32>], vector<16xf32>,
        %mul3A_411 = arith.mulf %exp3A_407, %gather3A_400 : vector<16xf32>
        tpu.vector_store_idx %arg20[%add3A_393, %sub3A_263], %mul3A_411 : memref<128x4xf32, #tpu.memory_space<vmem>>[vector<16xi32>, vector<16xi32>], vector<16xf32>,
        %add3A_412 = arith.constant 8 : i32
        %add3A_413 = vector.broadcast %add3A_412 : i32 to vector<16xi32>
        %add3A_414 = arith.addi %select_n3A, %add3A_413 : vector<16xi32>
        %gather3A_415 = tpu.vector_load_idx %arg18[%add3A_414, %sub3A_263] : memref<128x8xf32, #tpu.memory_space<vmem>>[vector<16xi32>, vector<16xi32>], vector<16xf32>,
        %gather3A_416 = tpu.vector_load_idx %arg19[%add3A_414, %sub3A_263] : memref<128x8xf32, #tpu.memory_space<vmem>>[vector<16xi32>, vector<16xi32>], vector<16xf32>,
        %add3A_417 = arith.constant 4 : i32
        %add3A_418 = vector.broadcast %add3A_417 : i32 to vector<16xi32>
        %add3A_419 = arith.addi %sub3A_263, %add3A_418 : vector<16xi32>
        %gather3A_420 = tpu.vector_load_idx %arg19[%add3A_414, %add3A_419] : memref<128x8xf32, #tpu.memory_space<vmem>>[vector<16xi32>, vector<16xi32>], vector<16xf32>,
        %gather3A_421 = tpu.vector_load_idx %arg16[%broadcast_in_dim3A_372, %add3A_414] : memref<16x128xf32, #tpu.memory_space<vmem>>[vector<16xi32>, vector<16xi32>], vector<16xf32>,
        %add3A_422 = arith.addf %gather3A_415, %gather3A_416 : vector<16xf32>
        %mul3A_423 = arith.constant 1.000000e-01 : f32
        %mul3A_424 = vector.broadcast %mul3A_423 : f32 to vector<16xf32>
        %mul3A_425 = arith.mulf %mul3A_424, %add3A_422 : vector<16xf32>
        %max3A_426 = arith.maximumf %add3A_422, %mul3A_425 : vector<16xf32>
        %sub3A_427 = arith.subf %max3A_426, %gather3A_420 : vector<16xf32>
        %exp3A_428 = math.exp %sub3A_427 : vector<16xf32>
        %add3A_429 = arith.constant 64 : i32
        %add3A_430 = vector.broadcast %add3A_429 : i32 to vector<16xi32>
        %add3A_431 = arith.addi %sub3A_263, %add3A_430 : vector<16xi32>
        tpu.vector_store_idx %arg21[%add3A_414, %add3A_431], %exp3A_428 : memref<128x72xf32, #tpu.memory_space<vmem>>[vector<16xi32>, vector<16xi32>], vector<16xf32>,
        %mul3A_432 = arith.mulf %exp3A_428, %gather3A_421 : vector<16xf32>
        tpu.vector_store_idx %arg20[%add3A_414, %sub3A_263], %mul3A_432 : memref<128x4xf32, #tpu.memory_space<vmem>>[vector<16xi32>, vector<16xi32>], vector<16xf32>,
        %add3A_433 = arith.constant 12 : i32
        %add3A_434 = vector.broadcast %add3A_433 : i32 to vector<16xi32>
        %add3A_435 = arith.addi %select_n3A, %add3A_434 : vector<16xi32>
        %gather3A_436 = tpu.vector_load_idx %arg18[%add3A_435, %sub3A_263] : memref<128x8xf32, #tpu.memory_space<vmem>>[vector<16xi32>, vector<16xi32>], vector<16xf32>,
        %gather3A_437 = tpu.vector_load_idx %arg19[%add3A_435, %sub3A_263] : memref<128x8xf32, #tpu.memory_space<vmem>>[vector<16xi32>, vector<16xi32>], vector<16xf32>,
        %add3A_438 = arith.constant 4 : i32
        %add3A_439 = vector.broadcast %add3A_438 : i32 to vector<16xi32>
        %add3A_440 = arith.addi %sub3A_263, %add3A_439 : vector<16xi32>
        %gather3A_441 = tpu.vector_load_idx %arg19[%add3A_435, %add3A_440] : memref<128x8xf32, #tpu.memory_space<vmem>>[vector<16xi32>, vector<16xi32>], vector<16xf32>,
        %gather3A_442 = tpu.vector_load_idx %arg16[%broadcast_in_dim3A_372, %add3A_435] : memref<16x128xf32, #tpu.memory_space<vmem>>[vector<16xi32>, vector<16xi32>], vector<16xf32>,
        %add3A_443 = arith.addf %gather3A_436, %gather3A_437 : vector<16xf32>
        %mul3A_444 = arith.constant 1.000000e-01 : f32
        %mul3A_445 = vector.broadcast %mul3A_444 : f32 to vector<16xf32>
        %mul3A_446 = arith.mulf %mul3A_445, %add3A_443 : vector<16xf32>
        %max3A_447 = arith.maximumf %add3A_443, %mul3A_446 : vector<16xf32>
        %sub3A_448 = arith.subf %max3A_447, %gather3A_441 : vector<16xf32>
        %exp3A_449 = math.exp %sub3A_448 : vector<16xf32>
        %add3A_450 = arith.constant 64 : i32
        %add3A_451 = vector.broadcast %add3A_450 : i32 to vector<16xi32>
        %add3A_452 = arith.addi %sub3A_263, %add3A_451 : vector<16xi32>
        tpu.vector_store_idx %arg21[%add3A_435, %add3A_452], %exp3A_449 : memref<128x72xf32, #tpu.memory_space<vmem>>[vector<16xi32>, vector<16xi32>], vector<16xf32>,
        %mul3A_453 = arith.mulf %exp3A_449, %gather3A_442 : vector<16xf32>
        tpu.vector_store_idx %arg20[%add3A_435, %sub3A_263], %mul3A_453 : memref<128x4xf32, #tpu.memory_space<vmem>>[vector<16xi32>, vector<16xi32>], vector<16xf32>,
        %add3A_454 = arith.constant 16 : i32
        %add3A_455 = vector.broadcast %add3A_454 : i32 to vector<16xi32>
        %add3A_456 = arith.addi %select_n3A, %add3A_455 : vector<16xi32>
        %gather3A_457 = tpu.vector_load_idx %arg18[%add3A_456, %sub3A_263] : memref<128x8xf32, #tpu.memory_space<vmem>>[vector<16xi32>, vector<16xi32>], vector<16xf32>,
        %gather3A_458 = tpu.vector_load_idx %arg19[%add3A_456, %sub3A_263] : memref<128x8xf32, #tpu.memory_space<vmem>>[vector<16xi32>, vector<16xi32>], vector<16xf32>,
        %add3A_459 = arith.constant 4 : i32
        %add3A_460 = vector.broadcast %add3A_459 : i32 to vector<16xi32>
        %add3A_461 = arith.addi %sub3A_263, %add3A_460 : vector<16xi32>
        %gather3A_462 = tpu.vector_load_idx %arg19[%add3A_456, %add3A_461] : memref<128x8xf32, #tpu.memory_space<vmem>>[vector<16xi32>, vector<16xi32>], vector<16xf32>,
        %gather3A_463 = tpu.vector_load_idx %arg16[%broadcast_in_dim3A_372, %add3A_456] : memref<16x128xf32, #tpu.memory_space<vmem>>[vector<16xi32>, vector<16xi32>], vector<16xf32>,
        %add3A_464 = arith.addf %gather3A_457, %gather3A_458 : vector<16xf32>
        %mul3A_465 = arith.constant 1.000000e-01 : f32
        %mul3A_466 = vector.broadcast %mul3A_465 : f32 to vector<16xf32>
        %mul3A_467 = arith.mulf %mul3A_466, %add3A_464 : vector<16xf32>
        %max3A_468 = arith.maximumf %add3A_464, %mul3A_467 : vector<16xf32>
        %sub3A_469 = arith.subf %max3A_468, %gather3A_462 : vector<16xf32>
        %exp3A_470 = math.exp %sub3A_469 : vector<16xf32>
        %add3A_471 = arith.constant 64 : i32
        %add3A_472 = vector.broadcast %add3A_471 : i32 to vector<16xi32>
        %add3A_473 = arith.addi %sub3A_263, %add3A_472 : vector<16xi32>
        tpu.vector_store_idx %arg21[%add3A_456, %add3A_473], %exp3A_470 : memref<128x72xf32, #tpu.memory_space<vmem>>[vector<16xi32>, vector<16xi32>], vector<16xf32>,
        %mul3A_474 = arith.mulf %exp3A_470, %gather3A_463 : vector<16xf32>
        tpu.vector_store_idx %arg20[%add3A_456, %sub3A_263], %mul3A_474 : memref<128x4xf32, #tpu.memory_space<vmem>>[vector<16xi32>, vector<16xi32>], vector<16xf32>,
        %add3A_475 = arith.constant 20 : i32
        %add3A_476 = vector.broadcast %add3A_475 : i32 to vector<16xi32>
        %add3A_477 = arith.addi %select_n3A, %add3A_476 : vector<16xi32>
        %gather3A_478 = tpu.vector_load_idx %arg18[%add3A_477, %sub3A_263] : memref<128x8xf32, #tpu.memory_space<vmem>>[vector<16xi32>, vector<16xi32>], vector<16xf32>,
        %gather3A_479 = tpu.vector_load_idx %arg19[%add3A_477, %sub3A_263] : memref<128x8xf32, #tpu.memory_space<vmem>>[vector<16xi32>, vector<16xi32>], vector<16xf32>,
        %add3A_480 = arith.constant 4 : i32
        %add3A_481 = vector.broadcast %add3A_480 : i32 to vector<16xi32>
        %add3A_482 = arith.addi %sub3A_263, %add3A_481 : vector<16xi32>
        %gather3A_483 = tpu.vector_load_idx %arg19[%add3A_477, %add3A_482] : memref<128x8xf32, #tpu.memory_space<vmem>>[vector<16xi32>, vector<16xi32>], vector<16xf32>,
        %gather3A_484 = tpu.vector_load_idx %arg16[%broadcast_in_dim3A_372, %add3A_477] : memref<16x128xf32, #tpu.memory_space<vmem>>[vector<16xi32>, vector<16xi32>], vector<16xf32>,
        %add3A_485 = arith.addf %gather3A_478, %gather3A_479 : vector<16xf32>
        %mul3A_486 = arith.constant 1.000000e-01 : f32
        %mul3A_487 = vector.broadcast %mul3A_486 : f32 to vector<16xf32>
        %mul3A_488 = arith.mulf %mul3A_487, %add3A_485 : vector<16xf32>
        %max3A_489 = arith.maximumf %add3A_485, %mul3A_488 : vector<16xf32>
        %sub3A_490 = arith.subf %max3A_489, %gather3A_483 : vector<16xf32>
        %exp3A_491 = math.exp %sub3A_490 : vector<16xf32>
        %add3A_492 = arith.constant 64 : i32
        %add3A_493 = vector.broadcast %add3A_492 : i32 to vector<16xi32>
        %add3A_494 = arith.addi %sub3A_263, %add3A_493 : vector<16xi32>
        tpu.vector_store_idx %arg21[%add3A_477, %add3A_494], %exp3A_491 : memref<128x72xf32, #tpu.memory_space<vmem>>[vector<16xi32>, vector<16xi32>], vector<16xf32>,
        %mul3A_495 = arith.mulf %exp3A_491, %gather3A_484 : vector<16xf32>
        tpu.vector_store_idx %arg20[%add3A_477, %sub3A_263], %mul3A_495 : memref<128x4xf32, #tpu.memory_space<vmem>>[vector<16xi32>, vector<16xi32>], vector<16xf32>,
        %add3A_496 = arith.constant 24 : i32
        %add3A_497 = vector.broadcast %add3A_496 : i32 to vector<16xi32>
        %add3A_498 = arith.addi %select_n3A, %add3A_497 : vector<16xi32>
        %gather3A_499 = tpu.vector_load_idx %arg18[%add3A_498, %sub3A_263] : memref<128x8xf32, #tpu.memory_space<vmem>>[vector<16xi32>, vector<16xi32>], vector<16xf32>,
        %gather3A_500 = tpu.vector_load_idx %arg19[%add3A_498, %sub3A_263] : memref<128x8xf32, #tpu.memory_space<vmem>>[vector<16xi32>, vector<16xi32>], vector<16xf32>,
        %add3A_501 = arith.constant 4 : i32
        %add3A_502 = vector.broadcast %add3A_501 : i32 to vector<16xi32>
        %add3A_503 = arith.addi %sub3A_263, %add3A_502 : vector<16xi32>
        %gather3A_504 = tpu.vector_load_idx %arg19[%add3A_498, %add3A_503] : memref<128x8xf32, #tpu.memory_space<vmem>>[vector<16xi32>, vector<16xi32>], vector<16xf32>,
        %gather3A_505 = tpu.vector_load_idx %arg16[%broadcast_in_dim3A_372, %add3A_498] : memref<16x128xf32, #tpu.memory_space<vmem>>[vector<16xi32>, vector<16xi32>], vector<16xf32>,
        %add3A_506 = arith.addf %gather3A_499, %gather3A_500 : vector<16xf32>
        %mul3A_507 = arith.constant 1.000000e-01 : f32
        %mul3A_508 = vector.broadcast %mul3A_507 : f32 to vector<16xf32>
        %mul3A_509 = arith.mulf %mul3A_508, %add3A_506 : vector<16xf32>
        %max3A_510 = arith.maximumf %add3A_506, %mul3A_509 : vector<16xf32>
        %sub3A_511 = arith.subf %max3A_510, %gather3A_504 : vector<16xf32>
        %exp3A_512 = math.exp %sub3A_511 : vector<16xf32>
        %add3A_513 = arith.constant 64 : i32
        %add3A_514 = vector.broadcast %add3A_513 : i32 to vector<16xi32>
        %add3A_515 = arith.addi %sub3A_263, %add3A_514 : vector<16xi32>
        tpu.vector_store_idx %arg21[%add3A_498, %add3A_515], %exp3A_512 : memref<128x72xf32, #tpu.memory_space<vmem>>[vector<16xi32>, vector<16xi32>], vector<16xf32>,
        %mul3A_516 = arith.mulf %exp3A_512, %gather3A_505 : vector<16xf32>
        tpu.vector_store_idx %arg20[%add3A_498, %sub3A_263], %mul3A_516 : memref<128x4xf32, #tpu.memory_space<vmem>>[vector<16xi32>, vector<16xi32>], vector<16xf32>,
        %add3A_517 = arith.constant 28 : i32
        %add3A_518 = vector.broadcast %add3A_517 : i32 to vector<16xi32>
        %add3A_519 = arith.addi %select_n3A, %add3A_518 : vector<16xi32>
        %gather3A_520 = tpu.vector_load_idx %arg18[%add3A_519, %sub3A_263] : memref<128x8xf32, #tpu.memory_space<vmem>>[vector<16xi32>, vector<16xi32>], vector<16xf32>,
        %gather3A_521 = tpu.vector_load_idx %arg19[%add3A_519, %sub3A_263] : memref<128x8xf32, #tpu.memory_space<vmem>>[vector<16xi32>, vector<16xi32>], vector<16xf32>,
        %add3A_522 = arith.constant 4 : i32
        %add3A_523 = vector.broadcast %add3A_522 : i32 to vector<16xi32>
        %add3A_524 = arith.addi %sub3A_263, %add3A_523 : vector<16xi32>
        %gather3A_525 = tpu.vector_load_idx %arg19[%add3A_519, %add3A_524] : memref<128x8xf32, #tpu.memory_space<vmem>>[vector<16xi32>, vector<16xi32>], vector<16xf32>,
        %gather3A_526 = tpu.vector_load_idx %arg16[%broadcast_in_dim3A_372, %add3A_519] : memref<16x128xf32, #tpu.memory_space<vmem>>[vector<16xi32>, vector<16xi32>], vector<16xf32>,
        %add3A_527 = arith.addf %gather3A_520, %gather3A_521 : vector<16xf32>
        %mul3A_528 = arith.constant 1.000000e-01 : f32
        %mul3A_529 = vector.broadcast %mul3A_528 : f32 to vector<16xf32>
        %mul3A_530 = arith.mulf %mul3A_529, %add3A_527 : vector<16xf32>
        %max3A_531 = arith.maximumf %add3A_527, %mul3A_530 : vector<16xf32>
        %sub3A_532 = arith.subf %max3A_531, %gather3A_525 : vector<16xf32>
        %exp3A_533 = math.exp %sub3A_532 : vector<16xf32>
        %add3A_534 = arith.constant 64 : i32
        %add3A_535 = vector.broadcast %add3A_534 : i32 to vector<16xi32>
        %add3A_536 = arith.addi %sub3A_263, %add3A_535 : vector<16xi32>
        tpu.vector_store_idx %arg21[%add3A_519, %add3A_536], %exp3A_533 : memref<128x72xf32, #tpu.memory_space<vmem>>[vector<16xi32>, vector<16xi32>], vector<16xf32>,
        %mul3A_537 = arith.mulf %exp3A_533, %gather3A_526 : vector<16xf32>
        tpu.vector_store_idx %arg20[%add3A_519, %sub3A_263], %mul3A_537 : memref<128x4xf32, #tpu.memory_space<vmem>>[vector<16xi32>, vector<16xi32>], vector<16xf32>,
        %add3A_538 = arith.constant 32 : i32
        %add3A_539 = vector.broadcast %add3A_538 : i32 to vector<16xi32>
        %add3A_540 = arith.addi %select_n3A, %add3A_539 : vector<16xi32>
        %gather3A_541 = tpu.vector_load_idx %arg18[%add3A_540, %sub3A_263] : memref<128x8xf32, #tpu.memory_space<vmem>>[vector<16xi32>, vector<16xi32>], vector<16xf32>,
        %gather3A_542 = tpu.vector_load_idx %arg19[%add3A_540, %sub3A_263] : memref<128x8xf32, #tpu.memory_space<vmem>>[vector<16xi32>, vector<16xi32>], vector<16xf32>,
        %add3A_543 = arith.constant 4 : i32
        %add3A_544 = vector.broadcast %add3A_543 : i32 to vector<16xi32>
        %add3A_545 = arith.addi %sub3A_263, %add3A_544 : vector<16xi32>
        %gather3A_546 = tpu.vector_load_idx %arg19[%add3A_540, %add3A_545] : memref<128x8xf32, #tpu.memory_space<vmem>>[vector<16xi32>, vector<16xi32>], vector<16xf32>,
        %gather3A_547 = tpu.vector_load_idx %arg16[%broadcast_in_dim3A_372, %add3A_540] : memref<16x128xf32, #tpu.memory_space<vmem>>[vector<16xi32>, vector<16xi32>], vector<16xf32>,
        %add3A_548 = arith.addf %gather3A_541, %gather3A_542 : vector<16xf32>
        %mul3A_549 = arith.constant 1.000000e-01 : f32
        %mul3A_550 = vector.broadcast %mul3A_549 : f32 to vector<16xf32>
        %mul3A_551 = arith.mulf %mul3A_550, %add3A_548 : vector<16xf32>
        %max3A_552 = arith.maximumf %add3A_548, %mul3A_551 : vector<16xf32>
        %sub3A_553 = arith.subf %max3A_552, %gather3A_546 : vector<16xf32>
        %exp3A_554 = math.exp %sub3A_553 : vector<16xf32>
        %add3A_555 = arith.constant 64 : i32
        %add3A_556 = vector.broadcast %add3A_555 : i32 to vector<16xi32>
        %add3A_557 = arith.addi %sub3A_263, %add3A_556 : vector<16xi32>
        tpu.vector_store_idx %arg21[%add3A_540, %add3A_557], %exp3A_554 : memref<128x72xf32, #tpu.memory_space<vmem>>[vector<16xi32>, vector<16xi32>], vector<16xf32>,
        %mul3A_558 = arith.mulf %exp3A_554, %gather3A_547 : vector<16xf32>
        tpu.vector_store_idx %arg20[%add3A_540, %sub3A_263], %mul3A_558 : memref<128x4xf32, #tpu.memory_space<vmem>>[vector<16xi32>, vector<16xi32>], vector<16xf32>,
        %add3A_559 = arith.constant 36 : i32
        %add3A_560 = vector.broadcast %add3A_559 : i32 to vector<16xi32>
        %add3A_561 = arith.addi %select_n3A, %add3A_560 : vector<16xi32>
        %gather3A_562 = tpu.vector_load_idx %arg18[%add3A_561, %sub3A_263] : memref<128x8xf32, #tpu.memory_space<vmem>>[vector<16xi32>, vector<16xi32>], vector<16xf32>,
        %gather3A_563 = tpu.vector_load_idx %arg19[%add3A_561, %sub3A_263] : memref<128x8xf32, #tpu.memory_space<vmem>>[vector<16xi32>, vector<16xi32>], vector<16xf32>,
        %add3A_564 = arith.constant 4 : i32
        %add3A_565 = vector.broadcast %add3A_564 : i32 to vector<16xi32>
        %add3A_566 = arith.addi %sub3A_263, %add3A_565 : vector<16xi32>
        %gather3A_567 = tpu.vector_load_idx %arg19[%add3A_561, %add3A_566] : memref<128x8xf32, #tpu.memory_space<vmem>>[vector<16xi32>, vector<16xi32>], vector<16xf32>,
        %gather3A_568 = tpu.vector_load_idx %arg16[%broadcast_in_dim3A_372, %add3A_561] : memref<16x128xf32, #tpu.memory_space<vmem>>[vector<16xi32>, vector<16xi32>], vector<16xf32>,
        %add3A_569 = arith.addf %gather3A_562, %gather3A_563 : vector<16xf32>
        %mul3A_570 = arith.constant 1.000000e-01 : f32
        %mul3A_571 = vector.broadcast %mul3A_570 : f32 to vector<16xf32>
        %mul3A_572 = arith.mulf %mul3A_571, %add3A_569 : vector<16xf32>
        %max3A_573 = arith.maximumf %add3A_569, %mul3A_572 : vector<16xf32>
        %sub3A_574 = arith.subf %max3A_573, %gather3A_567 : vector<16xf32>
        %exp3A_575 = math.exp %sub3A_574 : vector<16xf32>
        %add3A_576 = arith.constant 64 : i32
        %add3A_577 = vector.broadcast %add3A_576 : i32 to vector<16xi32>
        %add3A_578 = arith.addi %sub3A_263, %add3A_577 : vector<16xi32>
        tpu.vector_store_idx %arg21[%add3A_561, %add3A_578], %exp3A_575 : memref<128x72xf32, #tpu.memory_space<vmem>>[vector<16xi32>, vector<16xi32>], vector<16xf32>,
        %mul3A_579 = arith.mulf %exp3A_575, %gather3A_568 : vector<16xf32>
        tpu.vector_store_idx %arg20[%add3A_561, %sub3A_263], %mul3A_579 : memref<128x4xf32, #tpu.memory_space<vmem>>[vector<16xi32>, vector<16xi32>], vector<16xf32>,
        %add3A_580 = arith.constant 40 : i32
        %add3A_581 = vector.broadcast %add3A_580 : i32 to vector<16xi32>
        %add3A_582 = arith.addi %select_n3A, %add3A_581 : vector<16xi32>
        %gather3A_583 = tpu.vector_load_idx %arg18[%add3A_582, %sub3A_263] : memref<128x8xf32, #tpu.memory_space<vmem>>[vector<16xi32>, vector<16xi32>], vector<16xf32>,
        %gather3A_584 = tpu.vector_load_idx %arg19[%add3A_582, %sub3A_263] : memref<128x8xf32, #tpu.memory_space<vmem>>[vector<16xi32>, vector<16xi32>], vector<16xf32>,
        %add3A_585 = arith.constant 4 : i32
        %add3A_586 = vector.broadcast %add3A_585 : i32 to vector<16xi32>
        %add3A_587 = arith.addi %sub3A_263, %add3A_586 : vector<16xi32>
        %gather3A_588 = tpu.vector_load_idx %arg19[%add3A_582, %add3A_587] : memref<128x8xf32, #tpu.memory_space<vmem>>[vector<16xi32>, vector<16xi32>], vector<16xf32>,
        %gather3A_589 = tpu.vector_load_idx %arg16[%broadcast_in_dim3A_372, %add3A_582] : memref<16x128xf32, #tpu.memory_space<vmem>>[vector<16xi32>, vector<16xi32>], vector<16xf32>,
        %add3A_590 = arith.addf %gather3A_583, %gather3A_584 : vector<16xf32>
        %mul3A_591 = arith.constant 1.000000e-01 : f32
        %mul3A_592 = vector.broadcast %mul3A_591 : f32 to vector<16xf32>
        %mul3A_593 = arith.mulf %mul3A_592, %add3A_590 : vector<16xf32>
        %max3A_594 = arith.maximumf %add3A_590, %mul3A_593 : vector<16xf32>
        %sub3A_595 = arith.subf %max3A_594, %gather3A_588 : vector<16xf32>
        %exp3A_596 = math.exp %sub3A_595 : vector<16xf32>
        %add3A_597 = arith.constant 64 : i32
        %add3A_598 = vector.broadcast %add3A_597 : i32 to vector<16xi32>
        %add3A_599 = arith.addi %sub3A_263, %add3A_598 : vector<16xi32>
        tpu.vector_store_idx %arg21[%add3A_582, %add3A_599], %exp3A_596 : memref<128x72xf32, #tpu.memory_space<vmem>>[vector<16xi32>, vector<16xi32>], vector<16xf32>,
        %mul3A_600 = arith.mulf %exp3A_596, %gather3A_589 : vector<16xf32>
        tpu.vector_store_idx %arg20[%add3A_582, %sub3A_263], %mul3A_600 : memref<128x4xf32, #tpu.memory_space<vmem>>[vector<16xi32>, vector<16xi32>], vector<16xf32>,
        %add3A_601 = arith.constant 44 : i32
        %add3A_602 = vector.broadcast %add3A_601 : i32 to vector<16xi32>
        %add3A_603 = arith.addi %select_n3A, %add3A_602 : vector<16xi32>
        %gather3A_604 = tpu.vector_load_idx %arg18[%add3A_603, %sub3A_263] : memref<128x8xf32, #tpu.memory_space<vmem>>[vector<16xi32>, vector<16xi32>], vector<16xf32>,
        %gather3A_605 = tpu.vector_load_idx %arg19[%add3A_603, %sub3A_263] : memref<128x8xf32, #tpu.memory_space<vmem>>[vector<16xi32>, vector<16xi32>], vector<16xf32>,
        %add3A_606 = arith.constant 4 : i32
        %add3A_607 = vector.broadcast %add3A_606 : i32 to vector<16xi32>
        %add3A_608 = arith.addi %sub3A_263, %add3A_607 : vector<16xi32>
        %gather3A_609 = tpu.vector_load_idx %arg19[%add3A_603, %add3A_608] : memref<128x8xf32, #tpu.memory_space<vmem>>[vector<16xi32>, vector<16xi32>], vector<16xf32>,
        %gather3A_610 = tpu.vector_load_idx %arg16[%broadcast_in_dim3A_372, %add3A_603] : memref<16x128xf32, #tpu.memory_space<vmem>>[vector<16xi32>, vector<16xi32>], vector<16xf32>,
        %add3A_611 = arith.addf %gather3A_604, %gather3A_605 : vector<16xf32>
        %mul3A_612 = arith.constant 1.000000e-01 : f32
        %mul3A_613 = vector.broadcast %mul3A_612 : f32 to vector<16xf32>
        %mul3A_614 = arith.mulf %mul3A_613, %add3A_611 : vector<16xf32>
        %max3A_615 = arith.maximumf %add3A_611, %mul3A_614 : vector<16xf32>
        %sub3A_616 = arith.subf %max3A_615, %gather3A_609 : vector<16xf32>
        %exp3A_617 = math.exp %sub3A_616 : vector<16xf32>
        %add3A_618 = arith.constant 64 : i32
        %add3A_619 = vector.broadcast %add3A_618 : i32 to vector<16xi32>
        %add3A_620 = arith.addi %sub3A_263, %add3A_619 : vector<16xi32>
        tpu.vector_store_idx %arg21[%add3A_603, %add3A_620], %exp3A_617 : memref<128x72xf32, #tpu.memory_space<vmem>>[vector<16xi32>, vector<16xi32>], vector<16xf32>,
        %mul3A_621 = arith.mulf %exp3A_617, %gather3A_610 : vector<16xf32>
        tpu.vector_store_idx %arg20[%add3A_603, %sub3A_263], %mul3A_621 : memref<128x4xf32, #tpu.memory_space<vmem>>[vector<16xi32>, vector<16xi32>], vector<16xf32>,
        %add3A_622 = arith.constant 48 : i32
        %add3A_623 = vector.broadcast %add3A_622 : i32 to vector<16xi32>
        %add3A_624 = arith.addi %select_n3A, %add3A_623 : vector<16xi32>
        %gather3A_625 = tpu.vector_load_idx %arg18[%add3A_624, %sub3A_263] : memref<128x8xf32, #tpu.memory_space<vmem>>[vector<16xi32>, vector<16xi32>], vector<16xf32>,
        %gather3A_626 = tpu.vector_load_idx %arg19[%add3A_624, %sub3A_263] : memref<128x8xf32, #tpu.memory_space<vmem>>[vector<16xi32>, vector<16xi32>], vector<16xf32>,
        %add3A_627 = arith.constant 4 : i32
        %add3A_628 = vector.broadcast %add3A_627 : i32 to vector<16xi32>
        %add3A_629 = arith.addi %sub3A_263, %add3A_628 : vector<16xi32>
        %gather3A_630 = tpu.vector_load_idx %arg19[%add3A_624, %add3A_629] : memref<128x8xf32, #tpu.memory_space<vmem>>[vector<16xi32>, vector<16xi32>], vector<16xf32>,
        %gather3A_631 = tpu.vector_load_idx %arg16[%broadcast_in_dim3A_372, %add3A_624] : memref<16x128xf32, #tpu.memory_space<vmem>>[vector<16xi32>, vector<16xi32>], vector<16xf32>,
        %add3A_632 = arith.addf %gather3A_625, %gather3A_626 : vector<16xf32>
        %mul3A_633 = arith.constant 1.000000e-01 : f32
        %mul3A_634 = vector.broadcast %mul3A_633 : f32 to vector<16xf32>
        %mul3A_635 = arith.mulf %mul3A_634, %add3A_632 : vector<16xf32>
        %max3A_636 = arith.maximumf %add3A_632, %mul3A_635 : vector<16xf32>
        %sub3A_637 = arith.subf %max3A_636, %gather3A_630 : vector<16xf32>
        %exp3A_638 = math.exp %sub3A_637 : vector<16xf32>
        %add3A_639 = arith.constant 64 : i32
        %add3A_640 = vector.broadcast %add3A_639 : i32 to vector<16xi32>
        %add3A_641 = arith.addi %sub3A_263, %add3A_640 : vector<16xi32>
        tpu.vector_store_idx %arg21[%add3A_624, %add3A_641], %exp3A_638 : memref<128x72xf32, #tpu.memory_space<vmem>>[vector<16xi32>, vector<16xi32>], vector<16xf32>,
        %mul3A_642 = arith.mulf %exp3A_638, %gather3A_631 : vector<16xf32>
        tpu.vector_store_idx %arg20[%add3A_624, %sub3A_263], %mul3A_642 : memref<128x4xf32, #tpu.memory_space<vmem>>[vector<16xi32>, vector<16xi32>], vector<16xf32>,
        %add3A_643 = arith.constant 52 : i32
        %add3A_644 = vector.broadcast %add3A_643 : i32 to vector<16xi32>
        %add3A_645 = arith.addi %select_n3A, %add3A_644 : vector<16xi32>
        %gather3A_646 = tpu.vector_load_idx %arg18[%add3A_645, %sub3A_263] : memref<128x8xf32, #tpu.memory_space<vmem>>[vector<16xi32>, vector<16xi32>], vector<16xf32>,
        %gather3A_647 = tpu.vector_load_idx %arg19[%add3A_645, %sub3A_263] : memref<128x8xf32, #tpu.memory_space<vmem>>[vector<16xi32>, vector<16xi32>], vector<16xf32>,
        %add3A_648 = arith.constant 4 : i32
        %add3A_649 = vector.broadcast %add3A_648 : i32 to vector<16xi32>
        %add3A_650 = arith.addi %sub3A_263, %add3A_649 : vector<16xi32>
        %gather3A_651 = tpu.vector_load_idx %arg19[%add3A_645, %add3A_650] : memref<128x8xf32, #tpu.memory_space<vmem>>[vector<16xi32>, vector<16xi32>], vector<16xf32>,
        %gather3A_652 = tpu.vector_load_idx %arg16[%broadcast_in_dim3A_372, %add3A_645] : memref<16x128xf32, #tpu.memory_space<vmem>>[vector<16xi32>, vector<16xi32>], vector<16xf32>,
        %add3A_653 = arith.addf %gather3A_646, %gather3A_647 : vector<16xf32>
        %mul3A_654 = arith.constant 1.000000e-01 : f32
        %mul3A_655 = vector.broadcast %mul3A_654 : f32 to vector<16xf32>
        %mul3A_656 = arith.mulf %mul3A_655, %add3A_653 : vector<16xf32>
        %max3A_657 = arith.maximumf %add3A_653, %mul3A_656 : vector<16xf32>
        %sub3A_658 = arith.subf %max3A_657, %gather3A_651 : vector<16xf32>
        %exp3A_659 = math.exp %sub3A_658 : vector<16xf32>
        %add3A_660 = arith.constant 64 : i32
        %add3A_661 = vector.broadcast %add3A_660 : i32 to vector<16xi32>
        %add3A_662 = arith.addi %sub3A_263, %add3A_661 : vector<16xi32>
        tpu.vector_store_idx %arg21[%add3A_645, %add3A_662], %exp3A_659 : memref<128x72xf32, #tpu.memory_space<vmem>>[vector<16xi32>, vector<16xi32>], vector<16xf32>,
        %mul3A_663 = arith.mulf %exp3A_659, %gather3A_652 : vector<16xf32>
        tpu.vector_store_idx %arg20[%add3A_645, %sub3A_263], %mul3A_663 : memref<128x4xf32, #tpu.memory_space<vmem>>[vector<16xi32>, vector<16xi32>], vector<16xf32>,
        %add3A_664 = arith.constant 56 : i32
        %add3A_665 = vector.broadcast %add3A_664 : i32 to vector<16xi32>
        %add3A_666 = arith.addi %select_n3A, %add3A_665 : vector<16xi32>
        %gather3A_667 = tpu.vector_load_idx %arg18[%add3A_666, %sub3A_263] : memref<128x8xf32, #tpu.memory_space<vmem>>[vector<16xi32>, vector<16xi32>], vector<16xf32>,
        %gather3A_668 = tpu.vector_load_idx %arg19[%add3A_666, %sub3A_263] : memref<128x8xf32, #tpu.memory_space<vmem>>[vector<16xi32>, vector<16xi32>], vector<16xf32>,
        %add3A_669 = arith.constant 4 : i32
        %add3A_670 = vector.broadcast %add3A_669 : i32 to vector<16xi32>
        %add3A_671 = arith.addi %sub3A_263, %add3A_670 : vector<16xi32>
        %gather3A_672 = tpu.vector_load_idx %arg19[%add3A_666, %add3A_671] : memref<128x8xf32, #tpu.memory_space<vmem>>[vector<16xi32>, vector<16xi32>], vector<16xf32>,
        %gather3A_673 = tpu.vector_load_idx %arg16[%broadcast_in_dim3A_372, %add3A_666] : memref<16x128xf32, #tpu.memory_space<vmem>>[vector<16xi32>, vector<16xi32>], vector<16xf32>,
        %add3A_674 = arith.addf %gather3A_667, %gather3A_668 : vector<16xf32>
        %mul3A_675 = arith.constant 1.000000e-01 : f32
        %mul3A_676 = vector.broadcast %mul3A_675 : f32 to vector<16xf32>
        %mul3A_677 = arith.mulf %mul3A_676, %add3A_674 : vector<16xf32>
        %max3A_678 = arith.maximumf %add3A_674, %mul3A_677 : vector<16xf32>
        %sub3A_679 = arith.subf %max3A_678, %gather3A_672 : vector<16xf32>
        %exp3A_680 = math.exp %sub3A_679 : vector<16xf32>
        %add3A_681 = arith.constant 64 : i32
        %add3A_682 = vector.broadcast %add3A_681 : i32 to vector<16xi32>
        %add3A_683 = arith.addi %sub3A_263, %add3A_682 : vector<16xi32>
        tpu.vector_store_idx %arg21[%add3A_666, %add3A_683], %exp3A_680 : memref<128x72xf32, #tpu.memory_space<vmem>>[vector<16xi32>, vector<16xi32>], vector<16xf32>,
        %mul3A_684 = arith.mulf %exp3A_680, %gather3A_673 : vector<16xf32>
        tpu.vector_store_idx %arg20[%add3A_666, %sub3A_263], %mul3A_684 : memref<128x4xf32, #tpu.memory_space<vmem>>[vector<16xi32>, vector<16xi32>], vector<16xf32>,
        %add3A_685 = arith.constant 60 : i32
        %add3A_686 = vector.broadcast %add3A_685 : i32 to vector<16xi32>
        %add3A_687 = arith.addi %select_n3A, %add3A_686 : vector<16xi32>
        %gather3A_688 = tpu.vector_load_idx %arg18[%add3A_687, %sub3A_263] : memref<128x8xf32, #tpu.memory_space<vmem>>[vector<16xi32>, vector<16xi32>], vector<16xf32>,
        %gather3A_689 = tpu.vector_load_idx %arg19[%add3A_687, %sub3A_263] : memref<128x8xf32, #tpu.memory_space<vmem>>[vector<16xi32>, vector<16xi32>], vector<16xf32>,
        %add3A_690 = arith.constant 4 : i32
        %add3A_691 = vector.broadcast %add3A_690 : i32 to vector<16xi32>
        %add3A_692 = arith.addi %sub3A_263, %add3A_691 : vector<16xi32>
        %gather3A_693 = tpu.vector_load_idx %arg19[%add3A_687, %add3A_692] : memref<128x8xf32, #tpu.memory_space<vmem>>[vector<16xi32>, vector<16xi32>], vector<16xf32>,
        %gather3A_694 = tpu.vector_load_idx %arg16[%broadcast_in_dim3A_372, %add3A_687] : memref<16x128xf32, #tpu.memory_space<vmem>>[vector<16xi32>, vector<16xi32>], vector<16xf32>,
        %add3A_695 = arith.addf %gather3A_688, %gather3A_689 : vector<16xf32>
        %mul3A_696 = arith.constant 1.000000e-01 : f32
        %mul3A_697 = vector.broadcast %mul3A_696 : f32 to vector<16xf32>
        %mul3A_698 = arith.mulf %mul3A_697, %add3A_695 : vector<16xf32>
        %max3A_699 = arith.maximumf %add3A_695, %mul3A_698 : vector<16xf32>
        %sub3A_700 = arith.subf %max3A_699, %gather3A_693 : vector<16xf32>
        %exp3A_701 = math.exp %sub3A_700 : vector<16xf32>
        %add3A_702 = arith.constant 64 : i32
        %add3A_703 = vector.broadcast %add3A_702 : i32 to vector<16xi32>
        %add3A_704 = arith.addi %sub3A_263, %add3A_703 : vector<16xi32>
        tpu.vector_store_idx %arg21[%add3A_687, %add3A_704], %exp3A_701 : memref<128x72xf32, #tpu.memory_space<vmem>>[vector<16xi32>, vector<16xi32>], vector<16xf32>,
        %mul3A_705 = arith.mulf %exp3A_701, %gather3A_694 : vector<16xf32>
        tpu.vector_store_idx %arg20[%add3A_687, %sub3A_263], %mul3A_705 : memref<128x4xf32, #tpu.memory_space<vmem>>[vector<16xi32>, vector<16xi32>], vector<16xf32>,
        %add3A_706 = arith.constant 64 : i32
        %add3A_707 = vector.broadcast %add3A_706 : i32 to vector<16xi32>
        %add3A_708 = arith.addi %select_n3A, %add3A_707 : vector<16xi32>
        %gather3A_709 = tpu.vector_load_idx %arg18[%add3A_708, %sub3A_263] : memref<128x8xf32, #tpu.memory_space<vmem>>[vector<16xi32>, vector<16xi32>], vector<16xf32>,
        %gather3A_710 = tpu.vector_load_idx %arg19[%add3A_708, %sub3A_263] : memref<128x8xf32, #tpu.memory_space<vmem>>[vector<16xi32>, vector<16xi32>], vector<16xf32>,
        %add3A_711 = arith.constant 4 : i32
        %add3A_712 = vector.broadcast %add3A_711 : i32 to vector<16xi32>
        %add3A_713 = arith.addi %sub3A_263, %add3A_712 : vector<16xi32>
        %gather3A_714 = tpu.vector_load_idx %arg19[%add3A_708, %add3A_713] : memref<128x8xf32, #tpu.memory_space<vmem>>[vector<16xi32>, vector<16xi32>], vector<16xf32>,
        %gather3A_715 = tpu.vector_load_idx %arg16[%broadcast_in_dim3A_372, %add3A_708] : memref<16x128xf32, #tpu.memory_space<vmem>>[vector<16xi32>, vector<16xi32>], vector<16xf32>,
        %add3A_716 = arith.addf %gather3A_709, %gather3A_710 : vector<16xf32>
        %mul3A_717 = arith.constant 1.000000e-01 : f32
        %mul3A_718 = vector.broadcast %mul3A_717 : f32 to vector<16xf32>
        %mul3A_719 = arith.mulf %mul3A_718, %add3A_716 : vector<16xf32>
        %max3A_720 = arith.maximumf %add3A_716, %mul3A_719 : vector<16xf32>
        %sub3A_721 = arith.subf %max3A_720, %gather3A_714 : vector<16xf32>
        %exp3A_722 = math.exp %sub3A_721 : vector<16xf32>
        %add3A_723 = arith.constant 64 : i32
        %add3A_724 = vector.broadcast %add3A_723 : i32 to vector<16xi32>
        %add3A_725 = arith.addi %sub3A_263, %add3A_724 : vector<16xi32>
        tpu.vector_store_idx %arg21[%add3A_708, %add3A_725], %exp3A_722 : memref<128x72xf32, #tpu.memory_space<vmem>>[vector<16xi32>, vector<16xi32>], vector<16xf32>,
        %mul3A_726 = arith.mulf %exp3A_722, %gather3A_715 : vector<16xf32>
        tpu.vector_store_idx %arg20[%add3A_708, %sub3A_263], %mul3A_726 : memref<128x4xf32, #tpu.memory_space<vmem>>[vector<16xi32>, vector<16xi32>], vector<16xf32>,
        %add3A_727 = arith.constant 68 : i32
        %add3A_728 = vector.broadcast %add3A_727 : i32 to vector<16xi32>
        %add3A_729 = arith.addi %select_n3A, %add3A_728 : vector<16xi32>
        %gather3A_730 = tpu.vector_load_idx %arg18[%add3A_729, %sub3A_263] : memref<128x8xf32, #tpu.memory_space<vmem>>[vector<16xi32>, vector<16xi32>], vector<16xf32>,
        %gather3A_731 = tpu.vector_load_idx %arg19[%add3A_729, %sub3A_263] : memref<128x8xf32, #tpu.memory_space<vmem>>[vector<16xi32>, vector<16xi32>], vector<16xf32>,
        %add3A_732 = arith.constant 4 : i32
        %add3A_733 = vector.broadcast %add3A_732 : i32 to vector<16xi32>
        %add3A_734 = arith.addi %sub3A_263, %add3A_733 : vector<16xi32>
        %gather3A_735 = tpu.vector_load_idx %arg19[%add3A_729, %add3A_734] : memref<128x8xf32, #tpu.memory_space<vmem>>[vector<16xi32>, vector<16xi32>], vector<16xf32>,
        %gather3A_736 = tpu.vector_load_idx %arg16[%broadcast_in_dim3A_372, %add3A_729] : memref<16x128xf32, #tpu.memory_space<vmem>>[vector<16xi32>, vector<16xi32>], vector<16xf32>,
        %add3A_737 = arith.addf %gather3A_730, %gather3A_731 : vector<16xf32>
        %mul3A_738 = arith.constant 1.000000e-01 : f32
        %mul3A_739 = vector.broadcast %mul3A_738 : f32 to vector<16xf32>
        %mul3A_740 = arith.mulf %mul3A_739, %add3A_737 : vector<16xf32>
        %max3A_741 = arith.maximumf %add3A_737, %mul3A_740 : vector<16xf32>
        %sub3A_742 = arith.subf %max3A_741, %gather3A_735 : vector<16xf32>
        %exp3A_743 = math.exp %sub3A_742 : vector<16xf32>
        %add3A_744 = arith.constant 64 : i32
        %add3A_745 = vector.broadcast %add3A_744 : i32 to vector<16xi32>
        %add3A_746 = arith.addi %sub3A_263, %add3A_745 : vector<16xi32>
        tpu.vector_store_idx %arg21[%add3A_729, %add3A_746], %exp3A_743 : memref<128x72xf32, #tpu.memory_space<vmem>>[vector<16xi32>, vector<16xi32>], vector<16xf32>,
        %mul3A_747 = arith.mulf %exp3A_743, %gather3A_736 : vector<16xf32>
        tpu.vector_store_idx %arg20[%add3A_729, %sub3A_263], %mul3A_747 : memref<128x4xf32, #tpu.memory_space<vmem>>[vector<16xi32>, vector<16xi32>], vector<16xf32>,
        %add3A_748 = arith.constant 72 : i32
        %add3A_749 = vector.broadcast %add3A_748 : i32 to vector<16xi32>
        %add3A_750 = arith.addi %select_n3A, %add3A_749 : vector<16xi32>
        %gather3A_751 = tpu.vector_load_idx %arg18[%add3A_750, %sub3A_263] : memref<128x8xf32, #tpu.memory_space<vmem>>[vector<16xi32>, vector<16xi32>], vector<16xf32>,
        %gather3A_752 = tpu.vector_load_idx %arg19[%add3A_750, %sub3A_263] : memref<128x8xf32, #tpu.memory_space<vmem>>[vector<16xi32>, vector<16xi32>], vector<16xf32>,
        %add3A_753 = arith.constant 4 : i32
        %add3A_754 = vector.broadcast %add3A_753 : i32 to vector<16xi32>
        %add3A_755 = arith.addi %sub3A_263, %add3A_754 : vector<16xi32>
        %gather3A_756 = tpu.vector_load_idx %arg19[%add3A_750, %add3A_755] : memref<128x8xf32, #tpu.memory_space<vmem>>[vector<16xi32>, vector<16xi32>], vector<16xf32>,
        %gather3A_757 = tpu.vector_load_idx %arg16[%broadcast_in_dim3A_372, %add3A_750] : memref<16x128xf32, #tpu.memory_space<vmem>>[vector<16xi32>, vector<16xi32>], vector<16xf32>,
        %add3A_758 = arith.addf %gather3A_751, %gather3A_752 : vector<16xf32>
        %mul3A_759 = arith.constant 1.000000e-01 : f32
        %mul3A_760 = vector.broadcast %mul3A_759 : f32 to vector<16xf32>
        %mul3A_761 = arith.mulf %mul3A_760, %add3A_758 : vector<16xf32>
        %max3A_762 = arith.maximumf %add3A_758, %mul3A_761 : vector<16xf32>
        %sub3A_763 = arith.subf %max3A_762, %gather3A_756 : vector<16xf32>
        %exp3A_764 = math.exp %sub3A_763 : vector<16xf32>
        %add3A_765 = arith.constant 64 : i32
        %add3A_766 = vector.broadcast %add3A_765 : i32 to vector<16xi32>
        %add3A_767 = arith.addi %sub3A_263, %add3A_766 : vector<16xi32>
        tpu.vector_store_idx %arg21[%add3A_750, %add3A_767], %exp3A_764 : memref<128x72xf32, #tpu.memory_space<vmem>>[vector<16xi32>, vector<16xi32>], vector<16xf32>,
        %mul3A_768 = arith.mulf %exp3A_764, %gather3A_757 : vector<16xf32>
        tpu.vector_store_idx %arg20[%add3A_750, %sub3A_263], %mul3A_768 : memref<128x4xf32, #tpu.memory_space<vmem>>[vector<16xi32>, vector<16xi32>], vector<16xf32>,
        %add3A_769 = arith.constant 76 : i32
        %add3A_770 = vector.broadcast %add3A_769 : i32 to vector<16xi32>
        %add3A_771 = arith.addi %select_n3A, %add3A_770 : vector<16xi32>
        %gather3A_772 = tpu.vector_load_idx %arg18[%add3A_771, %sub3A_263] : memref<128x8xf32, #tpu.memory_space<vmem>>[vector<16xi32>, vector<16xi32>], vector<16xf32>,
        %gather3A_773 = tpu.vector_load_idx %arg19[%add3A_771, %sub3A_263] : memref<128x8xf32, #tpu.memory_space<vmem>>[vector<16xi32>, vector<16xi32>], vector<16xf32>,
        %add3A_774 = arith.constant 4 : i32
        %add3A_775 = vector.broadcast %add3A_774 : i32 to vector<16xi32>
        %add3A_776 = arith.addi %sub3A_263, %add3A_775 : vector<16xi32>
        %gather3A_777 = tpu.vector_load_idx %arg19[%add3A_771, %add3A_776] : memref<128x8xf32, #tpu.memory_space<vmem>>[vector<16xi32>, vector<16xi32>], vector<16xf32>,
        %gather3A_778 = tpu.vector_load_idx %arg16[%broadcast_in_dim3A_372, %add3A_771] : memref<16x128xf32, #tpu.memory_space<vmem>>[vector<16xi32>, vector<16xi32>], vector<16xf32>,
        %add3A_779 = arith.addf %gather3A_772, %gather3A_773 : vector<16xf32>
        %mul3A_780 = arith.constant 1.000000e-01 : f32
        %mul3A_781 = vector.broadcast %mul3A_780 : f32 to vector<16xf32>
        %mul3A_782 = arith.mulf %mul3A_781, %add3A_779 : vector<16xf32>
        %max3A_783 = arith.maximumf %add3A_779, %mul3A_782 : vector<16xf32>
        %sub3A_784 = arith.subf %max3A_783, %gather3A_777 : vector<16xf32>
        %exp3A_785 = math.exp %sub3A_784 : vector<16xf32>
        %add3A_786 = arith.constant 64 : i32
        %add3A_787 = vector.broadcast %add3A_786 : i32 to vector<16xi32>
        %add3A_788 = arith.addi %sub3A_263, %add3A_787 : vector<16xi32>
        tpu.vector_store_idx %arg21[%add3A_771, %add3A_788], %exp3A_785 : memref<128x72xf32, #tpu.memory_space<vmem>>[vector<16xi32>, vector<16xi32>], vector<16xf32>,
        %mul3A_789 = arith.mulf %exp3A_785, %gather3A_778 : vector<16xf32>
        tpu.vector_store_idx %arg20[%add3A_771, %sub3A_263], %mul3A_789 : memref<128x4xf32, #tpu.memory_space<vmem>>[vector<16xi32>, vector<16xi32>], vector<16xf32>,
        %add3A_790 = arith.constant 80 : i32
        %add3A_791 = vector.broadcast %add3A_790 : i32 to vector<16xi32>
        %add3A_792 = arith.addi %select_n3A, %add3A_791 : vector<16xi32>
        %gather3A_793 = tpu.vector_load_idx %arg18[%add3A_792, %sub3A_263] : memref<128x8xf32, #tpu.memory_space<vmem>>[vector<16xi32>, vector<16xi32>], vector<16xf32>,
        %gather3A_794 = tpu.vector_load_idx %arg19[%add3A_792, %sub3A_263] : memref<128x8xf32, #tpu.memory_space<vmem>>[vector<16xi32>, vector<16xi32>], vector<16xf32>,
        %add3A_795 = arith.constant 4 : i32
        %add3A_796 = vector.broadcast %add3A_795 : i32 to vector<16xi32>
        %add3A_797 = arith.addi %sub3A_263, %add3A_796 : vector<16xi32>
        %gather3A_798 = tpu.vector_load_idx %arg19[%add3A_792, %add3A_797] : memref<128x8xf32, #tpu.memory_space<vmem>>[vector<16xi32>, vector<16xi32>], vector<16xf32>,
        %gather3A_799 = tpu.vector_load_idx %arg16[%broadcast_in_dim3A_372, %add3A_792] : memref<16x128xf32, #tpu.memory_space<vmem>>[vector<16xi32>, vector<16xi32>], vector<16xf32>,
        %add3A_800 = arith.addf %gather3A_793, %gather3A_794 : vector<16xf32>
        %mul3A_801 = arith.constant 1.000000e-01 : f32
        %mul3A_802 = vector.broadcast %mul3A_801 : f32 to vector<16xf32>
        %mul3A_803 = arith.mulf %mul3A_802, %add3A_800 : vector<16xf32>
        %max3A_804 = arith.maximumf %add3A_800, %mul3A_803 : vector<16xf32>
        %sub3A_805 = arith.subf %max3A_804, %gather3A_798 : vector<16xf32>
        %exp3A_806 = math.exp %sub3A_805 : vector<16xf32>
        %add3A_807 = arith.constant 64 : i32
        %add3A_808 = vector.broadcast %add3A_807 : i32 to vector<16xi32>
        %add3A_809 = arith.addi %sub3A_263, %add3A_808 : vector<16xi32>
        tpu.vector_store_idx %arg21[%add3A_792, %add3A_809], %exp3A_806 : memref<128x72xf32, #tpu.memory_space<vmem>>[vector<16xi32>, vector<16xi32>], vector<16xf32>,
        %mul3A_810 = arith.mulf %exp3A_806, %gather3A_799 : vector<16xf32>
        tpu.vector_store_idx %arg20[%add3A_792, %sub3A_263], %mul3A_810 : memref<128x4xf32, #tpu.memory_space<vmem>>[vector<16xi32>, vector<16xi32>], vector<16xf32>,
        %add3A_811 = arith.constant 84 : i32
        %add3A_812 = vector.broadcast %add3A_811 : i32 to vector<16xi32>
        %add3A_813 = arith.addi %select_n3A, %add3A_812 : vector<16xi32>
        %gather3A_814 = tpu.vector_load_idx %arg18[%add3A_813, %sub3A_263] : memref<128x8xf32, #tpu.memory_space<vmem>>[vector<16xi32>, vector<16xi32>], vector<16xf32>,
        %gather3A_815 = tpu.vector_load_idx %arg19[%add3A_813, %sub3A_263] : memref<128x8xf32, #tpu.memory_space<vmem>>[vector<16xi32>, vector<16xi32>], vector<16xf32>,
        %add3A_816 = arith.constant 4 : i32
        %add3A_817 = vector.broadcast %add3A_816 : i32 to vector<16xi32>
        %add3A_818 = arith.addi %sub3A_263, %add3A_817 : vector<16xi32>
        %gather3A_819 = tpu.vector_load_idx %arg19[%add3A_813, %add3A_818] : memref<128x8xf32, #tpu.memory_space<vmem>>[vector<16xi32>, vector<16xi32>], vector<16xf32>,
        %gather3A_820 = tpu.vector_load_idx %arg16[%broadcast_in_dim3A_372, %add3A_813] : memref<16x128xf32, #tpu.memory_space<vmem>>[vector<16xi32>, vector<16xi32>], vector<16xf32>,
        %add3A_821 = arith.addf %gather3A_814, %gather3A_815 : vector<16xf32>
        %mul3A_822 = arith.constant 1.000000e-01 : f32
        %mul3A_823 = vector.broadcast %mul3A_822 : f32 to vector<16xf32>
        %mul3A_824 = arith.mulf %mul3A_823, %add3A_821 : vector<16xf32>
        %max3A_825 = arith.maximumf %add3A_821, %mul3A_824 : vector<16xf32>
        %sub3A_826 = arith.subf %max3A_825, %gather3A_819 : vector<16xf32>
        %exp3A_827 = math.exp %sub3A_826 : vector<16xf32>
        %add3A_828 = arith.constant 64 : i32
        %add3A_829 = vector.broadcast %add3A_828 : i32 to vector<16xi32>
        %add3A_830 = arith.addi %sub3A_263, %add3A_829 : vector<16xi32>
        tpu.vector_store_idx %arg21[%add3A_813, %add3A_830], %exp3A_827 : memref<128x72xf32, #tpu.memory_space<vmem>>[vector<16xi32>, vector<16xi32>], vector<16xf32>,
        %mul3A_831 = arith.mulf %exp3A_827, %gather3A_820 : vector<16xf32>
        tpu.vector_store_idx %arg20[%add3A_813, %sub3A_263], %mul3A_831 : memref<128x4xf32, #tpu.memory_space<vmem>>[vector<16xi32>, vector<16xi32>], vector<16xf32>,
        %add3A_832 = arith.constant 88 : i32
        %add3A_833 = vector.broadcast %add3A_832 : i32 to vector<16xi32>
        %add3A_834 = arith.addi %select_n3A, %add3A_833 : vector<16xi32>
        %gather3A_835 = tpu.vector_load_idx %arg18[%add3A_834, %sub3A_263] : memref<128x8xf32, #tpu.memory_space<vmem>>[vector<16xi32>, vector<16xi32>], vector<16xf32>,
        %gather3A_836 = tpu.vector_load_idx %arg19[%add3A_834, %sub3A_263] : memref<128x8xf32, #tpu.memory_space<vmem>>[vector<16xi32>, vector<16xi32>], vector<16xf32>,
        %add3A_837 = arith.constant 4 : i32
        %add3A_838 = vector.broadcast %add3A_837 : i32 to vector<16xi32>
        %add3A_839 = arith.addi %sub3A_263, %add3A_838 : vector<16xi32>
        %gather3A_840 = tpu.vector_load_idx %arg19[%add3A_834, %add3A_839] : memref<128x8xf32, #tpu.memory_space<vmem>>[vector<16xi32>, vector<16xi32>], vector<16xf32>,
        %gather3A_841 = tpu.vector_load_idx %arg16[%broadcast_in_dim3A_372, %add3A_834] : memref<16x128xf32, #tpu.memory_space<vmem>>[vector<16xi32>, vector<16xi32>], vector<16xf32>,
        %add3A_842 = arith.addf %gather3A_835, %gather3A_836 : vector<16xf32>
        %mul3A_843 = arith.constant 1.000000e-01 : f32
        %mul3A_844 = vector.broadcast %mul3A_843 : f32 to vector<16xf32>
        %mul3A_845 = arith.mulf %mul3A_844, %add3A_842 : vector<16xf32>
        %max3A_846 = arith.maximumf %add3A_842, %mul3A_845 : vector<16xf32>
        %sub3A_847 = arith.subf %max3A_846, %gather3A_840 : vector<16xf32>
        %exp3A_848 = math.exp %sub3A_847 : vector<16xf32>
        %add3A_849 = arith.constant 64 : i32
        %add3A_850 = vector.broadcast %add3A_849 : i32 to vector<16xi32>
        %add3A_851 = arith.addi %sub3A_263, %add3A_850 : vector<16xi32>
        tpu.vector_store_idx %arg21[%add3A_834, %add3A_851], %exp3A_848 : memref<128x72xf32, #tpu.memory_space<vmem>>[vector<16xi32>, vector<16xi32>], vector<16xf32>,
        %mul3A_852 = arith.mulf %exp3A_848, %gather3A_841 : vector<16xf32>
        tpu.vector_store_idx %arg20[%add3A_834, %sub3A_263], %mul3A_852 : memref<128x4xf32, #tpu.memory_space<vmem>>[vector<16xi32>, vector<16xi32>], vector<16xf32>,
        %add3A_853 = arith.constant 92 : i32
        %add3A_854 = vector.broadcast %add3A_853 : i32 to vector<16xi32>
        %add3A_855 = arith.addi %select_n3A, %add3A_854 : vector<16xi32>
        %gather3A_856 = tpu.vector_load_idx %arg18[%add3A_855, %sub3A_263] : memref<128x8xf32, #tpu.memory_space<vmem>>[vector<16xi32>, vector<16xi32>], vector<16xf32>,
        %gather3A_857 = tpu.vector_load_idx %arg19[%add3A_855, %sub3A_263] : memref<128x8xf32, #tpu.memory_space<vmem>>[vector<16xi32>, vector<16xi32>], vector<16xf32>,
        %add3A_858 = arith.constant 4 : i32
        %add3A_859 = vector.broadcast %add3A_858 : i32 to vector<16xi32>
        %add3A_860 = arith.addi %sub3A_263, %add3A_859 : vector<16xi32>
        %gather3A_861 = tpu.vector_load_idx %arg19[%add3A_855, %add3A_860] : memref<128x8xf32, #tpu.memory_space<vmem>>[vector<16xi32>, vector<16xi32>], vector<16xf32>,
        %gather3A_862 = tpu.vector_load_idx %arg16[%broadcast_in_dim3A_372, %add3A_855] : memref<16x128xf32, #tpu.memory_space<vmem>>[vector<16xi32>, vector<16xi32>], vector<16xf32>,
        %add3A_863 = arith.addf %gather3A_856, %gather3A_857 : vector<16xf32>
        %mul3A_864 = arith.constant 1.000000e-01 : f32
        %mul3A_865 = vector.broadcast %mul3A_864 : f32 to vector<16xf32>
        %mul3A_866 = arith.mulf %mul3A_865, %add3A_863 : vector<16xf32>
        %max3A_867 = arith.maximumf %add3A_863, %mul3A_866 : vector<16xf32>
        %sub3A_868 = arith.subf %max3A_867, %gather3A_861 : vector<16xf32>
        %exp3A_869 = math.exp %sub3A_868 : vector<16xf32>
        %add3A_870 = arith.constant 64 : i32
        %add3A_871 = vector.broadcast %add3A_870 : i32 to vector<16xi32>
        %add3A_872 = arith.addi %sub3A_263, %add3A_871 : vector<16xi32>
        tpu.vector_store_idx %arg21[%add3A_855, %add3A_872], %exp3A_869 : memref<128x72xf32, #tpu.memory_space<vmem>>[vector<16xi32>, vector<16xi32>], vector<16xf32>,
        %mul3A_873 = arith.mulf %exp3A_869, %gather3A_862 : vector<16xf32>
        tpu.vector_store_idx %arg20[%add3A_855, %sub3A_263], %mul3A_873 : memref<128x4xf32, #tpu.memory_space<vmem>>[vector<16xi32>, vector<16xi32>], vector<16xf32>,
        %add3A_874 = arith.constant 96 : i32
        %add3A_875 = vector.broadcast %add3A_874 : i32 to vector<16xi32>
        %add3A_876 = arith.addi %select_n3A, %add3A_875 : vector<16xi32>
        %gather3A_877 = tpu.vector_load_idx %arg18[%add3A_876, %sub3A_263] : memref<128x8xf32, #tpu.memory_space<vmem>>[vector<16xi32>, vector<16xi32>], vector<16xf32>,
        %gather3A_878 = tpu.vector_load_idx %arg19[%add3A_876, %sub3A_263] : memref<128x8xf32, #tpu.memory_space<vmem>>[vector<16xi32>, vector<16xi32>], vector<16xf32>,
        %add3A_879 = arith.constant 4 : i32
        %add3A_880 = vector.broadcast %add3A_879 : i32 to vector<16xi32>
        %add3A_881 = arith.addi %sub3A_263, %add3A_880 : vector<16xi32>
        %gather3A_882 = tpu.vector_load_idx %arg19[%add3A_876, %add3A_881] : memref<128x8xf32, #tpu.memory_space<vmem>>[vector<16xi32>, vector<16xi32>], vector<16xf32>,
        %gather3A_883 = tpu.vector_load_idx %arg16[%broadcast_in_dim3A_372, %add3A_876] : memref<16x128xf32, #tpu.memory_space<vmem>>[vector<16xi32>, vector<16xi32>], vector<16xf32>,
        %add3A_884 = arith.addf %gather3A_877, %gather3A_878 : vector<16xf32>
        %mul3A_885 = arith.constant 1.000000e-01 : f32
        %mul3A_886 = vector.broadcast %mul3A_885 : f32 to vector<16xf32>
        %mul3A_887 = arith.mulf %mul3A_886, %add3A_884 : vector<16xf32>
        %max3A_888 = arith.maximumf %add3A_884, %mul3A_887 : vector<16xf32>
        %sub3A_889 = arith.subf %max3A_888, %gather3A_882 : vector<16xf32>
        %exp3A_890 = math.exp %sub3A_889 : vector<16xf32>
        %add3A_891 = arith.constant 64 : i32
        %add3A_892 = vector.broadcast %add3A_891 : i32 to vector<16xi32>
        %add3A_893 = arith.addi %sub3A_263, %add3A_892 : vector<16xi32>
        tpu.vector_store_idx %arg21[%add3A_876, %add3A_893], %exp3A_890 : memref<128x72xf32, #tpu.memory_space<vmem>>[vector<16xi32>, vector<16xi32>], vector<16xf32>,
        %mul3A_894 = arith.mulf %exp3A_890, %gather3A_883 : vector<16xf32>
        tpu.vector_store_idx %arg20[%add3A_876, %sub3A_263], %mul3A_894 : memref<128x4xf32, #tpu.memory_space<vmem>>[vector<16xi32>, vector<16xi32>], vector<16xf32>,
        %add3A_895 = arith.constant 100 : i32
        %add3A_896 = vector.broadcast %add3A_895 : i32 to vector<16xi32>
        %add3A_897 = arith.addi %select_n3A, %add3A_896 : vector<16xi32>
        %gather3A_898 = tpu.vector_load_idx %arg18[%add3A_897, %sub3A_263] : memref<128x8xf32, #tpu.memory_space<vmem>>[vector<16xi32>, vector<16xi32>], vector<16xf32>,
        %gather3A_899 = tpu.vector_load_idx %arg19[%add3A_897, %sub3A_263] : memref<128x8xf32, #tpu.memory_space<vmem>>[vector<16xi32>, vector<16xi32>], vector<16xf32>,
        %add3A_900 = arith.constant 4 : i32
        %add3A_901 = vector.broadcast %add3A_900 : i32 to vector<16xi32>
        %add3A_902 = arith.addi %sub3A_263, %add3A_901 : vector<16xi32>
        %gather3A_903 = tpu.vector_load_idx %arg19[%add3A_897, %add3A_902] : memref<128x8xf32, #tpu.memory_space<vmem>>[vector<16xi32>, vector<16xi32>], vector<16xf32>,
        %gather3A_904 = tpu.vector_load_idx %arg16[%broadcast_in_dim3A_372, %add3A_897] : memref<16x128xf32, #tpu.memory_space<vmem>>[vector<16xi32>, vector<16xi32>], vector<16xf32>,
        %add3A_905 = arith.addf %gather3A_898, %gather3A_899 : vector<16xf32>
        %mul3A_906 = arith.constant 1.000000e-01 : f32
        %mul3A_907 = vector.broadcast %mul3A_906 : f32 to vector<16xf32>
        %mul3A_908 = arith.mulf %mul3A_907, %add3A_905 : vector<16xf32>
        %max3A_909 = arith.maximumf %add3A_905, %mul3A_908 : vector<16xf32>
        %sub3A_910 = arith.subf %max3A_909, %gather3A_903 : vector<16xf32>
        %exp3A_911 = math.exp %sub3A_910 : vector<16xf32>
        %add3A_912 = arith.constant 64 : i32
        %add3A_913 = vector.broadcast %add3A_912 : i32 to vector<16xi32>
        %add3A_914 = arith.addi %sub3A_263, %add3A_913 : vector<16xi32>
        tpu.vector_store_idx %arg21[%add3A_897, %add3A_914], %exp3A_911 : memref<128x72xf32, #tpu.memory_space<vmem>>[vector<16xi32>, vector<16xi32>], vector<16xf32>,
        %mul3A_915 = arith.mulf %exp3A_911, %gather3A_904 : vector<16xf32>
        tpu.vector_store_idx %arg20[%add3A_897, %sub3A_263], %mul3A_915 : memref<128x4xf32, #tpu.memory_space<vmem>>[vector<16xi32>, vector<16xi32>], vector<16xf32>,
        %add3A_916 = arith.constant 104 : i32
        %add3A_917 = vector.broadcast %add3A_916 : i32 to vector<16xi32>
        %add3A_918 = arith.addi %select_n3A, %add3A_917 : vector<16xi32>
        %gather3A_919 = tpu.vector_load_idx %arg18[%add3A_918, %sub3A_263] : memref<128x8xf32, #tpu.memory_space<vmem>>[vector<16xi32>, vector<16xi32>], vector<16xf32>,
        %gather3A_920 = tpu.vector_load_idx %arg19[%add3A_918, %sub3A_263] : memref<128x8xf32, #tpu.memory_space<vmem>>[vector<16xi32>, vector<16xi32>], vector<16xf32>,
        %add3A_921 = arith.constant 4 : i32
        %add3A_922 = vector.broadcast %add3A_921 : i32 to vector<16xi32>
        %add3A_923 = arith.addi %sub3A_263, %add3A_922 : vector<16xi32>
        %gather3A_924 = tpu.vector_load_idx %arg19[%add3A_918, %add3A_923] : memref<128x8xf32, #tpu.memory_space<vmem>>[vector<16xi32>, vector<16xi32>], vector<16xf32>,
        %gather3A_925 = tpu.vector_load_idx %arg16[%broadcast_in_dim3A_372, %add3A_918] : memref<16x128xf32, #tpu.memory_space<vmem>>[vector<16xi32>, vector<16xi32>], vector<16xf32>,
        %add3A_926 = arith.addf %gather3A_919, %gather3A_920 : vector<16xf32>
        %mul3A_927 = arith.constant 1.000000e-01 : f32
        %mul3A_928 = vector.broadcast %mul3A_927 : f32 to vector<16xf32>
        %mul3A_929 = arith.mulf %mul3A_928, %add3A_926 : vector<16xf32>
        %max3A_930 = arith.maximumf %add3A_926, %mul3A_929 : vector<16xf32>
        %sub3A_931 = arith.subf %max3A_930, %gather3A_924 : vector<16xf32>
        %exp3A_932 = math.exp %sub3A_931 : vector<16xf32>
        %add3A_933 = arith.constant 64 : i32
        %add3A_934 = vector.broadcast %add3A_933 : i32 to vector<16xi32>
        %add3A_935 = arith.addi %sub3A_263, %add3A_934 : vector<16xi32>
        tpu.vector_store_idx %arg21[%add3A_918, %add3A_935], %exp3A_932 : memref<128x72xf32, #tpu.memory_space<vmem>>[vector<16xi32>, vector<16xi32>], vector<16xf32>,
        %mul3A_936 = arith.mulf %exp3A_932, %gather3A_925 : vector<16xf32>
        tpu.vector_store_idx %arg20[%add3A_918, %sub3A_263], %mul3A_936 : memref<128x4xf32, #tpu.memory_space<vmem>>[vector<16xi32>, vector<16xi32>], vector<16xf32>,
        %add3A_937 = arith.constant 108 : i32
        %add3A_938 = vector.broadcast %add3A_937 : i32 to vector<16xi32>
        %add3A_939 = arith.addi %select_n3A, %add3A_938 : vector<16xi32>
        %gather3A_940 = tpu.vector_load_idx %arg18[%add3A_939, %sub3A_263] : memref<128x8xf32, #tpu.memory_space<vmem>>[vector<16xi32>, vector<16xi32>], vector<16xf32>,
        %gather3A_941 = tpu.vector_load_idx %arg19[%add3A_939, %sub3A_263] : memref<128x8xf32, #tpu.memory_space<vmem>>[vector<16xi32>, vector<16xi32>], vector<16xf32>,
        %add3A_942 = arith.constant 4 : i32
        %add3A_943 = vector.broadcast %add3A_942 : i32 to vector<16xi32>
        %add3A_944 = arith.addi %sub3A_263, %add3A_943 : vector<16xi32>
        %gather3A_945 = tpu.vector_load_idx %arg19[%add3A_939, %add3A_944] : memref<128x8xf32, #tpu.memory_space<vmem>>[vector<16xi32>, vector<16xi32>], vector<16xf32>,
        %gather3A_946 = tpu.vector_load_idx %arg16[%broadcast_in_dim3A_372, %add3A_939] : memref<16x128xf32, #tpu.memory_space<vmem>>[vector<16xi32>, vector<16xi32>], vector<16xf32>,
        %add3A_947 = arith.addf %gather3A_940, %gather3A_941 : vector<16xf32>
        %mul3A_948 = arith.constant 1.000000e-01 : f32
        %mul3A_949 = vector.broadcast %mul3A_948 : f32 to vector<16xf32>
        %mul3A_950 = arith.mulf %mul3A_949, %add3A_947 : vector<16xf32>
        %max3A_951 = arith.maximumf %add3A_947, %mul3A_950 : vector<16xf32>
        %sub3A_952 = arith.subf %max3A_951, %gather3A_945 : vector<16xf32>
        %exp3A_953 = math.exp %sub3A_952 : vector<16xf32>
        %add3A_954 = arith.constant 64 : i32
        %add3A_955 = vector.broadcast %add3A_954 : i32 to vector<16xi32>
        %add3A_956 = arith.addi %sub3A_263, %add3A_955 : vector<16xi32>
        tpu.vector_store_idx %arg21[%add3A_939, %add3A_956], %exp3A_953 : memref<128x72xf32, #tpu.memory_space<vmem>>[vector<16xi32>, vector<16xi32>], vector<16xf32>,
        %mul3A_957 = arith.mulf %exp3A_953, %gather3A_946 : vector<16xf32>
        tpu.vector_store_idx %arg20[%add3A_939, %sub3A_263], %mul3A_957 : memref<128x4xf32, #tpu.memory_space<vmem>>[vector<16xi32>, vector<16xi32>], vector<16xf32>,
        %add3A_958 = arith.constant 112 : i32
        %add3A_959 = vector.broadcast %add3A_958 : i32 to vector<16xi32>
        %add3A_960 = arith.addi %select_n3A, %add3A_959 : vector<16xi32>
        %gather3A_961 = tpu.vector_load_idx %arg18[%add3A_960, %sub3A_263] : memref<128x8xf32, #tpu.memory_space<vmem>>[vector<16xi32>, vector<16xi32>], vector<16xf32>,
        %gather3A_962 = tpu.vector_load_idx %arg19[%add3A_960, %sub3A_263] : memref<128x8xf32, #tpu.memory_space<vmem>>[vector<16xi32>, vector<16xi32>], vector<16xf32>,
        %add3A_963 = arith.constant 4 : i32
        %add3A_964 = vector.broadcast %add3A_963 : i32 to vector<16xi32>
        %add3A_965 = arith.addi %sub3A_263, %add3A_964 : vector<16xi32>
        %gather3A_966 = tpu.vector_load_idx %arg19[%add3A_960, %add3A_965] : memref<128x8xf32, #tpu.memory_space<vmem>>[vector<16xi32>, vector<16xi32>], vector<16xf32>,
        %gather3A_967 = tpu.vector_load_idx %arg16[%broadcast_in_dim3A_372, %add3A_960] : memref<16x128xf32, #tpu.memory_space<vmem>>[vector<16xi32>, vector<16xi32>], vector<16xf32>,
        %add3A_968 = arith.addf %gather3A_961, %gather3A_962 : vector<16xf32>
        %mul3A_969 = arith.constant 1.000000e-01 : f32
        %mul3A_970 = vector.broadcast %mul3A_969 : f32 to vector<16xf32>
        %mul3A_971 = arith.mulf %mul3A_970, %add3A_968 : vector<16xf32>
        %max3A_972 = arith.maximumf %add3A_968, %mul3A_971 : vector<16xf32>
        %sub3A_973 = arith.subf %max3A_972, %gather3A_966 : vector<16xf32>
        %exp3A_974 = math.exp %sub3A_973 : vector<16xf32>
        %add3A_975 = arith.constant 64 : i32
        %add3A_976 = vector.broadcast %add3A_975 : i32 to vector<16xi32>
        %add3A_977 = arith.addi %sub3A_263, %add3A_976 : vector<16xi32>
        tpu.vector_store_idx %arg21[%add3A_960, %add3A_977], %exp3A_974 : memref<128x72xf32, #tpu.memory_space<vmem>>[vector<16xi32>, vector<16xi32>], vector<16xf32>,
        %mul3A_978 = arith.mulf %exp3A_974, %gather3A_967 : vector<16xf32>
        tpu.vector_store_idx %arg20[%add3A_960, %sub3A_263], %mul3A_978 : memref<128x4xf32, #tpu.memory_space<vmem>>[vector<16xi32>, vector<16xi32>], vector<16xf32>,
        %add3A_979 = arith.constant 116 : i32
        %add3A_980 = vector.broadcast %add3A_979 : i32 to vector<16xi32>
        %add3A_981 = arith.addi %select_n3A, %add3A_980 : vector<16xi32>
        %gather3A_982 = tpu.vector_load_idx %arg18[%add3A_981, %sub3A_263] : memref<128x8xf32, #tpu.memory_space<vmem>>[vector<16xi32>, vector<16xi32>], vector<16xf32>,
        %gather3A_983 = tpu.vector_load_idx %arg19[%add3A_981, %sub3A_263] : memref<128x8xf32, #tpu.memory_space<vmem>>[vector<16xi32>, vector<16xi32>], vector<16xf32>,
        %add3A_984 = arith.constant 4 : i32
        %add3A_985 = vector.broadcast %add3A_984 : i32 to vector<16xi32>
        %add3A_986 = arith.addi %sub3A_263, %add3A_985 : vector<16xi32>
        %gather3A_987 = tpu.vector_load_idx %arg19[%add3A_981, %add3A_986] : memref<128x8xf32, #tpu.memory_space<vmem>>[vector<16xi32>, vector<16xi32>], vector<16xf32>,
        %gather3A_988 = tpu.vector_load_idx %arg16[%broadcast_in_dim3A_372, %add3A_981] : memref<16x128xf32, #tpu.memory_space<vmem>>[vector<16xi32>, vector<16xi32>], vector<16xf32>,
        %add3A_989 = arith.addf %gather3A_982, %gather3A_983 : vector<16xf32>
        %mul3A_990 = arith.constant 1.000000e-01 : f32
        %mul3A_991 = vector.broadcast %mul3A_990 : f32 to vector<16xf32>
        %mul3A_992 = arith.mulf %mul3A_991, %add3A_989 : vector<16xf32>
        %max3A_993 = arith.maximumf %add3A_989, %mul3A_992 : vector<16xf32>
        %sub3A_994 = arith.subf %max3A_993, %gather3A_987 : vector<16xf32>
        %exp3A_995 = math.exp %sub3A_994 : vector<16xf32>
        %add3A_996 = arith.constant 64 : i32
        %add3A_997 = vector.broadcast %add3A_996 : i32 to vector<16xi32>
        %add3A_998 = arith.addi %sub3A_263, %add3A_997 : vector<16xi32>
        tpu.vector_store_idx %arg21[%add3A_981, %add3A_998], %exp3A_995 : memref<128x72xf32, #tpu.memory_space<vmem>>[vector<16xi32>, vector<16xi32>], vector<16xf32>,
        %mul3A_999 = arith.mulf %exp3A_995, %gather3A_988 : vector<16xf32>
        tpu.vector_store_idx %arg20[%add3A_981, %sub3A_263], %mul3A_999 : memref<128x4xf32, #tpu.memory_space<vmem>>[vector<16xi32>, vector<16xi32>], vector<16xf32>,
        %add3A_1000 = arith.constant 120 : i32
        %add3A_1001 = vector.broadcast %add3A_1000 : i32 to vector<16xi32>
        %add3A_1002 = arith.addi %select_n3A, %add3A_1001 : vector<16xi32>
        %gather3A_1003 = tpu.vector_load_idx %arg18[%add3A_1002, %sub3A_263] : memref<128x8xf32, #tpu.memory_space<vmem>>[vector<16xi32>, vector<16xi32>], vector<16xf32>,
        %gather3A_1004 = tpu.vector_load_idx %arg19[%add3A_1002, %sub3A_263] : memref<128x8xf32, #tpu.memory_space<vmem>>[vector<16xi32>, vector<16xi32>], vector<16xf32>,
        %add3A_1005 = arith.constant 4 : i32
        %add3A_1006 = vector.broadcast %add3A_1005 : i32 to vector<16xi32>
        %add3A_1007 = arith.addi %sub3A_263, %add3A_1006 : vector<16xi32>
        %gather3A_1008 = tpu.vector_load_idx %arg19[%add3A_1002, %add3A_1007] : memref<128x8xf32, #tpu.memory_space<vmem>>[vector<16xi32>, vector<16xi32>], vector<16xf32>,
        %gather3A_1009 = tpu.vector_load_idx %arg16[%broadcast_in_dim3A_372, %add3A_1002] : memref<16x128xf32, #tpu.memory_space<vmem>>[vector<16xi32>, vector<16xi32>], vector<16xf32>,
        %add3A_1010 = arith.addf %gather3A_1003, %gather3A_1004 : vector<16xf32>
        %mul3A_1011 = arith.constant 1.000000e-01 : f32
        %mul3A_1012 = vector.broadcast %mul3A_1011 : f32 to vector<16xf32>
        %mul3A_1013 = arith.mulf %mul3A_1012, %add3A_1010 : vector<16xf32>
        %max3A_1014 = arith.maximumf %add3A_1010, %mul3A_1013 : vector<16xf32>
        %sub3A_1015 = arith.subf %max3A_1014, %gather3A_1008 : vector<16xf32>
        %exp3A_1016 = math.exp %sub3A_1015 : vector<16xf32>
        %add3A_1017 = arith.constant 64 : i32
        %add3A_1018 = vector.broadcast %add3A_1017 : i32 to vector<16xi32>
        %add3A_1019 = arith.addi %sub3A_263, %add3A_1018 : vector<16xi32>
        tpu.vector_store_idx %arg21[%add3A_1002, %add3A_1019], %exp3A_1016 : memref<128x72xf32, #tpu.memory_space<vmem>>[vector<16xi32>, vector<16xi32>], vector<16xf32>,
        %mul3A_1020 = arith.mulf %exp3A_1016, %gather3A_1009 : vector<16xf32>
        tpu.vector_store_idx %arg20[%add3A_1002, %sub3A_263], %mul3A_1020 : memref<128x4xf32, #tpu.memory_space<vmem>>[vector<16xi32>, vector<16xi32>], vector<16xf32>,
        %add3A_1021 = arith.constant 124 : i32
        %add3A_1022 = vector.broadcast %add3A_1021 : i32 to vector<16xi32>
        %add3A_1023 = arith.addi %select_n3A, %add3A_1022 : vector<16xi32>
        %gather3A_1024 = tpu.vector_load_idx %arg18[%add3A_1023, %sub3A_263] : memref<128x8xf32, #tpu.memory_space<vmem>>[vector<16xi32>, vector<16xi32>], vector<16xf32>,
        %gather3A_1025 = tpu.vector_load_idx %arg19[%add3A_1023, %sub3A_263] : memref<128x8xf32, #tpu.memory_space<vmem>>[vector<16xi32>, vector<16xi32>], vector<16xf32>,
        %add3A_1026 = arith.constant 4 : i32
        %add3A_1027 = vector.broadcast %add3A_1026 : i32 to vector<16xi32>
        %add3A_1028 = arith.addi %sub3A_263, %add3A_1027 : vector<16xi32>
        %gather3A_1029 = tpu.vector_load_idx %arg19[%add3A_1023, %add3A_1028] : memref<128x8xf32, #tpu.memory_space<vmem>>[vector<16xi32>, vector<16xi32>], vector<16xf32>,
        %gather3A_1030 = tpu.vector_load_idx %arg16[%broadcast_in_dim3A_372, %add3A_1023] : memref<16x128xf32, #tpu.memory_space<vmem>>[vector<16xi32>, vector<16xi32>], vector<16xf32>,
        %add3A_1031 = arith.addf %gather3A_1024, %gather3A_1025 : vector<16xf32>
        %mul3A_1032 = arith.constant 1.000000e-01 : f32
        %mul3A_1033 = vector.broadcast %mul3A_1032 : f32 to vector<16xf32>
        %mul3A_1034 = arith.mulf %mul3A_1033, %add3A_1031 : vector<16xf32>
        %max3A_1035 = arith.maximumf %add3A_1031, %mul3A_1034 : vector<16xf32>
        %sub3A_1036 = arith.subf %max3A_1035, %gather3A_1029 : vector<16xf32>
        %exp3A_1037 = math.exp %sub3A_1036 : vector<16xf32>
        %add3A_1038 = arith.constant 64 : i32
        %add3A_1039 = vector.broadcast %add3A_1038 : i32 to vector<16xi32>
        %add3A_1040 = arith.addi %sub3A_263, %add3A_1039 : vector<16xi32>
        tpu.vector_store_idx %arg21[%add3A_1023, %add3A_1040], %exp3A_1037 : memref<128x72xf32, #tpu.memory_space<vmem>>[vector<16xi32>, vector<16xi32>], vector<16xf32>,
        %mul3A_1041 = arith.mulf %exp3A_1037, %gather3A_1030 : vector<16xf32>
        tpu.vector_store_idx %arg20[%add3A_1023, %sub3A_263], %mul3A_1041 : memref<128x4xf32, #tpu.memory_space<vmem>>[vector<16xi32>, vector<16xi32>], vector<16xf32>,
        %scan3A_1042 = arith.constant 0 : i32
        %scan3A_1043 = arith.constant 0 : i32
        %scan3A_1044 = arith.constant 8 : i32
        %scan3A_1045 = arith.addi %scan3A_1043, %scan3A_1044 : i32
        %scan3A_1046 = arith.constant 1 : i32
        scf.for %scan3A_1048 = %scan3A_1043 to %scan3A_1045 step %scan3A_1046  : i32 {
          %mul3A_1049 = arith.constant 16 : i32
          %mul3A_1050 = arith.muli %scan3A_1048, %mul3A_1049 : i32
          %add3A_1051 = vector.broadcast %mul3A_1050 : i32 to vector<16xi32>
          %add3A_1052 = arith.addi %iota3A, %add3A_1051 : vector<16xi32>
          %broadcast_in_dim3A_1053 = arith.constant 0 : i32
          %broadcast_in_dim3A_1054 = vector.broadcast %broadcast_in_dim3A_1053 : i32 to vector<16xi32>
          %gather3A_1055 = tpu.vector_load_idx %arg20[%add3A_1052, %broadcast_in_dim3A_1054] : memref<128x4xf32, #tpu.memory_space<vmem>>[vector<16xi32>, vector<16xi32>], vector<16xf32>,
          %broadcast_in_dim3A_1056 = arith.constant 0 : i32
          %broadcast_in_dim3A_1057 = vector.broadcast %broadcast_in_dim3A_1056 : i32 to vector<16xi32>
          %gather3A_1058 = tpu.vector_load_idx %arg17[%add3A_1052, %broadcast_in_dim3A_1057] : memref<128x64xf32, #tpu.memory_space<vmem>>[vector<16xi32>, vector<16xi32>], vector<16xf32>,
          %mul3A_1059 = arith.mulf %gather3A_1058, %gather3A_1055 : vector<16xf32>
          tpu.vector_store_idx %arg21[%add3A_1052, %broadcast_in_dim3A_1057], %mul3A_1059 : memref<128x72xf32, #tpu.memory_space<vmem>>[vector<16xi32>, vector<16xi32>], vector<16xf32>,
          %broadcast_in_dim3A_1060 = arith.constant 1 : i32
          %broadcast_in_dim3A_1061 = vector.broadcast %broadcast_in_dim3A_1060 : i32 to vector<16xi32>
          %gather3A_1062 = tpu.vector_load_idx %arg17[%add3A_1052, %broadcast_in_dim3A_1061] : memref<128x64xf32, #tpu.memory_space<vmem>>[vector<16xi32>, vector<16xi32>], vector<16xf32>,
          %mul3A_1063 = arith.mulf %gather3A_1062, %gather3A_1055 : vector<16xf32>
          tpu.vector_store_idx %arg21[%add3A_1052, %broadcast_in_dim3A_1061], %mul3A_1063 : memref<128x72xf32, #tpu.memory_space<vmem>>[vector<16xi32>, vector<16xi32>], vector<16xf32>,
          %broadcast_in_dim3A_1064 = arith.constant 2 : i32
          %broadcast_in_dim3A_1065 = vector.broadcast %broadcast_in_dim3A_1064 : i32 to vector<16xi32>
          %gather3A_1066 = tpu.vector_load_idx %arg17[%add3A_1052, %broadcast_in_dim3A_1065] : memref<128x64xf32, #tpu.memory_space<vmem>>[vector<16xi32>, vector<16xi32>], vector<16xf32>,
          %mul3A_1067 = arith.mulf %gather3A_1066, %gather3A_1055 : vector<16xf32>
          tpu.vector_store_idx %arg21[%add3A_1052, %broadcast_in_dim3A_1065], %mul3A_1067 : memref<128x72xf32, #tpu.memory_space<vmem>>[vector<16xi32>, vector<16xi32>], vector<16xf32>,
          %broadcast_in_dim3A_1068 = arith.constant 3 : i32
          %broadcast_in_dim3A_1069 = vector.broadcast %broadcast_in_dim3A_1068 : i32 to vector<16xi32>
          %gather3A_1070 = tpu.vector_load_idx %arg17[%add3A_1052, %broadcast_in_dim3A_1069] : memref<128x64xf32, #tpu.memory_space<vmem>>[vector<16xi32>, vector<16xi32>], vector<16xf32>,
          %mul3A_1071 = arith.mulf %gather3A_1070, %gather3A_1055 : vector<16xf32>
          tpu.vector_store_idx %arg21[%add3A_1052, %broadcast_in_dim3A_1069], %mul3A_1071 : memref<128x72xf32, #tpu.memory_space<vmem>>[vector<16xi32>, vector<16xi32>], vector<16xf32>,
          %broadcast_in_dim3A_1072 = arith.constant 4 : i32
          %broadcast_in_dim3A_1073 = vector.broadcast %broadcast_in_dim3A_1072 : i32 to vector<16xi32>
          %gather3A_1074 = tpu.vector_load_idx %arg17[%add3A_1052, %broadcast_in_dim3A_1073] : memref<128x64xf32, #tpu.memory_space<vmem>>[vector<16xi32>, vector<16xi32>], vector<16xf32>,
          %mul3A_1075 = arith.mulf %gather3A_1074, %gather3A_1055 : vector<16xf32>
          tpu.vector_store_idx %arg21[%add3A_1052, %broadcast_in_dim3A_1073], %mul3A_1075 : memref<128x72xf32, #tpu.memory_space<vmem>>[vector<16xi32>, vector<16xi32>], vector<16xf32>,
          %broadcast_in_dim3A_1076 = arith.constant 5 : i32
          %broadcast_in_dim3A_1077 = vector.broadcast %broadcast_in_dim3A_1076 : i32 to vector<16xi32>
          %gather3A_1078 = tpu.vector_load_idx %arg17[%add3A_1052, %broadcast_in_dim3A_1077] : memref<128x64xf32, #tpu.memory_space<vmem>>[vector<16xi32>, vector<16xi32>], vector<16xf32>,
          %mul3A_1079 = arith.mulf %gather3A_1078, %gather3A_1055 : vector<16xf32>
          tpu.vector_store_idx %arg21[%add3A_1052, %broadcast_in_dim3A_1077], %mul3A_1079 : memref<128x72xf32, #tpu.memory_space<vmem>>[vector<16xi32>, vector<16xi32>], vector<16xf32>,
          %broadcast_in_dim3A_1080 = arith.constant 6 : i32
          %broadcast_in_dim3A_1081 = vector.broadcast %broadcast_in_dim3A_1080 : i32 to vector<16xi32>
          %gather3A_1082 = tpu.vector_load_idx %arg17[%add3A_1052, %broadcast_in_dim3A_1081] : memref<128x64xf32, #tpu.memory_space<vmem>>[vector<16xi32>, vector<16xi32>], vector<16xf32>,
          %mul3A_1083 = arith.mulf %gather3A_1082, %gather3A_1055 : vector<16xf32>
          tpu.vector_store_idx %arg21[%add3A_1052, %broadcast_in_dim3A_1081], %mul3A_1083 : memref<128x72xf32, #tpu.memory_space<vmem>>[vector<16xi32>, vector<16xi32>], vector<16xf32>,
          %broadcast_in_dim3A_1084 = arith.constant 7 : i32
          %broadcast_in_dim3A_1085 = vector.broadcast %broadcast_in_dim3A_1084 : i32 to vector<16xi32>
          %gather3A_1086 = tpu.vector_load_idx %arg17[%add3A_1052, %broadcast_in_dim3A_1085] : memref<128x64xf32, #tpu.memory_space<vmem>>[vector<16xi32>, vector<16xi32>], vector<16xf32>,
          %mul3A_1087 = arith.mulf %gather3A_1086, %gather3A_1055 : vector<16xf32>
          tpu.vector_store_idx %arg21[%add3A_1052, %broadcast_in_dim3A_1085], %mul3A_1087 : memref<128x72xf32, #tpu.memory_space<vmem>>[vector<16xi32>, vector<16xi32>], vector<16xf32>,
          %broadcast_in_dim3A_1088 = arith.constant 8 : i32
          %broadcast_in_dim3A_1089 = vector.broadcast %broadcast_in_dim3A_1088 : i32 to vector<16xi32>
          %gather3A_1090 = tpu.vector_load_idx %arg17[%add3A_1052, %broadcast_in_dim3A_1089] : memref<128x64xf32, #tpu.memory_space<vmem>>[vector<16xi32>, vector<16xi32>], vector<16xf32>,
          %mul3A_1091 = arith.mulf %gather3A_1090, %gather3A_1055 : vector<16xf32>
          tpu.vector_store_idx %arg21[%add3A_1052, %broadcast_in_dim3A_1089], %mul3A_1091 : memref<128x72xf32, #tpu.memory_space<vmem>>[vector<16xi32>, vector<16xi32>], vector<16xf32>,
          %broadcast_in_dim3A_1092 = arith.constant 9 : i32
          %broadcast_in_dim3A_1093 = vector.broadcast %broadcast_in_dim3A_1092 : i32 to vector<16xi32>
          %gather3A_1094 = tpu.vector_load_idx %arg17[%add3A_1052, %broadcast_in_dim3A_1093] : memref<128x64xf32, #tpu.memory_space<vmem>>[vector<16xi32>, vector<16xi32>], vector<16xf32>,
          %mul3A_1095 = arith.mulf %gather3A_1094, %gather3A_1055 : vector<16xf32>
          tpu.vector_store_idx %arg21[%add3A_1052, %broadcast_in_dim3A_1093], %mul3A_1095 : memref<128x72xf32, #tpu.memory_space<vmem>>[vector<16xi32>, vector<16xi32>], vector<16xf32>,
          %broadcast_in_dim3A_1096 = arith.constant 10 : i32
          %broadcast_in_dim3A_1097 = vector.broadcast %broadcast_in_dim3A_1096 : i32 to vector<16xi32>
          %gather3A_1098 = tpu.vector_load_idx %arg17[%add3A_1052, %broadcast_in_dim3A_1097] : memref<128x64xf32, #tpu.memory_space<vmem>>[vector<16xi32>, vector<16xi32>], vector<16xf32>,
          %mul3A_1099 = arith.mulf %gather3A_1098, %gather3A_1055 : vector<16xf32>
          tpu.vector_store_idx %arg21[%add3A_1052, %broadcast_in_dim3A_1097], %mul3A_1099 : memref<128x72xf32, #tpu.memory_space<vmem>>[vector<16xi32>, vector<16xi32>], vector<16xf32>,
          %broadcast_in_dim3A_1100 = arith.constant 11 : i32
          %broadcast_in_dim3A_1101 = vector.broadcast %broadcast_in_dim3A_1100 : i32 to vector<16xi32>
          %gather3A_1102 = tpu.vector_load_idx %arg17[%add3A_1052, %broadcast_in_dim3A_1101] : memref<128x64xf32, #tpu.memory_space<vmem>>[vector<16xi32>, vector<16xi32>], vector<16xf32>,
          %mul3A_1103 = arith.mulf %gather3A_1102, %gather3A_1055 : vector<16xf32>
          tpu.vector_store_idx %arg21[%add3A_1052, %broadcast_in_dim3A_1101], %mul3A_1103 : memref<128x72xf32, #tpu.memory_space<vmem>>[vector<16xi32>, vector<16xi32>], vector<16xf32>,
          %broadcast_in_dim3A_1104 = arith.constant 12 : i32
          %broadcast_in_dim3A_1105 = vector.broadcast %broadcast_in_dim3A_1104 : i32 to vector<16xi32>
          %gather3A_1106 = tpu.vector_load_idx %arg17[%add3A_1052, %broadcast_in_dim3A_1105] : memref<128x64xf32, #tpu.memory_space<vmem>>[vector<16xi32>, vector<16xi32>], vector<16xf32>,
          %mul3A_1107 = arith.mulf %gather3A_1106, %gather3A_1055 : vector<16xf32>
          tpu.vector_store_idx %arg21[%add3A_1052, %broadcast_in_dim3A_1105], %mul3A_1107 : memref<128x72xf32, #tpu.memory_space<vmem>>[vector<16xi32>, vector<16xi32>], vector<16xf32>,
          %broadcast_in_dim3A_1108 = arith.constant 13 : i32
          %broadcast_in_dim3A_1109 = vector.broadcast %broadcast_in_dim3A_1108 : i32 to vector<16xi32>
          %gather3A_1110 = tpu.vector_load_idx %arg17[%add3A_1052, %broadcast_in_dim3A_1109] : memref<128x64xf32, #tpu.memory_space<vmem>>[vector<16xi32>, vector<16xi32>], vector<16xf32>,
          %mul3A_1111 = arith.mulf %gather3A_1110, %gather3A_1055 : vector<16xf32>
          tpu.vector_store_idx %arg21[%add3A_1052, %broadcast_in_dim3A_1109], %mul3A_1111 : memref<128x72xf32, #tpu.memory_space<vmem>>[vector<16xi32>, vector<16xi32>], vector<16xf32>,
          %broadcast_in_dim3A_1112 = arith.constant 14 : i32
          %broadcast_in_dim3A_1113 = vector.broadcast %broadcast_in_dim3A_1112 : i32 to vector<16xi32>
          %gather3A_1114 = tpu.vector_load_idx %arg17[%add3A_1052, %broadcast_in_dim3A_1113] : memref<128x64xf32, #tpu.memory_space<vmem>>[vector<16xi32>, vector<16xi32>], vector<16xf32>,
          %mul3A_1115 = arith.mulf %gather3A_1114, %gather3A_1055 : vector<16xf32>
          tpu.vector_store_idx %arg21[%add3A_1052, %broadcast_in_dim3A_1113], %mul3A_1115 : memref<128x72xf32, #tpu.memory_space<vmem>>[vector<16xi32>, vector<16xi32>], vector<16xf32>,
          %broadcast_in_dim3A_1116 = arith.constant 15 : i32
          %broadcast_in_dim3A_1117 = vector.broadcast %broadcast_in_dim3A_1116 : i32 to vector<16xi32>
          %gather3A_1118 = tpu.vector_load_idx %arg17[%add3A_1052, %broadcast_in_dim3A_1117] : memref<128x64xf32, #tpu.memory_space<vmem>>[vector<16xi32>, vector<16xi32>], vector<16xf32>,
          %mul3A_1119 = arith.mulf %gather3A_1118, %gather3A_1055 : vector<16xf32>
          tpu.vector_store_idx %arg21[%add3A_1052, %broadcast_in_dim3A_1117], %mul3A_1119 : memref<128x72xf32, #tpu.memory_space<vmem>>[vector<16xi32>, vector<16xi32>], vector<16xf32>,
          %broadcast_in_dim3A_1120 = arith.constant 1 : i32
          %broadcast_in_dim3A_1121 = vector.broadcast %broadcast_in_dim3A_1120 : i32 to vector<16xi32>
          %gather3A_1122 = tpu.vector_load_idx %arg20[%add3A_1052, %broadcast_in_dim3A_1121] : memref<128x4xf32, #tpu.memory_space<vmem>>[vector<16xi32>, vector<16xi32>], vector<16xf32>,
          %broadcast_in_dim3A_1123 = arith.constant 16 : i32
          %broadcast_in_dim3A_1124 = vector.broadcast %broadcast_in_dim3A_1123 : i32 to vector<16xi32>
          %gather3A_1125 = tpu.vector_load_idx %arg17[%add3A_1052, %broadcast_in_dim3A_1124] : memref<128x64xf32, #tpu.memory_space<vmem>>[vector<16xi32>, vector<16xi32>], vector<16xf32>,
          %mul3A_1126 = arith.mulf %gather3A_1125, %gather3A_1122 : vector<16xf32>
          tpu.vector_store_idx %arg21[%add3A_1052, %broadcast_in_dim3A_1124], %mul3A_1126 : memref<128x72xf32, #tpu.memory_space<vmem>>[vector<16xi32>, vector<16xi32>], vector<16xf32>,
          %broadcast_in_dim3A_1127 = arith.constant 17 : i32
          %broadcast_in_dim3A_1128 = vector.broadcast %broadcast_in_dim3A_1127 : i32 to vector<16xi32>
          %gather3A_1129 = tpu.vector_load_idx %arg17[%add3A_1052, %broadcast_in_dim3A_1128] : memref<128x64xf32, #tpu.memory_space<vmem>>[vector<16xi32>, vector<16xi32>], vector<16xf32>,
          %mul3A_1130 = arith.mulf %gather3A_1129, %gather3A_1122 : vector<16xf32>
          tpu.vector_store_idx %arg21[%add3A_1052, %broadcast_in_dim3A_1128], %mul3A_1130 : memref<128x72xf32, #tpu.memory_space<vmem>>[vector<16xi32>, vector<16xi32>], vector<16xf32>,
          %broadcast_in_dim3A_1131 = arith.constant 18 : i32
          %broadcast_in_dim3A_1132 = vector.broadcast %broadcast_in_dim3A_1131 : i32 to vector<16xi32>
          %gather3A_1133 = tpu.vector_load_idx %arg17[%add3A_1052, %broadcast_in_dim3A_1132] : memref<128x64xf32, #tpu.memory_space<vmem>>[vector<16xi32>, vector<16xi32>], vector<16xf32>,
          %mul3A_1134 = arith.mulf %gather3A_1133, %gather3A_1122 : vector<16xf32>
          tpu.vector_store_idx %arg21[%add3A_1052, %broadcast_in_dim3A_1132], %mul3A_1134 : memref<128x72xf32, #tpu.memory_space<vmem>>[vector<16xi32>, vector<16xi32>], vector<16xf32>,
          %broadcast_in_dim3A_1135 = arith.constant 19 : i32
          %broadcast_in_dim3A_1136 = vector.broadcast %broadcast_in_dim3A_1135 : i32 to vector<16xi32>
          %gather3A_1137 = tpu.vector_load_idx %arg17[%add3A_1052, %broadcast_in_dim3A_1136] : memref<128x64xf32, #tpu.memory_space<vmem>>[vector<16xi32>, vector<16xi32>], vector<16xf32>,
          %mul3A_1138 = arith.mulf %gather3A_1137, %gather3A_1122 : vector<16xf32>
          tpu.vector_store_idx %arg21[%add3A_1052, %broadcast_in_dim3A_1136], %mul3A_1138 : memref<128x72xf32, #tpu.memory_space<vmem>>[vector<16xi32>, vector<16xi32>], vector<16xf32>,
          %broadcast_in_dim3A_1139 = arith.constant 20 : i32
          %broadcast_in_dim3A_1140 = vector.broadcast %broadcast_in_dim3A_1139 : i32 to vector<16xi32>
          %gather3A_1141 = tpu.vector_load_idx %arg17[%add3A_1052, %broadcast_in_dim3A_1140] : memref<128x64xf32, #tpu.memory_space<vmem>>[vector<16xi32>, vector<16xi32>], vector<16xf32>,
          %mul3A_1142 = arith.mulf %gather3A_1141, %gather3A_1122 : vector<16xf32>
          tpu.vector_store_idx %arg21[%add3A_1052, %broadcast_in_dim3A_1140], %mul3A_1142 : memref<128x72xf32, #tpu.memory_space<vmem>>[vector<16xi32>, vector<16xi32>], vector<16xf32>,
          %broadcast_in_dim3A_1143 = arith.constant 21 : i32
          %broadcast_in_dim3A_1144 = vector.broadcast %broadcast_in_dim3A_1143 : i32 to vector<16xi32>
          %gather3A_1145 = tpu.vector_load_idx %arg17[%add3A_1052, %broadcast_in_dim3A_1144] : memref<128x64xf32, #tpu.memory_space<vmem>>[vector<16xi32>, vector<16xi32>], vector<16xf32>,
          %mul3A_1146 = arith.mulf %gather3A_1145, %gather3A_1122 : vector<16xf32>
          tpu.vector_store_idx %arg21[%add3A_1052, %broadcast_in_dim3A_1144], %mul3A_1146 : memref<128x72xf32, #tpu.memory_space<vmem>>[vector<16xi32>, vector<16xi32>], vector<16xf32>,
          %broadcast_in_dim3A_1147 = arith.constant 22 : i32
          %broadcast_in_dim3A_1148 = vector.broadcast %broadcast_in_dim3A_1147 : i32 to vector<16xi32>
          %gather3A_1149 = tpu.vector_load_idx %arg17[%add3A_1052, %broadcast_in_dim3A_1148] : memref<128x64xf32, #tpu.memory_space<vmem>>[vector<16xi32>, vector<16xi32>], vector<16xf32>,
          %mul3A_1150 = arith.mulf %gather3A_1149, %gather3A_1122 : vector<16xf32>
          tpu.vector_store_idx %arg21[%add3A_1052, %broadcast_in_dim3A_1148], %mul3A_1150 : memref<128x72xf32, #tpu.memory_space<vmem>>[vector<16xi32>, vector<16xi32>], vector<16xf32>,
          %broadcast_in_dim3A_1151 = arith.constant 23 : i32
          %broadcast_in_dim3A_1152 = vector.broadcast %broadcast_in_dim3A_1151 : i32 to vector<16xi32>
          %gather3A_1153 = tpu.vector_load_idx %arg17[%add3A_1052, %broadcast_in_dim3A_1152] : memref<128x64xf32, #tpu.memory_space<vmem>>[vector<16xi32>, vector<16xi32>], vector<16xf32>,
          %mul3A_1154 = arith.mulf %gather3A_1153, %gather3A_1122 : vector<16xf32>
          tpu.vector_store_idx %arg21[%add3A_1052, %broadcast_in_dim3A_1152], %mul3A_1154 : memref<128x72xf32, #tpu.memory_space<vmem>>[vector<16xi32>, vector<16xi32>], vector<16xf32>,
          %broadcast_in_dim3A_1155 = arith.constant 24 : i32
          %broadcast_in_dim3A_1156 = vector.broadcast %broadcast_in_dim3A_1155 : i32 to vector<16xi32>
          %gather3A_1157 = tpu.vector_load_idx %arg17[%add3A_1052, %broadcast_in_dim3A_1156] : memref<128x64xf32, #tpu.memory_space<vmem>>[vector<16xi32>, vector<16xi32>], vector<16xf32>,
          %mul3A_1158 = arith.mulf %gather3A_1157, %gather3A_1122 : vector<16xf32>
          tpu.vector_store_idx %arg21[%add3A_1052, %broadcast_in_dim3A_1156], %mul3A_1158 : memref<128x72xf32, #tpu.memory_space<vmem>>[vector<16xi32>, vector<16xi32>], vector<16xf32>,
          %broadcast_in_dim3A_1159 = arith.constant 25 : i32
          %broadcast_in_dim3A_1160 = vector.broadcast %broadcast_in_dim3A_1159 : i32 to vector<16xi32>
          %gather3A_1161 = tpu.vector_load_idx %arg17[%add3A_1052, %broadcast_in_dim3A_1160] : memref<128x64xf32, #tpu.memory_space<vmem>>[vector<16xi32>, vector<16xi32>], vector<16xf32>,
          %mul3A_1162 = arith.mulf %gather3A_1161, %gather3A_1122 : vector<16xf32>
          tpu.vector_store_idx %arg21[%add3A_1052, %broadcast_in_dim3A_1160], %mul3A_1162 : memref<128x72xf32, #tpu.memory_space<vmem>>[vector<16xi32>, vector<16xi32>], vector<16xf32>,
          %broadcast_in_dim3A_1163 = arith.constant 26 : i32
          %broadcast_in_dim3A_1164 = vector.broadcast %broadcast_in_dim3A_1163 : i32 to vector<16xi32>
          %gather3A_1165 = tpu.vector_load_idx %arg17[%add3A_1052, %broadcast_in_dim3A_1164] : memref<128x64xf32, #tpu.memory_space<vmem>>[vector<16xi32>, vector<16xi32>], vector<16xf32>,
          %mul3A_1166 = arith.mulf %gather3A_1165, %gather3A_1122 : vector<16xf32>
          tpu.vector_store_idx %arg21[%add3A_1052, %broadcast_in_dim3A_1164], %mul3A_1166 : memref<128x72xf32, #tpu.memory_space<vmem>>[vector<16xi32>, vector<16xi32>], vector<16xf32>,
          %broadcast_in_dim3A_1167 = arith.constant 27 : i32
          %broadcast_in_dim3A_1168 = vector.broadcast %broadcast_in_dim3A_1167 : i32 to vector<16xi32>
          %gather3A_1169 = tpu.vector_load_idx %arg17[%add3A_1052, %broadcast_in_dim3A_1168] : memref<128x64xf32, #tpu.memory_space<vmem>>[vector<16xi32>, vector<16xi32>], vector<16xf32>,
          %mul3A_1170 = arith.mulf %gather3A_1169, %gather3A_1122 : vector<16xf32>
          tpu.vector_store_idx %arg21[%add3A_1052, %broadcast_in_dim3A_1168], %mul3A_1170 : memref<128x72xf32, #tpu.memory_space<vmem>>[vector<16xi32>, vector<16xi32>], vector<16xf32>,
          %broadcast_in_dim3A_1171 = arith.constant 28 : i32
          %broadcast_in_dim3A_1172 = vector.broadcast %broadcast_in_dim3A_1171 : i32 to vector<16xi32>
          %gather3A_1173 = tpu.vector_load_idx %arg17[%add3A_1052, %broadcast_in_dim3A_1172] : memref<128x64xf32, #tpu.memory_space<vmem>>[vector<16xi32>, vector<16xi32>], vector<16xf32>,
          %mul3A_1174 = arith.mulf %gather3A_1173, %gather3A_1122 : vector<16xf32>
          tpu.vector_store_idx %arg21[%add3A_1052, %broadcast_in_dim3A_1172], %mul3A_1174 : memref<128x72xf32, #tpu.memory_space<vmem>>[vector<16xi32>, vector<16xi32>], vector<16xf32>,
          %broadcast_in_dim3A_1175 = arith.constant 29 : i32
          %broadcast_in_dim3A_1176 = vector.broadcast %broadcast_in_dim3A_1175 : i32 to vector<16xi32>
          %gather3A_1177 = tpu.vector_load_idx %arg17[%add3A_1052, %broadcast_in_dim3A_1176] : memref<128x64xf32, #tpu.memory_space<vmem>>[vector<16xi32>, vector<16xi32>], vector<16xf32>,
          %mul3A_1178 = arith.mulf %gather3A_1177, %gather3A_1122 : vector<16xf32>
          tpu.vector_store_idx %arg21[%add3A_1052, %broadcast_in_dim3A_1176], %mul3A_1178 : memref<128x72xf32, #tpu.memory_space<vmem>>[vector<16xi32>, vector<16xi32>], vector<16xf32>,
          %broadcast_in_dim3A_1179 = arith.constant 30 : i32
          %broadcast_in_dim3A_1180 = vector.broadcast %broadcast_in_dim3A_1179 : i32 to vector<16xi32>
          %gather3A_1181 = tpu.vector_load_idx %arg17[%add3A_1052, %broadcast_in_dim3A_1180] : memref<128x64xf32, #tpu.memory_space<vmem>>[vector<16xi32>, vector<16xi32>], vector<16xf32>,
          %mul3A_1182 = arith.mulf %gather3A_1181, %gather3A_1122 : vector<16xf32>
          tpu.vector_store_idx %arg21[%add3A_1052, %broadcast_in_dim3A_1180], %mul3A_1182 : memref<128x72xf32, #tpu.memory_space<vmem>>[vector<16xi32>, vector<16xi32>], vector<16xf32>,
          %broadcast_in_dim3A_1183 = arith.constant 31 : i32
          %broadcast_in_dim3A_1184 = vector.broadcast %broadcast_in_dim3A_1183 : i32 to vector<16xi32>
          %gather3A_1185 = tpu.vector_load_idx %arg17[%add3A_1052, %broadcast_in_dim3A_1184] : memref<128x64xf32, #tpu.memory_space<vmem>>[vector<16xi32>, vector<16xi32>], vector<16xf32>,
          %mul3A_1186 = arith.mulf %gather3A_1185, %gather3A_1122 : vector<16xf32>
          tpu.vector_store_idx %arg21[%add3A_1052, %broadcast_in_dim3A_1184], %mul3A_1186 : memref<128x72xf32, #tpu.memory_space<vmem>>[vector<16xi32>, vector<16xi32>], vector<16xf32>,
          %broadcast_in_dim3A_1187 = arith.constant 2 : i32
          %broadcast_in_dim3A_1188 = vector.broadcast %broadcast_in_dim3A_1187 : i32 to vector<16xi32>
          %gather3A_1189 = tpu.vector_load_idx %arg20[%add3A_1052, %broadcast_in_dim3A_1188] : memref<128x4xf32, #tpu.memory_space<vmem>>[vector<16xi32>, vector<16xi32>], vector<16xf32>,
          %broadcast_in_dim3A_1190 = arith.constant 32 : i32
          %broadcast_in_dim3A_1191 = vector.broadcast %broadcast_in_dim3A_1190 : i32 to vector<16xi32>
          %gather3A_1192 = tpu.vector_load_idx %arg17[%add3A_1052, %broadcast_in_dim3A_1191] : memref<128x64xf32, #tpu.memory_space<vmem>>[vector<16xi32>, vector<16xi32>], vector<16xf32>,
          %mul3A_1193 = arith.mulf %gather3A_1192, %gather3A_1189 : vector<16xf32>
          tpu.vector_store_idx %arg21[%add3A_1052, %broadcast_in_dim3A_1191], %mul3A_1193 : memref<128x72xf32, #tpu.memory_space<vmem>>[vector<16xi32>, vector<16xi32>], vector<16xf32>,
          %broadcast_in_dim3A_1194 = arith.constant 33 : i32
          %broadcast_in_dim3A_1195 = vector.broadcast %broadcast_in_dim3A_1194 : i32 to vector<16xi32>
          %gather3A_1196 = tpu.vector_load_idx %arg17[%add3A_1052, %broadcast_in_dim3A_1195] : memref<128x64xf32, #tpu.memory_space<vmem>>[vector<16xi32>, vector<16xi32>], vector<16xf32>,
          %mul3A_1197 = arith.mulf %gather3A_1196, %gather3A_1189 : vector<16xf32>
          tpu.vector_store_idx %arg21[%add3A_1052, %broadcast_in_dim3A_1195], %mul3A_1197 : memref<128x72xf32, #tpu.memory_space<vmem>>[vector<16xi32>, vector<16xi32>], vector<16xf32>,
          %broadcast_in_dim3A_1198 = arith.constant 34 : i32
          %broadcast_in_dim3A_1199 = vector.broadcast %broadcast_in_dim3A_1198 : i32 to vector<16xi32>
          %gather3A_1200 = tpu.vector_load_idx %arg17[%add3A_1052, %broadcast_in_dim3A_1199] : memref<128x64xf32, #tpu.memory_space<vmem>>[vector<16xi32>, vector<16xi32>], vector<16xf32>,
          %mul3A_1201 = arith.mulf %gather3A_1200, %gather3A_1189 : vector<16xf32>
          tpu.vector_store_idx %arg21[%add3A_1052, %broadcast_in_dim3A_1199], %mul3A_1201 : memref<128x72xf32, #tpu.memory_space<vmem>>[vector<16xi32>, vector<16xi32>], vector<16xf32>,
          %broadcast_in_dim3A_1202 = arith.constant 35 : i32
          %broadcast_in_dim3A_1203 = vector.broadcast %broadcast_in_dim3A_1202 : i32 to vector<16xi32>
          %gather3A_1204 = tpu.vector_load_idx %arg17[%add3A_1052, %broadcast_in_dim3A_1203] : memref<128x64xf32, #tpu.memory_space<vmem>>[vector<16xi32>, vector<16xi32>], vector<16xf32>,
          %mul3A_1205 = arith.mulf %gather3A_1204, %gather3A_1189 : vector<16xf32>
          tpu.vector_store_idx %arg21[%add3A_1052, %broadcast_in_dim3A_1203], %mul3A_1205 : memref<128x72xf32, #tpu.memory_space<vmem>>[vector<16xi32>, vector<16xi32>], vector<16xf32>,
          %broadcast_in_dim3A_1206 = arith.constant 36 : i32
          %broadcast_in_dim3A_1207 = vector.broadcast %broadcast_in_dim3A_1206 : i32 to vector<16xi32>
          %gather3A_1208 = tpu.vector_load_idx %arg17[%add3A_1052, %broadcast_in_dim3A_1207] : memref<128x64xf32, #tpu.memory_space<vmem>>[vector<16xi32>, vector<16xi32>], vector<16xf32>,
          %mul3A_1209 = arith.mulf %gather3A_1208, %gather3A_1189 : vector<16xf32>
          tpu.vector_store_idx %arg21[%add3A_1052, %broadcast_in_dim3A_1207], %mul3A_1209 : memref<128x72xf32, #tpu.memory_space<vmem>>[vector<16xi32>, vector<16xi32>], vector<16xf32>,
          %broadcast_in_dim3A_1210 = arith.constant 37 : i32
          %broadcast_in_dim3A_1211 = vector.broadcast %broadcast_in_dim3A_1210 : i32 to vector<16xi32>
          %gather3A_1212 = tpu.vector_load_idx %arg17[%add3A_1052, %broadcast_in_dim3A_1211] : memref<128x64xf32, #tpu.memory_space<vmem>>[vector<16xi32>, vector<16xi32>], vector<16xf32>,
          %mul3A_1213 = arith.mulf %gather3A_1212, %gather3A_1189 : vector<16xf32>
          tpu.vector_store_idx %arg21[%add3A_1052, %broadcast_in_dim3A_1211], %mul3A_1213 : memref<128x72xf32, #tpu.memory_space<vmem>>[vector<16xi32>, vector<16xi32>], vector<16xf32>,
          %broadcast_in_dim3A_1214 = arith.constant 38 : i32
          %broadcast_in_dim3A_1215 = vector.broadcast %broadcast_in_dim3A_1214 : i32 to vector<16xi32>
          %gather3A_1216 = tpu.vector_load_idx %arg17[%add3A_1052, %broadcast_in_dim3A_1215] : memref<128x64xf32, #tpu.memory_space<vmem>>[vector<16xi32>, vector<16xi32>], vector<16xf32>,
          %mul3A_1217 = arith.mulf %gather3A_1216, %gather3A_1189 : vector<16xf32>
          tpu.vector_store_idx %arg21[%add3A_1052, %broadcast_in_dim3A_1215], %mul3A_1217 : memref<128x72xf32, #tpu.memory_space<vmem>>[vector<16xi32>, vector<16xi32>], vector<16xf32>,
          %broadcast_in_dim3A_1218 = arith.constant 39 : i32
          %broadcast_in_dim3A_1219 = vector.broadcast %broadcast_in_dim3A_1218 : i32 to vector<16xi32>
          %gather3A_1220 = tpu.vector_load_idx %arg17[%add3A_1052, %broadcast_in_dim3A_1219] : memref<128x64xf32, #tpu.memory_space<vmem>>[vector<16xi32>, vector<16xi32>], vector<16xf32>,
          %mul3A_1221 = arith.mulf %gather3A_1220, %gather3A_1189 : vector<16xf32>
          tpu.vector_store_idx %arg21[%add3A_1052, %broadcast_in_dim3A_1219], %mul3A_1221 : memref<128x72xf32, #tpu.memory_space<vmem>>[vector<16xi32>, vector<16xi32>], vector<16xf32>,
          %broadcast_in_dim3A_1222 = arith.constant 40 : i32
          %broadcast_in_dim3A_1223 = vector.broadcast %broadcast_in_dim3A_1222 : i32 to vector<16xi32>
          %gather3A_1224 = tpu.vector_load_idx %arg17[%add3A_1052, %broadcast_in_dim3A_1223] : memref<128x64xf32, #tpu.memory_space<vmem>>[vector<16xi32>, vector<16xi32>], vector<16xf32>,
          %mul3A_1225 = arith.mulf %gather3A_1224, %gather3A_1189 : vector<16xf32>
          tpu.vector_store_idx %arg21[%add3A_1052, %broadcast_in_dim3A_1223], %mul3A_1225 : memref<128x72xf32, #tpu.memory_space<vmem>>[vector<16xi32>, vector<16xi32>], vector<16xf32>,
          %broadcast_in_dim3A_1226 = arith.constant 41 : i32
          %broadcast_in_dim3A_1227 = vector.broadcast %broadcast_in_dim3A_1226 : i32 to vector<16xi32>
          %gather3A_1228 = tpu.vector_load_idx %arg17[%add3A_1052, %broadcast_in_dim3A_1227] : memref<128x64xf32, #tpu.memory_space<vmem>>[vector<16xi32>, vector<16xi32>], vector<16xf32>,
          %mul3A_1229 = arith.mulf %gather3A_1228, %gather3A_1189 : vector<16xf32>
          tpu.vector_store_idx %arg21[%add3A_1052, %broadcast_in_dim3A_1227], %mul3A_1229 : memref<128x72xf32, #tpu.memory_space<vmem>>[vector<16xi32>, vector<16xi32>], vector<16xf32>,
          %broadcast_in_dim3A_1230 = arith.constant 42 : i32
          %broadcast_in_dim3A_1231 = vector.broadcast %broadcast_in_dim3A_1230 : i32 to vector<16xi32>
          %gather3A_1232 = tpu.vector_load_idx %arg17[%add3A_1052, %broadcast_in_dim3A_1231] : memref<128x64xf32, #tpu.memory_space<vmem>>[vector<16xi32>, vector<16xi32>], vector<16xf32>,
          %mul3A_1233 = arith.mulf %gather3A_1232, %gather3A_1189 : vector<16xf32>
          tpu.vector_store_idx %arg21[%add3A_1052, %broadcast_in_dim3A_1231], %mul3A_1233 : memref<128x72xf32, #tpu.memory_space<vmem>>[vector<16xi32>, vector<16xi32>], vector<16xf32>,
          %broadcast_in_dim3A_1234 = arith.constant 43 : i32
          %broadcast_in_dim3A_1235 = vector.broadcast %broadcast_in_dim3A_1234 : i32 to vector<16xi32>
          %gather3A_1236 = tpu.vector_load_idx %arg17[%add3A_1052, %broadcast_in_dim3A_1235] : memref<128x64xf32, #tpu.memory_space<vmem>>[vector<16xi32>, vector<16xi32>], vector<16xf32>,
          %mul3A_1237 = arith.mulf %gather3A_1236, %gather3A_1189 : vector<16xf32>
          tpu.vector_store_idx %arg21[%add3A_1052, %broadcast_in_dim3A_1235], %mul3A_1237 : memref<128x72xf32, #tpu.memory_space<vmem>>[vector<16xi32>, vector<16xi32>], vector<16xf32>,
          %broadcast_in_dim3A_1238 = arith.constant 44 : i32
          %broadcast_in_dim3A_1239 = vector.broadcast %broadcast_in_dim3A_1238 : i32 to vector<16xi32>
          %gather3A_1240 = tpu.vector_load_idx %arg17[%add3A_1052, %broadcast_in_dim3A_1239] : memref<128x64xf32, #tpu.memory_space<vmem>>[vector<16xi32>, vector<16xi32>], vector<16xf32>,
          %mul3A_1241 = arith.mulf %gather3A_1240, %gather3A_1189 : vector<16xf32>
          tpu.vector_store_idx %arg21[%add3A_1052, %broadcast_in_dim3A_1239], %mul3A_1241 : memref<128x72xf32, #tpu.memory_space<vmem>>[vector<16xi32>, vector<16xi32>], vector<16xf32>,
          %broadcast_in_dim3A_1242 = arith.constant 45 : i32
          %broadcast_in_dim3A_1243 = vector.broadcast %broadcast_in_dim3A_1242 : i32 to vector<16xi32>
          %gather3A_1244 = tpu.vector_load_idx %arg17[%add3A_1052, %broadcast_in_dim3A_1243] : memref<128x64xf32, #tpu.memory_space<vmem>>[vector<16xi32>, vector<16xi32>], vector<16xf32>,
          %mul3A_1245 = arith.mulf %gather3A_1244, %gather3A_1189 : vector<16xf32>
          tpu.vector_store_idx %arg21[%add3A_1052, %broadcast_in_dim3A_1243], %mul3A_1245 : memref<128x72xf32, #tpu.memory_space<vmem>>[vector<16xi32>, vector<16xi32>], vector<16xf32>,
          %broadcast_in_dim3A_1246 = arith.constant 46 : i32
          %broadcast_in_dim3A_1247 = vector.broadcast %broadcast_in_dim3A_1246 : i32 to vector<16xi32>
          %gather3A_1248 = tpu.vector_load_idx %arg17[%add3A_1052, %broadcast_in_dim3A_1247] : memref<128x64xf32, #tpu.memory_space<vmem>>[vector<16xi32>, vector<16xi32>], vector<16xf32>,
          %mul3A_1249 = arith.mulf %gather3A_1248, %gather3A_1189 : vector<16xf32>
          tpu.vector_store_idx %arg21[%add3A_1052, %broadcast_in_dim3A_1247], %mul3A_1249 : memref<128x72xf32, #tpu.memory_space<vmem>>[vector<16xi32>, vector<16xi32>], vector<16xf32>,
          %broadcast_in_dim3A_1250 = arith.constant 47 : i32
          %broadcast_in_dim3A_1251 = vector.broadcast %broadcast_in_dim3A_1250 : i32 to vector<16xi32>
          %gather3A_1252 = tpu.vector_load_idx %arg17[%add3A_1052, %broadcast_in_dim3A_1251] : memref<128x64xf32, #tpu.memory_space<vmem>>[vector<16xi32>, vector<16xi32>], vector<16xf32>,
          %mul3A_1253 = arith.mulf %gather3A_1252, %gather3A_1189 : vector<16xf32>
          tpu.vector_store_idx %arg21[%add3A_1052, %broadcast_in_dim3A_1251], %mul3A_1253 : memref<128x72xf32, #tpu.memory_space<vmem>>[vector<16xi32>, vector<16xi32>], vector<16xf32>,
          %broadcast_in_dim3A_1254 = arith.constant 3 : i32
          %broadcast_in_dim3A_1255 = vector.broadcast %broadcast_in_dim3A_1254 : i32 to vector<16xi32>
          %gather3A_1256 = tpu.vector_load_idx %arg20[%add3A_1052, %broadcast_in_dim3A_1255] : memref<128x4xf32, #tpu.memory_space<vmem>>[vector<16xi32>, vector<16xi32>], vector<16xf32>,
          %broadcast_in_dim3A_1257 = arith.constant 48 : i32
          %broadcast_in_dim3A_1258 = vector.broadcast %broadcast_in_dim3A_1257 : i32 to vector<16xi32>
          %gather3A_1259 = tpu.vector_load_idx %arg17[%add3A_1052, %broadcast_in_dim3A_1258] : memref<128x64xf32, #tpu.memory_space<vmem>>[vector<16xi32>, vector<16xi32>], vector<16xf32>,
          %mul3A_1260 = arith.mulf %gather3A_1259, %gather3A_1256 : vector<16xf32>
          tpu.vector_store_idx %arg21[%add3A_1052, %broadcast_in_dim3A_1258], %mul3A_1260 : memref<128x72xf32, #tpu.memory_space<vmem>>[vector<16xi32>, vector<16xi32>], vector<16xf32>,
          %broadcast_in_dim3A_1261 = arith.constant 49 : i32
          %broadcast_in_dim3A_1262 = vector.broadcast %broadcast_in_dim3A_1261 : i32 to vector<16xi32>
          %gather3A_1263 = tpu.vector_load_idx %arg17[%add3A_1052, %broadcast_in_dim3A_1262] : memref<128x64xf32, #tpu.memory_space<vmem>>[vector<16xi32>, vector<16xi32>], vector<16xf32>,
          %mul3A_1264 = arith.mulf %gather3A_1263, %gather3A_1256 : vector<16xf32>
          tpu.vector_store_idx %arg21[%add3A_1052, %broadcast_in_dim3A_1262], %mul3A_1264 : memref<128x72xf32, #tpu.memory_space<vmem>>[vector<16xi32>, vector<16xi32>], vector<16xf32>,
          %broadcast_in_dim3A_1265 = arith.constant 50 : i32
          %broadcast_in_dim3A_1266 = vector.broadcast %broadcast_in_dim3A_1265 : i32 to vector<16xi32>
          %gather3A_1267 = tpu.vector_load_idx %arg17[%add3A_1052, %broadcast_in_dim3A_1266] : memref<128x64xf32, #tpu.memory_space<vmem>>[vector<16xi32>, vector<16xi32>], vector<16xf32>,
          %mul3A_1268 = arith.mulf %gather3A_1267, %gather3A_1256 : vector<16xf32>
          tpu.vector_store_idx %arg21[%add3A_1052, %broadcast_in_dim3A_1266], %mul3A_1268 : memref<128x72xf32, #tpu.memory_space<vmem>>[vector<16xi32>, vector<16xi32>], vector<16xf32>,
          %broadcast_in_dim3A_1269 = arith.constant 51 : i32
          %broadcast_in_dim3A_1270 = vector.broadcast %broadcast_in_dim3A_1269 : i32 to vector<16xi32>
          %gather3A_1271 = tpu.vector_load_idx %arg17[%add3A_1052, %broadcast_in_dim3A_1270] : memref<128x64xf32, #tpu.memory_space<vmem>>[vector<16xi32>, vector<16xi32>], vector<16xf32>,
          %mul3A_1272 = arith.mulf %gather3A_1271, %gather3A_1256 : vector<16xf32>
          tpu.vector_store_idx %arg21[%add3A_1052, %broadcast_in_dim3A_1270], %mul3A_1272 : memref<128x72xf32, #tpu.memory_space<vmem>>[vector<16xi32>, vector<16xi32>], vector<16xf32>,
          %broadcast_in_dim3A_1273 = arith.constant 52 : i32
          %broadcast_in_dim3A_1274 = vector.broadcast %broadcast_in_dim3A_1273 : i32 to vector<16xi32>
          %gather3A_1275 = tpu.vector_load_idx %arg17[%add3A_1052, %broadcast_in_dim3A_1274] : memref<128x64xf32, #tpu.memory_space<vmem>>[vector<16xi32>, vector<16xi32>], vector<16xf32>,
          %mul3A_1276 = arith.mulf %gather3A_1275, %gather3A_1256 : vector<16xf32>
          tpu.vector_store_idx %arg21[%add3A_1052, %broadcast_in_dim3A_1274], %mul3A_1276 : memref<128x72xf32, #tpu.memory_space<vmem>>[vector<16xi32>, vector<16xi32>], vector<16xf32>,
          %broadcast_in_dim3A_1277 = arith.constant 53 : i32
          %broadcast_in_dim3A_1278 = vector.broadcast %broadcast_in_dim3A_1277 : i32 to vector<16xi32>
          %gather3A_1279 = tpu.vector_load_idx %arg17[%add3A_1052, %broadcast_in_dim3A_1278] : memref<128x64xf32, #tpu.memory_space<vmem>>[vector<16xi32>, vector<16xi32>], vector<16xf32>,
          %mul3A_1280 = arith.mulf %gather3A_1279, %gather3A_1256 : vector<16xf32>
          tpu.vector_store_idx %arg21[%add3A_1052, %broadcast_in_dim3A_1278], %mul3A_1280 : memref<128x72xf32, #tpu.memory_space<vmem>>[vector<16xi32>, vector<16xi32>], vector<16xf32>,
          %broadcast_in_dim3A_1281 = arith.constant 54 : i32
          %broadcast_in_dim3A_1282 = vector.broadcast %broadcast_in_dim3A_1281 : i32 to vector<16xi32>
          %gather3A_1283 = tpu.vector_load_idx %arg17[%add3A_1052, %broadcast_in_dim3A_1282] : memref<128x64xf32, #tpu.memory_space<vmem>>[vector<16xi32>, vector<16xi32>], vector<16xf32>,
          %mul3A_1284 = arith.mulf %gather3A_1283, %gather3A_1256 : vector<16xf32>
          tpu.vector_store_idx %arg21[%add3A_1052, %broadcast_in_dim3A_1282], %mul3A_1284 : memref<128x72xf32, #tpu.memory_space<vmem>>[vector<16xi32>, vector<16xi32>], vector<16xf32>,
          %broadcast_in_dim3A_1285 = arith.constant 55 : i32
          %broadcast_in_dim3A_1286 = vector.broadcast %broadcast_in_dim3A_1285 : i32 to vector<16xi32>
          %gather3A_1287 = tpu.vector_load_idx %arg17[%add3A_1052, %broadcast_in_dim3A_1286] : memref<128x64xf32, #tpu.memory_space<vmem>>[vector<16xi32>, vector<16xi32>], vector<16xf32>,
          %mul3A_1288 = arith.mulf %gather3A_1287, %gather3A_1256 : vector<16xf32>
          tpu.vector_store_idx %arg21[%add3A_1052, %broadcast_in_dim3A_1286], %mul3A_1288 : memref<128x72xf32, #tpu.memory_space<vmem>>[vector<16xi32>, vector<16xi32>], vector<16xf32>,
          %broadcast_in_dim3A_1289 = arith.constant 56 : i32
          %broadcast_in_dim3A_1290 = vector.broadcast %broadcast_in_dim3A_1289 : i32 to vector<16xi32>
          %gather3A_1291 = tpu.vector_load_idx %arg17[%add3A_1052, %broadcast_in_dim3A_1290] : memref<128x64xf32, #tpu.memory_space<vmem>>[vector<16xi32>, vector<16xi32>], vector<16xf32>,
          %mul3A_1292 = arith.mulf %gather3A_1291, %gather3A_1256 : vector<16xf32>
          tpu.vector_store_idx %arg21[%add3A_1052, %broadcast_in_dim3A_1290], %mul3A_1292 : memref<128x72xf32, #tpu.memory_space<vmem>>[vector<16xi32>, vector<16xi32>], vector<16xf32>,
          %broadcast_in_dim3A_1293 = arith.constant 57 : i32
          %broadcast_in_dim3A_1294 = vector.broadcast %broadcast_in_dim3A_1293 : i32 to vector<16xi32>
          %gather3A_1295 = tpu.vector_load_idx %arg17[%add3A_1052, %broadcast_in_dim3A_1294] : memref<128x64xf32, #tpu.memory_space<vmem>>[vector<16xi32>, vector<16xi32>], vector<16xf32>,
          %mul3A_1296 = arith.mulf %gather3A_1295, %gather3A_1256 : vector<16xf32>
          tpu.vector_store_idx %arg21[%add3A_1052, %broadcast_in_dim3A_1294], %mul3A_1296 : memref<128x72xf32, #tpu.memory_space<vmem>>[vector<16xi32>, vector<16xi32>], vector<16xf32>,
          %broadcast_in_dim3A_1297 = arith.constant 58 : i32
          %broadcast_in_dim3A_1298 = vector.broadcast %broadcast_in_dim3A_1297 : i32 to vector<16xi32>
          %gather3A_1299 = tpu.vector_load_idx %arg17[%add3A_1052, %broadcast_in_dim3A_1298] : memref<128x64xf32, #tpu.memory_space<vmem>>[vector<16xi32>, vector<16xi32>], vector<16xf32>,
          %mul3A_1300 = arith.mulf %gather3A_1299, %gather3A_1256 : vector<16xf32>
          tpu.vector_store_idx %arg21[%add3A_1052, %broadcast_in_dim3A_1298], %mul3A_1300 : memref<128x72xf32, #tpu.memory_space<vmem>>[vector<16xi32>, vector<16xi32>], vector<16xf32>,
          %broadcast_in_dim3A_1301 = arith.constant 59 : i32
          %broadcast_in_dim3A_1302 = vector.broadcast %broadcast_in_dim3A_1301 : i32 to vector<16xi32>
          %gather3A_1303 = tpu.vector_load_idx %arg17[%add3A_1052, %broadcast_in_dim3A_1302] : memref<128x64xf32, #tpu.memory_space<vmem>>[vector<16xi32>, vector<16xi32>], vector<16xf32>,
          %mul3A_1304 = arith.mulf %gather3A_1303, %gather3A_1256 : vector<16xf32>
          tpu.vector_store_idx %arg21[%add3A_1052, %broadcast_in_dim3A_1302], %mul3A_1304 : memref<128x72xf32, #tpu.memory_space<vmem>>[vector<16xi32>, vector<16xi32>], vector<16xf32>,
          %broadcast_in_dim3A_1305 = arith.constant 60 : i32
          %broadcast_in_dim3A_1306 = vector.broadcast %broadcast_in_dim3A_1305 : i32 to vector<16xi32>
          %gather3A_1307 = tpu.vector_load_idx %arg17[%add3A_1052, %broadcast_in_dim3A_1306] : memref<128x64xf32, #tpu.memory_space<vmem>>[vector<16xi32>, vector<16xi32>], vector<16xf32>,
          %mul3A_1308 = arith.mulf %gather3A_1307, %gather3A_1256 : vector<16xf32>
          tpu.vector_store_idx %arg21[%add3A_1052, %broadcast_in_dim3A_1306], %mul3A_1308 : memref<128x72xf32, #tpu.memory_space<vmem>>[vector<16xi32>, vector<16xi32>], vector<16xf32>,
          %broadcast_in_dim3A_1309 = arith.constant 61 : i32
          %broadcast_in_dim3A_1310 = vector.broadcast %broadcast_in_dim3A_1309 : i32 to vector<16xi32>
          %gather3A_1311 = tpu.vector_load_idx %arg17[%add3A_1052, %broadcast_in_dim3A_1310] : memref<128x64xf32, #tpu.memory_space<vmem>>[vector<16xi32>, vector<16xi32>], vector<16xf32>,
          %mul3A_1312 = arith.mulf %gather3A_1311, %gather3A_1256 : vector<16xf32>
          tpu.vector_store_idx %arg21[%add3A_1052, %broadcast_in_dim3A_1310], %mul3A_1312 : memref<128x72xf32, #tpu.memory_space<vmem>>[vector<16xi32>, vector<16xi32>], vector<16xf32>,
          %broadcast_in_dim3A_1313 = arith.constant 62 : i32
          %broadcast_in_dim3A_1314 = vector.broadcast %broadcast_in_dim3A_1313 : i32 to vector<16xi32>
          %gather3A_1315 = tpu.vector_load_idx %arg17[%add3A_1052, %broadcast_in_dim3A_1314] : memref<128x64xf32, #tpu.memory_space<vmem>>[vector<16xi32>, vector<16xi32>], vector<16xf32>,
          %mul3A_1316 = arith.mulf %gather3A_1315, %gather3A_1256 : vector<16xf32>
          tpu.vector_store_idx %arg21[%add3A_1052, %broadcast_in_dim3A_1314], %mul3A_1316 : memref<128x72xf32, #tpu.memory_space<vmem>>[vector<16xi32>, vector<16xi32>], vector<16xf32>,
          %broadcast_in_dim3A_1317 = arith.constant 63 : i32
          %broadcast_in_dim3A_1318 = vector.broadcast %broadcast_in_dim3A_1317 : i32 to vector<16xi32>
          %gather3A_1319 = tpu.vector_load_idx %arg17[%add3A_1052, %broadcast_in_dim3A_1318] : memref<128x64xf32, #tpu.memory_space<vmem>>[vector<16xi32>, vector<16xi32>], vector<16xf32>,
          %mul3A_1320 = arith.mulf %gather3A_1319, %gather3A_1256 : vector<16xf32>
          tpu.vector_store_idx %arg21[%add3A_1052, %broadcast_in_dim3A_1318], %mul3A_1320 : memref<128x72xf32, #tpu.memory_space<vmem>>[vector<16xi32>, vector<16xi32>], vector<16xf32>,
        }
        %scan3A_1047 = arith.constant 8 : i32
        "tpu.region"() ({
          %run_scoped3A = tpu.sem_alloc : memref<!tpu.dma_semaphore, #tpu.memory_space<semaphore_mem>>
          %dma_start3A_1048 = arith.constant 0 : i32
          %dma_start3A_1049 = tpu.memref_slice %arg15[%scan3A_335, %dma_start3A_1048] : memref<16x128xi32, #tpu.memory_space<vmem>> -> memref<1x128xi32, #tpu.memory_space<vmem>>
          %dma_start3A_1050 = tpu.memref_squeeze %dma_start3A_1049 : memref<1x128xi32, #tpu.memory_space<vmem>> -> memref<128xi32, #tpu.memory_space<vmem>>
          %dma_start3A_1051 = arith.constant 0 : i32
          %dma_start3A_1052 = arith.constant 0 : i32
          %dma_start3A_1053 = tpu.memref_slice %arg11[%dma_start3A_1051, %dma_start3A_1052] : memref<10008x72xf32, #tpu.memory_space<vmem_shared>> -> memref<10008x72xf32, #tpu.memory_space<vmem_shared>>
          tpu.enqueue_indirect_dma source(%arg21 : memref<128x72xf32, #tpu.memory_space<vmem>>) target(%dma_start3A_1053 : memref<10008x72xf32, #tpu.memory_space<vmem_shared>>) offsets(%dma_start3A_1050 : memref<128xi32, #tpu.memory_space<vmem>>) semaphore(%run_scoped3A : memref<!tpu.dma_semaphore, #tpu.memory_space<semaphore_mem>>) {add = true}
          %dma_wait3A_1054 = arith.constant 0 : i32
          %dma_wait3A_1055 = tpu.memref_slice %arg15[%scan3A_335, %dma_wait3A_1054] : memref<16x128xi32, #tpu.memory_space<vmem>> -> memref<1x128xi32, #tpu.memory_space<vmem>>
          %dma_wait3A_1056 = tpu.memref_squeeze %dma_wait3A_1055 : memref<1x128xi32, #tpu.memory_space<vmem>> -> memref<128xi32, #tpu.memory_space<vmem>>
          %dma_wait3A_1057 = arith.constant 0 : i32
          %dma_wait3A_1058 = arith.constant 0 : i32
          %dma_wait3A_1059 = tpu.memref_slice %arg11[%dma_wait3A_1057, %dma_wait3A_1058] : memref<10008x72xf32, #tpu.memory_space<vmem_shared>> -> memref<10008x72xf32, #tpu.memory_space<vmem_shared>>
          tpu.wait_indirect_dma semaphore(%run_scoped3A : memref<!tpu.dma_semaphore, #tpu.memory_space<semaphore_mem>>) src(%arg21 : memref<128x72xf32, #tpu.memory_space<vmem>>) dst(%dma_wait3A_1059 : memref<10008x72xf32, #tpu.memory_space<vmem_shared>>)
          tpu.yield
        }) : () -> ()
      }
      %scan3A_334 = arith.constant 16 : i32
    }
    %scan3A_268 = arith.constant 20 : i32
    %barrier3A_269 = arith.constant 0 : index
    tpu.barrier barrier_id(%barrier3A_269)
    %add3A_270 = arith.constant 0 : i32
    %add3A_271 = arith.addi %arg1, %add3A_270 : i32
    %lt3A_272 = arith.constant 50 : i32
    %lt3A_273 = arith.cmpi slt, %add3A_271, %lt3A_272 : i32
    %convert_element_type3A_274 = arith.extui %lt3A_273 : i1 to i32
    %cond3A_275 = arith.constant 0 : i32
    %cond3A_276 = arith.cmpi ne, %convert_element_type3A_274, %cond3A_275 : i32
    scf.if %cond3A_276 {
      %mul3A_298 = arith.constant 200 : i32
      %mul3A_299 = arith.muli %add3A_271, %mul3A_298 : i32
      "tpu.region"() ({
        %run_scoped3A = tpu.sem_alloc : memref<!tpu.dma_semaphore, #tpu.memory_space<semaphore_mem>>
        %dma_start3A = arith.constant 0 : i32
        %dma_start3A_300 = tpu.memref_slice %arg11[%mul3A_299, %dma_start3A] : memref<10008x72xf32, #tpu.memory_space<vmem_shared>> -> memref<200x72xf32, #tpu.memory_space<vmem_shared>>
        %dma_start3A_301 = arith.constant 0 : i32
        %dma_start3A_302 = tpu.memref_slice %arg11[%mul3A_299, %dma_start3A_301] : memref<10008x72xf32, #tpu.memory_space<vmem_shared>> -> memref<200x72xf32, #tpu.memory_space<vmem_shared>>
        tpu.enqueue_dma source(%dma_start3A_302 : memref<200x72xf32, #tpu.memory_space<vmem_shared>>) target(%arg22 : memref<200x72xf32, #tpu.memory_space<vmem>>) target_semaphore(%run_scoped3A : memref<!tpu.dma_semaphore, #tpu.memory_space<semaphore_mem>>)
        %dma_wait3A = arith.constant 0 : i32
        %dma_wait3A_303 = tpu.memref_slice %arg11[%mul3A_299, %dma_wait3A] : memref<10008x72xf32, #tpu.memory_space<vmem_shared>> -> memref<200x72xf32, #tpu.memory_space<vmem_shared>>
        %dma_wait3A_304 = arith.constant 0 : i32
        %dma_wait3A_305 = tpu.memref_slice %arg11[%mul3A_299, %dma_wait3A_304] : memref<10008x72xf32, #tpu.memory_space<vmem_shared>> -> memref<200x72xf32, #tpu.memory_space<vmem_shared>>
        tpu.wait_dma2 semaphore(%run_scoped3A : memref<!tpu.dma_semaphore, #tpu.memory_space<semaphore_mem>>) src(%dma_wait3A_305 : memref<200x72xf32, #tpu.memory_space<vmem_shared>>) dst(%arg22 : memref<200x72xf32, #tpu.memory_space<vmem>>)
        tpu.yield
      }) : () -> ()
      "tpu.region"() ({
        %run_scoped3A = tpu.sem_alloc : memref<!tpu.dma_semaphore, #tpu.memory_space<semaphore_mem>>
        %dma_start3A = arith.constant 0 : i32
        %dma_start3A_300 = tpu.memref_slice %arg10[%arg0, %mul3A_299, %dma_start3A] : memref<2x10000x72xf32, #tpu.memory_space<hbm>> -> memref<1x200x72xf32, #tpu.memory_space<hbm>>
        %dma_start3A_301 = tpu.memref_squeeze %dma_start3A_300 : memref<1x200x72xf32, #tpu.memory_space<hbm>> -> memref<200x72xf32, #tpu.memory_space<hbm>>
        %dma_start3A_302 = arith.constant 0 : i32
        %dma_start3A_303 = tpu.memref_slice %arg10[%arg0, %mul3A_299, %dma_start3A_302] : memref<2x10000x72xf32, #tpu.memory_space<hbm>> -> memref<1x200x72xf32, #tpu.memory_space<hbm>>
        %dma_start3A_304 = tpu.memref_squeeze %dma_start3A_303 : memref<1x200x72xf32, #tpu.memory_space<hbm>> -> memref<200x72xf32, #tpu.memory_space<hbm>>
        tpu.enqueue_dma source(%arg22 : memref<200x72xf32, #tpu.memory_space<vmem>>) target(%dma_start3A_304 : memref<200x72xf32, #tpu.memory_space<hbm>>) target_semaphore(%run_scoped3A : memref<!tpu.dma_semaphore, #tpu.memory_space<semaphore_mem>>)
        %dma_wait3A = arith.constant 0 : i32
        %dma_wait3A_305 = tpu.memref_slice %arg10[%arg0, %mul3A_299, %dma_wait3A] : memref<2x10000x72xf32, #tpu.memory_space<hbm>> -> memref<1x200x72xf32, #tpu.memory_space<hbm>>
        %dma_wait3A_306 = tpu.memref_squeeze %dma_wait3A_305 : memref<1x200x72xf32, #tpu.memory_space<hbm>> -> memref<200x72xf32, #tpu.memory_space<hbm>>
        %dma_wait3A_307 = arith.constant 0 : i32
        %dma_wait3A_308 = tpu.memref_slice %arg10[%arg0, %mul3A_299, %dma_wait3A_307] : memref<2x10000x72xf32, #tpu.memory_space<hbm>> -> memref<1x200x72xf32, #tpu.memory_space<hbm>>
        %dma_wait3A_309 = tpu.memref_squeeze %dma_wait3A_308 : memref<1x200x72xf32, #tpu.memory_space<hbm>> -> memref<200x72xf32, #tpu.memory_space<hbm>>
        tpu.wait_dma2 semaphore(%run_scoped3A : memref<!tpu.dma_semaphore, #tpu.memory_space<semaphore_mem>>) src(%arg22 : memref<200x72xf32, #tpu.memory_space<vmem>>) dst(%dma_wait3A_309 : memref<200x72xf32, #tpu.memory_space<hbm>>)
        tpu.yield
      }) : () -> ()
    } else {
    }
    %add3A_277 = arith.constant 16 : i32
    %add3A_278 = arith.addi %arg1, %add3A_277 : i32
    %lt3A_279 = arith.constant 50 : i32
    %lt3A_280 = arith.cmpi slt, %add3A_278, %lt3A_279 : i32
    %convert_element_type3A_281 = arith.extui %lt3A_280 : i1 to i32
    %cond3A_282 = arith.constant 0 : i32
    %cond3A_283 = arith.cmpi ne, %convert_element_type3A_281, %cond3A_282 : i32
    scf.if %cond3A_283 {
      %mul3A_298 = arith.constant 200 : i32
      %mul3A_299 = arith.muli %add3A_278, %mul3A_298 : i32
      "tpu.region"() ({
        %run_scoped3A = tpu.sem_alloc : memref<!tpu.dma_semaphore, #tpu.memory_space<semaphore_mem>>
        %dma_start3A = arith.constant 0 : i32
        %dma_start3A_300 = tpu.memref_slice %arg11[%mul3A_299, %dma_start3A] : memref<10008x72xf32, #tpu.memory_space<vmem_shared>> -> memref<200x72xf32, #tpu.memory_space<vmem_shared>>
        %dma_start3A_301 = arith.constant 0 : i32
        %dma_start3A_302 = tpu.memref_slice %arg11[%mul3A_299, %dma_start3A_301] : memref<10008x72xf32, #tpu.memory_space<vmem_shared>> -> memref<200x72xf32, #tpu.memory_space<vmem_shared>>
        tpu.enqueue_dma source(%dma_start3A_302 : memref<200x72xf32, #tpu.memory_space<vmem_shared>>) target(%arg22 : memref<200x72xf32, #tpu.memory_space<vmem>>) target_semaphore(%run_scoped3A : memref<!tpu.dma_semaphore, #tpu.memory_space<semaphore_mem>>)
        %dma_wait3A = arith.constant 0 : i32
        %dma_wait3A_303 = tpu.memref_slice %arg11[%mul3A_299, %dma_wait3A] : memref<10008x72xf32, #tpu.memory_space<vmem_shared>> -> memref<200x72xf32, #tpu.memory_space<vmem_shared>>
        %dma_wait3A_304 = arith.constant 0 : i32
        %dma_wait3A_305 = tpu.memref_slice %arg11[%mul3A_299, %dma_wait3A_304] : memref<10008x72xf32, #tpu.memory_space<vmem_shared>> -> memref<200x72xf32, #tpu.memory_space<vmem_shared>>
        tpu.wait_dma2 semaphore(%run_scoped3A : memref<!tpu.dma_semaphore, #tpu.memory_space<semaphore_mem>>) src(%dma_wait3A_305 : memref<200x72xf32, #tpu.memory_space<vmem_shared>>) dst(%arg22 : memref<200x72xf32, #tpu.memory_space<vmem>>)
        tpu.yield
      }) : () -> ()
      "tpu.region"() ({
        %run_scoped3A = tpu.sem_alloc : memref<!tpu.dma_semaphore, #tpu.memory_space<semaphore_mem>>
        %dma_start3A = arith.constant 0 : i32
        %dma_start3A_300 = tpu.memref_slice %arg10[%arg0, %mul3A_299, %dma_start3A] : memref<2x10000x72xf32, #tpu.memory_space<hbm>> -> memref<1x200x72xf32, #tpu.memory_space<hbm>>
        %dma_start3A_301 = tpu.memref_squeeze %dma_start3A_300 : memref<1x200x72xf32, #tpu.memory_space<hbm>> -> memref<200x72xf32, #tpu.memory_space<hbm>>
        %dma_start3A_302 = arith.constant 0 : i32
        %dma_start3A_303 = tpu.memref_slice %arg10[%arg0, %mul3A_299, %dma_start3A_302] : memref<2x10000x72xf32, #tpu.memory_space<hbm>> -> memref<1x200x72xf32, #tpu.memory_space<hbm>>
        %dma_start3A_304 = tpu.memref_squeeze %dma_start3A_303 : memref<1x200x72xf32, #tpu.memory_space<hbm>> -> memref<200x72xf32, #tpu.memory_space<hbm>>
        tpu.enqueue_dma source(%arg22 : memref<200x72xf32, #tpu.memory_space<vmem>>) target(%dma_start3A_304 : memref<200x72xf32, #tpu.memory_space<hbm>>) target_semaphore(%run_scoped3A : memref<!tpu.dma_semaphore, #tpu.memory_space<semaphore_mem>>)
        %dma_wait3A = arith.constant 0 : i32
        %dma_wait3A_305 = tpu.memref_slice %arg10[%arg0, %mul3A_299, %dma_wait3A] : memref<2x10000x72xf32, #tpu.memory_space<hbm>> -> memref<1x200x72xf32, #tpu.memory_space<hbm>>
        %dma_wait3A_306 = tpu.memref_squeeze %dma_wait3A_305 : memref<1x200x72xf32, #tpu.memory_space<hbm>> -> memref<200x72xf32, #tpu.memory_space<hbm>>
        %dma_wait3A_307 = arith.constant 0 : i32
        %dma_wait3A_308 = tpu.memref_slice %arg10[%arg0, %mul3A_299, %dma_wait3A_307] : memref<2x10000x72xf32, #tpu.memory_space<hbm>> -> memref<1x200x72xf32, #tpu.memory_space<hbm>>
        %dma_wait3A_309 = tpu.memref_squeeze %dma_wait3A_308 : memref<1x200x72xf32, #tpu.memory_space<hbm>> -> memref<200x72xf32, #tpu.memory_space<hbm>>
        tpu.wait_dma2 semaphore(%run_scoped3A : memref<!tpu.dma_semaphore, #tpu.memory_space<semaphore_mem>>) src(%arg22 : memref<200x72xf32, #tpu.memory_space<vmem>>) dst(%dma_wait3A_309 : memref<200x72xf32, #tpu.memory_space<hbm>>)
        tpu.yield
      }) : () -> ()
    } else {
    }
    %add3A_284 = arith.constant 32 : i32
    %add3A_285 = arith.addi %arg1, %add3A_284 : i32
    %lt3A_286 = arith.constant 50 : i32
    %lt3A_287 = arith.cmpi slt, %add3A_285, %lt3A_286 : i32
    %convert_element_type3A_288 = arith.extui %lt3A_287 : i1 to i32
    %cond3A_289 = arith.constant 0 : i32
    %cond3A_290 = arith.cmpi ne, %convert_element_type3A_288, %cond3A_289 : i32
    scf.if %cond3A_290 {
      %mul3A_298 = arith.constant 200 : i32
      %mul3A_299 = arith.muli %add3A_285, %mul3A_298 : i32
      "tpu.region"() ({
        %run_scoped3A = tpu.sem_alloc : memref<!tpu.dma_semaphore, #tpu.memory_space<semaphore_mem>>
        %dma_start3A = arith.constant 0 : i32
        %dma_start3A_300 = tpu.memref_slice %arg11[%mul3A_299, %dma_start3A] : memref<10008x72xf32, #tpu.memory_space<vmem_shared>> -> memref<200x72xf32, #tpu.memory_space<vmem_shared>>
        %dma_start3A_301 = arith.constant 0 : i32
        %dma_start3A_302 = tpu.memref_slice %arg11[%mul3A_299, %dma_start3A_301] : memref<10008x72xf32, #tpu.memory_space<vmem_shared>> -> memref<200x72xf32, #tpu.memory_space<vmem_shared>>
        tpu.enqueue_dma source(%dma_start3A_302 : memref<200x72xf32, #tpu.memory_space<vmem_shared>>) target(%arg22 : memref<200x72xf32, #tpu.memory_space<vmem>>) target_semaphore(%run_scoped3A : memref<!tpu.dma_semaphore, #tpu.memory_space<semaphore_mem>>)
        %dma_wait3A = arith.constant 0 : i32
        %dma_wait3A_303 = tpu.memref_slice %arg11[%mul3A_299, %dma_wait3A] : memref<10008x72xf32, #tpu.memory_space<vmem_shared>> -> memref<200x72xf32, #tpu.memory_space<vmem_shared>>
        %dma_wait3A_304 = arith.constant 0 : i32
        %dma_wait3A_305 = tpu.memref_slice %arg11[%mul3A_299, %dma_wait3A_304] : memref<10008x72xf32, #tpu.memory_space<vmem_shared>> -> memref<200x72xf32, #tpu.memory_space<vmem_shared>>
        tpu.wait_dma2 semaphore(%run_scoped3A : memref<!tpu.dma_semaphore, #tpu.memory_space<semaphore_mem>>) src(%dma_wait3A_305 : memref<200x72xf32, #tpu.memory_space<vmem_shared>>) dst(%arg22 : memref<200x72xf32, #tpu.memory_space<vmem>>)
        tpu.yield
      }) : () -> ()
      "tpu.region"() ({
        %run_scoped3A = tpu.sem_alloc : memref<!tpu.dma_semaphore, #tpu.memory_space<semaphore_mem>>
        %dma_start3A = arith.constant 0 : i32
        %dma_start3A_300 = tpu.memref_slice %arg10[%arg0, %mul3A_299, %dma_start3A] : memref<2x10000x72xf32, #tpu.memory_space<hbm>> -> memref<1x200x72xf32, #tpu.memory_space<hbm>>
        %dma_start3A_301 = tpu.memref_squeeze %dma_start3A_300 : memref<1x200x72xf32, #tpu.memory_space<hbm>> -> memref<200x72xf32, #tpu.memory_space<hbm>>
        %dma_start3A_302 = arith.constant 0 : i32
        %dma_start3A_303 = tpu.memref_slice %arg10[%arg0, %mul3A_299, %dma_start3A_302] : memref<2x10000x72xf32, #tpu.memory_space<hbm>> -> memref<1x200x72xf32, #tpu.memory_space<hbm>>
        %dma_start3A_304 = tpu.memref_squeeze %dma_start3A_303 : memref<1x200x72xf32, #tpu.memory_space<hbm>> -> memref<200x72xf32, #tpu.memory_space<hbm>>
        tpu.enqueue_dma source(%arg22 : memref<200x72xf32, #tpu.memory_space<vmem>>) target(%dma_start3A_304 : memref<200x72xf32, #tpu.memory_space<hbm>>) target_semaphore(%run_scoped3A : memref<!tpu.dma_semaphore, #tpu.memory_space<semaphore_mem>>)
        %dma_wait3A = arith.constant 0 : i32
        %dma_wait3A_305 = tpu.memref_slice %arg10[%arg0, %mul3A_299, %dma_wait3A] : memref<2x10000x72xf32, #tpu.memory_space<hbm>> -> memref<1x200x72xf32, #tpu.memory_space<hbm>>
        %dma_wait3A_306 = tpu.memref_squeeze %dma_wait3A_305 : memref<1x200x72xf32, #tpu.memory_space<hbm>> -> memref<200x72xf32, #tpu.memory_space<hbm>>
        %dma_wait3A_307 = arith.constant 0 : i32
        %dma_wait3A_308 = tpu.memref_slice %arg10[%arg0, %mul3A_299, %dma_wait3A_307] : memref<2x10000x72xf32, #tpu.memory_space<hbm>> -> memref<1x200x72xf32, #tpu.memory_space<hbm>>
        %dma_wait3A_309 = tpu.memref_squeeze %dma_wait3A_308 : memref<1x200x72xf32, #tpu.memory_space<hbm>> -> memref<200x72xf32, #tpu.memory_space<hbm>>
        tpu.wait_dma2 semaphore(%run_scoped3A : memref<!tpu.dma_semaphore, #tpu.memory_space<semaphore_mem>>) src(%arg22 : memref<200x72xf32, #tpu.memory_space<vmem>>) dst(%dma_wait3A_309 : memref<200x72xf32, #tpu.memory_space<hbm>>)
        tpu.yield
      }) : () -> ()
    } else {
    }
    %add3A_291 = arith.constant 48 : i32
    %add3A_292 = arith.addi %arg1, %add3A_291 : i32
    %lt3A_293 = arith.constant 50 : i32
    %lt3A_294 = arith.cmpi slt, %add3A_292, %lt3A_293 : i32
    %convert_element_type3A_295 = arith.extui %lt3A_294 : i1 to i32
    %cond3A_296 = arith.constant 0 : i32
    %cond3A_297 = arith.cmpi ne, %convert_element_type3A_295, %cond3A_296 : i32
    scf.if %cond3A_297 {
      %mul3A_298 = arith.constant 200 : i32
      %mul3A_299 = arith.muli %add3A_292, %mul3A_298 : i32
      "tpu.region"() ({
        %run_scoped3A = tpu.sem_alloc : memref<!tpu.dma_semaphore, #tpu.memory_space<semaphore_mem>>
        %dma_start3A = arith.constant 0 : i32
        %dma_start3A_300 = tpu.memref_slice %arg11[%mul3A_299, %dma_start3A] : memref<10008x72xf32, #tpu.memory_space<vmem_shared>> -> memref<200x72xf32, #tpu.memory_space<vmem_shared>>
        %dma_start3A_301 = arith.constant 0 : i32
        %dma_start3A_302 = tpu.memref_slice %arg11[%mul3A_299, %dma_start3A_301] : memref<10008x72xf32, #tpu.memory_space<vmem_shared>> -> memref<200x72xf32, #tpu.memory_space<vmem_shared>>
        tpu.enqueue_dma source(%dma_start3A_302 : memref<200x72xf32, #tpu.memory_space<vmem_shared>>) target(%arg22 : memref<200x72xf32, #tpu.memory_space<vmem>>) target_semaphore(%run_scoped3A : memref<!tpu.dma_semaphore, #tpu.memory_space<semaphore_mem>>)
        %dma_wait3A = arith.constant 0 : i32
        %dma_wait3A_303 = tpu.memref_slice %arg11[%mul3A_299, %dma_wait3A] : memref<10008x72xf32, #tpu.memory_space<vmem_shared>> -> memref<200x72xf32, #tpu.memory_space<vmem_shared>>
        %dma_wait3A_304 = arith.constant 0 : i32
        %dma_wait3A_305 = tpu.memref_slice %arg11[%mul3A_299, %dma_wait3A_304] : memref<10008x72xf32, #tpu.memory_space<vmem_shared>> -> memref<200x72xf32, #tpu.memory_space<vmem_shared>>
        tpu.wait_dma2 semaphore(%run_scoped3A : memref<!tpu.dma_semaphore, #tpu.memory_space<semaphore_mem>>) src(%dma_wait3A_305 : memref<200x72xf32, #tpu.memory_space<vmem_shared>>) dst(%arg22 : memref<200x72xf32, #tpu.memory_space<vmem>>)
        tpu.yield
      }) : () -> ()
      "tpu.region"() ({
        %run_scoped3A = tpu.sem_alloc : memref<!tpu.dma_semaphore, #tpu.memory_space<semaphore_mem>>
        %dma_start3A = arith.constant 0 : i32
        %dma_start3A_300 = tpu.memref_slice %arg10[%arg0, %mul3A_299, %dma_start3A] : memref<2x10000x72xf32, #tpu.memory_space<hbm>> -> memref<1x200x72xf32, #tpu.memory_space<hbm>>
        %dma_start3A_301 = tpu.memref_squeeze %dma_start3A_300 : memref<1x200x72xf32, #tpu.memory_space<hbm>> -> memref<200x72xf32, #tpu.memory_space<hbm>>
        %dma_start3A_302 = arith.constant 0 : i32
        %dma_start3A_303 = tpu.memref_slice %arg10[%arg0, %mul3A_299, %dma_start3A_302] : memref<2x10000x72xf32, #tpu.memory_space<hbm>> -> memref<1x200x72xf32, #tpu.memory_space<hbm>>
        %dma_start3A_304 = tpu.memref_squeeze %dma_start3A_303 : memref<1x200x72xf32, #tpu.memory_space<hbm>> -> memref<200x72xf32, #tpu.memory_space<hbm>>
        tpu.enqueue_dma source(%arg22 : memref<200x72xf32, #tpu.memory_space<vmem>>) target(%dma_start3A_304 : memref<200x72xf32, #tpu.memory_space<hbm>>) target_semaphore(%run_scoped3A : memref<!tpu.dma_semaphore, #tpu.memory_space<semaphore_mem>>)
        %dma_wait3A = arith.constant 0 : i32
        %dma_wait3A_305 = tpu.memref_slice %arg10[%arg0, %mul3A_299, %dma_wait3A] : memref<2x10000x72xf32, #tpu.memory_space<hbm>> -> memref<1x200x72xf32, #tpu.memory_space<hbm>>
        %dma_wait3A_306 = tpu.memref_squeeze %dma_wait3A_305 : memref<1x200x72xf32, #tpu.memory_space<hbm>> -> memref<200x72xf32, #tpu.memory_space<hbm>>
        %dma_wait3A_307 = arith.constant 0 : i32
        %dma_wait3A_308 = tpu.memref_slice %arg10[%arg0, %mul3A_299, %dma_wait3A_307] : memref<2x10000x72xf32, #tpu.memory_space<hbm>> -> memref<1x200x72xf32, #tpu.memory_space<hbm>>
        %dma_wait3A_309 = tpu.memref_squeeze %dma_wait3A_308 : memref<1x200x72xf32, #tpu.memory_space<hbm>> -> memref<200x72xf32, #tpu.memory_space<hbm>>
        tpu.wait_dma2 semaphore(%run_scoped3A : memref<!tpu.dma_semaphore, #tpu.memory_space<semaphore_mem>>) src(%arg22 : memref<200x72xf32, #tpu.memory_space<vmem>>) dst(%dma_wait3A_309 : memref<200x72xf32, #tpu.memory_space<hbm>>)
        tpu.yield
      }) : () -> ()
    } else {
    }
    return
  }
}

module attributes {stable_mosaic.version = 14 : i64} {
  func.func @_prep_body(%arg0: memref<10000x128xf32, #tpu.memory_space<vmem>>, %arg1: memref<2x128x64xf32, #tpu.memory_space<vmem>>, %arg2: memref<2x1x64xf32, #tpu.memory_space<vmem>>, %arg3: memref<2x64x64xf32, #tpu.memory_space<vmem>>, %arg4: memref<2x64x64xf32, #tpu.memory_space<vmem>>, %arg5: memref<2x64x4xf32, #tpu.memory_space<vmem>>, %arg6: memref<2x64x4xf32, #tpu.memory_space<vmem>>, %arg7: memref<2x10000x64xf32, #tpu.memory_space<vmem>>, %arg8: memref<2x10000x4xf32, #tpu.memory_space<vmem>>, %arg9: memref<2x10000x8xf32, #tpu.memory_space<vmem>>) attributes {dimension_semantics = [], scalar_prefetch = 0 : i64, scratch_operands = 0 : i64, tpu.core_type = #tpu.core_type<tc>} {
    %get3A = arith.constant 0 : index
    %get3A_0 = arith.constant 0 : index
    %get3A_1 = vector.load %arg0[%get3A, %get3A_0] : memref<10000x128xf32, #tpu.memory_space<vmem>>, vector<10000x128xf32>
    %get3A_2 = arith.constant 0 : index
    %get3A_3 = arith.constant 0 : index
    %get3A_4 = arith.constant 0 : index
    %get3A_5 = vector.load %arg1[%get3A_2, %get3A_3, %get3A_4] : memref<2x128x64xf32, #tpu.memory_space<vmem>>, vector<1x128x64xf32>
    %get3A_6 = vector.shape_cast %get3A_5 : vector<1x128x64xf32> to vector<128x64xf32>
    %dot_general3A = arith.constant dense<0.000000e+00> : vector<10000x64xf32>
    %dot_general3A_7 = tpu.matmul %get3A_1, %get3A_6, %dot_general3A {dimension_numbers = #tpu.dot_dimension_numbers<[1], [0], [0], [1], [0, 0, 1, 1], [], []>, transpose_lhs_hint = false} : vector<10000x128xf32>, vector<128x64xf32>, vector<10000x64xf32> -> vector<10000x64xf32>
    %get3A_8 = arith.constant 0 : index
    %get3A_9 = arith.constant 0 : index
    %get3A_10 = arith.constant 0 : index
    %get3A_11 = vector.load %arg2[%get3A_8, %get3A_9, %get3A_10] : memref<2x1x64xf32, #tpu.memory_space<vmem>>, vector<1x1x64xf32>
    %get3A_12 = vector.shape_cast %get3A_11 : vector<1x1x64xf32> to vector<1x64xf32>
    %add3A = vector.broadcast %get3A_12 : vector<1x64xf32> to vector<10000x64xf32>
    %add3A_13 = arith.addf %dot_general3A_7, %add3A : vector<10000x64xf32>
    %get3A_14 = arith.constant 0 : index
    %get3A_15 = arith.constant 0 : index
    %get3A_16 = arith.constant 0 : index
    %get3A_17 = vector.load %arg3[%get3A_14, %get3A_15, %get3A_16] : memref<2x64x64xf32, #tpu.memory_space<vmem>>, vector<1x64x64xf32>
    %get3A_18 = vector.shape_cast %get3A_17 : vector<1x64x64xf32> to vector<64x64xf32>
    %dot_general3A_19 = arith.constant dense<0.000000e+00> : vector<10000x64xf32>
    %dot_general3A_20 = tpu.matmul %add3A_13, %get3A_18, %dot_general3A_19 {dimension_numbers = #tpu.dot_dimension_numbers<[1], [0], [0], [1], [0, 0, 1, 1], [], []>, transpose_lhs_hint = false} : vector<10000x64xf32>, vector<64x64xf32>, vector<10000x64xf32> -> vector<10000x64xf32>
    %get3A_21 = arith.constant 0 : index
    %get3A_22 = arith.constant 0 : index
    %get3A_23 = arith.constant 0 : index
    %get3A_24 = vector.load %arg4[%get3A_21, %get3A_22, %get3A_23] : memref<2x64x64xf32, #tpu.memory_space<vmem>>, vector<1x64x64xf32>
    %get3A_25 = vector.shape_cast %get3A_24 : vector<1x64x64xf32> to vector<64x64xf32>
    %dot_general3A_26 = arith.constant dense<0.000000e+00> : vector<10000x64xf32>
    %dot_general3A_27 = tpu.matmul %add3A_13, %get3A_25, %dot_general3A_26 {dimension_numbers = #tpu.dot_dimension_numbers<[1], [0], [0], [1], [0, 0, 1, 1], [], []>, transpose_lhs_hint = false} : vector<10000x64xf32>, vector<64x64xf32>, vector<10000x64xf32> -> vector<10000x64xf32>
    %get3A_28 = arith.constant 0 : index
    %get3A_29 = arith.constant 0 : index
    %get3A_30 = arith.constant 0 : index
    %get3A_31 = vector.load %arg5[%get3A_28, %get3A_29, %get3A_30] : memref<2x64x4xf32, #tpu.memory_space<vmem>>, vector<1x64x4xf32>
    %get3A_32 = vector.shape_cast %get3A_31 : vector<1x64x4xf32> to vector<64x4xf32>
    %dot_general3A_33 = arith.constant dense<0.000000e+00> : vector<10000x4xf32>
    %dot_general3A_34 = tpu.matmul %dot_general3A_20, %get3A_32, %dot_general3A_33 {dimension_numbers = #tpu.dot_dimension_numbers<[1], [0], [0], [1], [0, 0, 1, 1], [], []>, transpose_lhs_hint = false} : vector<10000x64xf32>, vector<64x4xf32>, vector<10000x4xf32> -> vector<10000x4xf32>
    %get3A_35 = arith.constant 0 : index
    %get3A_36 = arith.constant 0 : index
    %get3A_37 = arith.constant 0 : index
    %get3A_38 = vector.load %arg6[%get3A_35, %get3A_36, %get3A_37] : memref<2x64x4xf32, #tpu.memory_space<vmem>>, vector<1x64x4xf32>
    %get3A_39 = vector.shape_cast %get3A_38 : vector<1x64x4xf32> to vector<64x4xf32>
    %dot_general3A_40 = arith.constant dense<0.000000e+00> : vector<10000x4xf32>
    %dot_general3A_41 = tpu.matmul %dot_general3A_27, %get3A_39, %dot_general3A_40 {dimension_numbers = #tpu.dot_dimension_numbers<[1], [0], [0], [1], [0, 0, 1, 1], [], []>, transpose_lhs_hint = false} : vector<10000x64xf32>, vector<64x4xf32>, vector<10000x4xf32> -> vector<10000x4xf32>
    %reduce_max3A = arith.constant dense<0xFF800000> : vector<4xf32>
    %reduce_max3A_42 = vector.multi_reduction <maximumf>, %dot_general3A_34, %reduce_max3A [0] : vector<10000x4xf32> to vector<4xf32>
    %broadcast_in_dim3A = vector.shape_cast %reduce_max3A_42 : vector<4xf32> to vector<1x4xf32>
    %add3A_43 = vector.broadcast %broadcast_in_dim3A : vector<1x4xf32> to vector<10000x4xf32>
    %add3A_44 = arith.addf %add3A_43, %dot_general3A_41 : vector<10000x4xf32>
    %mul3A = arith.constant 1.000000e-01 : f32
    %mul3A_45 = vector.broadcast %mul3A : f32 to vector<10000x4xf32>
    %mul3A_46 = arith.mulf %mul3A_45, %add3A_44 : vector<10000x4xf32>
    %max3A = arith.maximumf %add3A_44, %mul3A_46 : vector<10000x4xf32>
    %swap3A = arith.constant 0 : index
    %swap3A_47 = arith.constant 0 : index
    %swap3A_48 = arith.constant 0 : index
    %swap3A_49 = vector.load %arg7[%swap3A, %swap3A_47, %swap3A_48] : memref<2x10000x64xf32, #tpu.memory_space<vmem>>, vector<1x10000x64xf32>
    %swap3A_50 = vector.shape_cast %swap3A_49 : vector<1x10000x64xf32> to vector<10000x64xf32>
    %swap3A_51 = vector.shape_cast %dot_general3A_20 : vector<10000x64xf32> to vector<1x10000x64xf32>
    tpu.vector_store %arg7[%swap3A, %swap3A_47, %swap3A_48], %swap3A_51 {strides = array<i32>} : memref<2x10000x64xf32, #tpu.memory_space<vmem>>, vector<1x10000x64xf32>,
    %swap3A_52 = arith.constant 0 : index
    %swap3A_53 = arith.constant 0 : index
    %swap3A_54 = arith.constant 0 : index
    %swap3A_55 = vector.load %arg8[%swap3A_52, %swap3A_53, %swap3A_54] : memref<2x10000x4xf32, #tpu.memory_space<vmem>>, vector<1x10000x4xf32>
    %swap3A_56 = vector.shape_cast %swap3A_55 : vector<1x10000x4xf32> to vector<10000x4xf32>
    %swap3A_57 = vector.shape_cast %dot_general3A_34 : vector<10000x4xf32> to vector<1x10000x4xf32>
    tpu.vector_store %arg8[%swap3A_52, %swap3A_53, %swap3A_54], %swap3A_57 {strides = array<i32>} : memref<2x10000x4xf32, #tpu.memory_space<vmem>>, vector<1x10000x4xf32>,
    %swap3A_58 = arith.constant 0 : index
    %swap3A_59 = arith.constant 0 : index
    %swap3A_60 = arith.constant 0 : index
    %swap3A_61 = vector.load %arg9[%swap3A_58, %swap3A_59, %swap3A_60] : memref<2x10000x8xf32, #tpu.memory_space<vmem>>, vector<1x10000x4xf32>
    %swap3A_62 = vector.shape_cast %swap3A_61 : vector<1x10000x4xf32> to vector<10000x4xf32>
    %swap3A_63 = vector.shape_cast %dot_general3A_41 : vector<10000x4xf32> to vector<1x10000x4xf32>
    tpu.vector_store %arg9[%swap3A_58, %swap3A_59, %swap3A_60], %swap3A_63 {strides = array<i32>} : memref<2x10000x8xf32, #tpu.memory_space<vmem>>, vector<1x10000x4xf32>,
    %swap3A_64 = arith.constant 0 : index
    %swap3A_65 = arith.constant 0 : index
    %swap3A_66 = arith.constant 4 : index
    %swap3A_67 = vector.load %arg9[%swap3A_64, %swap3A_65, %swap3A_66] : memref<2x10000x8xf32, #tpu.memory_space<vmem>>, vector<1x10000x4xf32>
    %swap3A_68 = vector.shape_cast %swap3A_67 : vector<1x10000x4xf32> to vector<10000x4xf32>
    %swap3A_69 = vector.shape_cast %max3A : vector<10000x4xf32> to vector<1x10000x4xf32>
    tpu.vector_store %arg9[%swap3A_64, %swap3A_65, %swap3A_66], %swap3A_69 {strides = array<i32>} : memref<2x10000x8xf32, #tpu.memory_space<vmem>>, vector<1x10000x4xf32>,
    %get3A_70 = arith.constant 1 : index
    %get3A_71 = arith.constant 0 : index
    %get3A_72 = arith.constant 0 : index
    %get3A_73 = vector.load %arg1[%get3A_70, %get3A_71, %get3A_72] : memref<2x128x64xf32, #tpu.memory_space<vmem>>, vector<1x128x64xf32>
    %get3A_74 = vector.shape_cast %get3A_73 : vector<1x128x64xf32> to vector<128x64xf32>
    %dot_general3A_75 = arith.constant dense<0.000000e+00> : vector<10000x64xf32>
    %dot_general3A_76 = tpu.matmul %get3A_1, %get3A_74, %dot_general3A_75 {dimension_numbers = #tpu.dot_dimension_numbers<[1], [0], [0], [1], [0, 0, 1, 1], [], []>, transpose_lhs_hint = false} : vector<10000x128xf32>, vector<128x64xf32>, vector<10000x64xf32> -> vector<10000x64xf32>
    %get3A_77 = arith.constant 1 : index
    %get3A_78 = arith.constant 0 : index
    %get3A_79 = arith.constant 0 : index
    %get3A_80 = vector.load %arg2[%get3A_77, %get3A_78, %get3A_79] : memref<2x1x64xf32, #tpu.memory_space<vmem>>, vector<1x1x64xf32>
    %get3A_81 = vector.shape_cast %get3A_80 : vector<1x1x64xf32> to vector<1x64xf32>
    %add3A_82 = vector.broadcast %get3A_81 : vector<1x64xf32> to vector<10000x64xf32>
    %add3A_83 = arith.addf %dot_general3A_76, %add3A_82 : vector<10000x64xf32>
    %get3A_84 = arith.constant 1 : index
    %get3A_85 = arith.constant 0 : index
    %get3A_86 = arith.constant 0 : index
    %get3A_87 = vector.load %arg3[%get3A_84, %get3A_85, %get3A_86] : memref<2x64x64xf32, #tpu.memory_space<vmem>>, vector<1x64x64xf32>
    %get3A_88 = vector.shape_cast %get3A_87 : vector<1x64x64xf32> to vector<64x64xf32>
    %dot_general3A_89 = arith.constant dense<0.000000e+00> : vector<10000x64xf32>
    %dot_general3A_90 = tpu.matmul %add3A_83, %get3A_88, %dot_general3A_89 {dimension_numbers = #tpu.dot_dimension_numbers<[1], [0], [0], [1], [0, 0, 1, 1], [], []>, transpose_lhs_hint = false} : vector<10000x64xf32>, vector<64x64xf32>, vector<10000x64xf32> -> vector<10000x64xf32>
    %get3A_91 = arith.constant 1 : index
    %get3A_92 = arith.constant 0 : index
    %get3A_93 = arith.constant 0 : index
    %get3A_94 = vector.load %arg4[%get3A_91, %get3A_92, %get3A_93] : memref<2x64x64xf32, #tpu.memory_space<vmem>>, vector<1x64x64xf32>
    %get3A_95 = vector.shape_cast %get3A_94 : vector<1x64x64xf32> to vector<64x64xf32>
    %dot_general3A_96 = arith.constant dense<0.000000e+00> : vector<10000x64xf32>
    %dot_general3A_97 = tpu.matmul %add3A_83, %get3A_95, %dot_general3A_96 {dimension_numbers = #tpu.dot_dimension_numbers<[1], [0], [0], [1], [0, 0, 1, 1], [], []>, transpose_lhs_hint = false} : vector<10000x64xf32>, vector<64x64xf32>, vector<10000x64xf32> -> vector<10000x64xf32>
    %get3A_98 = arith.constant 1 : index
    %get3A_99 = arith.constant 0 : index
    %get3A_100 = arith.constant 0 : index
    %get3A_101 = vector.load %arg5[%get3A_98, %get3A_99, %get3A_100] : memref<2x64x4xf32, #tpu.memory_space<vmem>>, vector<1x64x4xf32>
    %get3A_102 = vector.shape_cast %get3A_101 : vector<1x64x4xf32> to vector<64x4xf32>
    %dot_general3A_103 = arith.constant dense<0.000000e+00> : vector<10000x4xf32>
    %dot_general3A_104 = tpu.matmul %dot_general3A_90, %get3A_102, %dot_general3A_103 {dimension_numbers = #tpu.dot_dimension_numbers<[1], [0], [0], [1], [0, 0, 1, 1], [], []>, transpose_lhs_hint = false} : vector<10000x64xf32>, vector<64x4xf32>, vector<10000x4xf32> -> vector<10000x4xf32>
    %get3A_105 = arith.constant 1 : index
    %get3A_106 = arith.constant 0 : index
    %get3A_107 = arith.constant 0 : index
    %get3A_108 = vector.load %arg6[%get3A_105, %get3A_106, %get3A_107] : memref<2x64x4xf32, #tpu.memory_space<vmem>>, vector<1x64x4xf32>
    %get3A_109 = vector.shape_cast %get3A_108 : vector<1x64x4xf32> to vector<64x4xf32>
    %dot_general3A_110 = arith.constant dense<0.000000e+00> : vector<10000x4xf32>
    %dot_general3A_111 = tpu.matmul %dot_general3A_97, %get3A_109, %dot_general3A_110 {dimension_numbers = #tpu.dot_dimension_numbers<[1], [0], [0], [1], [0, 0, 1, 1], [], []>, transpose_lhs_hint = false} : vector<10000x64xf32>, vector<64x4xf32>, vector<10000x4xf32> -> vector<10000x4xf32>
    %reduce_max3A_112 = arith.constant dense<0xFF800000> : vector<4xf32>
    %reduce_max3A_113 = vector.multi_reduction <maximumf>, %dot_general3A_104, %reduce_max3A_112 [0] : vector<10000x4xf32> to vector<4xf32>
    %broadcast_in_dim3A_114 = vector.shape_cast %reduce_max3A_113 : vector<4xf32> to vector<1x4xf32>
    %add3A_115 = vector.broadcast %broadcast_in_dim3A_114 : vector<1x4xf32> to vector<10000x4xf32>
    %add3A_116 = arith.addf %add3A_115, %dot_general3A_111 : vector<10000x4xf32>
    %mul3A_117 = arith.constant 1.000000e-01 : f32
    %mul3A_118 = vector.broadcast %mul3A_117 : f32 to vector<10000x4xf32>
    %mul3A_119 = arith.mulf %mul3A_118, %add3A_116 : vector<10000x4xf32>
    %max3A_120 = arith.maximumf %add3A_116, %mul3A_119 : vector<10000x4xf32>
    %swap3A_121 = arith.constant 1 : index
    %swap3A_122 = arith.constant 0 : index
    %swap3A_123 = arith.constant 0 : index
    %swap3A_124 = vector.load %arg7[%swap3A_121, %swap3A_122, %swap3A_123] : memref<2x10000x64xf32, #tpu.memory_space<vmem>>, vector<1x10000x64xf32>
    %swap3A_125 = vector.shape_cast %swap3A_124 : vector<1x10000x64xf32> to vector<10000x64xf32>
    %swap3A_126 = vector.shape_cast %dot_general3A_90 : vector<10000x64xf32> to vector<1x10000x64xf32>
    tpu.vector_store %arg7[%swap3A_121, %swap3A_122, %swap3A_123], %swap3A_126 {strides = array<i32>} : memref<2x10000x64xf32, #tpu.memory_space<vmem>>, vector<1x10000x64xf32>,
    %swap3A_127 = arith.constant 1 : index
    %swap3A_128 = arith.constant 0 : index
    %swap3A_129 = arith.constant 0 : index
    %swap3A_130 = vector.load %arg8[%swap3A_127, %swap3A_128, %swap3A_129] : memref<2x10000x4xf32, #tpu.memory_space<vmem>>, vector<1x10000x4xf32>
    %swap3A_131 = vector.shape_cast %swap3A_130 : vector<1x10000x4xf32> to vector<10000x4xf32>
    %swap3A_132 = vector.shape_cast %dot_general3A_104 : vector<10000x4xf32> to vector<1x10000x4xf32>
    tpu.vector_store %arg8[%swap3A_127, %swap3A_128, %swap3A_129], %swap3A_132 {strides = array<i32>} : memref<2x10000x4xf32, #tpu.memory_space<vmem>>, vector<1x10000x4xf32>,
    %swap3A_133 = arith.constant 1 : index
    %swap3A_134 = arith.constant 0 : index
    %swap3A_135 = arith.constant 0 : index
    %swap3A_136 = vector.load %arg9[%swap3A_133, %swap3A_134, %swap3A_135] : memref<2x10000x8xf32, #tpu.memory_space<vmem>>, vector<1x10000x4xf32>
    %swap3A_137 = vector.shape_cast %swap3A_136 : vector<1x10000x4xf32> to vector<10000x4xf32>
    %swap3A_138 = vector.shape_cast %dot_general3A_111 : vector<10000x4xf32> to vector<1x10000x4xf32>
    tpu.vector_store %arg9[%swap3A_133, %swap3A_134, %swap3A_135], %swap3A_138 {strides = array<i32>} : memref<2x10000x8xf32, #tpu.memory_space<vmem>>, vector<1x10000x4xf32>,
    %swap3A_139 = arith.constant 1 : index
    %swap3A_140 = arith.constant 0 : index
    %swap3A_141 = arith.constant 4 : index
    %swap3A_142 = vector.load %arg9[%swap3A_139, %swap3A_140, %swap3A_141] : memref<2x10000x8xf32, #tpu.memory_space<vmem>>, vector<1x10000x4xf32>
    %swap3A_143 = vector.shape_cast %swap3A_142 : vector<1x10000x4xf32> to vector<10000x4xf32>
    %swap3A_144 = vector.shape_cast %max3A_120 : vector<10000x4xf32> to vector<1x10000x4xf32>
    tpu.vector_store %arg9[%swap3A_139, %swap3A_140, %swap3A_141], %swap3A_144 {strides = array<i32>} : memref<2x10000x8xf32, #tpu.memory_space<vmem>>, vector<1x10000x4xf32>,
    return
  }
}

module attributes {stable_mosaic.version = 14 : i64} {
  func.func @_final_body(%arg0: i32, %arg1: memref<2x2000x72xf32, #tpu.memory_space<vmem>>, %arg2: memref<2x2000x64xf32, #tpu.memory_space<vmem>>, %arg3: memref<2x2000x4xf32, #tpu.memory_space<vmem>>, %arg4: memref<2x2000x8xf32, #tpu.memory_space<vmem>>, %arg5: memref<2x1x64xf32, #tpu.memory_space<vmem>>, %arg6: memref<2000x2xf32, #tpu.memory_space<vmem>>, %arg7: memref<1x2xf32, #tpu.memory_space<vmem>>, %arg8: memref<64x64xf32, #tpu.memory_space<vmem>>, %arg9: memref<1x64xf32, #tpu.memory_space<vmem>>, %arg10: memref<4x64xf32, #tpu.memory_space<vmem>>, %arg11: memref<2000x64xf32, #tpu.memory_space<vmem>>, %arg12: memref<1x2xf32, #tpu.memory_space<vmem>>) attributes {dimension_semantics = [#tpu.dimension_semantics<arbitrary>], iteration_bounds = array<i64: 5>, scalar_prefetch = 0 : i64, scratch_operands = 0 : i64, tpu.core_type = #tpu.core_type<tc>, window_params = [{transform_indices = @transform_0, window_bounds = array<i64: 2, 2000, 72>}, {transform_indices = @transform_1, window_bounds = array<i64: 2, 2000, 64>}, {transform_indices = @transform_2, window_bounds = array<i64: 2, 2000, 4>}, {transform_indices = @transform_3, window_bounds = array<i64: 2, 2000, 8>}, {pipeline_mode = #tpu.pipeline_mode<synchronous>, transform_indices = @transform_4, window_bounds = array<i64: 2, 1, 64>}, {transform_indices = @transform_5, window_bounds = array<i64: 2000, 2>}, {pipeline_mode = #tpu.pipeline_mode<synchronous>, transform_indices = @transform_6, window_bounds = array<i64: 1, 2>}, {pipeline_mode = #tpu.pipeline_mode<synchronous>, transform_indices = @transform_7, window_bounds = array<i64: 64, 64>}, {pipeline_mode = #tpu.pipeline_mode<synchronous>, transform_indices = @transform_8, window_bounds = array<i64: 1, 64>}, {pipeline_mode = #tpu.pipeline_mode<synchronous>, transform_indices = @transform_9, window_bounds = array<i64: 4, 64>}, {transform_indices = @transform_10, window_bounds = array<i64: 2000, 64>}, {pipeline_mode = #tpu.pipeline_mode<synchronous>, transform_indices = @transform_11, window_bounds = array<i64: 1, 2>}]} {
    %get3A = arith.constant 0 : index
    %get3A_0 = arith.constant 0 : index
    %get3A_1 = vector.load %arg7[%get3A, %get3A_0] : memref<1x2xf32, #tpu.memory_space<vmem>>, vector<1x2xf32>
    %reduce_max3A = arith.constant dense<0xFF800000> : vector<1xf32>
    %reduce_max3A_2 = vector.multi_reduction <maximumf>, %get3A_1, %reduce_max3A [1] : vector<1x2xf32> to vector<1xf32>
    %max3A = arith.constant 0xFF800000 : f32
    %max3A_3 = vector.broadcast %max3A : f32 to vector<1xf32>
    %max3A_4 = arith.maximumf %max3A_3, %reduce_max3A_2 : vector<1xf32>
    %broadcast_in_dim3A = vector.shape_cast %max3A_4 : vector<1xf32> to vector<1x1xf32>
    %sub3A = vector.broadcast %broadcast_in_dim3A : vector<1x1xf32> to vector<1x2xf32>
    %sub3A_5 = arith.subf %get3A_1, %sub3A : vector<1x2xf32>
    %exp3A = math.exp %sub3A_5 : vector<1x2xf32>
    %reduce_sum3A = arith.constant dense<0.000000e+00> : vector<1xf32>
    %reduce_sum3A_6 = vector.multi_reduction <add>, %exp3A, %reduce_sum3A [1] : vector<1x2xf32> to vector<1xf32>
    %broadcast_in_dim3A_7 = vector.shape_cast %reduce_sum3A_6 : vector<1xf32> to vector<1x1xf32>
    %div3A = vector.broadcast %broadcast_in_dim3A_7 : vector<1x1xf32> to vector<1x2xf32>
    %div3A_8 = arith.divf %exp3A, %div3A : vector<1x2xf32>
    %get3A_9 = arith.constant 0 : index
    %get3A_10 = arith.constant 0 : index
    %get3A_11 = vector.load %arg6[%get3A_9, %get3A_10] : memref<2000x2xf32, #tpu.memory_space<vmem>>, vector<2000x2xf32>
    %reduce_max3A_12 = arith.constant dense<0xFF800000> : vector<2000xf32>
    %reduce_max3A_13 = vector.multi_reduction <maximumf>, %get3A_11, %reduce_max3A_12 [1] : vector<2000x2xf32> to vector<2000xf32>
    %max3A_14 = arith.constant 0xFF800000 : f32
    %max3A_15 = vector.broadcast %max3A_14 : f32 to vector<2000xf32>
    %max3A_16 = arith.maximumf %max3A_15, %reduce_max3A_13 : vector<2000xf32>
    %broadcast_in_dim3A_17 = vector.shape_cast %max3A_16 : vector<2000xf32> to vector<2000x1xf32>
    %sub3A_18 = vector.broadcast %broadcast_in_dim3A_17 : vector<2000x1xf32> to vector<2000x2xf32>
    %sub3A_19 = arith.subf %get3A_11, %sub3A_18 : vector<2000x2xf32>
    %exp3A_20 = math.exp %sub3A_19 : vector<2000x2xf32>
    %reduce_sum3A_21 = arith.constant dense<0.000000e+00> : vector<2000xf32>
    %reduce_sum3A_22 = vector.multi_reduction <add>, %exp3A_20, %reduce_sum3A_21 [1] : vector<2000x2xf32> to vector<2000xf32>
    %broadcast_in_dim3A_23 = vector.shape_cast %reduce_sum3A_22 : vector<2000xf32> to vector<2000x1xf32>
    %div3A_24 = vector.broadcast %broadcast_in_dim3A_23 : vector<2000x1xf32> to vector<2000x2xf32>
    %div3A_25 = arith.divf %exp3A_20, %div3A_24 : vector<2000x2xf32>
    %get3A_26 = arith.constant 0 : index
    %get3A_27 = arith.constant 0 : index
    %get3A_28 = vector.load %arg10[%get3A_26, %get3A_27] : memref<4x64xf32, #tpu.memory_space<vmem>>, vector<4x64xf32>
    %broadcast_in_dim3A_29 = arith.constant 0.000000e+00 : f32
    %broadcast_in_dim3A_30 = vector.broadcast %broadcast_in_dim3A_29 : f32 to vector<2000x64xf32>
    %get3A_31 = arith.constant 0 : index
    %get3A_32 = arith.constant 0 : index
    %get3A_33 = arith.constant 0 : index
    %get3A_34 = vector.load %arg1[%get3A_31, %get3A_32, %get3A_33] : memref<2x2000x72xf32, #tpu.memory_space<vmem>>, vector<1x2000x64xf32>
    %get3A_35 = vector.shape_cast %get3A_34 : vector<1x2000x64xf32> to vector<2000x64xf32>
    %get3A_36 = arith.constant 0 : index
    %get3A_37 = arith.constant 0 : index
    %get3A_38 = arith.constant 64 : index
    %get3A_39 = vector.load %arg1[%get3A_36, %get3A_37, %get3A_38] : memref<2x2000x72xf32, #tpu.memory_space<vmem>>, vector<1x2000x4xf32>
    %get3A_40 = vector.shape_cast %get3A_39 : vector<1x2000x4xf32> to vector<2000x4xf32>
    %get3A_41 = arith.constant 0 : index
    %get3A_42 = arith.constant 0 : index
    %get3A_43 = arith.constant 0 : index
    %get3A_44 = vector.load %arg3[%get3A_41, %get3A_42, %get3A_43] : memref<2x2000x4xf32, #tpu.memory_space<vmem>>, vector<1x2000x4xf32>
    %get3A_45 = vector.shape_cast %get3A_44 : vector<1x2000x4xf32> to vector<2000x4xf32>
    %get3A_46 = arith.constant 0 : index
    %get3A_47 = arith.constant 0 : index
    %get3A_48 = arith.constant 0 : index
    %get3A_49 = vector.load %arg4[%get3A_46, %get3A_47, %get3A_48] : memref<2x2000x8xf32, #tpu.memory_space<vmem>>, vector<1x2000x4xf32>
    %get3A_50 = vector.shape_cast %get3A_49 : vector<1x2000x4xf32> to vector<2000x4xf32>
    %add3A = arith.addf %get3A_45, %get3A_50 : vector<2000x4xf32>
    %get3A_51 = arith.constant 0 : index
    %get3A_52 = arith.constant 0 : index
    %get3A_53 = arith.constant 4 : index
    %get3A_54 = vector.load %arg4[%get3A_51, %get3A_52, %get3A_53] : memref<2x2000x8xf32, #tpu.memory_space<vmem>>, vector<1x2000x4xf32>
    %get3A_55 = vector.shape_cast %get3A_54 : vector<1x2000x4xf32> to vector<2000x4xf32>
    %mul3A = arith.constant 1.000000e-01 : f32
    %mul3A_56 = vector.broadcast %mul3A : f32 to vector<2000x4xf32>
    %mul3A_57 = arith.mulf %mul3A_56, %add3A : vector<2000x4xf32>
    %max3A_58 = arith.maximumf %add3A, %mul3A_57 : vector<2000x4xf32>
    %sub3A_59 = arith.subf %max3A_58, %get3A_55 : vector<2000x4xf32>
    %exp3A_60 = math.exp %sub3A_59 : vector<2000x4xf32>
    %add3A_61 = arith.addf %get3A_40, %exp3A_60 : vector<2000x4xf32>
    %add3A_62 = arith.constant 1.000000e-16 : f32
    %add3A_63 = vector.broadcast %add3A_62 : f32 to vector<2000x4xf32>
    %add3A_64 = arith.addf %add3A_61, %add3A_63 : vector<2000x4xf32>
    %div3A_65 = arith.constant 1.000000e+00 : f32
    %div3A_66 = vector.broadcast %div3A_65 : f32 to vector<2000x4xf32>
    %div3A_67 = arith.divf %div3A_66, %add3A_64 : vector<2000x4xf32>
    %dot_general3A = arith.constant dense<0.000000e+00> : vector<2000x64xf32>
    %dot_general3A_68 = tpu.matmul %exp3A_60, %get3A_28, %dot_general3A {dimension_numbers = #tpu.dot_dimension_numbers<[1], [0], [0], [1], [0, 0, 1, 1], [], []>, transpose_lhs_hint = false} : vector<2000x4xf32>, vector<4x64xf32>, vector<2000x64xf32> -> vector<2000x64xf32>
    %dot_general3A_69 = arith.constant dense<0.000000e+00> : vector<2000x64xf32>
    %dot_general3A_70 = tpu.matmul %div3A_67, %get3A_28, %dot_general3A_69 {dimension_numbers = #tpu.dot_dimension_numbers<[1], [0], [0], [1], [0, 0, 1, 1], [], []>, transpose_lhs_hint = false} : vector<2000x4xf32>, vector<4x64xf32>, vector<2000x64xf32> -> vector<2000x64xf32>
    %get3A_71 = arith.constant 0 : index
    %get3A_72 = arith.constant 0 : index
    %get3A_73 = arith.constant 0 : index
    %get3A_74 = vector.load %arg2[%get3A_71, %get3A_72, %get3A_73] : memref<2x2000x64xf32, #tpu.memory_space<vmem>>, vector<1x2000x64xf32>
    %get3A_75 = vector.shape_cast %get3A_74 : vector<1x2000x64xf32> to vector<2000x64xf32>
    %mul3A_76 = arith.mulf %dot_general3A_68, %get3A_75 : vector<2000x64xf32>
    %add3A_77 = arith.addf %get3A_35, %mul3A_76 : vector<2000x64xf32>
    %mul3A_78 = arith.mulf %add3A_77, %dot_general3A_70 : vector<2000x64xf32>
    %get3A_79 = arith.constant 0 : index
    %get3A_80 = arith.constant 0 : index
    %get3A_81 = arith.constant 0 : index
    %get3A_82 = vector.load %arg5[%get3A_79, %get3A_80, %get3A_81] : memref<2x1x64xf32, #tpu.memory_space<vmem>>, vector<1x1x64xf32>
    %get3A_83 = vector.shape_cast %get3A_82 : vector<1x1x64xf32> to vector<1x64xf32>
    %add3A_84 = vector.broadcast %get3A_83 : vector<1x64xf32> to vector<2000x64xf32>
    %add3A_85 = arith.addf %mul3A_78, %add3A_84 : vector<2000x64xf32>
    %slice3A = vector.extract_strided_slice %div3A_25 {offsets = [0, 0], sizes = [2000, 1], strides = [1, 1]} : vector<2000x2xf32> to vector<2000x1xf32>
    %slice3A_86 = vector.extract_strided_slice %div3A_8 {offsets = [0, 0], sizes = [1, 1], strides = [1, 1]} : vector<1x2xf32> to vector<1x1xf32>
    %mul3A_87 = vector.broadcast %slice3A_86 : vector<1x1xf32> to vector<2000x1xf32>
    %mul3A_88 = arith.mulf %slice3A, %mul3A_87 : vector<2000x1xf32>
    %mul3A_89 = vector.broadcast %mul3A_88 : vector<2000x1xf32> to vector<2000x64xf32>
    %mul3A_90 = arith.mulf %add3A_85, %mul3A_89 : vector<2000x64xf32>
    %add3A_91 = arith.addf %broadcast_in_dim3A_30, %mul3A_90 : vector<2000x64xf32>
    %get3A_92 = arith.constant 1 : index
    %get3A_93 = arith.constant 0 : index
    %get3A_94 = arith.constant 0 : index
    %get3A_95 = vector.load %arg1[%get3A_92, %get3A_93, %get3A_94] : memref<2x2000x72xf32, #tpu.memory_space<vmem>>, vector<1x2000x64xf32>
    %get3A_96 = vector.shape_cast %get3A_95 : vector<1x2000x64xf32> to vector<2000x64xf32>
    %get3A_97 = arith.constant 1 : index
    %get3A_98 = arith.constant 0 : index
    %get3A_99 = arith.constant 64 : index
    %get3A_100 = vector.load %arg1[%get3A_97, %get3A_98, %get3A_99] : memref<2x2000x72xf32, #tpu.memory_space<vmem>>, vector<1x2000x4xf32>
    %get3A_101 = vector.shape_cast %get3A_100 : vector<1x2000x4xf32> to vector<2000x4xf32>
    %get3A_102 = arith.constant 1 : index
    %get3A_103 = arith.constant 0 : index
    %get3A_104 = arith.constant 0 : index
    %get3A_105 = vector.load %arg3[%get3A_102, %get3A_103, %get3A_104] : memref<2x2000x4xf32, #tpu.memory_space<vmem>>, vector<1x2000x4xf32>
    %get3A_106 = vector.shape_cast %get3A_105 : vector<1x2000x4xf32> to vector<2000x4xf32>
    %get3A_107 = arith.constant 1 : index
    %get3A_108 = arith.constant 0 : index
    %get3A_109 = arith.constant 0 : index
    %get3A_110 = vector.load %arg4[%get3A_107, %get3A_108, %get3A_109] : memref<2x2000x8xf32, #tpu.memory_space<vmem>>, vector<1x2000x4xf32>
    %get3A_111 = vector.shape_cast %get3A_110 : vector<1x2000x4xf32> to vector<2000x4xf32>
    %add3A_112 = arith.addf %get3A_106, %get3A_111 : vector<2000x4xf32>
    %get3A_113 = arith.constant 1 : index
    %get3A_114 = arith.constant 0 : index
    %get3A_115 = arith.constant 4 : index
    %get3A_116 = vector.load %arg4[%get3A_113, %get3A_114, %get3A_115] : memref<2x2000x8xf32, #tpu.memory_space<vmem>>, vector<1x2000x4xf32>
    %get3A_117 = vector.shape_cast %get3A_116 : vector<1x2000x4xf32> to vector<2000x4xf32>
    %mul3A_118 = arith.constant 1.000000e-01 : f32
    %mul3A_119 = vector.broadcast %mul3A_118 : f32 to vector<2000x4xf32>
    %mul3A_120 = arith.mulf %mul3A_119, %add3A_112 : vector<2000x4xf32>
    %max3A_121 = arith.maximumf %add3A_112, %mul3A_120 : vector<2000x4xf32>
    %sub3A_122 = arith.subf %max3A_121, %get3A_117 : vector<2000x4xf32>
    %exp3A_123 = math.exp %sub3A_122 : vector<2000x4xf32>
    %add3A_124 = arith.addf %get3A_101, %exp3A_123 : vector<2000x4xf32>
    %add3A_125 = arith.constant 1.000000e-16 : f32
    %add3A_126 = vector.broadcast %add3A_125 : f32 to vector<2000x4xf32>
    %add3A_127 = arith.addf %add3A_124, %add3A_126 : vector<2000x4xf32>
    %div3A_128 = arith.constant 1.000000e+00 : f32
    %div3A_129 = vector.broadcast %div3A_128 : f32 to vector<2000x4xf32>
    %div3A_130 = arith.divf %div3A_129, %add3A_127 : vector<2000x4xf32>
    %dot_general3A_131 = arith.constant dense<0.000000e+00> : vector<2000x64xf32>
    %dot_general3A_132 = tpu.matmul %exp3A_123, %get3A_28, %dot_general3A_131 {dimension_numbers = #tpu.dot_dimension_numbers<[1], [0], [0], [1], [0, 0, 1, 1], [], []>, transpose_lhs_hint = false} : vector<2000x4xf32>, vector<4x64xf32>, vector<2000x64xf32> -> vector<2000x64xf32>
    %dot_general3A_133 = arith.constant dense<0.000000e+00> : vector<2000x64xf32>
    %dot_general3A_134 = tpu.matmul %div3A_130, %get3A_28, %dot_general3A_133 {dimension_numbers = #tpu.dot_dimension_numbers<[1], [0], [0], [1], [0, 0, 1, 1], [], []>, transpose_lhs_hint = false} : vector<2000x4xf32>, vector<4x64xf32>, vector<2000x64xf32> -> vector<2000x64xf32>
    %get3A_135 = arith.constant 1 : index
    %get3A_136 = arith.constant 0 : index
    %get3A_137 = arith.constant 0 : index
    %get3A_138 = vector.load %arg2[%get3A_135, %get3A_136, %get3A_137] : memref<2x2000x64xf32, #tpu.memory_space<vmem>>, vector<1x2000x64xf32>
    %get3A_139 = vector.shape_cast %get3A_138 : vector<1x2000x64xf32> to vector<2000x64xf32>
    %mul3A_140 = arith.mulf %dot_general3A_132, %get3A_139 : vector<2000x64xf32>
    %add3A_141 = arith.addf %get3A_96, %mul3A_140 : vector<2000x64xf32>
    %mul3A_142 = arith.mulf %add3A_141, %dot_general3A_134 : vector<2000x64xf32>
    %get3A_143 = arith.constant 1 : index
    %get3A_144 = arith.constant 0 : index
    %get3A_145 = arith.constant 0 : index
    %get3A_146 = vector.load %arg5[%get3A_143, %get3A_144, %get3A_145] : memref<2x1x64xf32, #tpu.memory_space<vmem>>, vector<1x1x64xf32>
    %get3A_147 = vector.shape_cast %get3A_146 : vector<1x1x64xf32> to vector<1x64xf32>
    %add3A_148 = vector.broadcast %get3A_147 : vector<1x64xf32> to vector<2000x64xf32>
    %add3A_149 = arith.addf %mul3A_142, %add3A_148 : vector<2000x64xf32>
    %slice3A_150 = vector.extract_strided_slice %div3A_25 {offsets = [0, 1], sizes = [2000, 1], strides = [1, 1]} : vector<2000x2xf32> to vector<2000x1xf32>
    %slice3A_151 = vector.extract_strided_slice %div3A_8 {offsets = [0, 1], sizes = [1, 1], strides = [1, 1]} : vector<1x2xf32> to vector<1x1xf32>
    %mul3A_152 = vector.broadcast %slice3A_151 : vector<1x1xf32> to vector<2000x1xf32>
    %mul3A_153 = arith.mulf %slice3A_150, %mul3A_152 : vector<2000x1xf32>
    %mul3A_154 = vector.broadcast %mul3A_153 : vector<2000x1xf32> to vector<2000x64xf32>
    %mul3A_155 = arith.mulf %add3A_149, %mul3A_154 : vector<2000x64xf32>
    %add3A_156 = arith.addf %add3A_91, %mul3A_155 : vector<2000x64xf32>
    %get3A_157 = arith.constant 0 : index
    %get3A_158 = arith.constant 0 : index
    %get3A_159 = vector.load %arg8[%get3A_157, %get3A_158] : memref<64x64xf32, #tpu.memory_space<vmem>>, vector<64x64xf32>
    %dot_general3A_160 = arith.constant dense<0.000000e+00> : vector<2000x64xf32>
    %dot_general3A_161 = tpu.matmul %add3A_156, %get3A_159, %dot_general3A_160 {dimension_numbers = #tpu.dot_dimension_numbers<[1], [0], [0], [1], [0, 0, 1, 1], [], []>, transpose_lhs_hint = false} : vector<2000x64xf32>, vector<64x64xf32>, vector<2000x64xf32> -> vector<2000x64xf32>
    %get3A_162 = arith.constant 0 : index
    %get3A_163 = arith.constant 0 : index
    %get3A_164 = vector.load %arg9[%get3A_162, %get3A_163] : memref<1x64xf32, #tpu.memory_space<vmem>>, vector<1x64xf32>
    %add3A_165 = vector.broadcast %get3A_164 : vector<1x64xf32> to vector<2000x64xf32>
    %add3A_166 = arith.addf %dot_general3A_161, %add3A_165 : vector<2000x64xf32>
    %swap3A = arith.constant 0 : index
    %swap3A_167 = arith.constant 0 : index
    %swap3A_168 = vector.load %arg11[%swap3A, %swap3A_167] : memref<2000x64xf32, #tpu.memory_space<vmem>>, vector<2000x64xf32>
    tpu.vector_store %arg11[%swap3A, %swap3A_167], %add3A_166 {strides = array<i32>} : memref<2000x64xf32, #tpu.memory_space<vmem>>, vector<2000x64xf32>,
    %swap3A_169 = arith.constant 0 : index
    %swap3A_170 = arith.constant 0 : index
    %swap3A_171 = vector.load %arg12[%swap3A_169, %swap3A_170] : memref<1x2xf32, #tpu.memory_space<vmem>>, vector<1x2xf32>
    tpu.vector_store %arg12[%swap3A_169, %swap3A_170], %div3A_8 {strides = array<i32>} : memref<1x2xf32, #tpu.memory_space<vmem>>, vector<1x2xf32>,
    return
  }
  func.func @transform_0(%arg0: i32) -> (i32, i32, i32) {
    %c0_i32 = arith.constant 0 : i32
    %c0_i32_0 = arith.constant 0 : i32
    %c0_i32_1 = arith.constant 0 : i32
    return %c0_i32, %arg0, %c0_i32_0 : i32, i32, i32
  }
  func.func @transform_1(%arg0: i32) -> (i32, i32, i32) {
    %c0_i32 = arith.constant 0 : i32
    %c0_i32_0 = arith.constant 0 : i32
    %c0_i32_1 = arith.constant 0 : i32
    return %c0_i32, %arg0, %c0_i32_0 : i32, i32, i32
  }
  func.func @transform_2(%arg0: i32) -> (i32, i32, i32) {
    %c0_i32 = arith.constant 0 : i32
    %c0_i32_0 = arith.constant 0 : i32
    %c0_i32_1 = arith.constant 0 : i32
    return %c0_i32, %arg0, %c0_i32_0 : i32, i32, i32
  }
  func.func @transform_3(%arg0: i32) -> (i32, i32, i32) {
    %c0_i32 = arith.constant 0 : i32
    %c0_i32_0 = arith.constant 0 : i32
    %c0_i32_1 = arith.constant 0 : i32
    return %c0_i32, %arg0, %c0_i32_0 : i32, i32, i32
  }
  func.func @transform_4(%arg0: i32) -> (i32, i32, i32) {
    %c0_i32 = arith.constant 0 : i32
    %c0_i32_0 = arith.constant 0 : i32
    %c0_i32_1 = arith.constant 0 : i32
    %c0_i32_2 = arith.constant 0 : i32
    return %c0_i32, %c0_i32_0, %c0_i32_1 : i32, i32, i32
  }
  func.func @transform_5(%arg0: i32) -> (i32, i32) {
    %c0_i32 = arith.constant 0 : i32
    %c0_i32_0 = arith.constant 0 : i32
    return %arg0, %c0_i32 : i32, i32
  }
  func.func @transform_6(%arg0: i32) -> (i32, i32) {
    %c0_i32 = arith.constant 0 : i32
    %c0_i32_0 = arith.constant 0 : i32
    %c0_i32_1 = arith.constant 0 : i32
    return %c0_i32, %c0_i32_0 : i32, i32
  }
  func.func @transform_7(%arg0: i32) -> (i32, i32) {
    %c0_i32 = arith.constant 0 : i32
    %c0_i32_0 = arith.constant 0 : i32
    %c0_i32_1 = arith.constant 0 : i32
    return %c0_i32, %c0_i32_0 : i32, i32
  }
  func.func @transform_8(%arg0: i32) -> (i32, i32) {
    %c0_i32 = arith.constant 0 : i32
    %c0_i32_0 = arith.constant 0 : i32
    %c0_i32_1 = arith.constant 0 : i32
    return %c0_i32, %c0_i32_0 : i32, i32
  }
  func.func @transform_9(%arg0: i32) -> (i32, i32) {
    %c0_i32 = arith.constant 0 : i32
    %c0_i32_0 = arith.constant 0 : i32
    %c0_i32_1 = arith.constant 0 : i32
    return %c0_i32, %c0_i32_0 : i32, i32
  }
  func.func @transform_10(%arg0: i32) -> (i32, i32) {
    %c0_i32 = arith.constant 0 : i32
    %c0_i32_0 = arith.constant 0 : i32
    return %arg0, %c0_i32 : i32, i32
  }
  func.func @transform_11(%arg0: i32) -> (i32, i32) {
    %c0_i32 = arith.constant 0 : i32
    %c0_i32_0 = arith.constant 0 : i32
    %c0_i32_1 = arith.constant 0 : i32
    return %c0_i32, %c0_i32_0 : i32, i32
  }
}

module attributes {stable_mosaic.version = 14 : i64} {
  func.func @_dot_body(%arg0: i32, %arg1: memref<400x64xf32, #tpu.memory_space<vmem>>, %arg2: memref<10000x64xf32, #tpu.memory_space<vmem>>, %arg3: memref<400x10000xf32, #tpu.memory_space<vmem>>) attributes {dimension_semantics = [#tpu.dimension_semantics<arbitrary>], iteration_bounds = array<i64: 25>, scalar_prefetch = 0 : i64, scratch_operands = 0 : i64, tpu.core_type = #tpu.core_type<tc>, window_params = [{transform_indices = @transform_0, window_bounds = array<i64: 400, 64>}, {pipeline_mode = #tpu.pipeline_mode<synchronous>, transform_indices = @transform_1, window_bounds = array<i64: 10000, 64>}, {transform_indices = @transform_2, window_bounds = array<i64: 400, 10000>}]} {
    %get3A = arith.constant 0 : index
    %get3A_0 = arith.constant 0 : index
    %get3A_1 = vector.load %arg1[%get3A, %get3A_0] : memref<400x64xf32, #tpu.memory_space<vmem>>, vector<400x64xf32>
    %get3A_2 = arith.constant 0 : index
    %get3A_3 = arith.constant 0 : index
    %get3A_4 = vector.load %arg2[%get3A_2, %get3A_3] : memref<10000x64xf32, #tpu.memory_space<vmem>>, vector<10000x64xf32>
    %dot_general3A = arith.constant dense<0.000000e+00> : vector<400x10000xf32>
    %dot_general3A_5 = tpu.matmul %get3A_1, %get3A_4, %dot_general3A {dimension_numbers = #tpu.dot_dimension_numbers<[1], [1], [0], [0], [0, 0, 1, 0], [], []>, transpose_lhs_hint = false} : vector<400x64xf32>, vector<10000x64xf32>, vector<400x10000xf32> -> vector<400x10000xf32>
    %swap3A = arith.constant 0 : index
    %swap3A_6 = arith.constant 0 : index
    %swap3A_7 = vector.load %arg3[%swap3A, %swap3A_6] : memref<400x10000xf32, #tpu.memory_space<vmem>>, vector<400x10000xf32>
    tpu.vector_store %arg3[%swap3A, %swap3A_6], %dot_general3A_5 {strides = array<i32>} : memref<400x10000xf32, #tpu.memory_space<vmem>>, vector<400x10000xf32>,
    return
  }
  func.func @transform_0(%arg0: i32) -> (i32, i32) {
    %c0_i32 = arith.constant 0 : i32
    %c0_i32_0 = arith.constant 0 : i32
    return %arg0, %c0_i32 : i32, i32
  }
  func.func @transform_1(%arg0: i32) -> (i32, i32) {
    %c0_i32 = arith.constant 0 : i32
    %c0_i32_0 = arith.constant 0 : i32
    %c0_i32_1 = arith.constant 0 : i32
    return %c0_i32, %c0_i32_0 : i32, i32
  }
  func.func @transform_2(%arg0: i32) -> (i32, i32) {
    %c0_i32 = arith.constant 0 : i32
    %c0_i32_0 = arith.constant 0 : i32
    return %arg0, %c0_i32 : i32, i32
  }
}

</mosaic_0001>

<sc_bundles>
// kernel: kernel.6.cloned.1.call-start
scs
__scs_entry_jumppad:
0x0: {  	(pc) =	sbr.rel $0x88, $3  }
0x1: {  	(tag) =	ssettag $0x0;
	lr =	simm.s32 $0x1  }
0x2: {  	[smem:$0x3F8A] =	sst lr;
	_ =	strace $0xD0000000  }
0x3: {  	_ = 	snop  }
0x4: {  	_ = 	snop  }
0x5: {  	_ = 	snop  }
0x6: {  	_ = 	snop  }
0x7: {  	_ = 	snop  }
__scs_overlays_trampoline_lowered:
0x8: {  	[smem:$0x3F99] =	sst s0  }
0x9: {  	[smem:$0x3F9A] =	sst s1  }
0xa: {  	[smem:$0x3F9B] =	sst s2  }
0xb: {  	[smem:$0x3F9C] =	sst s3  }
0xc: {  	[smem:$0x3F9D] =	sst s4  }
0xd: {  	[smem:$0x3F9E] =	sst s5  }
0xe: {  	[smem:$0x3F9F] =	sst s6  }
0xf: {  	[smem:$0x3FA0] =	sst s7  }
0x10: {  	[smem:$0x3FA1] =	sst s8  }
0x11: {  	[smem:$0x3FA2] =	sst s9;
	s0 =	simm.s32 @!p0 $0x0  }
0x12: {  	s1 =	sld [smem:$0x3F88];
	s0 =	simm.s32 @p0 $0x1  }
0x13: {  	[smem:$0x3FA3] =	sst s0;
	s0 =	simm.s32 @!p1 $0x0  }
0x14: {  	s2 =	sld [smem:$0x3F87];
	s0 =	simm.s32 @p1 $0x1  }
0x15: {  	[smem:$0x3FA4] =	sst s0;
	s0 =	simm.s32 @!p2 $0x0  }
0x16: {  	s3 =	sld [smem:$0x3FDB];
	s0 =	simm.s32 @p2 $0x1  }
0x17: {  	s4 =	simm.s32 $0x1BF5;
	[smem:$0x3FA6] =	sst s0  }
0x18: {  	s0 =	sld [smem:$0x3F89];
	_ =	swait.ge [sflag:s4], $0x0  }
0x19: {  	s7 =	sld [smem:$0x3F8A]  }
0x1a: {  	s8 =	sadd.s32 $0xFFFFE003, lr  }
0x1b: {  	s9 =	sadd.s32 $0xFFFFFEF7, lr;
	s5 =	simm.s32 $0xFFFFFFFF;
	p2 =	slt.u32 s8, $0xFFFFF086  }
0x1c: {  	p1 =	slt.u32 s9, $0xF7A;
	s5 =	simm.s32 @!p2 $0x0  }
0x1d: {  	s5 =	simm.s32 @p1 $0x1;
	p0 =	seq.s32 s7, s2  }
0x1e: {  	s7 =	smul.u32 @!p0 $0xF7A, s2;
	p2 =	seq.s32 @!p0 s5, $0x0  }
0x1f: {  	s9 =	smul.u32 $0xF7A, s1;
	s8 =	simm.s32 @!p0 $0x1BF5;
	p2 =	por !p2, p0  }
0x20: {  	[sflag:s8] =	ssyncset.s32 @!p0 $0xFFFFF086;
	s6 =	sadd.s32 @!p0 s3, s7;
	s7 =	simm.s32 @!p0 $0x108  }
0x21: {  	s3 =	sadd.s32 s3, s9;
	s6 =	sadd.s32 @!p0 $0x88, s6;
	s7 =	simm.s32 @p2 $0x1082  }
0x22: {  	[simem:s7], [sflag:s8] =	dma.local @!p0 [hbm:s6], $0xF7A  }
0x23: {  	s9 =	sor.u32 $0xD0000000, s2;
	s6 =	simm.s32 $0x108;
	_ =	swait.ge @!p0 [sflag:s8], $0x0  }
0x24: {  	s3 =	sadd.s32 $0x88, s3;
	s6 =	simm.s32 @!p1 $0x1082;
	[sflag:s4] =	ssyncset.s32 $0xFFFFF086  }
0x25: {  	[simem:s6], [sflag:s4] =	dma.local [hbm:s3], $0xF7A  }
0x26: {  	[smem:$0x3F8A] =	sst s1;
	(tag) =	ssettag s2;
	_ =	strace s9  }
0x27: {  	s1 =	sld [smem:$0x3F9A]  }
0x28: {  	s2 =	sld [smem:$0x3F9B]  }
0x29: {  	s4 =	sld [smem:$0x3F9D]  }
0x2a: {  	p0 =	seq.s32 s5, $0x0;
	s5 =	sld [smem:$0x3F9E]  }
0x2b: {  	s6 =	sld [smem:$0x3F9F]  }
0x2c: {  	s7 =	sld [smem:$0x3FA0]  }
0x2d: {  	s3 =	simm.s32 $0x108;
	s8 =	sld [smem:$0x3FA1]  }
0x2e: {  	s3 =	simm.s32 @!p0 $0x1082;
	s9 =	sld [smem:$0x3FA2]  }
0x2f: {  	lr =	sadd.s32 s0, s3;
	s0 =	sld [smem:$0x3F99]  }
0x30: {  	s3 =	sld [smem:$0x3F9C]  }
0x31: {  	[smem:$0x3FA5] =	sst s10  }
0x32: {  	s10 =	sld [smem:$0x3FA3];
	_ =	sdelay $0x3  }
0x33: {  	p0 =	seq.s32 s10, $0x1;
	s10 =	sld [smem:$0x3FA5];
	_ =	sdelay $0x3  }
0x34: {  	[smem:$0x3FA5] =	sst s10  }
0x35: {  	s10 =	sld [smem:$0x3FA4];
	_ =	sdelay $0x3  }
0x36: {  	p1 =	seq.s32 s10, $0x1;
	s10 =	sld [smem:$0x3FA5];
	_ =	sdelay $0x3  }
0x37: {  	[smem:$0x3FA5] =	sst s10  }
0x38: {  	s10 =	sld [smem:$0x3FA6]  }
0x39: {  	_ = 	snop;
	(pc) =	sbr.ind lr, $3  }
0x3a: {  	_ = 	snop  }
0x3b: {  	_ = 	snop  }
0x3c: {  	p2 =	seq.s32 s10, $0x1;
	s10 =	sld [smem:$0x3FA5]  }
0x3d: {  	_ =	shalt  }
0x3e: {  	_ =	shalt  }
0x3f: {  	_ =	shalt  }
0x40: {  	_ =	shalt  }
0x41: {  	_ =	shalt  }
0x42: {  	_ =	shalt  }
0x43: {  	_ =	shalt  }
0x44: {  	_ =	shalt  }
0x45: {  	_ =	shalt  }
0x46: {  	_ =	shalt  }
0x47: {  	_ =	shalt  }
0x48: {  	_ =	shalt  }
0x49: {  	_ =	shalt  }
0x4a: {  	_ =	shalt  }
0x4b: {  	_ =	shalt  }
0x4c: {  	_ =	shalt  }
0x4d: {  	_ =	shalt  }
0x4e: {  	_ =	shalt  }
0x4f: {  	_ =	shalt  }
0x50: {  	_ =	shalt  }
0x51: {  	_ =	shalt  }
0x52: {  	_ =	shalt  }
0x53: {  	_ =	shalt  }
0x54: {  	_ =	shalt  }
0x55: {  	_ =	shalt  }
0x56: {  	_ =	shalt  }
0x57: {  	_ =	shalt  }
0x58: {  	_ =	shalt  }
0x59: {  	_ =	shalt  }
0x5a: {  	_ =	shalt  }
0x5b: {  	_ =	shalt  }
0x5c: {  	_ =	shalt  }
0x5d: {  	_ =	shalt  }
0x5e: {  	_ =	shalt  }
0x5f: {  	_ =	shalt  }
0x60: {  	_ =	shalt  }
0x61: {  	_ =	shalt  }
0x62: {  	_ =	shalt  }
0x63: {  	_ =	shalt  }
0x64: {  	_ =	shalt  }
0x65: {  	_ =	shalt  }
0x66: {  	_ =	shalt  }
0x67: {  	_ =	shalt  }
0x68: {  	_ =	shalt  }
0x69: {  	_ =	shalt  }
0x6a: {  	_ =	shalt  }
0x6b: {  	_ =	shalt  }
0x6c: {  	_ =	shalt  }
0x6d: {  	_ =	shalt  }
0x6e: {  	_ =	shalt  }
0x6f: {  	_ =	shalt  }
0x70: {  	_ =	shalt  }
0x71: {  	_ =	shalt  }
0x72: {  	_ =	shalt  }
0x73: {  	_ =	shalt  }
0x74: {  	_ =	shalt  }
0x75: {  	_ =	shalt  }
0x76: {  	_ =	shalt  }
0x77: {  	_ =	shalt  }
0x78: {  	_ =	shalt  }
0x79: {  	_ =	shalt  }
0x7a: {  	_ =	shalt  }
0x7b: {  	_ =	shalt  }
0x7c: {  	_ =	shalt  }
0x7d: {  	_ =	shalt  }
0x7e: {  	_ =	shalt  }
0x7f: {  	_ =	shalt  }
0x80: {  	_ =	shalt  }
0x81: {  	_ =	shalt  }
0x82: {  	_ =	shalt  }
0x83: {  	_ =	shalt  }
0x84: {  	_ =	shalt  }
0x85: {  	_ =	shalt  }
0x86: {  	_ =	shalt  }
0x87: {  	_ =	shalt  }
.Lfunc_end0:
.L_simem_size_0:
called_computation_lowered:
.L_overlay_start_0:
0x88: {  	s2 =	sld [smem:$0x3FD9]  }
0x89: {  	s3 =	sld [smem:$0x3FFE];
	_ =	sdelay $0x1  }
0x8a: {  	s1 =	srdreg.scid  }
0x8b: {  	s0 =	sand.u32 $0x1, s1  }
0x8c: {  	s14 =	sshll.u32 s0, $0xA;
	s2 =	sadd.s32 s3, s2  }
0x8d: {  	s2 =	sadd.s32 s2, s14  }
0x8e: {  	[smem:$0x3FB1] =	sst s2  }
0x8f: {  	_ = 	snop  }
0x90: {  	s2 =	sld [smem:$0x3FD0];
	_ =	sdelay $0x2  }
0x91: {  	s15 =	simm.s32 $0xA;
	s4 =	simm.s32 $0x10  }
0x92: {  	[smem:s4], [sflag:s15] =	dma.local [hbm:s2], $0x1  }
0x93: {  	_ =	swait.eq [sflag:s15], $0x1  }
0x94: {  	[sflag:s15] =	ssyncset.done $0x0  }
0x95: {  	s16 =	sld [smem:$0x11];
	[sflag:s15] =	ssyncadd.s32 $0xFFFFFFFF  }
0x96: {  	s17 =	sld [smem:$0x12];
	(tm) =	ssettm $0x1  }
0x97: {  	s18 =	sld [smem:$0x3FFB];
	_ =	sdelay $0x3  }
0x98: {  	_ =	strace s18  }
0x99: {  	s4 =	sld [smem:$0x3FFC];
	_ =	sdelay $0x3  }
0x9a: {  	_ =	strace s4  }
0x9b: {  	s4 =	sld [smem:$0x3FFD];
	_ =	sdelay $0x3  }
0x9c: {  	_ =	strace s4  }
0x9d: {  	_ =	strace $0x8FFFFFFF  }
0x9e: {  	s19 =	sld [smem:$0x3FDB];
	_ =	sdelay $0x1  }
0x9f: {  	s5 =	simm.s32 $_scs_section_size  }
0xa0: {  	s6 =	simm.s32 $_size__tile_overlayer_lowered;
	s7 =	simm.s32 $_tile_overlayer_lowered  }
0xa1: {  	s22 =	simm.s32 $0x1BFF;
	s21 =	sshll.u32 s7, $0x1;
	s4 =	sadd.s32 s5, s19  }
0xa2: {  	s8 =	simm.s32 $0x0;
	s20 =	sshll.u32 s6, $0x1;
	s6 =	sadd.s32 s21, s4  }
0xa3: {  	[timem:s8], [sflag:s22] =	dma.local [hbm:s6], s20  }
0xa4: {  	_ =	swait.ge [sflag:s22], s20  }
0xa5: {  	s5 =	ssub.s32 $0x0, s20;
	[sflag:s22] =	ssyncset.done $0x0  }
0xa6: {  	[sflag:s22] =	ssyncadd.s32 s5;
	_ =	sdelay $0x1  }
0xa7: {  	s23 =	simm.s32 $0x1B8B  }
0xa8: {  	_ =	swait.ge [sflag:s23], $0x1  }
0xa9: {  	[sflag:s23] =	ssyncset.done $0x0  }
0xaa: {  	s25 =	simm.s32 $0x1B8E;
	s24 =	sld [smem:$0x3FFE];
	[sflag:s23] =	ssyncadd.s32 $0xFFFFFFFF  }
0xab: {  	s26 =	simm.s32 $execute0_lowered;
	[smem:$0x3FD2] =	sst s25  }
0xac: {  	s6 =	sshll.u32 s26, $0x1;
	_ =	strace $0x80000046;
	[dreg:$0x1] =	wrdreg $0xFFFFFFFF  }
0xad: {  	s28 =	simm.s32 $_size_execute0_lowered;
	s4 =	sadd.s32 s4, s6;
	[dreg:$0x0] =	wrdreg $0x0  }
0xae: {  	s6 =	sshll.u32 s28, $0x1;
	[dreg:$0x2] =	wrdreg s4  }
0xaf: {  	[dreg:$0x3] =	wrdreg s6  }
0xb0: {  	[dreg:$0x4] =	wrdreg $0xC0  }
0xb1: {  	_ =	task [dreg:s8], $0x5FFFF  }
0xb2: {  	[dreg:$0x1] =	wrdreg $0xFFFFFFFF  }
0xb3: {  	[dreg:$0x0] =	wrdreg $0x60  }
0xb4: {  	[dreg:$0x2] =	wrdreg s24  }
0xb5: {  	[dreg:$0x3] =	wrdreg s16  }
0xb6: {  	[dreg:$0x4] =	wrdreg s17  }
0xb7: {  	[dreg:$0x5] =	wrdreg $0xAFF00  }
0xb8: {  	[dreg:$0x6] =	wrdreg $0xD7000  }
0xb9: {  	[dreg:$0x7] =	wrdreg $0x0  }
0xba: {  	[dreg:$0x8] =	wrdreg $0x9  }
0xbb: {  	_ =	task.clear_ibuf [dreg:s8], $0x9FFFF;
	_ =	strace $0x90000046  }
0xbc: {  	s29 =	simm.s32 $0x9;
	_ =	strace $0x80000048  }
0xbd: {  	_ =	swait.ge [sflag:s29], $0x1  }
0xbe: {  	[sflag:s29] =	ssyncadd.s32 $0xFFFFFFFF  }
0xbf: {  	_ =	strace $0x90000048  }
0xc0: {  	_ =	sfence  }
0xc1: {  	s30 =	sld [smem:$0x0];
	_ =	sdelay $0x2  }
0xc2: {  	s31 =	sshll.u32 s1, $0xD;
	s1 =	sshrl.u32 s1, $0x2  }
0xc3: {  	s3 =	sand.u32 $0x4000, s31;
	s1 =	sadd.s32 s1, s30  }
0xc4: {  	s0 =	sor.u32 s3, s0;
	s1 =	sshll.u32 s1, $0x11  }
0xc5: {  	s0 =	sor.u32 s1, s0  }
0xc6: {  	s0 =	sadd.s32 $0x8F2B, s0  }
0xc7: {  	[sflag:s0] =	ssyncadd.remote.s32 $0x1  }
0xc8: {  	_ =	sfence.sel $0xFFFF  }
0xc9: {  	[dreg:$0x0] =	wrdreg $0xFFFFFFFF;
	(pc) =	sbr.abs _section_cstart, $3  }
0xca: {  	[dreg:$0x1] =	wrdreg $0xFFFFFFFF  }
0xcb: {  	_ =	task.clear_ibuf [dreg:s8], $0x2FFFF;
	_ =	strace $0x9FFFFFFF  }
0xcc: {  	(tm) =	ssettm $0x7FFFFFFF  }
0xcd: {  	_ =	shalt  }
tec
execute0_lowered:
.L_overlay_start_1:
0x0: {  	(tag) =	ssettag $0x1  }
0x1: {  	v0 =	vlaneseq.u32  }
0x2: {  	v1 =	vmul.u32 $0x48, v0;
	_ =	sdelay $0x1  }
0x3: {  	v2 =	vadd.s32 $0x44, v1  }
0x4: {  	[tilespmem:$0x1FB30] =	vst v2;
	v2 =	vadd.s32 $0x45, v1  }
0x5: {  	[tilespmem:$0x1FB40] =	vst v2;
	v2 =	vadd.s32 $0x46, v1  }
0x6: {  	[tilespmem:$0x1FB50] =	vst v2;
	v2 =	vadd.s32 $0x47, v1  }
0x7: {  	[tilespmem:$0x1FB60] =	vst v2;
	v2 =	vadd.s32 $0x4C4, v1  }
0x8: {  	[tilespmem:$0x1FB70] =	vst v2;
	v2 =	vadd.s32 $0x4C5, v1  }
0x9: {  	[tilespmem:$0x1FB80] =	vst v2;
	v2 =	vadd.s32 $0x4C6, v1  }
0xa: {  	[tilespmem:$0x1FB90] =	vst v2;
	v2 =	vadd.s32 $0x4C7, v1  }
0xb: {  	[tilespmem:$0x1FBA0] =	vst v2;
	v2 =	vadd.s32 $0x944, v1  }
0xc: {  	[tilespmem:$0x1FBB0] =	vst v2;
	v2 =	vadd.s32 $0x945, v1  }
0xd: {  	[tilespmem:$0x1FBC0] =	vst v2;
	v2 =	vadd.s32 $0x946, v1  }
0xe: {  	[tilespmem:$0x1FBD0] =	vst v2;
	v2 =	vadd.s32 $0x947, v1  }
0xf: {  	[tilespmem:$0x1FBE0] =	vst v2;
	v2 =	vadd.s32 $0xDC4, v1  }
0x10: {  	v3 =	vimm.s32 $0x13121110;
	[tilespmem:$0x1FBF0] =	vst v2;
	v2 =	vadd.s32 $0xDC5, v1  }
0x11: {  	v4 =	vimm.s32 $0x1B1A1918;
	v6 =	vimm.s32 $0x1F1E1D1C;
	[tilespmem:$0x1FC00] =	vst v2;
	v2 =	vadd.s32 $0xDC6, v1  }
0x12: {  	vm15 =	vcmask $0x1F10;
	vm0 =	vcmask $0xF00;
	[tilespmem:$0x1FC10] =	vst v2;
	v2 =	vadd.s32 $0xDC7, v1  }
0x13: {  	vm1 =	vcmask $0x3734;
	v8 =	vimm.s32 $0x3B3A3938;
	[tilespmem:$0x1FC20] =	vst v2;
	v2 =	vadd.s32 $0x1244, v1  }
0x14: {  	v9 =	vimm.s32 $0x23222120;
	v10 =	vimm.s32 $0x2B2A2928;
	[tilespmem:$0x1FC30] =	vst v2;
	v2 =	vadd.s32 $0x1245, v1  }
0x15: {  	vm2 =	vcmask $0x3B38;
	vm3 =	vcmask $0x300;
	[tilespmem:$0x1FC40] =	vst v2;
	v2 =	vadd.s32 $0x1246, v1  }
0x16: {  	vm4 =	vcmask $0x704;
	vm5 =	vcmask $0xB08;
	[tilespmem:$0x1FC50] =	vst v2;
	v2 =	vadd.s32 $0x1247, v1  }
0x17: {  	vm6 =	vcmask $0xF0C;
	vm7 =	vcmask $0x1310;
	[tilespmem:$0x1FC60] =	vst v2;
	v2 =	vadd.s32 $0x16C4, v1  }
0x18: {  	vm8 =	vcmask $0x1714;
	vm9 =	vcmask $0x1B18;
	[tilespmem:$0x1FC70] =	vst v2;
	v2 =	vadd.s32 $0x16C5, v1  }
0x19: {  	vm10 =	vcmask $0x1F1C;
	vm11 =	vcmask $0x2320;
	[tilespmem:$0x1FC80] =	vst v2;
	v2 =	vadd.s32 $0x16C6, v1  }
0x1a: {  	vm12 =	vcmask $0x2724;
	vm13 =	vcmask $0x2B28;
	[tilespmem:$0x1FC90] =	vst v2;
	v2 =	vadd.s32 $0x16C7, v1  }
0x1b: {  	vm14 =	vcmask $0x2F2C;
	v11 =	vimm.s32 $0x3DF;
	[tilespmem:$0x1FCA0] =	vst v2;
	v2 =	vadd.s32 $0x1B44, v1  }
0x1c: {  	v12 =	vimm.s32 $0x22DB;
	v18 =	vimm.s32 $0x23FB;
	[tilespmem:$0x1FCB0] =	vst v2;
	v2 =	vadd.s32 $0x1B45, v1  }
0x1d: {  	v3 =	vunpack.c.0.s8.s32 v3;
	v4 =	vunpack.c.0.s8.s32 v4;
	[tilespmem:$0x1FCC0] =	vst v2;
	v2 =	vadd.s32 $0x1B46, v1  }
0x1e: {  	v6 =	vunpack.c.0.s8.s32 v6;
	v8 =	vunpack.c.0.s8.s32 v8;
	[tilespmem:$0x1FCD0] =	vst v2;
	v2 =	vadd.s32 $0x1B47, v1  }
0x1f: {  	v9 =	vunpack.c.0.s8.s32 v9;
	v10 =	vunpack.c.0.s8.s32 v10;
	[tilespmem:$0x1FCE0] =	vst v2;
	v2 =	vadd.s32 $0x1FC4, v1  }
0x20: {  	v11 =	vsel vm3, $0x3C4, v11;
	v12 =	vsel vm3, $0x2200, v12;
	[tilespmem:$0x1FCF0] =	vst v2;
	v2 =	vadd.s32 $0x1FC5, v1  }
0x21: {  	v18 =	vsel vm3, $0x2320, v18;
	v20 =	vshrl.u32 v0, $0x2;
	[tilespmem:$0x1FD00] =	vst v2;
	v2 =	vimm.s32 $0xBA983210  }
0x22: {  	v11 =	vsel vm4, $0x3C5, v11;
	v12 =	vsel vm4, $0x2201, v12;
	v2 =	vunpack.c.l.s4.s8 v2  }
0x23: {  	v18 =	vsel vm4, $0x2321, v18;
	v21 =	vor.u32 $0x4, v20;
	v5 =	vadd.s32 $0x1FC6, v1  }
0x24: {  	v22 =	vor.u32 $0x8, v20;
	[tilespmem:$0x1FD10] =	vst v5;
	v5 =	vimm.s32 $0x17161514;
	v2 =	vunpack.c.0.s8.s32 v2  }
0x25: {  	v23 =	vor.u32 $0xC, v20;
	v5 =	vunpack.c.0.s8.s32 v5;
	v1 =	vadd.s32 $0x1FC7, v1  }
0x26: {  	v25 =	vor.u32 $0x10, v20;
	[tilespmem:$0x1FD20] =	vst v1;
	v1 =	vsel vm15, v4, v3;
	v2 =	vand.u32 $0xF, v2  }
0x27: {  	v3 =	vsel vm15, v6, v5;
	v33 =	vcombine.low v2, v1;
	v1 =	vimm.s32 $0x43424140  }
0x28: {  	v2 =	vimm.s32 $0xFEDC7654;
	v4 =	vunpack.c.0.s8.s32 v1;
	v1 =	vimm.s32 $0x8B8A8988  }
0x29: {  	v5 =	vunpack.c.l.s4.s8 v2;
	v2 =	vunpack.c.0.s8.s32 v1;
	v1 =	vimm.s32 $0xD3D2D1D0  }
0x2a: {  	v26 =	vor.u32 $0x14, v20;
	v6 =	vand.u32 $0xFF, v4;
	v1 =	vunpack.c.0.s8.s32 v1  }
0x2b: {  	v5 =	vunpack.c.0.s8.s32 v5;
	v6 =	vnsel vm0, $0x11B, v6;
	v7 =	vand.u32 $0xFF, v2  }
0x2c: {  	vm0 =	vcmask $0x2F20;
	v6 =	vsel vm15, v7, v6;
	v7 =	vand.u32 $0xFF, v1  }
0x2d: {  	v5 =	vand.u32 $0xF, v5;
	v6 =	vsel vm0, v7, v6;
	vm0 =	vcmask $0x3330  }
0x2e: {  	v7 =	vimm.s32 $0x33323130;
	v3 =	vcombine.low v5, v3;
	v6 =	vsel vm0, $0x118, v6  }
0x2f: {  	v11 =	vsel vm5, $0x3C6, v11;
	v7 =	vunpack.c.0.s8.s32 v7;
	v6 =	vsel vm1, $0x119, v6  }
0x30: {  	v5 =	vsel vm15, v10, v9;
	v9 =	vimm.s32 $0x5B5A5958;
	[tilespmem:$0x1FD30] =	vst v3;
	v3 =	vsel vm2, $0x11A, v6  }
0x31: {  	v10 =	vimm.s32 $0x4B4A4948;
	[tilespmem:$0x1FD40] =	vst v3;
	v3 =	vsel vm15, v8, v7;
	v7 =	vimm.s32 $0x23B  }
0x32: {  	v9 =	vunpack.c.0.s8.s32 v9;
	v10 =	vunpack.c.0.s8.s32 v10;
	v7 =	vsel vm3, $0x160, v7  }
0x33: {  	v6 =	vimm.s32 $0x37363534;
	v8 =	vimm.s32 $0x3F3E3D3C;
	v7 =	vsel vm4, $0x161, v7  }
0x34: {  	v6 =	vunpack.c.0.s8.s32 v6;
	v8 =	vunpack.c.0.s8.s32 v8;
	v7 =	vsel vm5, $0x162, v7  }
0x35: {  	v4 =	vsel vm15, v10, v4;
	v10 =	vimm.s32 $0x6B6A6968;
	v7 =	vsel vm6, $0x163, v7  }
0x36: {  	v37 =	vcombine.low v5, v3;
	v5 =	vsel vm15, v8, v6;
	v3 =	vsel vm7, $0x1A8, v7  }
0x37: {  	v6 =	vimm.s32 $0x27262524;
	v7 =	vimm.s32 $0x2F2E2D2C;
	v3 =	vsel vm8, $0x1A9, v3  }
0x38: {  	v6 =	vunpack.c.0.s8.s32 v6;
	v7 =	vunpack.c.0.s8.s32 v7;
	v3 =	vsel vm9, $0x1AA, v3  }
0x39: {  	v10 =	vunpack.c.0.s8.s32 v10;
	v8 =	vimm.s32 $0x35B;
	v3 =	vsel vm10, $0x1AB, v3  }
0x3a: {  	v6 =	vsel vm15, v7, v6;
	v7 =	vsel vm3, $0x280, v8;
	v8 =	vimm.s32 $0x53525150  }
0x3b: {  	v3 =	vsel vm11, $0x1F0, v3;
	v7 =	vsel vm4, $0x281, v7;
	v8 =	vunpack.c.0.s8.s32 v8  }
0x3c: {  	v5 =	vcombine.low v6, v5;
	v6 =	vimm.s32 $0x57565554;
	v3 =	vsel vm12, $0x1F1, v3  }
0x3d: {  	v7 =	vsel vm5, $0x282, v7;
	v6 =	vunpack.c.0.s8.s32 v6;
	v3 =	vsel vm13, $0x1F2, v3  }
0x3e: {  	v7 =	vsel vm6, $0x283, v7;
	[tilespmem:$0x1FD50] =	vst v5;
	v5 =	vsel vm15, v9, v8;
	v3 =	vsel vm14, $0x1F3, v3  }
0x3f: {  	v8 =	vimm.s32 $0x47464544;
	v9 =	vimm.s32 $0x4F4E4D4C;
	v3 =	vsel vm0, $0x238, v3  }
0x40: {  	v8 =	vunpack.c.0.s8.s32 v8;
	v9 =	vunpack.c.0.s8.s32 v9;
	v3 =	vsel vm1, $0x239, v3  }
0x41: {  	v7 =	vsel vm7, $0x2C8, v7;
	v41 =	vcombine.low v4, v5;
	v3 =	vsel vm2, $0x23A, v3  }
0x42: {  	v5 =	vsel vm15, v9, v8;
	[tilespmem:$0x1FD60] =	vst v3;
	v3 =	vsel vm8, $0x2C9, v7;
	v7 =	vimm.s32 $0x5F5E5D5C  }
0x43: {  	v8 =	vimm.s32 $0x7B7A7978;
	v3 =	vsel vm9, $0x2CA, v3;
	v7 =	vunpack.c.0.s8.s32 v7  }
0x44: {  	v9 =	vimm.s32 $0x63626160;
	v8 =	vunpack.c.0.s8.s32 v8;
	v3 =	vsel vm10, $0x2CB, v3  }
0x45: {  	v9 =	vunpack.c.0.s8.s32 v9;
	v3 =	vsel vm11, $0x310, v3;
	v4 =	vsel vm15, v7, v6  }
0x46: {  	v6 =	vimm.s32 $0x47B;
	v7 =	vimm.s32 $0x73727170;
	v3 =	vsel vm12, $0x311, v3  }
0x47: {  	v6 =	vsel vm3, $0x3A0, v6;
	v7 =	vunpack.c.0.s8.s32 v7;
	v3 =	vsel vm13, $0x312, v3  }
0x48: {  	v4 =	vcombine.low v5, v4;
	v6 =	vsel vm4, $0x3A1, v6;
	v3 =	vsel vm14, $0x313, v3  }
0x49: {  	v6 =	vsel vm5, $0x3A2, v6;
	v5 =	vsel vm15, v8, v7;
	v7 =	vimm.s32 $0x77767574  }
0x4a: {  	v8 =	vimm.s32 $0x7F7E7D7C;
	v3 =	vsel vm0, $0x358, v3;
	v6 =	vsel vm6, $0x3A3, v6  }
0x4b: {  	v7 =	vunpack.c.0.s8.s32 v7;
	v8 =	vunpack.c.0.s8.s32 v8;
	v3 =	vsel vm1, $0x359, v3  }
0x4c: {  	[tilespmem:$0x1FD70] =	vst v4;
	v4 =	vsel vm7, $0x3E8, v6;
	v6 =	vsel vm15, v10, v9;
	v9 =	vimm.s32 $0x83828180  }
0x4d: {  	v4 =	vsel vm8, $0x3E9, v4;
	v3 =	vsel vm2, $0x35A, v3;
	v44 =	vcombine.low v6, v5  }
0x4e: {  	v15 =	vsel vm15, v8, v7;
	v5 =	vimm.s32 $0x6F6E6D6C;
	v6 =	vimm.s32 $0x93929190  }
0x4f: {  	v7 =	vimm.s32 $0x59B;
	v8 =	vimm.s32 $0x9B9A9998;
	v9 =	vunpack.c.0.s8.s32 v9  }
0x50: {  	v4 =	vsel vm9, $0x3EA, v4;
	v5 =	vunpack.c.0.s8.s32 v5;
	v6 =	vunpack.c.0.s8.s32 v6  }
0x51: {  	v7 =	vsel vm3, $0x4C0, v7;
	v8 =	vunpack.c.0.s8.s32 v8;
	v4 =	vsel vm10, $0x3EB, v4  }
0x52: {  	[tilespmem:$0x1FD80] =	vst v3;
	v2 =	vsel vm15, v2, v9;
	v3 =	vsel vm11, $0x430, v4;
	v4 =	vimm.s32 $0x67666564  }
0x53: {  	v9 =	vimm.s32 $0x8F8E8D8C;
	v3 =	vsel vm12, $0x431, v3;
	v4 =	vunpack.c.0.s8.s32 v4  }
0x54: {  	v7 =	vsel vm4, $0x4C1, v7;
	v9 =	vunpack.c.0.s8.s32 v9;
	v3 =	vsel vm13, $0x432, v3  }
0x55: {  	v3 =	vsel vm14, $0x433, v3;
	v17 =	vsel vm15, v5, v4;
	v4 =	vsel vm5, $0x4C2, v7  }
0x56: {  	v5 =	vsel vm15, v8, v6;
	v6 =	vimm.s32 $0x97969594;
	v7 =	vimm.s32 $0x9F9E9D9C  }
0x57: {  	v8 =	vimm.s32 $0x87868584;
	v3 =	vsel vm0, $0x478, v3;
	v4 =	vsel vm6, $0x4C3, v4  }
0x58: {  	v6 =	vunpack.c.0.s8.s32 v6;
	v8 =	vunpack.c.0.s8.s32 v8;
	v4 =	vsel vm7, $0x508, v4  }
0x59: {  	v2 =	vcombine.low v2, v5;
	v3 =	vsel vm1, $0x479, v3;
	v4 =	vsel vm8, $0x509, v4  }
0x5a: {  	v7 =	vunpack.c.0.s8.s32 v7;
	v3 =	vsel vm2, $0x47A, v3;
	v4 =	vsel vm9, $0x50A, v4  }
0x5b: {  	v5 =	vsel vm15, v9, v8;
	v46 =	vand.u32 $0xFF, v2;
	v4 =	vsel vm10, $0x50B, v4  }
0x5c: {  	v8 =	vimm.s32 $0x6BB;
	[tilespmem:$0x1FD90] =	vst v3;
	v3 =	vsel vm11, $0x550, v4;
	v4 =	vsel vm15, v7, v6  }
0x5d: {  	v6 =	vimm.s32 $0xA3A2A1A0;
	v7 =	vimm.s32 $0xABAAA9A8;
	v3 =	vsel vm12, $0x551, v3  }
0x5e: {  	v2 =	vcombine.low v5, v4;
	v4 =	vimm.s32 $0xB3B2B1B0;
	v5 =	vimm.s32 $0xBBBAB9B8  }
0x5f: {  	v6 =	vunpack.c.0.s8.s32 v6;
	v7 =	vunpack.c.0.s8.s32 v7;
	v3 =	vsel vm13, $0x552, v3  }
0x60: {  	v4 =	vunpack.c.0.s8.s32 v4;
	v5 =	vunpack.c.0.s8.s32 v5;
	v3 =	vsel vm14, $0x553, v3  }
0x61: {  	v8 =	vsel vm3, $0x5E0, v8;
	v2 =	vand.u32 $0xFF, v2;
	v3 =	vsel vm0, $0x598, v3  }
0x62: {  	v4 =	vsel vm15, v5, v4;
	v5 =	vsel vm15, v7, v6;
	v6 =	vimm.s32 $0xA7A6A5A4  }
0x63: {  	[tilespmem:$0x1FDA0] =	vst v2;
	v7 =	vimm.s32 $0xAFAEADAC;
	v2 =	vsel vm1, $0x599, v3;
	v3 =	vsel vm4, $0x5E1, v8  }
0x64: {  	v6 =	vunpack.c.0.s8.s32 v6;
	v3 =	vsel vm5, $0x5E2, v3;
	v2 =	vsel vm2, $0x59A, v2  }
0x65: {  	v7 =	vunpack.c.0.s8.s32 v7;
	[tilespmem:$0x1FDB0] =	vst v2;
	v2 =	vcombine.low v5, v4;
	v3 =	vsel vm6, $0x5E3, v3  }
0x66: {  	v4 =	vimm.s32 $0xB7B6B5B4;
	v5 =	vimm.s32 $0xBFBEBDBC;
	v3 =	vsel vm7, $0x628, v3  }
0x67: {  	v4 =	vunpack.c.0.s8.s32 v4;
	v5 =	vunpack.c.0.s8.s32 v5;
	v3 =	vsel vm8, $0x629, v3  }
0x68: {  	v8 =	vimm.s32 $0xCFCECDCC;
	v49 =	vand.u32 $0xFF, v2;
	v3 =	vsel vm9, $0x62A, v3  }
0x69: {  	v2 =	vsel vm15, v5, v4;
	v4 =	vsel vm15, v7, v6;
	v5 =	vimm.s32 $0xDBDAD9D8  }
0x6a: {  	v6 =	vimm.s32 $0xCBCAC9C8;
	v7 =	vimm.s32 $0x7DB;
	v3 =	vsel vm10, $0x62B, v3  }
0x6b: {  	v2 =	vcombine.low v4, v2;
	v4 =	vunpack.c.0.s8.s32 v5;
	v3 =	vsel vm11, $0x670, v3  }
0x6c: {  	v5 =	vimm.s32 $0xC3C2C1C0;
	v6 =	vunpack.c.0.s8.s32 v6;
	v3 =	vsel vm12, $0x671, v3  }
0x6d: {  	v7 =	vsel vm3, $0x700, v7;
	v2 =	vand.u32 $0xFF, v2;
	v3 =	vsel vm13, $0x672, v3  }
0x6e: {  	v5 =	vunpack.c.0.s8.s32 v5;
	[tilespmem:$0x1FDC0] =	vst v2;
	v2 =	vsel vm14, $0x673, v3;
	v3 =	vsel vm4, $0x701, v7  }
0x6f: {  	v12 =	vsel vm5, $0x2202, v12;
	v8 =	vunpack.c.0.s8.s32 v8;
	v3 =	vsel vm5, $0x702, v3  }
0x70: {  	v1 =	vsel vm15, v4, v1;
	v4 =	vsel vm15, v6, v5;
	v3 =	vsel vm6, $0x703, v3  }
0x71: {  	v5 =	vimm.s32 $0xD7D6D5D4;
	v6 =	vimm.s32 $0xDFDEDDDC;
	v3 =	vsel vm7, $0x748, v3  }
0x72: {  	v5 =	vunpack.c.0.s8.s32 v5;
	v7 =	vimm.s32 $0xC7C6C5C4;
	v3 =	vsel vm8, $0x749, v3  }
0x73: {  	v6 =	vunpack.c.0.s8.s32 v6;
	v7 =	vunpack.c.0.s8.s32 v7;
	v3 =	vsel vm9, $0x74A, v3  }
0x74: {  	v1 =	vcombine.low v4, v1;
	v2 =	vsel vm0, $0x6B8, v2;
	v3 =	vsel vm10, $0x74B, v3  }
0x75: {  	v4 =	vsel vm15, v6, v5;
	v5 =	vsel vm15, v8, v7;
	v3 =	vsel vm11, $0x790, v3  }
0x76: {  	v2 =	vsel vm1, $0x6B9, v2;
	v4 =	vcombine.low v5, v4;
	v3 =	vsel vm12, $0x791, v3  }
0x77: {  	v52 =	vand.u32 $0xFF, v1;
	v2 =	vsel vm2, $0x6BA, v2;
	v1 =	vsel vm13, $0x792, v3  }
0x78: {  	[tilespmem:$0x1FDD0] =	vst v2;
	v5 =	vimm.s32 $0xEBEAE9E8;
	v2 =	vand.u32 $0xFF, v4;
	v1 =	vsel vm14, $0x793, v1  }
0x79: {  	[tilespmem:$0x1FDE0] =	vst v2;
	v2 =	vimm.s32 $0xF3F2F1F0;
	v3 =	vimm.s32 $0xFBFAF9F8;
	v1 =	vsel vm0, $0x7D8, v1  }
0x7a: {  	v2 =	vunpack.c.0.s8.s32 v2;
	v3 =	vunpack.c.0.s8.s32 v3;
	v1 =	vsel vm1, $0x7D9, v1  }
0x7b: {  	v5 =	vunpack.c.0.s8.s32 v5;
	v4 =	vimm.s32 $0xE3E2E1E0;
	v1 =	vsel vm2, $0x7DA, v1  }
0x7c: {  	v4 =	vunpack.c.0.s8.s32 v4;
	[tilespmem:$0x1FDF0] =	vst v1;
	v1 =	vsel vm15, v3, v2;
	v2 =	vimm.s32 $0x8FB  }
0x7d: {  	v18 =	vsel vm5, $0x2322, v18;
	v11 =	vsel vm6, $0x3C7, v11;
	v2 =	vsel vm3, $0x820, v2  }
0x7e: {  	v3 =	vsel vm15, v5, v4;
	v4 =	vimm.s32 $0x11B;
	v2 =	vsel vm4, $0x821, v2  }
0x7f: {  	v1 =	vcombine.low v3, v1;
	v3 =	vsel vm3, $0x100, v4;
	v2 =	vsel vm5, $0x822, v2  }
0x80: {  	v12 =	vsel vm6, $0x2203, v12;
	v3 =	vsel vm4, $0x101, v3;
	v2 =	vsel vm6, $0x823, v2  }
0x81: {  	v18 =	vsel vm6, $0x2323, v18;
	v3 =	vsel vm5, $0x102, v3;
	v2 =	vsel vm7, $0x868, v2  }
0x82: {  	v6 =	vimm.s32 $0xE7E6E5E4;
	v3 =	vsel vm6, $0x103, v3;
	v2 =	vsel vm8, $0x869, v2  }
0x83: {  	v6 =	vunpack.c.0.s8.s32 v6;
	v3 =	vsel vm7, $0x108, v3;
	v2 =	vsel vm9, $0x86A, v2  }
0x84: {  	v7 =	vimm.s32 $0xEFEEEDEC;
	v3 =	vsel vm8, $0x109, v3;
	v2 =	vsel vm10, $0x86B, v2  }
0x85: {  	v7 =	vunpack.c.0.s8.s32 v7;
	v3 =	vsel vm9, $0x10A, v3;
	v2 =	vsel vm11, $0x8B0, v2  }
0x86: {  	v5 =	vimm.s32 $0xFFFEFDFC;
	v3 =	vsel vm10, $0x10B, v3;
	v2 =	vsel vm12, $0x8B1, v2  }
0x87: {  	v4 =	vimm.s32 $0xF7F6F5F4;
	v3 =	vsel vm11, $0x110, v3;
	v2 =	vsel vm13, $0x8B2, v2  }
0x88: {  	v5 =	vunpack.c.0.s8.s32 v5;
	v3 =	vsel vm12, $0x111, v3;
	v2 =	vsel vm14, $0x8B3, v2  }
0x89: {  	v4 =	vunpack.c.0.s8.s32 v4;
	v3 =	vsel vm13, $0x112, v3;
	v2 =	vsel vm0, $0x8F8, v2  }
0x8a: {  	v55 =	vand.u32 $0xFF, v1;
	v3 =	vsel vm14, $0x113, v3;
	v1 =	vsel vm1, $0x8F9, v2  }
0x8b: {  	v11 =	vsel vm7, $0x3CC, v11;
	v2 =	vsel vm0, $0x118, v3;
	v1 =	vsel vm2, $0x8FA, v1  }
0x8c: {  	v4 =	vsel vm15, v5, v4;
	v5 =	vsel vm15, v7, v6;
	[tilespmem:$0x1FE10] =	vst v1;
	v1 =	vsel vm1, $0x119, v2  }
0x8d: {  	v4 =	vcombine.low v5, v4;
	v58 =	vsel vm2, $0x11A, v1;
	v1 =	vimm.s32 $0x11F  }
0x8e: {  	v12 =	vsel vm7, $0x2248, v12;
	v2 =	vimm.s32 $0xA1B;
	v1 =	vsel vm3, $0x104, v1  }
0x8f: {  	v3 =	vand.u32 $0xFF, v4;
	v2 =	vsel vm3, $0x940, v2;
	v1 =	vsel vm4, $0x105, v1  }
0x90: {  	[tilespmem:$0x1FE00] =	vst v3;
	v3 =	vimm.s32 $0x13B;
	v2 =	vsel vm4, $0x941, v2;
	v1 =	vsel vm5, $0x106, v1  }
0x91: {  	v3 =	vsel vm3, $0x120, v3;
	v2 =	vsel vm5, $0x942, v2;
	v1 =	vsel vm6, $0x107, v1  }
0x92: {  	v3 =	vsel vm4, $0x121, v3;
	v2 =	vsel vm6, $0x943, v2;
	v1 =	vsel vm7, $0x10C, v1  }
0x93: {  	v3 =	vsel vm5, $0x122, v3;
	v2 =	vsel vm7, $0x988, v2;
	v1 =	vsel vm8, $0x10D, v1  }
0x94: {  	v3 =	vsel vm6, $0x123, v3;
	v2 =	vsel vm8, $0x989, v2;
	v1 =	vsel vm9, $0x10E, v1  }
0x95: {  	v3 =	vsel vm7, $0x128, v3;
	v2 =	vsel vm9, $0x98A, v2;
	v1 =	vsel vm10, $0x10F, v1  }
0x96: {  	v3 =	vsel vm8, $0x129, v3;
	v2 =	vsel vm10, $0x98B, v2;
	v1 =	vsel vm11, $0x114, v1  }
0x97: {  	v3 =	vsel vm9, $0x12A, v3;
	v2 =	vsel vm11, $0x9D0, v2;
	v1 =	vsel vm12, $0x115, v1  }
0x98: {  	v3 =	vsel vm10, $0x12B, v3;
	v2 =	vsel vm12, $0x9D1, v2;
	v1 =	vsel vm13, $0x116, v1  }
0x99: {  	v3 =	vsel vm11, $0x130, v3;
	v2 =	vsel vm13, $0x9D2, v2;
	v1 =	vsel vm14, $0x117, v1  }
0x9a: {  	v3 =	vsel vm12, $0x131, v3;
	v2 =	vsel vm14, $0x9D3, v2;
	v1 =	vsel vm0, $0x11C, v1  }
0x9b: {  	v3 =	vsel vm13, $0x132, v3;
	v2 =	vsel vm0, $0xA18, v2;
	v1 =	vsel vm1, $0x11D, v1  }
0x9c: {  	v3 =	vsel vm14, $0x133, v3;
	v2 =	vsel vm1, $0xA19, v2;
	v1 =	vsel vm2, $0x11E, v1  }
0x9d: {  	v18 =	vsel vm7, $0x2368, v18;
	v3 =	vsel vm0, $0x138, v3;
	[tilespmem:$0x1FE20] =	vst v1;
	v1 =	vsel vm2, $0xA1A, v2  }
0x9e: {  	v11 =	vsel vm8, $0x3CD, v11;
	v12 =	vsel vm8, $0x2249, v12;
	[tilespmem:$0x1FE30] =	vst v1;
	v1 =	vsel vm1, $0x139, v3  }
0x9f: {  	v18 =	vsel vm8, $0x2369, v18;
	v61 =	vsel vm2, $0x13A, v1;
	v1 =	vimm.s32 $0x13F  }
0xa0: {  	v11 =	vsel vm9, $0x3CE, v11;
	v2 =	vimm.s32 $0xB3B;
	v1 =	vsel vm3, $0x124, v1  }
0xa1: {  	v12 =	vsel vm9, $0x224A, v12;
	v2 =	vsel vm3, $0xA60, v2;
	v1 =	vsel vm4, $0x125, v1  }
0xa2: {  	v3 =	vimm.s32 $0x15B;
	v2 =	vsel vm4, $0xA61, v2;
	v1 =	vsel vm5, $0x126, v1  }
0xa3: {  	v3 =	vsel vm3, $0x140, v3;
	v2 =	vsel vm5, $0xA62, v2;
	v1 =	vsel vm6, $0x127, v1  }
0xa4: {  	v3 =	vsel vm4, $0x141, v3;
	v2 =	vsel vm6, $0xA63, v2;
	v1 =	vsel vm7, $0x12C, v1  }
0xa5: {  	v3 =	vsel vm5, $0x142, v3;
	v2 =	vsel vm7, $0xAA8, v2;
	v1 =	vsel vm8, $0x12D, v1  }
0xa6: {  	v3 =	vsel vm6, $0x143, v3;
	v2 =	vsel vm8, $0xAA9, v2;
	v1 =	vsel vm9, $0x12E, v1  }
0xa7: {  	v3 =	vsel vm7, $0x148, v3;
	v2 =	vsel vm9, $0xAAA, v2;
	v1 =	vsel vm10, $0x12F, v1  }
0xa8: {  	v3 =	vsel vm8, $0x149, v3;
	v2 =	vsel vm10, $0xAAB, v2;
	v1 =	vsel vm11, $0x134, v1  }
0xa9: {  	v3 =	vsel vm9, $0x14A, v3;
	v2 =	vsel vm11, $0xAF0, v2;
	v1 =	vsel vm12, $0x135, v1  }
0xaa: {  	v3 =	vsel vm10, $0x14B, v3;
	v2 =	vsel vm12, $0xAF1, v2;
	v1 =	vsel vm13, $0x136, v1  }
0xab: {  	v3 =	vsel vm11, $0x150, v3;
	v2 =	vsel vm13, $0xAF2, v2;
	v1 =	vsel vm14, $0x137, v1  }
0xac: {  	v3 =	vsel vm12, $0x151, v3;
	v2 =	vsel vm14, $0xAF3, v2;
	v1 =	vsel vm0, $0x13C, v1  }
0xad: {  	v3 =	vsel vm13, $0x152, v3;
	v2 =	vsel vm0, $0xB38, v2;
	v1 =	vsel vm1, $0x13D, v1  }
0xae: {  	v3 =	vsel vm14, $0x153, v3;
	v2 =	vsel vm1, $0xB39, v2;
	v1 =	vsel vm2, $0x13E, v1  }
0xaf: {  	v3 =	vsel vm0, $0x158, v3;
	[tilespmem:$0x1FE40] =	vst v1;
	v1 =	vsel vm2, $0xB3A, v2;
	v2 =	vimm.s32 $0x15F  }
0xb0: {  	[tilespmem:$0x1FE50] =	vst v1;
	v1 =	vsel vm1, $0x159, v3;
	v3 =	vimm.s32 $0xC5B;
	v2 =	vsel vm3, $0x144, v2  }
0xb1: {  	v18 =	vsel vm9, $0x236A, v18;
	v3 =	vsel vm3, $0xB80, v3;
	v2 =	vsel vm4, $0x145, v2  }
0xb2: {  	v4 =	vimm.s32 $0x17B;
	v3 =	vsel vm4, $0xB81, v3;
	v2 =	vsel vm5, $0x146, v2  }
0xb3: {  	v4 =	vsel vm3, $0x160, v4;
	v3 =	vsel vm5, $0xB82, v3;
	v2 =	vsel vm6, $0x147, v2  }
0xb4: {  	v4 =	vsel vm4, $0x161, v4;
	v3 =	vsel vm6, $0xB83, v3;
	v2 =	vsel vm7, $0x14C, v2  }
0xb5: {  	v4 =	vsel vm5, $0x162, v4;
	v3 =	vsel vm7, $0xBC8, v3;
	v2 =	vsel vm8, $0x14D, v2  }
0xb6: {  	v4 =	vsel vm6, $0x163, v4;
	v3 =	vsel vm8, $0xBC9, v3;
	v2 =	vsel vm9, $0x14E, v2  }
0xb7: {  	v4 =	vsel vm7, $0x168, v4;
	v3 =	vsel vm9, $0xBCA, v3;
	v2 =	vsel vm10, $0x14F, v2  }
0xb8: {  	v4 =	vsel vm8, $0x169, v4;
	v3 =	vsel vm10, $0xBCB, v3;
	v2 =	vsel vm11, $0x154, v2  }
0xb9: {  	v4 =	vsel vm9, $0x16A, v4;
	v3 =	vsel vm11, $0xC10, v3;
	v2 =	vsel vm12, $0x155, v2  }
0xba: {  	v4 =	vsel vm10, $0x16B, v4;
	v3 =	vsel vm12, $0xC11, v3;
	v2 =	vsel vm13, $0x156, v2  }
0xbb: {  	v4 =	vsel vm11, $0x170, v4;
	v3 =	vsel vm13, $0xC12, v3;
	v2 =	vsel vm14, $0x157, v2  }
0xbc: {  	v4 =	vsel vm12, $0x171, v4;
	v3 =	vsel vm14, $0xC13, v3;
	v2 =	vsel vm0, $0x15C, v2  }
0xbd: {  	v4 =	vsel vm13, $0x172, v4;
	v3 =	vsel vm0, $0xC58, v3;
	v2 =	vsel vm1, $0x15D, v2  }
0xbe: {  	v4 =	vsel vm14, $0x173, v4;
	v3 =	vsel vm1, $0xC59, v3;
	v2 =	vsel vm2, $0x15E, v2  }
0xbf: {  	v11 =	vsel vm10, $0x3CF, v11;
	v4 =	vsel vm0, $0x178, v4;
	[tilespmem:$0x1FE60] =	vst v2;
	v2 =	vsel vm2, $0xC5A, v3  }
0xc0: {  	v12 =	vsel vm10, $0x224B, v12;
	v18 =	vsel vm10, $0x236B, v18;
	[tilespmem:$0x1FE70] =	vst v2;
	v2 =	vsel vm1, $0x179, v4  }
0xc1: {  	v11 =	vsel vm11, $0x3D4, v11;
	v4 =	vsel vm2, $0x17A, v2;
	v2 =	vimm.s32 $0x17F  }
0xc2: {  	v12 =	vsel vm11, $0x2290, v12;
	v3 =	vimm.s32 $0xD7B;
	v2 =	vsel vm3, $0x164, v2  }
0xc3: {  	v18 =	vsel vm11, $0x23B0, v18;
	v3 =	vsel vm3, $0xCA0, v3;
	v2 =	vsel vm4, $0x165, v2  }
0xc4: {  	v5 =	vimm.s32 $0x19B;
	v3 =	vsel vm4, $0xCA1, v3;
	v2 =	vsel vm5, $0x166, v2  }
0xc5: {  	v5 =	vsel vm3, $0x180, v5;
	v3 =	vsel vm5, $0xCA2, v3;
	v2 =	vsel vm6, $0x167, v2  }
0xc6: {  	v5 =	vsel vm4, $0x181, v5;
	v3 =	vsel vm6, $0xCA3, v3;
	v2 =	vsel vm7, $0x16C, v2  }
0xc7: {  	v5 =	vsel vm5, $0x182, v5;
	v3 =	vsel vm7, $0xCE8, v3;
	v2 =	vsel vm8, $0x16D, v2  }
0xc8: {  	v5 =	vsel vm6, $0x183, v5;
	v3 =	vsel vm8, $0xCE9, v3;
	v2 =	vsel vm9, $0x16E, v2  }
0xc9: {  	v5 =	vsel vm7, $0x188, v5;
	v3 =	vsel vm9, $0xCEA, v3;
	v2 =	vsel vm10, $0x16F, v2  }
0xca: {  	v5 =	vsel vm8, $0x189, v5;
	v3 =	vsel vm10, $0xCEB, v3;
	v2 =	vsel vm11, $0x174, v2  }
0xcb: {  	v5 =	vsel vm9, $0x18A, v5;
	v3 =	vsel vm11, $0xD30, v3;
	v2 =	vsel vm12, $0x175, v2  }
0xcc: {  	v5 =	vsel vm10, $0x18B, v5;
	v3 =	vsel vm12, $0xD31, v3;
	v2 =	vsel vm13, $0x176, v2  }
0xcd: {  	v5 =	vsel vm11, $0x190, v5;
	v3 =	vsel vm13, $0xD32, v3;
	v2 =	vsel vm14, $0x177, v2  }
0xce: {  	v5 =	vsel vm12, $0x191, v5;
	v3 =	vsel vm14, $0xD33, v3;
	v2 =	vsel vm0, $0x17C, v2  }
0xcf: {  	v5 =	vsel vm13, $0x192, v5;
	v3 =	vsel vm0, $0xD78, v3;
	v2 =	vsel vm1, $0x17D, v2  }
0xd0: {  	v5 =	vsel vm14, $0x193, v5;
	v3 =	vsel vm1, $0xD79, v3;
	v2 =	vsel vm2, $0x17E, v2  }
0xd1: {  	v11 =	vsel vm12, $0x3D5, v11;
	v5 =	vsel vm0, $0x198, v5;
	[tilespmem:$0x1FE80] =	vst v2;
	v2 =	vsel vm2, $0xD7A, v3  }
0xd2: {  	v12 =	vsel vm12, $0x2291, v12;
	v18 =	vsel vm12, $0x23B1, v18;
	[tilespmem:$0x1FE90] =	vst v2;
	v2 =	vsel vm1, $0x199, v5  }
0xd3: {  	v11 =	vsel vm13, $0x3D6, v11;
	v7 =	vsel vm2, $0x19A, v2;
	v2 =	vimm.s32 $0x19F  }
0xd4: {  	v12 =	vsel vm13, $0x2292, v12;
	v3 =	vimm.s32 $0xE9B;
	v2 =	vsel vm3, $0x184, v2  }
0xd5: {  	v18 =	vsel vm13, $0x23B2, v18;
	v3 =	vsel vm3, $0xDC0, v3;
	v2 =	vsel vm4, $0x185, v2  }
0xd6: {  	v5 =	vimm.s32 $0x1BB;
	v3 =	vsel vm4, $0xDC1, v3;
	v2 =	vsel vm5, $0x186, v2  }
0xd7: {  	v5 =	vsel vm3, $0x1A0, v5;
	v3 =	vsel vm5, $0xDC2, v3;
	v2 =	vsel vm6, $0x187, v2  }
0xd8: {  	v5 =	vsel vm4, $0x1A1, v5;
	v3 =	vsel vm6, $0xDC3, v3;
	v2 =	vsel vm7, $0x18C, v2  }
0xd9: {  	v5 =	vsel vm5, $0x1A2, v5;
	v3 =	vsel vm7, $0xE08, v3;
	v2 =	vsel vm8, $0x18D, v2  }
0xda: {  	v5 =	vsel vm6, $0x1A3, v5;
	v3 =	vsel vm8, $0xE09, v3;
	v2 =	vsel vm9, $0x18E, v2  }
0xdb: {  	v5 =	vsel vm7, $0x1A8, v5;
	v3 =	vsel vm9, $0xE0A, v3;
	v2 =	vsel vm10, $0x18F, v2  }
0xdc: {  	v5 =	vsel vm8, $0x1A9, v5;
	v3 =	vsel vm10, $0xE0B, v3;
	v2 =	vsel vm11, $0x194, v2  }
0xdd: {  	v5 =	vsel vm9, $0x1AA, v5;
	v3 =	vsel vm11, $0xE50, v3;
	v2 =	vsel vm12, $0x195, v2  }
0xde: {  	v5 =	vsel vm10, $0x1AB, v5;
	v3 =	vsel vm12, $0xE51, v3;
	v2 =	vsel vm13, $0x196, v2  }
0xdf: {  	v5 =	vsel vm11, $0x1B0, v5;
	v3 =	vsel vm13, $0xE52, v3;
	v2 =	vsel vm14, $0x197, v2  }
0xe0: {  	v5 =	vsel vm12, $0x1B1, v5;
	v3 =	vsel vm14, $0xE53, v3;
	v2 =	vsel vm0, $0x19C, v2  }
0xe1: {  	v5 =	vsel vm13, $0x1B2, v5;
	v3 =	vsel vm0, $0xE98, v3;
	v2 =	vsel vm1, $0x19D, v2  }
0xe2: {  	v5 =	vsel vm14, $0x1B3, v5;
	v3 =	vsel vm1, $0xE99, v3;
	v2 =	vsel vm2, $0x19E, v2  }
0xe3: {  	v11 =	vsel vm14, $0x3D7, v11;
	v5 =	vsel vm0, $0x1B8, v5;
	[tilespmem:$0x1FEA0] =	vst v2;
	v2 =	vsel vm2, $0xE9A, v3  }
0xe4: {  	v12 =	vsel vm14, $0x2293, v12;
	v18 =	vsel vm14, $0x23B3, v18;
	[tilespmem:$0x1FEB0] =	vst v2;
	v2 =	vsel vm1, $0x1B9, v5  }
0xe5: {  	v11 =	vsel vm0, $0x3DC, v11;
	v10 =	vsel vm2, $0x1BA, v2;
	v2 =	vimm.s32 $0x1BF  }
0xe6: {  	v12 =	vsel vm0, $0x22D8, v12;
	v3 =	vimm.s32 $0xFBB;
	v2 =	vsel vm3, $0x1A4, v2  }
0xe7: {  	v18 =	vsel vm0, $0x23F8, v18;
	v3 =	vsel vm3, $0xEE0, v3;
	v2 =	vsel vm4, $0x1A5, v2  }
0xe8: {  	v5 =	vimm.s32 $0x1DB;
	v3 =	vsel vm4, $0xEE1, v3;
	v2 =	vsel vm5, $0x1A6, v2  }
0xe9: {  	v5 =	vsel vm3, $0x1C0, v5;
	v3 =	vsel vm5, $0xEE2, v3;
	v2 =	vsel vm6, $0x1A7, v2  }
0xea: {  	v5 =	vsel vm4, $0x1C1, v5;
	v3 =	vsel vm6, $0xEE3, v3;
	v2 =	vsel vm7, $0x1AC, v2  }
0xeb: {  	v5 =	vsel vm5, $0x1C2, v5;
	v3 =	vsel vm7, $0xF28, v3;
	v2 =	vsel vm8, $0x1AD, v2  }
0xec: {  	v5 =	vsel vm6, $0x1C3, v5;
	v3 =	vsel vm8, $0xF29, v3;
	v2 =	vsel vm9, $0x1AE, v2  }
0xed: {  	v5 =	vsel vm7, $0x1C8, v5;
	v3 =	vsel vm9, $0xF2A, v3;
	v2 =	vsel vm10, $0x1AF, v2  }
0xee: {  	v5 =	vsel vm8, $0x1C9, v5;
	v3 =	vsel vm10, $0xF2B, v3;
	v2 =	vsel vm11, $0x1B4, v2  }
0xef: {  	v5 =	vsel vm9, $0x1CA, v5;
	v3 =	vsel vm11, $0xF70, v3;
	v2 =	vsel vm12, $0x1B5, v2  }
0xf0: {  	v5 =	vsel vm10, $0x1CB, v5;
	v3 =	vsel vm12, $0xF71, v3;
	v2 =	vsel vm13, $0x1B6, v2  }
0xf1: {  	v5 =	vsel vm11, $0x1D0, v5;
	v3 =	vsel vm13, $0xF72, v3;
	v2 =	vsel vm14, $0x1B7, v2  }
0xf2: {  	v5 =	vsel vm12, $0x1D1, v5;
	v3 =	vsel vm14, $0xF73, v3;
	v2 =	vsel vm0, $0x1BC, v2  }
0xf3: {  	v5 =	vsel vm13, $0x1D2, v5;
	v3 =	vsel vm0, $0xFB8, v3;
	v2 =	vsel vm1, $0x1BD, v2  }
0xf4: {  	v5 =	vsel vm14, $0x1D3, v5;
	v3 =	vsel vm1, $0xFB9, v3;
	v2 =	vsel vm2, $0x1BE, v2  }
0xf5: {  	v11 =	vsel vm1, $0x3DD, v11;
	v5 =	vsel vm0, $0x1D8, v5;
	[tilespmem:$0x1FEC0] =	vst v2;
	v2 =	vsel vm2, $0xFBA, v3  }
0xf6: {  	v14 =	vsel vm1, $0x22D9, v12;
	v18 =	vsel vm1, $0x23F9, v18;
	[tilespmem:$0x1FED0] =	vst v2;
	v2 =	vsel vm1, $0x1D9, v5  }
0xf7: {  	v11 =	vsel vm2, $0x3DE, v11;
	v13 =	vsel vm2, $0x1DA, v2;
	v2 =	vimm.s32 $0x1DF  }
0xf8: {  	v14 =	vsel vm2, $0x22DA, v14;
	v3 =	vimm.s32 $0x10DB;
	v2 =	vsel vm3, $0x1C4, v2  }
0xf9: {  	v18 =	vsel vm2, $0x23FA, v18;
	v3 =	vsel vm3, $0x1000, v3;
	v2 =	vsel vm4, $0x1C5, v2  }
0xfa: {  	v5 =	vimm.s32 $0x1FB;
	v3 =	vsel vm4, $0x1001, v3;
	v2 =	vsel vm5, $0x1C6, v2  }
0xfb: {  	v5 =	vsel vm3, $0x1E0, v5;
	v3 =	vsel vm5, $0x1002, v3;
	v2 =	vsel vm6, $0x1C7, v2  }
0xfc: {  	v5 =	vsel vm4, $0x1E1, v5;
	v3 =	vsel vm6, $0x1003, v3;
	v2 =	vsel vm7, $0x1CC, v2  }
0xfd: {  	v5 =	vsel vm5, $0x1E2, v5;
	v3 =	vsel vm7, $0x1048, v3;
	v2 =	vsel vm8, $0x1CD, v2  }
0xfe: {  	v5 =	vsel vm6, $0x1E3, v5;
	v3 =	vsel vm8, $0x1049, v3;
	v2 =	vsel vm9, $0x1CE, v2  }
0xff: {  	v5 =	vsel vm7, $0x1E8, v5;
	v3 =	vsel vm9, $0x104A, v3;
	v2 =	vsel vm10, $0x1CF, v2  }
0x100: {  	v5 =	vsel vm8, $0x1E9, v5;
	v3 =	vsel vm10, $0x104B, v3;
	v2 =	vsel vm11, $0x1D4, v2  }
0x101: {  	v5 =	vsel vm9, $0x1EA, v5;
	v3 =	vsel vm11, $0x1090, v3;
	v2 =	vsel vm12, $0x1D5, v2  }
0x102: {  	v5 =	vsel vm10, $0x1EB, v5;
	v3 =	vsel vm12, $0x1091, v3;
	v2 =	vsel vm13, $0x1D6, v2  }
0x103: {  	v5 =	vsel vm11, $0x1F0, v5;
	v3 =	vsel vm13, $0x1092, v3;
	v2 =	vsel vm14, $0x1D7, v2  }
0x104: {  	v5 =	vsel vm12, $0x1F1, v5;
	v3 =	vsel vm14, $0x1093, v3;
	v2 =	vsel vm0, $0x1DC, v2  }
0x105: {  	v5 =	vsel vm13, $0x1F2, v5;
	v3 =	vsel vm0, $0x10D8, v3;
	v2 =	vsel vm1, $0x1DD, v2  }
0x106: {  	v5 =	vsel vm14, $0x1F3, v5;
	v3 =	vsel vm1, $0x10D9, v3;
	v2 =	vsel vm2, $0x1DE, v2  }
0x107: {  	v12 =	vcombine.low v17, v15;
	v5 =	vsel vm0, $0x1F8, v5;
	[tilespmem:$0x1FEE0] =	vst v2;
	v2 =	vsel vm2, $0x10DA, v3  }
0x108: {  	v15 =	vimm.s32 $0x3FB;
	v17 =	vimm.s32 $0x3FF;
	[tilespmem:$0x1FEF0] =	vst v2;
	v2 =	vsel vm1, $0x1F9, v5  }
0x109: {  	v15 =	vsel vm3, $0x3E0, v15;
	v16 =	vsel vm2, $0x1FA, v2;
	v2 =	vimm.s32 $0x1FF  }
0x10a: {  	v17 =	vsel vm3, $0x3E4, v17;
	v3 =	vimm.s32 $0x11FB;
	v2 =	vsel vm3, $0x1E4, v2  }
0x10b: {  	v9 =	vimm.s32 $0x3DB;
	v3 =	vsel vm3, $0x1120, v3;
	v2 =	vsel vm4, $0x1E5, v2  }
0x10c: {  	v5 =	vimm.s32 $0x21B;
	v3 =	vsel vm4, $0x1121, v3;
	v2 =	vsel vm5, $0x1E6, v2  }
0x10d: {  	v5 =	vsel vm3, $0x200, v5;
	v3 =	vsel vm5, $0x1122, v3;
	v2 =	vsel vm6, $0x1E7, v2  }
0x10e: {  	v5 =	vsel vm4, $0x201, v5;
	v3 =	vsel vm6, $0x1123, v3;
	v2 =	vsel vm7, $0x1EC, v2  }
0x10f: {  	v5 =	vsel vm5, $0x202, v5;
	v3 =	vsel vm7, $0x1168, v3;
	v2 =	vsel vm8, $0x1ED, v2  }
0x110: {  	v5 =	vsel vm6, $0x203, v5;
	v3 =	vsel vm8, $0x1169, v3;
	v2 =	vsel vm9, $0x1EE, v2  }
0x111: {  	v5 =	vsel vm7, $0x208, v5;
	v3 =	vsel vm9, $0x116A, v3;
	v2 =	vsel vm10, $0x1EF, v2  }
0x112: {  	v5 =	vsel vm8, $0x209, v5;
	v3 =	vsel vm10, $0x116B, v3;
	v2 =	vsel vm11, $0x1F4, v2  }
0x113: {  	v5 =	vsel vm9, $0x20A, v5;
	v3 =	vsel vm11, $0x11B0, v3;
	v2 =	vsel vm12, $0x1F5, v2  }
0x114: {  	v5 =	vsel vm10, $0x20B, v5;
	v3 =	vsel vm12, $0x11B1, v3;
	v2 =	vsel vm13, $0x1F6, v2  }
0x115: {  	v5 =	vsel vm11, $0x210, v5;
	v3 =	vsel vm13, $0x11B2, v3;
	v2 =	vsel vm14, $0x1F7, v2  }
0x116: {  	v5 =	vsel vm12, $0x211, v5;
	v3 =	vsel vm14, $0x11B3, v3;
	v2 =	vsel vm0, $0x1FC, v2  }
0x117: {  	v5 =	vsel vm13, $0x212, v5;
	v3 =	vsel vm0, $0x11F8, v3;
	v2 =	vsel vm1, $0x1FD, v2  }
0x118: {  	v5 =	vsel vm14, $0x213, v5;
	v3 =	vsel vm1, $0x11F9, v3;
	v2 =	vsel vm2, $0x1FE, v2  }
0x119: {  	v15 =	vsel vm4, $0x3E1, v15;
	v5 =	vsel vm0, $0x218, v5;
	[tilespmem:$0x1FF00] =	vst v2;
	v2 =	vsel vm2, $0x11FA, v3  }
0x11a: {  	v17 =	vsel vm4, $0x3E5, v17;
	v9 =	vsel vm3, $0x3C0, v9;
	[tilespmem:$0x1FF10] =	vst v2;
	v2 =	vsel vm1, $0x219, v5  }
0x11b: {  	v15 =	vsel vm5, $0x3E2, v15;
	v19 =	vsel vm2, $0x21A, v2;
	v2 =	vimm.s32 $0x21F  }
0x11c: {  	v17 =	vsel vm5, $0x3E6, v17;
	v3 =	vimm.s32 $0x131B;
	v2 =	vsel vm3, $0x204, v2  }
0x11d: {  	v9 =	vsel vm4, $0x3C1, v9;
	v3 =	vsel vm3, $0x1240, v3;
	v2 =	vsel vm4, $0x205, v2  }
0x11e: {  	v5 =	vimm.s32 $0x23F;
	v3 =	vsel vm4, $0x1241, v3;
	v2 =	vsel vm5, $0x206, v2  }
0x11f: {  	v5 =	vsel vm3, $0x224, v5;
	v3 =	vsel vm5, $0x1242, v3;
	v2 =	vsel vm6, $0x207, v2  }
0x120: {  	v5 =	vsel vm4, $0x225, v5;
	v3 =	vsel vm6, $0x1243, v3;
	v2 =	vsel vm7, $0x20C, v2  }
0x121: {  	v5 =	vsel vm5, $0x226, v5;
	v3 =	vsel vm7, $0x1288, v3;
	v2 =	vsel vm8, $0x20D, v2  }
0x122: {  	v5 =	vsel vm6, $0x227, v5;
	v3 =	vsel vm8, $0x1289, v3;
	v2 =	vsel vm9, $0x20E, v2  }
0x123: {  	v5 =	vsel vm7, $0x22C, v5;
	v3 =	vsel vm9, $0x128A, v3;
	v2 =	vsel vm10, $0x20F, v2  }
0x124: {  	v5 =	vsel vm8, $0x22D, v5;
	v3 =	vsel vm10, $0x128B, v3;
	v2 =	vsel vm11, $0x214, v2  }
0x125: {  	v5 =	vsel vm9, $0x22E, v5;
	v3 =	vsel vm11, $0x12D0, v3;
	v2 =	vsel vm12, $0x215, v2  }
0x126: {  	v5 =	vsel vm10, $0x22F, v5;
	v3 =	vsel vm12, $0x12D1, v3;
	v2 =	vsel vm13, $0x216, v2  }
0x127: {  	v5 =	vsel vm11, $0x234, v5;
	v3 =	vsel vm13, $0x12D2, v3;
	v2 =	vsel vm14, $0x217, v2  }
0x128: {  	v5 =	vsel vm12, $0x235, v5;
	v3 =	vsel vm14, $0x12D3, v3;
	v2 =	vsel vm0, $0x21C, v2  }
0x129: {  	v5 =	vsel vm13, $0x236, v5;
	v3 =	vsel vm0, $0x1318, v3;
	v2 =	vsel vm1, $0x21D, v2  }
0x12a: {  	v5 =	vsel vm14, $0x237, v5;
	v3 =	vsel vm1, $0x1319, v3;
	v2 =	vsel vm2, $0x21E, v2  }
0x12b: {  	v15 =	vsel vm6, $0x3E3, v15;
	v5 =	vsel vm0, $0x23C, v5;
	[tilespmem:$0x1FF20] =	vst v2;
	v2 =	vsel vm2, $0x131A, v3  }
0x12c: {  	v17 =	vsel vm6, $0x3E7, v17;
	v9 =	vsel vm5, $0x3C2, v9;
	[tilespmem:$0x1FF30] =	vst v2;
	v2 =	vsel vm1, $0x23D, v5  }
0x12d: {  	v15 =	vsel vm7, $0x3E8, v15;
	v17 =	vsel vm7, $0x3EC, v17;
	v2 =	vsel vm2, $0x23E, v2  }
0x12e: {  	v9 =	vsel vm6, $0x3C3, v9;
	v15 =	vsel vm8, $0x3E9, v15;
	[tilespmem:$0x1FF40] =	vst v2;
	v2 =	vimm.s32 $0x143B  }
0x12f: {  	v17 =	vsel vm8, $0x3ED, v17;
	v9 =	vsel vm7, $0x3C8, v9;
	v2 =	vsel vm3, $0x1360, v2  }
0x130: {  	v15 =	vsel vm9, $0x3EA, v15;
	v5 =	vimm.s32 $0x25F;
	v2 =	vsel vm4, $0x1361, v2  }
0x131: {  	v17 =	vsel vm9, $0x3EE, v17;
	v5 =	vsel vm3, $0x244, v5;
	v2 =	vsel vm5, $0x1362, v2  }
0x132: {  	v9 =	vsel vm8, $0x3C9, v9;
	v5 =	vsel vm4, $0x245, v5;
	v2 =	vsel vm6, $0x1363, v2  }
0x133: {  	v15 =	vsel vm10, $0x3EB, v15;
	v5 =	vsel vm5, $0x246, v5;
	v2 =	vsel vm7, $0x13A8, v2  }
0x134: {  	v17 =	vsel vm10, $0x3EF, v17;
	v5 =	vsel vm6, $0x247, v5;
	v2 =	vsel vm8, $0x13A9, v2  }
0x135: {  	v9 =	vsel vm9, $0x3CA, v9;
	v5 =	vsel vm7, $0x24C, v5;
	v2 =	vsel vm9, $0x13AA, v2  }
0x136: {  	v15 =	vsel vm11, $0x3F0, v15;
	v5 =	vsel vm8, $0x24D, v5;
	v2 =	vsel vm10, $0x13AB, v2  }
0x137: {  	v17 =	vsel vm11, $0x3F4, v17;
	v5 =	vsel vm9, $0x24E, v5;
	v2 =	vsel vm11, $0x13F0, v2  }
0x138: {  	v9 =	vsel vm10, $0x3CB, v9;
	v5 =	vsel vm10, $0x24F, v5;
	v2 =	vsel vm12, $0x13F1, v2  }
0x139: {  	v15 =	vsel vm12, $0x3F1, v15;
	v5 =	vsel vm11, $0x254, v5;
	v2 =	vsel vm13, $0x13F2, v2  }
0x13a: {  	v17 =	vsel vm12, $0x3F5, v17;
	v5 =	vsel vm12, $0x255, v5;
	v2 =	vsel vm14, $0x13F3, v2  }
0x13b: {  	v3 =	vimm.s32 $0x25B;
	v5 =	vsel vm13, $0x256, v5;
	v2 =	vsel vm0, $0x1438, v2  }
0x13c: {  	v3 =	vsel vm3, $0x240, v3;
	v5 =	vsel vm14, $0x257, v5;
	v2 =	vsel vm1, $0x1439, v2  }
0x13d: {  	v3 =	vsel vm4, $0x241, v3;
	v5 =	vsel vm0, $0x25C, v5;
	v2 =	vsel vm2, $0x143A, v2  }
0x13e: {  	v9 =	vsel vm11, $0x3D0, v9;
	v3 =	vsel vm5, $0x242, v3;
	[tilespmem:$0x1FF50] =	vst v2;
	v2 =	vsel vm1, $0x25D, v5  }
0x13f: {  	v15 =	vsel vm13, $0x3F2, v15;
	v3 =	vsel vm6, $0x243, v3;
	v2 =	vsel vm2, $0x25E, v2  }
0x140: {  	v17 =	vsel vm13, $0x3F6, v17;
	v3 =	vsel vm7, $0x248, v3;
	[tilespmem:$0x1FF60] =	vst v2;
	v2 =	vimm.s32 $0x155B  }
0x141: {  	v9 =	vsel vm12, $0x3D1, v9;
	v3 =	vsel vm8, $0x249, v3;
	v2 =	vsel vm3, $0x1480, v2  }
0x142: {  	v3 =	vsel vm9, $0x24A, v3;
	v5 =	vimm.s32 $0x27F;
	v2 =	vsel vm4, $0x1481, v2  }
0x143: {  	v3 =	vsel vm10, $0x24B, v3;
	v5 =	vsel vm3, $0x264, v5;
	v2 =	vsel vm5, $0x1482, v2  }
0x144: {  	v3 =	vsel vm11, $0x250, v3;
	v5 =	vsel vm4, $0x265, v5;
	v2 =	vsel vm6, $0x1483, v2  }
0x145: {  	v3 =	vsel vm12, $0x251, v3;
	v5 =	vsel vm5, $0x266, v5;
	v2 =	vsel vm7, $0x14C8, v2  }
0x146: {  	v3 =	vsel vm13, $0x252, v3;
	v5 =	vsel vm6, $0x267, v5;
	v2 =	vsel vm8, $0x14C9, v2  }
0x147: {  	v3 =	vsel vm14, $0x253, v3;
	v5 =	vsel vm7, $0x26C, v5;
	v2 =	vsel vm9, $0x14CA, v2  }
0x148: {  	v3 =	vsel vm0, $0x258, v3;
	v5 =	vsel vm8, $0x26D, v5;
	v2 =	vsel vm10, $0x14CB, v2  }
0x149: {  	v3 =	vsel vm1, $0x259, v3;
	v5 =	vsel vm9, $0x26E, v5;
	v2 =	vsel vm11, $0x1510, v2  }
0x14a: {  	v24 =	vsel vm2, $0x25A, v3;
	v5 =	vsel vm10, $0x26F, v5;
	v2 =	vsel vm12, $0x1511, v2  }
0x14b: {  	v3 =	vimm.s32 $0x27B;
	v5 =	vsel vm11, $0x274, v5;
	v2 =	vsel vm13, $0x1512, v2  }
0x14c: {  	v3 =	vsel vm3, $0x260, v3;
	v5 =	vsel vm12, $0x275, v5;
	v2 =	vsel vm14, $0x1513, v2  }
0x14d: {  	v3 =	vsel vm4, $0x261, v3;
	v5 =	vsel vm13, $0x276, v5;
	v2 =	vsel vm0, $0x1558, v2  }
0x14e: {  	v3 =	vsel vm5, $0x262, v3;
	v5 =	vsel vm14, $0x277, v5;
	v2 =	vsel vm1, $0x1559, v2  }
0x14f: {  	v3 =	vsel vm6, $0x263, v3;
	v5 =	vsel vm0, $0x27C, v5;
	v2 =	vsel vm2, $0x155A, v2  }
0x150: {  	v15 =	vsel vm14, $0x3F3, v15;
	v3 =	vsel vm7, $0x268, v3;
	[tilespmem:$0x1FF70] =	vst v2;
	v2 =	vsel vm1, $0x27D, v5  }
0x151: {  	v17 =	vsel vm14, $0x3F7, v17;
	v3 =	vsel vm8, $0x269, v3;
	v2 =	vsel vm2, $0x27E, v2  }
0x152: {  	v9 =	vsel vm13, $0x3D2, v9;
	v3 =	vsel vm9, $0x26A, v3;
	[tilespmem:$0x1FF80] =	vst v2;
	v2 =	vimm.s32 $0x167B  }
0x153: {  	v15 =	vsel vm0, $0x3F8, v15;
	v3 =	vsel vm10, $0x26B, v3;
	v2 =	vsel vm3, $0x15A0, v2  }
0x154: {  	v3 =	vsel vm11, $0x270, v3;
	v5 =	vimm.s32 $0x29F;
	v2 =	vsel vm4, $0x15A1, v2  }
0x155: {  	v3 =	vsel vm12, $0x271, v3;
	v5 =	vsel vm3, $0x284, v5;
	v2 =	vsel vm5, $0x15A2, v2  }
0x156: {  	v3 =	vsel vm13, $0x272, v3;
	v5 =	vsel vm4, $0x285, v5;
	v2 =	vsel vm6, $0x15A3, v2  }
0x157: {  	v3 =	vsel vm14, $0x273, v3;
	v5 =	vsel vm5, $0x286, v5;
	v2 =	vsel vm7, $0x15E8, v2  }
0x158: {  	v3 =	vsel vm0, $0x278, v3;
	v5 =	vsel vm6, $0x287, v5;
	v2 =	vsel vm8, $0x15E9, v2  }
0x159: {  	v3 =	vsel vm1, $0x279, v3;
	v5 =	vsel vm7, $0x28C, v5;
	v2 =	vsel vm9, $0x15EA, v2  }
0x15a: {  	v27 =	vsel vm2, $0x27A, v3;
	v5 =	vsel vm8, $0x28D, v5;
	v2 =	vsel vm10, $0x15EB, v2  }
0x15b: {  	v3 =	vimm.s32 $0x29B;
	v5 =	vsel vm9, $0x28E, v5;
	v2 =	vsel vm11, $0x1630, v2  }
0x15c: {  	v3 =	vsel vm3, $0x280, v3;
	v5 =	vsel vm10, $0x28F, v5;
	v2 =	vsel vm12, $0x1631, v2  }
0x15d: {  	v3 =	vsel vm4, $0x281, v3;
	v5 =	vsel vm11, $0x294, v5;
	v2 =	vsel vm13, $0x1632, v2  }
0x15e: {  	v3 =	vsel vm5, $0x282, v3;
	v5 =	vsel vm12, $0x295, v5;
	v2 =	vsel vm14, $0x1633, v2  }
0x15f: {  	v3 =	vsel vm6, $0x283, v3;
	v5 =	vsel vm13, $0x296, v5;
	v2 =	vsel vm0, $0x1678, v2  }
0x160: {  	v3 =	vsel vm7, $0x288, v3;
	v5 =	vsel vm14, $0x297, v5;
	v2 =	vsel vm1, $0x1679, v2  }
0x161: {  	v3 =	vsel vm8, $0x289, v3;
	v5 =	vsel vm0, $0x29C, v5;
	v2 =	vsel vm2, $0x167A, v2  }
0x162: {  	v17 =	vsel vm0, $0x3FC, v17;
	v3 =	vsel vm9, $0x28A, v3;
	[tilespmem:$0x1FF90] =	vst v2;
	v2 =	vsel vm1, $0x29D, v5  }
0x163: {  	v9 =	vsel vm14, $0x3D3, v9;
	v3 =	vsel vm10, $0x28B, v3;
	v2 =	vsel vm2, $0x29E, v2  }
0x164: {  	v15 =	vsel vm1, $0x3F9, v15;
	v3 =	vsel vm11, $0x290, v3;
	[tilespmem:$0x1FFA0] =	vst v2;
	v2 =	vimm.s32 $0x179B  }
0x165: {  	v17 =	vsel vm1, $0x3FD, v17;
	v3 =	vsel vm12, $0x291, v3;
	v2 =	vsel vm3, $0x16C0, v2  }
0x166: {  	v3 =	vsel vm13, $0x292, v3;
	v5 =	vimm.s32 $0x2BF;
	v2 =	vsel vm4, $0x16C1, v2  }
0x167: {  	v3 =	vsel vm14, $0x293, v3;
	v5 =	vsel vm3, $0x2A4, v5;
	v2 =	vsel vm5, $0x16C2, v2  }
0x168: {  	v3 =	vsel vm0, $0x298, v3;
	v5 =	vsel vm4, $0x2A5, v5;
	v2 =	vsel vm6, $0x16C3, v2  }
0x169: {  	v3 =	vsel vm1, $0x299, v3;
	v5 =	vsel vm5, $0x2A6, v5;
	v2 =	vsel vm7, $0x1708, v2  }
0x16a: {  	v30 =	vsel vm2, $0x29A, v3;
	v5 =	vsel vm6, $0x2A7, v5;
	v2 =	vsel vm8, $0x1709, v2  }
0x16b: {  	v3 =	vimm.s32 $0x2BB;
	v5 =	vsel vm7, $0x2AC, v5;
	v2 =	vsel vm9, $0x170A, v2  }
0x16c: {  	v3 =	vsel vm3, $0x2A0, v3;
	v5 =	vsel vm8, $0x2AD, v5;
	v2 =	vsel vm10, $0x170B, v2  }
0x16d: {  	v3 =	vsel vm4, $0x2A1, v3;
	v5 =	vsel vm9, $0x2AE, v5;
	v2 =	vsel vm11, $0x1750, v2  }
0x16e: {  	v3 =	vsel vm5, $0x2A2, v3;
	v5 =	vsel vm10, $0x2AF, v5;
	v2 =	vsel vm12, $0x1751, v2  }
0x16f: {  	v3 =	vsel vm6, $0x2A3, v3;
	v5 =	vsel vm11, $0x2B4, v5;
	v2 =	vsel vm13, $0x1752, v2  }
0x170: {  	v3 =	vsel vm7, $0x2A8, v3;
	v5 =	vsel vm12, $0x2B5, v5;
	v2 =	vsel vm14, $0x1753, v2  }
0x171: {  	v3 =	vsel vm8, $0x2A9, v3;
	v5 =	vsel vm13, $0x2B6, v5;
	v2 =	vsel vm0, $0x1798, v2  }
0x172: {  	v3 =	vsel vm9, $0x2AA, v3;
	v5 =	vsel vm14, $0x2B7, v5;
	v2 =	vsel vm1, $0x1799, v2  }
0x173: {  	v3 =	vsel vm10, $0x2AB, v3;
	v5 =	vsel vm0, $0x2BC, v5;
	v2 =	vsel vm2, $0x179A, v2  }
0x174: {  	v9 =	vsel vm0, $0x3D8, v9;
	v3 =	vsel vm11, $0x2B0, v3;
	[tilespmem:$0x1FFB0] =	vst v2;
	v2 =	vsel vm1, $0x2BD, v5  }
0x175: {  	v15 =	vsel vm2, $0x3FA, v15;
	v3 =	vsel vm12, $0x2B1, v3;
	v2 =	vsel vm2, $0x2BE, v2  }
0x176: {  	v17 =	vsel vm2, $0x3FE, v17;
	v3 =	vsel vm13, $0x2B2, v3;
	[tilespmem:$0x1FFC0] =	vst v2;
	v2 =	vimm.s32 $0x18BB  }
0x177: {  	v9 =	vsel vm1, $0x3D9, v9;
	v3 =	vsel vm14, $0x2B3, v3;
	v2 =	vsel vm3, $0x17E0, v2  }
0x178: {  	v3 =	vsel vm0, $0x2B8, v3;
	v5 =	vimm.s32 $0x2DF;
	v2 =	vsel vm4, $0x17E1, v2  }
0x179: {  	v3 =	vsel vm1, $0x2B9, v3;
	v5 =	vsel vm3, $0x2C4, v5;
	v2 =	vsel vm5, $0x17E2, v2  }
0x17a: {  	v36 =	vsel vm2, $0x2BA, v3;
	v5 =	vsel vm4, $0x2C5, v5;
	v2 =	vsel vm6, $0x17E3, v2  }
0x17b: {  	v3 =	vimm.s32 $0x2DB;
	v5 =	vsel vm5, $0x2C6, v5;
	v2 =	vsel vm7, $0x1828, v2  }
0x17c: {  	v3 =	vsel vm3, $0x2C0, v3;
	v5 =	vsel vm6, $0x2C7, v5;
	v2 =	vsel vm8, $0x1829, v2  }
0x17d: {  	v3 =	vsel vm4, $0x2C1, v3;
	v5 =	vsel vm7, $0x2CC, v5;
	v2 =	vsel vm9, $0x182A, v2  }
0x17e: {  	v3 =	vsel vm5, $0x2C2, v3;
	v5 =	vsel vm8, $0x2CD, v5;
	v2 =	vsel vm10, $0x182B, v2  }
0x17f: {  	v3 =	vsel vm6, $0x2C3, v3;
	v5 =	vsel vm9, $0x2CE, v5;
	v2 =	vsel vm11, $0x1870, v2  }
0x180: {  	v3 =	vsel vm7, $0x2C8, v3;
	v5 =	vsel vm10, $0x2CF, v5;
	v2 =	vsel vm12, $0x1871, v2  }
0x181: {  	v3 =	vsel vm8, $0x2C9, v3;
	v5 =	vsel vm11, $0x2D4, v5;
	v2 =	vsel vm13, $0x1872, v2  }
0x182: {  	v3 =	vsel vm9, $0x2CA, v3;
	v5 =	vsel vm12, $0x2D5, v5;
	v2 =	vsel vm14, $0x1873, v2  }
0x183: {  	v3 =	vsel vm10, $0x2CB, v3;
	v5 =	vsel vm13, $0x2D6, v5;
	v2 =	vsel vm0, $0x18B8, v2  }
0x184: {  	v3 =	vsel vm11, $0x2D0, v3;
	v5 =	vsel vm14, $0x2D7, v5;
	v2 =	vsel vm1, $0x18B9, v2  }
0x185: {  	v3 =	vsel vm12, $0x2D1, v3;
	v5 =	vsel vm0, $0x2DC, v5;
	v2 =	vsel vm2, $0x18BA, v2  }
0x186: {  	v9 =	vsel vm2, $0x3DA, v9;
	v3 =	vsel vm13, $0x2D2, v3;
	[tilespmem:$0x1FFD0] =	vst v2;
	v2 =	vsel vm1, $0x2DD, v5  }
0x187: {  	v8 =	vimm.s32 $0x21BB;
	v3 =	vsel vm14, $0x2D3, v3;
	v2 =	vsel vm2, $0x2DE, v2  }
0x188: {  	v8 =	vsel vm3, $0x20E0, v8;
	v3 =	vsel vm0, $0x2D8, v3;
	[tilespmem:$0x1FFE0] =	vst v2;
	v2 =	vimm.s32 $0x19DB  }
0x189: {  	v6 =	vimm.s32 $0x3BF;
	v3 =	vsel vm1, $0x2D9, v3;
	v2 =	vsel vm3, $0x1900, v2  }
0x18a: {  	v35 =	vsel vm2, $0x2DA, v3;
	v5 =	vimm.s32 $0x2FF;
	v2 =	vsel vm4, $0x1901, v2  }
0x18b: {  	v3 =	vimm.s32 $0x2FB;
	v5 =	vsel vm3, $0x2E4, v5;
	v2 =	vsel vm5, $0x1902, v2  }
0x18c: {  	v3 =	vsel vm3, $0x2E0, v3;
	v5 =	vsel vm4, $0x2E5, v5;
	v2 =	vsel vm6, $0x1903, v2  }
0x18d: {  	v3 =	vsel vm4, $0x2E1, v3;
	v5 =	vsel vm5, $0x2E6, v5;
	v2 =	vsel vm7, $0x1948, v2  }
0x18e: {  	v3 =	vsel vm5, $0x2E2, v3;
	v5 =	vsel vm6, $0x2E7, v5;
	v2 =	vsel vm8, $0x1949, v2  }
0x18f: {  	v3 =	vsel vm6, $0x2E3, v3;
	v5 =	vsel vm7, $0x2EC, v5;
	v2 =	vsel vm9, $0x194A, v2  }
0x190: {  	v3 =	vsel vm7, $0x2E8, v3;
	v5 =	vsel vm8, $0x2ED, v5;
	v2 =	vsel vm10, $0x194B, v2  }
0x191: {  	v3 =	vsel vm8, $0x2E9, v3;
	v5 =	vsel vm9, $0x2EE, v5;
	v2 =	vsel vm11, $0x1990, v2  }
0x192: {  	v3 =	vsel vm9, $0x2EA, v3;
	v5 =	vsel vm10, $0x2EF, v5;
	v2 =	vsel vm12, $0x1991, v2  }
0x193: {  	v3 =	vsel vm10, $0x2EB, v3;
	v5 =	vsel vm11, $0x2F4, v5;
	v2 =	vsel vm13, $0x1992, v2  }
0x194: {  	v3 =	vsel vm11, $0x2F0, v3;
	v5 =	vsel vm12, $0x2F5, v5;
	v2 =	vsel vm14, $0x1993, v2  }
0x195: {  	v3 =	vsel vm12, $0x2F1, v3;
	v5 =	vsel vm13, $0x2F6, v5;
	v2 =	vsel vm0, $0x19D8, v2  }
0x196: {  	v3 =	vsel vm13, $0x2F2, v3;
	v5 =	vsel vm14, $0x2F7, v5;
	v2 =	vsel vm1, $0x19D9, v2  }
0x197: {  	v3 =	vsel vm14, $0x2F3, v3;
	v5 =	vsel vm0, $0x2FC, v5;
	v2 =	vsel vm2, $0x19DA, v2  }
0x198: {  	v6 =	vsel vm3, $0x3A4, v6;
	v3 =	vsel vm0, $0x2F8, v3;
	[tilespmem:$0x1FFF0] =	vst v2;
	v2 =	vsel vm1, $0x2FD, v5  }
0x199: {  	v3 =	vsel vm1, $0x2F9, v3;
	v43 =	vsel vm2, $0x2FE, v2;
	v2 =	vimm.s32 $0x1AFB  }
0x19a: {  	v42 =	vsel vm2, $0x2FA, v3;
	v5 =	vimm.s32 $0x31F;
	v2 =	vsel vm3, $0x1A20, v2  }
0x19b: {  	v3 =	vimm.s32 $0x31B;
	v5 =	vsel vm3, $0x304, v5;
	v2 =	vsel vm4, $0x1A21, v2  }
0x19c: {  	v3 =	vsel vm3, $0x300, v3;
	v5 =	vsel vm4, $0x305, v5;
	v2 =	vsel vm5, $0x1A22, v2  }
0x19d: {  	v3 =	vsel vm4, $0x301, v3;
	v5 =	vsel vm5, $0x306, v5;
	v2 =	vsel vm6, $0x1A23, v2  }
0x19e: {  	v3 =	vsel vm5, $0x302, v3;
	v5 =	vsel vm6, $0x307, v5;
	v2 =	vsel vm7, $0x1A68, v2  }
0x19f: {  	v3 =	vsel vm6, $0x303, v3;
	v5 =	vsel vm7, $0x30C, v5;
	v2 =	vsel vm8, $0x1A69, v2  }
0x1a0: {  	v3 =	vsel vm7, $0x308, v3;
	v5 =	vsel vm8, $0x30D, v5;
	v2 =	vsel vm9, $0x1A6A, v2  }
0x1a1: {  	v3 =	vsel vm8, $0x309, v3;
	v5 =	vsel vm9, $0x30E, v5;
	v2 =	vsel vm10, $0x1A6B, v2  }
0x1a2: {  	v3 =	vsel vm9, $0x30A, v3;
	v5 =	vsel vm10, $0x30F, v5;
	v2 =	vsel vm11, $0x1AB0, v2  }
0x1a3: {  	v3 =	vsel vm10, $0x30B, v3;
	v5 =	vsel vm11, $0x314, v5;
	v2 =	vsel vm12, $0x1AB1, v2  }
0x1a4: {  	v3 =	vsel vm11, $0x310, v3;
	v5 =	vsel vm12, $0x315, v5;
	v2 =	vsel vm13, $0x1AB2, v2  }
0x1a5: {  	v3 =	vsel vm12, $0x311, v3;
	v5 =	vsel vm13, $0x316, v5;
	v2 =	vsel vm14, $0x1AB3, v2  }
0x1a6: {  	v3 =	vsel vm13, $0x312, v3;
	v5 =	vsel vm14, $0x317, v5;
	v2 =	vsel vm0, $0x1AF8, v2  }
0x1a7: {  	v3 =	vsel vm14, $0x313, v3;
	v5 =	vsel vm0, $0x31C, v5;
	v2 =	vsel vm1, $0x1AF9, v2  }
0x1a8: {  	v3 =	vsel vm0, $0x318, v3;
	v45 =	vsel vm2, $0x1AFA, v2;
	v2 =	vsel vm1, $0x31D, v5  }
0x1a9: {  	v3 =	vsel vm1, $0x319, v3;
	v48 =	vsel vm2, $0x31E, v2;
	v2 =	vimm.s32 $0x1C1B  }
0x1aa: {  	v47 =	vsel vm2, $0x31A, v3;
	v5 =	vimm.s32 $0x33F;
	v2 =	vsel vm3, $0x1B40, v2  }
0x1ab: {  	v3 =	vimm.s32 $0x33B;
	v5 =	vsel vm3, $0x324, v5;
	v2 =	vsel vm4, $0x1B41, v2  }
0x1ac: {  	v3 =	vsel vm3, $0x320, v3;
	v5 =	vsel vm4, $0x325, v5;
	v2 =	vsel vm5, $0x1B42, v2  }
0x1ad: {  	v3 =	vsel vm4, $0x321, v3;
	v5 =	vsel vm5, $0x326, v5;
	v2 =	vsel vm6, $0x1B43, v2  }
0x1ae: {  	v3 =	vsel vm5, $0x322, v3;
	v5 =	vsel vm6, $0x327, v5;
	v2 =	vsel vm7, $0x1B88, v2  }
0x1af: {  	v3 =	vsel vm6, $0x323, v3;
	v5 =	vsel vm7, $0x32C, v5;
	v2 =	vsel vm8, $0x1B89, v2  }
0x1b0: {  	v3 =	vsel vm7, $0x328, v3;
	v5 =	vsel vm8, $0x32D, v5;
	v2 =	vsel vm9, $0x1B8A, v2  }
0x1b1: {  	v3 =	vsel vm8, $0x329, v3;
	v5 =	vsel vm9, $0x32E, v5;
	v2 =	vsel vm10, $0x1B8B, v2  }
0x1b2: {  	v3 =	vsel vm9, $0x32A, v3;
	v5 =	vsel vm10, $0x32F, v5;
	v2 =	vsel vm11, $0x1BD0, v2  }
0x1b3: {  	v3 =	vsel vm10, $0x32B, v3;
	v5 =	vsel vm11, $0x334, v5;
	v2 =	vsel vm12, $0x1BD1, v2  }
0x1b4: {  	v3 =	vsel vm11, $0x330, v3;
	v5 =	vsel vm12, $0x335, v5;
	v2 =	vsel vm13, $0x1BD2, v2  }
0x1b5: {  	v3 =	vsel vm12, $0x331, v3;
	v5 =	vsel vm13, $0x336, v5;
	v2 =	vsel vm14, $0x1BD3, v2  }
0x1b6: {  	v3 =	vsel vm13, $0x332, v3;
	v5 =	vsel vm14, $0x337, v5;
	v2 =	vsel vm0, $0x1C18, v2  }
0x1b7: {  	v3 =	vsel vm14, $0x333, v3;
	v5 =	vsel vm0, $0x33C, v5;
	v2 =	vsel vm1, $0x1C19, v2  }
0x1b8: {  	v3 =	vsel vm0, $0x338, v3;
	v50 =	vsel vm2, $0x1C1A, v2;
	v2 =	vsel vm1, $0x33D, v5  }
0x1b9: {  	v3 =	vsel vm1, $0x339, v3;
	v53 =	vsel vm2, $0x33E, v2;
	v2 =	vimm.s32 $0x1D3B  }
0x1ba: {  	v51 =	vsel vm2, $0x33A, v3;
	v5 =	vimm.s32 $0x1E5B;
	v2 =	vsel vm3, $0x1C60, v2  }
0x1bb: {  	v3 =	vimm.s32 $0x35F;
	v5 =	vsel vm3, $0x1D80, v5;
	v2 =	vsel vm4, $0x1C61, v2  }
0x1bc: {  	v3 =	vsel vm3, $0x344, v3;
	v5 =	vsel vm4, $0x1D81, v5;
	v2 =	vsel vm5, $0x1C62, v2  }
0x1bd: {  	v3 =	vsel vm4, $0x345, v3;
	v5 =	vsel vm5, $0x1D82, v5;
	v2 =	vsel vm6, $0x1C63, v2  }
0x1be: {  	v3 =	vsel vm5, $0x346, v3;
	v5 =	vsel vm6, $0x1D83, v5;
	v2 =	vsel vm7, $0x1CA8, v2  }
0x1bf: {  	v3 =	vsel vm6, $0x347, v3;
	v5 =	vsel vm7, $0x1DC8, v5;
	v2 =	vsel vm8, $0x1CA9, v2  }
0x1c0: {  	v3 =	vsel vm7, $0x34C, v3;
	v5 =	vsel vm8, $0x1DC9, v5;
	v2 =	vsel vm9, $0x1CAA, v2  }
0x1c1: {  	v3 =	vsel vm8, $0x34D, v3;
	v5 =	vsel vm9, $0x1DCA, v5;
	v2 =	vsel vm10, $0x1CAB, v2  }
0x1c2: {  	s7 =	rddreg [dreg:$0x0];
	s0 =	simm.s32 $0x0;
	s28 =	stileid.u32;
	v3 =	vsel vm9, $0x34E, v3;
	v5 =	vsel vm10, $0x1DCB, v5;
	v2 =	vsel vm11, $0x1CF0, v2  }
0x1c3: {  	s1 =	srdreg.scid;
	s29 =	simm.s32 $0x4;
	s30 =	simm.s32 $0x18AD0;
	v3 =	vsel vm10, $0x34F, v3;
	v5 =	vsel vm11, $0x1E10, v5;
	v2 =	vsel vm12, $0x1CF1, v2  }
0x1c4: {  	s31 =	simm.s32 $0x19110;
	[smem:$0x7FF] =	sst s0;
	s15 =	sadd.s32 $0xF4800, s7;
	v3 =	vsel vm11, $0x354, v3;
	v5 =	vsel vm12, $0x1E11, v5;
	v2 =	vsel vm13, $0x1CF2, v2  }
0x1c5: {  	s13 =	sadd.s32 $0xC8600, s7;
	s6 =	smul.u32 $0x640, s28;
	s9 =	sor.u32 $0x10, s28;
	v3 =	vsel vm12, $0x355, v3;
	v5 =	vsel vm13, $0x1E12, v5;
	v2 =	vsel vm14, $0x1CF3, v2  }
0x1c6: {  	s14 =	sand.u32 $0x1, s1;
	s8 =	sor.u32 $0x20, s28;
	s4 =	smul.u32 $0x640, s9;
	v3 =	vsel vm13, $0x356, v3;
	v5 =	vsel vm14, $0x1E13, v5;
	v2 =	vsel vm0, $0x1D38, v2  }
0x1c7: {  	s5 =	sor.u32 $0x30, s28;
	s1 =	ssub.s32 $0x2, s14;
	s2 =	smul.u32 $0x640, s8;
	v3 =	vsel vm14, $0x357, v3;
	v5 =	vsel vm0, $0x1E58, v5;
	v2 =	vsel vm1, $0x1D39, v2  }
0x1c8: {  	p0 =	sgt.u32 s28, $0x1;
	s3 =	smul.u32 $0x640, s5;
	s10 =	sshrl.u32 s1, $0x1;
	v3 =	vsel vm0, $0x35C, v3;
	v54 =	vsel vm2, $0x1D3A, v2;
	v2 =	vsel vm1, $0x1E59, v5  }
0x1c9: {  	s16 =	smul.u32 $0x13880, s14;
	s11 =	sshrl.u32 s6, $0x3;
	s1 =	ssub.s32 s1, s10;
	v3 =	vsel vm1, $0x35D, v3;
	v57 =	vsel vm2, $0x1E5A, v2;
	v2 =	vimm.s32 $0x37B  }
0x1ca: {  	s21 =	sadd.s32 s15, s11;
	s22 =	sshrl.u32 s4, $0x3;
	s23 =	sshrl.u32 s2, $0x3;
	v56 =	vsel vm2, $0x35E, v3;
	v5 =	vimm.s32 $0x1F7B;
	v2 =	vsel vm3, $0x360, v2  }
0x1cb: {  	s24 =	sshrl.u32 s3, $0x3;
	s11 =	sadd.s32 $0x1F400, s6;
	s18 =	sadd.s32 s6, s16;
	v3 =	vimm.s32 $0x37F;
	v5 =	vsel vm3, $0x1EA0, v5;
	v2 =	vsel vm4, $0x361, v2  }
0x1cc: {  	s19 =	sadd.s32 s16, s4;
	[dreg:$0x7] =	wrdreg s21;
	s10 =	sadd.s32 s15, s22;
	v3 =	vsel vm3, $0x364, v3;
	v5 =	vsel vm4, $0x1EA1, v5;
	v2 =	vsel vm5, $0x362, v2  }
0x1cd: {  	s25 =	sadd.s32 s15, s24;
	s17 =	sshrl.u32 s11, $0x3;
	s18 =	sshrl.u32 s18, $0x3;
	v3 =	vsel vm4, $0x365, v3;
	v5 =	vsel vm5, $0x1EA2, v5;
	v2 =	vsel vm6, $0x363, v2  }
0x1ce: {  	s20 =	sshrl.u32 s19, $0x3;
	[dreg:$0x8] =	wrdreg s10;
	s10 =	sadd.s32 s15, s23;
	v3 =	vsel vm5, $0x366, v3;
	v5 =	vsel vm6, $0x1EA3, v5;
	v2 =	vsel vm7, $0x368, v2  }
0x1cf: {  	s21 =	sadd.s32 s16, s2;
	[dreg:$0x9] =	wrdreg s10;
	s10 =	sadd.s32 $0x19000, s6;
	v3 =	vsel vm6, $0x367, v3;
	v5 =	vsel vm7, $0x1EE8, v5;
	v2 =	vsel vm8, $0x369, v2  }
0x1d0: {  	s24 =	sadd.s32 s16, s3;
	[dreg:$0xa] =	wrdreg s25;
	s12 =	sshrl.u32 s10, $0x3;
	v3 =	vsel vm7, $0x36C, v3;
	v5 =	vsel vm8, $0x1EE9, v5;
	v2 =	vsel vm9, $0x36A, v2  }
0x1d1: {  	s17 =	sadd.s32 s15, s17;
	s22 =	sshrl.u32 s21, $0x3;
	s12 =	sadd.s32 s15, s12;
	v3 =	vsel vm8, $0x36D, v3;
	v5 =	vsel vm9, $0x1EEA, v5;
	v2 =	vsel vm10, $0x36B, v2  }
0x1d2: {  	s23 =	smul.u32 $0x1400, s14;
	[dreg:$0xb] =	wrdreg s12;
	s12 =	sadd.s32 $0x25800, s6;
	v3 =	vsel vm9, $0x36E, v3;
	v5 =	vsel vm10, $0x1EEB, v5;
	v2 =	vsel vm11, $0x370, v2  }
0x1d3: {  	s21 =	smul.u32 $0xAFC80, s14;
	s14 =	rddreg [dreg:$0x3];
	s26 =	sshrl.u32 s12, $0x3;
	v3 =	vsel vm10, $0x36F, v3;
	v5 =	vsel vm11, $0x1F30, v5;
	v2 =	vsel vm12, $0x371, v2  }
0x1d4: {  	s19 =	smul.u32 $0x140, s28;
	[dreg:$0xc] =	wrdreg s17;
	s15 =	sadd.s32 s15, s26;
	v3 =	vsel vm11, $0x374, v3;
	v5 =	vsel vm12, $0x1F31, v5;
	v2 =	vsel vm13, $0x372, v2  }
0x1d5: {  	s16 =	sshrl.u32 s24, $0x3;
	[dreg:$0xd] =	wrdreg s15;
	s15 =	sadd.s32 s13, s18;
	v3 =	vsel vm12, $0x375, v3;
	v5 =	vsel vm13, $0x1F32, v5;
	v2 =	vsel vm14, $0x373, v2  }
0x1d6: {  	s17 =	smul.u32 $0x3840, s9;
	[dreg:$0xe] =	wrdreg s15;
	s15 =	sadd.s32 s13, s20;
	v3 =	vsel vm13, $0x376, v3;
	v5 =	vsel vm14, $0x1F33, v5;
	v2 =	vsel vm0, $0x378, v2  }
0x1d7: {  	[dreg:$0xf] =	wrdreg s15;
	s15 =	sadd.s32 s13, s22;
	s13 =	sadd.s32 s13, s16;
	v3 =	vsel vm14, $0x377, v3;
	v5 =	vsel vm0, $0x1F78, v5;
	v2 =	vsel vm1, $0x379, v2  }
0x1d8: {  	p1 =	sgt.u32 s28, $0x3;
	[dreg:$0x11] =	wrdreg s13;
	s13 =	smul.u32 $0x3840, s28;
	v3 =	vsel vm0, $0x37C, v3;
	v59 =	vsel vm2, $0x37A, v2;
	v2 =	vsel vm1, $0x1F79, v5  }
0x1d9: {  	s18 =	rddreg [dreg:$0x5];
	s16 =	sadd.s32 s19, s23;
	s19 =	smul.u32 $0x3840, s8;
	v3 =	vsel vm1, $0x37D, v3;
	v62 =	vsel vm2, $0x1F7A, v2;
	v2 =	vimm.s32 $0x39B  }
0x1da: {  	s25 =	sadd.s32 s21, s17;
	[dreg:$0x10] =	wrdreg s15;
	s20 =	sadd.s32 s13, s21;
	v60 =	vsel vm2, $0x37E, v3;
	v3 =	vimm.s32 $0x39F;
	v2 =	vsel vm3, $0x380, v2  }
0x1db: {  	s24 =	sadd.s32 s21, s19;
	s22 =	sshrl.u32 s20, $0x3;
	s20 =	smul.u32 $0x3840, s5;
	v3 =	vsel vm3, $0x384, v3;
	v5 =	vimm.s32 $0x209B;
	v2 =	vsel vm4, $0x381, v2  }
0x1dc: {  	s23 =	sadd.s32 $0x171800, s7;
	s15 =	rddreg [dreg:$0x4];
	s24 =	sshrl.u32 s24, $0x3;
	v3 =	vsel vm4, $0x385, v3;
	v5 =	vsel vm3, $0x1FC0, v5;
	v2 =	vsel vm5, $0x382, v2  }
0x1dd: {  	s26 =	sadd.s32 s23, s24;
	s22 =	sadd.s32 s23, s22;
	s21 =	sadd.s32 s21, s20;
	v3 =	vsel vm5, $0x386, v3;
	v5 =	vsel vm4, $0x1FC1, v5;
	v2 =	vsel vm6, $0x383, v2  }
0x1de: {  	s21 =	sshrl.u32 s21, $0x3;
	_ =	strace $0x80000047;
	[dreg:$0x12] =	wrdreg s22;
	v3 =	vsel vm6, $0x387, v3;
	v5 =	vsel vm5, $0x1FC2, v5;
	v2 =	vsel vm7, $0x388, v2  }
0x1df: {  	p2 =	sne.s32 @!p0 s28, $0x0;
	s21 =	sadd.s32 s23, s21;
	[dreg:$0x14] =	wrdreg s26;
	v3 =	vsel vm7, $0x38C, v3;
	v5 =	vsel vm6, $0x1FC3, v5;
	v2 =	vsel vm8, $0x389, v2  }
0x1e0: {  	p2 =	por p2, p0;
	s10 =	sadd.s32 s10, s14;
	[dreg:$0x15] =	wrdreg s21;
	v3 =	vsel vm8, $0x38D, v3;
	v5 =	vsel vm7, $0x2008, v5;
	v2 =	vsel vm9, $0x38A, v2  }
0x1e1: {  	s1 =	smax.u32 s1, $0x1;
	s11 =	sadd.s32 s11, s14;
	[dreg:$0x16] =	wrdreg s10;
	v3 =	vsel vm9, $0x38E, v3;
	v5 =	vsel vm8, $0x2009, v5;
	v2 =	vsel vm10, $0x38B, v2  }
0x1e2: {  	s9 =	smul.u32 $0xE100, s9;
	s17 =	sadd.s32 s17, s18;
	[dreg:$0x17] =	wrdreg s11;
	v3 =	vsel vm10, $0x38F, v3;
	v5 =	vsel vm9, $0x200A, v5;
	v2 =	vsel vm11, $0x390, v2  }
0x1e3: {  	s19 =	sadd.s32 s19, s18;
	s24 =	sadd.s32 $0x121800, s7;
	[smem:$0x7F9] =	sst s17;
	v3 =	vsel vm11, $0x394, v3;
	v5 =	vsel vm10, $0x200B, v5;
	v2 =	vsel vm12, $0x391, v2  }
0x1e4: {  	s5 =	smul.u32 $0xE100, s5;
	s22 =	sshrl.u32 s25, $0x3;
	[smem:$0x7FA] =	sst s19;
	v3 =	vsel vm12, $0x395, v3;
	v5 =	vsel vm11, $0x2050, v5;
	v2 =	vsel vm13, $0x392, v2  }
0x1e5: {  	s25 =	sadd.s32 $0xF9800, s7;
	s21 =	sadd.s32 s12, s14;
	[smem:$0x7FC] =	sst s1;
	v3 =	vsel vm13, $0x396, v3;
	v5 =	vsel vm12, $0x2051, v5;
	v2 =	vsel vm14, $0x393, v2  }
0x1e6: {  	s12 =	smul.u32 $0xE100, s8;
	s8 =	sadd.s32 s2, s14;
	[dreg:$0x18] =	wrdreg s21;
	v3 =	vsel vm14, $0x397, v3;
	v5 =	vsel vm13, $0x2052, v5;
	v2 =	vsel vm0, $0x398, v2  }
0x1e7: {  	s26 =	sadd.s32 $0xCD600, s7;
	s2 =	sadd.s32 s2, s15;
	[dreg:$0x1f] =	wrdreg s8;
	v3 =	vsel vm0, $0x39C, v3;
	v5 =	vsel vm14, $0x2053, v5;
	v2 =	vsel vm1, $0x399, v2  }
0x1e8: {  	s10 =	sadd.s32 s3, s14;
	s17 =	simm.s32 $0x12E90;
	[smem:$0x7F3] =	sst s2;
	v3 =	vsel vm1, $0x39D, v3;
	v5 =	vsel vm0, $0x2098, v5;
	v63 =	vsel vm2, $0x39A, v2  }
0x1e9: {  	s1 =	simm.s32 $0xEA90;
	s22 =	sadd.s32 s23, s22;
	[smem:$0x7F5] =	sst s10;
	v2 =	vsel vm2, $0x39E, v3;
	v3 =	vsel vm1, $0x2099, v5;
	v5 =	vimm.s32 $0x3BB  }
0x1ea: {  	v8 =	vsel vm4, $0x20E1, v8;
	v6 =	vsel vm4, $0x3A5, v6;
	s23 =	sadd.s32 $0x149800, s7;
	s21 =	sadd.s32 s4, s14;
	[dreg:$0x13] =	wrdreg s22;
	v5 =	vsel vm3, $0x3A0, v5  }
0x1eb: {  	v8 =	vsel vm5, $0x20E2, v8;
	v6 =	vsel vm5, $0x3A6, v6;
	s4 =	sadd.s32 s4, s15;
	s22 =	smul.u32 $0xE100, s28;
	[dreg:$0x1c] =	wrdreg s21;
	v5 =	vsel vm4, $0x3A1, v5  }
0x1ec: {  	v8 =	vsel vm6, $0x20E3, v8;
	v6 =	vsel vm6, $0x3A7, v6;
	s8 =	simm.s32 $0x12690;
	[dreg:$0x1d] =	wrdreg s4;
	s21 =	sadd.s32 s20, s18;
	v5 =	vsel vm5, $0x3A2, v5  }
0x1ed: {  	v8 =	vsel vm7, $0x2128, v8;
	v6 =	vsel vm7, $0x3AC, v6;
	[smem:$0x7FB] =	sst s21;
	s7 =	sshrl.u32 s22, $0x2;
	s22 =	sadd.s32 s6, s14;
	v5 =	vsel vm6, $0x3A3, v5  }
0x1ee: {  	v8 =	vsel vm8, $0x2129, v8;
	v6 =	vsel vm8, $0x3AD, v6;
	s10 =	simm.s32 $0x12A90;
	s6 =	sadd.s32 s6, s15;
	[dreg:$0x19] =	wrdreg s22;
	v5 =	vsel vm7, $0x3A8, v5  }
0x1ef: {  	v8 =	vsel vm9, $0x212A, v8;
	v6 =	vsel vm9, $0x3AE, v6;
	s28 =	simm.s32 $0x15290;
	[dreg:$0x1a] =	wrdreg s6;
	s11 =	sadd.s32 s7, s18;
	v5 =	vsel vm8, $0x3A9, v5  }
0x1f0: {  	v8 =	vsel vm10, $0x212B, v8;
	v6 =	vsel vm10, $0x3AF, v6;
	s22 =	sshrl.u32 s9, $0x2;
	s7 =	sshrl.u32 s12, $0x2;
	s12 =	sshrl.u32 s5, $0x2;
	v5 =	vsel vm9, $0x3AA, v5  }
0x1f1: {  	v8 =	vsel vm11, $0x2170, v8;
	v6 =	vsel vm11, $0x3B4, v6;
	s5 =	simm.s32 $0x80;
	[dreg:$0x1b] =	wrdreg s11;
	s4 =	sadd.s32 s22, s18;
	v5 =	vsel vm10, $0x3AB, v5  }
0x1f2: {  	v8 =	vsel vm12, $0x2171, v8;
	v6 =	vsel vm12, $0x3B5, v6;
	s6 =	simm.s32 $0x10290;
	s9 =	sadd.s32 s7, s18;
	[dreg:$0x1e] =	wrdreg s4;
	v5 =	vsel vm11, $0x3B0, v5  }
0x1f3: {  	v8 =	vsel vm13, $0x2172, v8;
	v6 =	vsel vm13, $0x3B6, v6;
	s11 =	sadd.s32 s3, s15;
	s2 =	sadd.s32 s12, s18;
	[smem:$0x7F4] =	sst s9;
	v5 =	vsel vm12, $0x3B1, v5  }
0x1f4: {  	v8 =	vsel vm14, $0x2173, v8;
	v6 =	vsel vm14, $0x3B7, v6;
	s22 =	sadd.s32 $0xAFC80, s18;
	s3 =	simm.s32 $0x2;
	[smem:$0x7F6] =	sst s11;
	v5 =	vsel vm13, $0x3B2, v5  }
0x1f5: {  	v8 =	vsel vm0, $0x21B8, v8;
	v6 =	vsel vm0, $0x3BC, v6;
	s7 =	simm.s32 $0x12290;
	s12 =	simm.s32 $0x0;
	[smem:$0x7F7] =	sst s2;
	v5 =	vsel vm14, $0x3B3, v5  }
0x1f6: {  	v8 =	vsel vm1, $0x21B9, v8;
	v6 =	vsel vm1, $0x3BD, v6;
	s9 =	sshll.u32 s16, $0x4;
	s16 =	sadd.s32 s13, s18;
	[smem:$0x7FD] =	sst s22;
	v5 =	vsel vm0, $0x3B8, v5  }
0x1f7: {  	v8 =	vsel vm2, $0x21BA, v8;
	v6 =	vsel vm2, $0x3BE, v6;
	s22 =	sadd.s32 $0x13880, s15;
	s11 =	simm.s32 $0xF290;
	s13 =	simm.s32 $0xFA90;
	v5 =	vsel vm1, $0x3B9, v5  }
0x1f8: {  	v1 =	vsel vm2, $0x15A, v1;
	s2 =	simm.s32 $0x1;
	s4 =	simm.s32 $0x3;
	[smem:$0x7F8] =	sst s16;
	v3 =	vsel vm2, $0x209A, v3;
	v5 =	vsel vm2, $0x3BA, v5  }
.LBB2_1:
0x1f9: {  	s16 =	rddreg [dreg:$0x1]  }
0x1fa: {  	[tilespmem:s28], [sflag:$0x4] =	stream.linear.gather [hbm4b:s16+s0], $0x3840, $0x38;
	[tilespmem:$0x19790] =	vst v63  }
0x1fb: {  	_ =	swait.ge [sflag:s29], $0x3840  }
0x1fc: {  	[sflag:s29] =	ssyncset.done $0x0  }
0x1fd: {  	s19 =	rddreg [dreg:$0x7];
	[sflag:s29] =	ssyncadd.s32 $0xFFFFC7C0  }
0x1fe: {  	[tilespmem:s30], [sflag:$0x4] =	stream.linear.gather [hbm4b:s19+s0], $0x640, $0x38;
	[tilespmem:$0x19790] =	vst v63  }
0x1ff: {  	_ =	swait.ge [sflag:s29], $0x640  }
0x200: {  	[sflag:s29] =	ssyncset.done $0x0  }
0x201: {  	s20 =	rddreg [dreg:$0x19];
	[sflag:s29] =	ssyncadd.s32 $0xFFFFF9C0  }
0x202: {  	[spmem:s20] =	stream.linear.scatter [tilespmem:s30], [sflag:$0x4], $0x640, $0x38;
	[tilespmem:$0x19790] =	vst v63  }
0x203: {  	_ =	swait.ge [sflag:s29], $0x640  }
0x204: {  	[sflag:s29] =	ssyncset.done $0x0  }
0x205: {  	s21 =	rddreg [dreg:$0x8];
	[sflag:s29] =	ssyncadd.s32 $0xFFFFF9C0  }
0x206: {  	[tilespmem:s30], [sflag:$0x4] =	stream.linear.gather [hbm4b:s21+s0], $0x640, $0x38;
	[tilespmem:$0x19790] =	vst v63  }
0x207: {  	_ =	swait.ge [sflag:s29], $0x640  }
0x208: {  	[sflag:s29] =	ssyncset.done $0x0  }
0x209: {  	s19 =	rddreg [dreg:$0x1c];
	[sflag:s29] =	ssyncadd.s32 $0xFFFFF9C0  }
0x20a: {  	[spmem:s19] =	stream.linear.scatter [tilespmem:s30], [sflag:$0x4], $0x640, $0x38;
	[tilespmem:$0x19790] =	vst v63  }
0x20b: {  	_ =	swait.ge [sflag:s29], $0x640  }
0x20c: {  	[sflag:s29] =	ssyncset.done $0x0  }
0x20d: {  	s20 =	rddreg [dreg:$0x9];
	[sflag:s29] =	ssyncadd.s32 $0xFFFFF9C0  }
0x20e: {  	[tilespmem:s30], [sflag:$0x4] =	stream.linear.gather [hbm4b:s20+s0], $0x640, $0x38;
	[tilespmem:$0x19790] =	vst v63  }
0x20f: {  	_ =	swait.ge [sflag:s29], $0x640  }
0x210: {  	[sflag:s29] =	ssyncset.done $0x0  }
0x211: {  	s21 =	rddreg [dreg:$0x1f];
	[sflag:s29] =	ssyncadd.s32 $0xFFFFF9C0  }
0x212: {  	[spmem:s21] =	stream.linear.scatter [tilespmem:s30], [sflag:$0x4], $0x640, $0x38;
	[tilespmem:$0x19790] =	vst v63  }
0x213: {  	_ =	swait.ge [sflag:s29], $0x640  }
0x214: {  	[sflag:s29] =	ssyncset.done $0x0  }
0x215: {  	s19 =	rddreg [dreg:$0xa];
	[sflag:s29] =	ssyncadd.s32 $0xFFFFF9C0  }
0x216: {  	[tilespmem:s30], [sflag:$0x4] =	stream.linear.gather [hbm4b:s19+s0], $0x640, $0x38;
	[tilespmem:$0x19790] =	vst v63  }
0x217: {  	_ =	swait.ge [sflag:s29], $0x640  }
0x218: {  	s20 =	sld [smem:$0x7F5]  }
0x219: {  	[sflag:s29] =	ssyncset.done $0x0  }
0x21a: {  	[sflag:s29] =	ssyncadd.s32 $0xFFFFF9C0  }
0x21b: {  	[spmem:s20] =	stream.linear.scatter [tilespmem:s30], [sflag:$0x4], $0x640, $0x38;
	[tilespmem:$0x19790] =	vst v63  }
0x21c: {  	_ =	swait.ge [sflag:s29], $0x640  }
0x21d: {  	[sflag:s29] =	ssyncset.done $0x0  }
0x21e: {  	s21 =	rddreg [dreg:$0xb];
	[sflag:s29] =	ssyncadd.s32 $0xFFFFF9C0  }
0x21f: {  	[tilespmem:s30], [sflag:$0x4] =	stream.linear.gather [hbm4b:s21+s0], $0x640, $0x38;
	[tilespmem:$0x19790] =	vst v63  }
0x220: {  	_ =	swait.ge [sflag:s29], $0x640  }
0x221: {  	[sflag:s29] =	ssyncset.done $0x0  }
0x222: {  	s19 =	rddreg [dreg:$0x16];
	[sflag:s29] =	ssyncadd.s32 $0xFFFFF9C0  }
0x223: {  	[spmem:s19] =	stream.linear.scatter [tilespmem:s30], [sflag:$0x4], $0x640, $0x38;
	[tilespmem:$0x19790] =	vst v63  }
0x224: {  	_ =	swait.ge [sflag:s29], $0x640  }
0x225: {  	[sflag:s29] =	ssyncset.done $0x0  }
0x226: {  	s20 =	rddreg [dreg:$0xc];
	[sflag:s29] =	ssyncadd.s32 $0xFFFFF9C0  }
0x227: {  	[tilespmem:s30], [sflag:$0x4] =	stream.linear.gather [hbm4b:s20+s0], $0x640, $0x38;
	[tilespmem:$0x19790] =	vst v63  }
0x228: {  	_ =	swait.ge [sflag:s29], $0x640  }
0x229: {  	[sflag:s29] =	ssyncset.done $0x0  }
0x22a: {  	s21 =	rddreg [dreg:$0x17];
	[sflag:s29] =	ssyncadd.s32 $0xFFFFF9C0  }
0x22b: {  	[spmem:s21] =	stream.linear.scatter [tilespmem:s30], [sflag:$0x4], $0x640, $0x38;
	[tilespmem:$0x19790] =	vst v63  }
0x22c: {  	_ =	swait.ge [sflag:s29], $0x640  }
0x22d: {  	s16 =	simm.s32 @!p1 $0x0;
	[sflag:s29] =	ssyncset.done $0x0  }
0x22e: {  	s19 =	simm.s32 @!p1 $0x18AD0;
	s20 =	rddreg [dreg:$0xd];
	[sflag:s29] =	ssyncadd.s32 $0xFFFFF9C0  }
0x22f: {  	[tilespmem:s19], [sflag:$0x4] =	stream.linear.gather @!p1 [hbm4b:s20+s16], $0x640, $0x38;
	[tilespmem:$0x19790] =	vst v63  }
0x230: {  	s16 =	simm.s32 @!p1 $0x4  }
0x231: {  	_ =	swait.ge @!p1 [sflag:s16], $0x640  }
0x232: {  	[sflag:s16] =	ssyncset.done @!p1 $0x0  }
0x233: {  	s20 =	rddreg [dreg:$0x18];
	[sflag:s16] =	ssyncadd.s32 @!p1 $0xFFFFF9C0  }
0x234: {  	[spmem:s20] =	stream.linear.scatter @!p1 [tilespmem:s19], [sflag:$0x4], $0x640, $0x38;
	[tilespmem:$0x19790] =	vst v63  }
0x235: {  	_ =	swait.ge @!p1 [sflag:s16], $0x640  }
0x236: {  	[sflag:s16] =	ssyncset.done @!p1 $0x0  }
0x237: {  	s19 =	rddreg [dreg:$0xe];
	[sflag:s16] =	ssyncadd.s32 @!p1 $0xFFFFF9C0  }
0x238: {  	[tilespmem:s31], [sflag:$0x4] =	stream.linear.gather [hbm4b:s19+s0], $0x640, $0x38;
	[tilespmem:$0x19790] =	vst v63  }
0x239: {  	_ =	swait.ge [sflag:s29], $0x640  }
0x23a: {  	[sflag:s29] =	ssyncset.done $0x0  }
0x23b: {  	s20 =	rddreg [dreg:$0x1a];
	[sflag:s29] =	ssyncadd.s32 $0xFFFFF9C0  }
0x23c: {  	[spmem:s20] =	stream.linear.scatter [tilespmem:s31], [sflag:$0x4], $0x640, $0x38;
	[tilespmem:$0x19790] =	vst v63  }
0x23d: {  	_ =	swait.ge [sflag:s29], $0x640  }
0x23e: {  	[sflag:s29] =	ssyncset.done $0x0  }
0x23f: {  	s21 =	rddreg [dreg:$0x1b];
	[sflag:s29] =	ssyncadd.s32 $0xFFFFF9C0  }
0x240: {  	[spmem:s21] =	stream.linear.scatter [tilespmem:s28], [sflag:$0x4], $0x3840, $0x38;
	[tilespmem:$0x19790] =	vst v63  }
0x241: {  	_ =	swait.ge [sflag:s29], $0x3840  }
0x242: {  	[sflag:s29] =	ssyncset.done $0x0  }
0x243: {  	s19 =	rddreg [dreg:$0xf];
	[sflag:s29] =	ssyncadd.s32 $0xFFFFC7C0  }
0x244: {  	[tilespmem:s31], [sflag:$0x4] =	stream.linear.gather [hbm4b:s19+s0], $0x640, $0x38;
	[tilespmem:$0x19790] =	vst v63  }
0x245: {  	_ =	swait.ge [sflag:s29], $0x640  }
0x246: {  	[sflag:s29] =	ssyncset.done $0x0  }
0x247: {  	s20 =	rddreg [dreg:$0x1d];
	[sflag:s29] =	ssyncadd.s32 $0xFFFFF9C0  }
0x248: {  	[spmem:s20] =	stream.linear.scatter [tilespmem:s31], [sflag:$0x4], $0x640, $0x38;
	[tilespmem:$0x19790] =	vst v63  }
0x249: {  	_ =	swait.ge [sflag:s29], $0x640  }
0x24a: {  	[sflag:s29] =	ssyncset.done $0x0  }
0x24b: {  	s21 =	rddreg [dreg:$0x1e];
	[sflag:s29] =	ssyncadd.s32 $0xFFFFF9C0  }
0x24c: {  	[spmem:s21] =	stream.linear.scatter [tilespmem:s28], [sflag:$0x4], $0x3840, $0x38;
	[tilespmem:$0x19790] =	vst v63  }
0x24d: {  	_ =	swait.ge [sflag:s29], $0x3840  }
0x24e: {  	[sflag:s29] =	ssyncset.done $0x0  }
0x24f: {  	s19 =	rddreg [dreg:$0x10];
	[sflag:s29] =	ssyncadd.s32 $0xFFFFC7C0  }
0x250: {  	[tilespmem:s31], [sflag:$0x4] =	stream.linear.gather [hbm4b:s19+s0], $0x640, $0x38;
	[tilespmem:$0x19790] =	vst v63  }
0x251: {  	_ =	swait.ge [sflag:s29], $0x640  }
0x252: {  	s20 =	sld [smem:$0x7F3]  }
0x253: {  	[sflag:s29] =	ssyncset.done $0x0  }
0x254: {  	[sflag:s29] =	ssyncadd.s32 $0xFFFFF9C0  }
0x255: {  	[spmem:s20] =	stream.linear.scatter [tilespmem:s31], [sflag:$0x4], $0x640, $0x38;
	[tilespmem:$0x19790] =	vst v63  }
0x256: {  	_ =	swait.ge [sflag:s29], $0x640  }
0x257: {  	s21 =	sld [smem:$0x7F4]  }
0x258: {  	[sflag:s29] =	ssyncset.done $0x0  }
0x259: {  	[sflag:s29] =	ssyncadd.s32 $0xFFFFF9C0  }
0x25a: {  	[spmem:s21] =	stream.linear.scatter [tilespmem:s28], [sflag:$0x4], $0x3840, $0x38;
	[tilespmem:$0x19790] =	vst v63  }
0x25b: {  	_ =	swait.ge [sflag:s29], $0x3840  }
0x25c: {  	s16 =	simm.s32 @!p0 $0x0;
	[sflag:s29] =	ssyncset.done $0x0  }
0x25d: {  	s19 =	simm.s32 @!p0 $0x19110;
	s20 =	rddreg [dreg:$0x11];
	[sflag:s29] =	ssyncadd.s32 $0xFFFFC7C0  }
0x25e: {  	[tilespmem:s19], [sflag:$0x4] =	stream.linear.gather @!p0 [hbm4b:s20+s16], $0x640, $0x38;
	[tilespmem:$0x19790] =	vst v63  }
0x25f: {  	s16 =	simm.s32 @!p0 $0x4  }
0x260: {  	_ =	swait.ge @!p0 [sflag:s16], $0x640  }
0x261: {  	s20 =	sld [smem:$0x7F6]  }
0x262: {  	[sflag:s16] =	ssyncset.done @!p0 $0x0  }
0x263: {  	[sflag:s16] =	ssyncadd.s32 @!p0 $0xFFFFF9C0  }
0x264: {  	[spmem:s20] =	stream.linear.scatter @!p0 [tilespmem:s19], [sflag:$0x4], $0x640, $0x38;
	[tilespmem:$0x19790] =	vst v63  }
0x265: {  	_ =	swait.ge @!p0 [sflag:s16], $0x640  }
0x266: {  	s20 =	sld [smem:$0x7F7]  }
0x267: {  	[sflag:s16] =	ssyncset.done @!p0 $0x0  }
0x268: {  	s19 =	simm.s32 @!p0 $0x15290;
	[sflag:s16] =	ssyncadd.s32 @!p0 $0xFFFFF9C0  }
0x269: {  	[spmem:s20] =	stream.linear.scatter @!p0 [tilespmem:s19], [sflag:$0x4], $0x3840, $0x38;
	[tilespmem:$0x19790] =	vst v63  }
0x26a: {  	_ =	swait.ge @!p0 [sflag:s16], $0x3840  }
0x26b: {  	s19 =	sld [smem:$0x7FD]  }
0x26c: {  	[sflag:s16] =	ssyncset.done @!p0 $0x0  }
0x26d: {  	[sflag:s16] =	ssyncadd.s32 @!p0 $0xFFFFC7C0;
	s16 =	simm.s32 @!p2 $0x15290  }
0x26e: {  	[spmem:s19] =	stream.linear.scatter @!p2 [tilespmem:s16], [sflag:$0x4], $0x240, $0x38;
	[tilespmem:$0x19790] =	vst v63  }
0x26f: {  	s16 =	simm.s32 @!p2 $0x4  }
0x270: {  	_ =	swait.ge @!p2 [sflag:s16], $0x240  }
0x271: {  	[sflag:s16] =	ssyncset.done @!p2 $0x0  }
0x272: {  	[sflag:s16] =	ssyncadd.s32 @!p2 $0xFFFFFDC0  }
0x273: {  	s20 =	simm.s32 @!p2 $0x19750;
	s19 =	simm.s32 @!p2 $0x0;
	s21 =	rddreg [dreg:$0x2]  }
0x274: {  	[tilespmem:s20], [sflag:$0x4] =	stream.linear.gather @!p2 [hbm4b:s21+s19], $0x40, $0x38;
	[tilespmem:$0x19790] =	vst v63  }
0x275: {  	_ =	swait.ge @!p2 [sflag:s16], $0x40  }
0x276: {  	[sflag:s16] =	ssyncset.done @!p2 $0x0  }
0x277: {  	[sflag:s16] =	ssyncadd.s32 @!p2 $0xFFFFFFC0  }
0x278: {  	[spmem:s22] =	stream.linear.scatter @!p2 [tilespmem:s20], [sflag:$0x4], $0x40, $0x38;
	[tilespmem:$0x19790] =	vst v63  }
0x279: {  	_ =	swait.ge @!p2 [sflag:s16], $0x40  }
0x27a: {  	v28 =	vld [tilespmem:$0x1FB30];
	_ =	sdelay $0x5  }
0x27b: {  	[sflag:s16] =	ssyncset.done @!p2 $0x0  }
0x27c: {  	v29 =	vimm.f32 $0.0e+00;
	[sflag:s16] =	ssyncadd.s32 @!p2 $0xFFFFFFC0  }
0x27d: {  	[tilespmem:v28+s17+$0x0] =	vst.idx.msk $0xffff, v29;
	v28 =	vld [tilespmem:$0x1FB40];
	_ =	sdelay $0x7  }
0x27e: {  	[tilespmem:v28+s17+$0x0] =	vst.idx.msk $0xffff, v29;
	v28 =	vld [tilespmem:$0x1FB50];
	_ =	sdelay $0x7  }
0x27f: {  	[tilespmem:v28+s17+$0x0] =	vst.idx.msk $0xffff, v29;
	v28 =	vld [tilespmem:$0x1FB60];
	_ =	sdelay $0x7  }
0x280: {  	[tilespmem:v28+s17+$0x0] =	vst.idx.msk $0xffff, v29;
	v28 =	vld [tilespmem:$0x1FB70];
	_ =	sdelay $0x7  }
0x281: {  	[tilespmem:v28+s17+$0x0] =	vst.idx.msk $0xffff, v29;
	v28 =	vld [tilespmem:$0x1FB80];
	_ =	sdelay $0x7  }
0x282: {  	[tilespmem:v28+s17+$0x0] =	vst.idx.msk $0xffff, v29;
	v28 =	vld [tilespmem:$0x1FB90];
	_ =	sdelay $0x7  }
0x283: {  	[tilespmem:v28+s17+$0x0] =	vst.idx.msk $0xffff, v29;
	v28 =	vld [tilespmem:$0x1FBA0];
	_ =	sdelay $0x7  }
0x284: {  	[tilespmem:v28+s17+$0x0] =	vst.idx.msk $0xffff, v29;
	v28 =	vld [tilespmem:$0x1FBB0];
	_ =	sdelay $0x7  }
0x285: {  	[tilespmem:v28+s17+$0x0] =	vst.idx.msk $0xffff, v29;
	v28 =	vld [tilespmem:$0x1FBC0];
	_ =	sdelay $0x7  }
0x286: {  	[tilespmem:v28+s17+$0x0] =	vst.idx.msk $0xffff, v29;
	v28 =	vld [tilespmem:$0x1FBD0];
	_ =	sdelay $0x7  }
0x287: {  	[tilespmem:v28+s17+$0x0] =	vst.idx.msk $0xffff, v29;
	v28 =	vld [tilespmem:$0x1FBE0];
	_ =	sdelay $0x7  }
0x288: {  	[tilespmem:v28+s17+$0x0] =	vst.idx.msk $0xffff, v29;
	v28 =	vld [tilespmem:$0x1FBF0];
	_ =	sdelay $0x7  }
0x289: {  	[tilespmem:v28+s17+$0x0] =	vst.idx.msk $0xffff, v29;
	v28 =	vld [tilespmem:$0x1FC00];
	_ =	sdelay $0x7  }
0x28a: {  	[tilespmem:v28+s17+$0x0] =	vst.idx.msk $0xffff, v29;
	v28 =	vld [tilespmem:$0x1FC10];
	_ =	sdelay $0x7  }
0x28b: {  	[tilespmem:v28+s17+$0x0] =	vst.idx.msk $0xffff, v29;
	v28 =	vld [tilespmem:$0x1FC20];
	_ =	sdelay $0x7  }
0x28c: {  	[tilespmem:v28+s17+$0x0] =	vst.idx.msk $0xffff, v29;
	v28 =	vld [tilespmem:$0x1FC30];
	_ =	sdelay $0x7  }
0x28d: {  	[tilespmem:v28+s17+$0x0] =	vst.idx.msk $0xffff, v29;
	v28 =	vld [tilespmem:$0x1FC40];
	_ =	sdelay $0x7  }
0x28e: {  	[tilespmem:v28+s17+$0x0] =	vst.idx.msk $0xffff, v29;
	v28 =	vld [tilespmem:$0x1FC50];
	_ =	sdelay $0x7  }
0x28f: {  	[tilespmem:v28+s17+$0x0] =	vst.idx.msk $0xffff, v29;
	v28 =	vld [tilespmem:$0x1FC60];
	_ =	sdelay $0x7  }
0x290: {  	[tilespmem:v28+s17+$0x0] =	vst.idx.msk $0xffff, v29;
	v28 =	vld [tilespmem:$0x1FC70];
	_ =	sdelay $0x7  }
0x291: {  	[tilespmem:v28+s17+$0x0] =	vst.idx.msk $0xffff, v29;
	v28 =	vld [tilespmem:$0x1FC80];
	_ =	sdelay $0x7  }
0x292: {  	[tilespmem:v28+s17+$0x0] =	vst.idx.msk $0xffff, v29;
	v28 =	vld [tilespmem:$0x1FC90];
	_ =	sdelay $0x7  }
0x293: {  	[tilespmem:v28+s17+$0x0] =	vst.idx.msk $0xffff, v29;
	v28 =	vld [tilespmem:$0x1FCA0];
	_ =	sdelay $0x7  }
0x294: {  	[tilespmem:v28+s17+$0x0] =	vst.idx.msk $0xffff, v29;
	v28 =	vld [tilespmem:$0x1FCB0];
	_ =	sdelay $0x7  }
0x295: {  	[tilespmem:v28+s17+$0x0] =	vst.idx.msk $0xffff, v29;
	v28 =	vld [tilespmem:$0x1FCC0];
	_ =	sdelay $0x7  }
0x296: {  	[tilespmem:v28+s17+$0x0] =	vst.idx.msk $0xffff, v29;
	v28 =	vld [tilespmem:$0x1FCD0];
	_ =	sdelay $0x7  }
0x297: {  	[tilespmem:v28+s17+$0x0] =	vst.idx.msk $0xffff, v29;
	v28 =	vld [tilespmem:$0x1FCE0];
	_ =	sdelay $0x7  }
0x298: {  	[tilespmem:v28+s17+$0x0] =	vst.idx.msk $0xffff, v29;
	v28 =	vld [tilespmem:$0x1FCF0];
	_ =	sdelay $0x7  }
0x299: {  	[tilespmem:v28+s17+$0x0] =	vst.idx.msk $0xffff, v29;
	v28 =	vld [tilespmem:$0x1FD00];
	_ =	sdelay $0x7  }
0x29a: {  	[tilespmem:v28+s17+$0x0] =	vst.idx.msk $0xffff, v29;
	v28 =	vld [tilespmem:$0x1FD10];
	_ =	sdelay $0x7  }
0x29b: {  	[tilespmem:v28+s17+$0x0] =	vst.idx.msk $0xffff, v29;
	v28 =	vld [tilespmem:$0x1FD20];
	_ =	sdelay $0x7  }
0x29c: {  	[tilespmem:v28+s17+$0x0] =	vst.idx.msk $0xffff, v29  }
0x29d: {  	s16 =	simm.s32 $0x0;
	[bflag:$0x0] =	sbarrier.arrive $0xFFFF  }
.LBB2_2:
0x29e: {  	s19 =	sshll.u32 s16, $0x8  }
0x29f: {  	s20 =	sadd.s32 s9, s19  }
0x2a0: {  	s19 =	simm.s32 $0x0;
	s21 =	sadd.s32 s23, s20  }
0x2a1: {  	[tilespmem:s1], [sflag:$0x1] =	stream.linear.gather [hbm4b:s21+s19], $0x800, $0x38;
	[tilespmem:$0x19790] =	vst v63  }
0x2a2: {  	s21 =	sadd.s32 s24, s20  }
0x2a3: {  	[tilespmem:s11], [sflag:$0x2] =	stream.linear.gather [hbm4b:s21+s19], $0x800, $0x38;
	[tilespmem:$0x19790] =	vst v63  }
0x2a4: {  	s20 =	sadd.s32 s25, s20  }
0x2a5: {  	[tilespmem:s13], [sflag:$0x3] =	stream.linear.gather [hbm4b:s20+s19], $0x800, $0x38;
	[tilespmem:$0x19790] =	vst v63  }
0x2a6: {  	_ =	swait.ge [sflag:s2], $0x800  }
0x2a7: {  	[sflag:s2] =	ssyncset.done $0x0  }
0x2a8: {  	[sflag:s2] =	ssyncadd.s32 $0xFFFFF800  }
0x2a9: {  	_ =	swait.ge [sflag:s3], $0x800  }
0x2aa: {  	[sflag:s3] =	ssyncset.done $0x0  }
0x2ab: {  	[sflag:s3] =	ssyncadd.s32 $0xFFFFF800  }
0x2ac: {  	_ =	swait.ge [sflag:s4], $0x800  }
0x2ad: {  	[sflag:s4] =	ssyncset.done $0x0  }
0x2ae: {  	[sflag:s4] =	ssyncadd.s32 $0xFFFFF800  }
.LBB2_3:
0x2af: {  	s21 =	sshll.u32 s19, $0x7  }
0x2b0: {  	s20 =	sadd.s32 $0xEA90, s21  }
0x2b1: {  	[tilespmem:s6], [sflag:$0x1] =	stream.indirect.gather [hbm4b:s26+s5], $0x40, s20, s5, $0xb8;
	[tilespmem:$0x19790] =	vst v63  }
0x2b2: {  	_ = 	snop  }
0x2b3: {  	[tilespmem:s7], [sflag:$0x2] =	stream.indirect.gather [spmem:s14], $0x8, s20, s5, $0xb8;
	[tilespmem:$0x19790] =	vst v63  }
0x2b4: {  	s20 =	sadd.s32 $0xF290, s21  }
0x2b5: {  	[tilespmem:s8], [sflag:$0x3] =	stream.indirect.gather [spmem:s15], $0x8, s20, s5, $0xb8;
	[tilespmem:$0x19790] =	vst v63  }
0x2b6: {  	_ =	swait.ge [sflag:s2], $0x2000  }
0x2b7: {  	[sflag:s2] =	ssyncset.done $0x0  }
0x2b8: {  	[sflag:s2] =	ssyncadd.s32 $0xFFFFE000  }
0x2b9: {  	_ =	swait.ge [sflag:s3], $0x400  }
0x2ba: {  	[sflag:s3] =	ssyncset.done $0x0  }
0x2bb: {  	[sflag:s3] =	ssyncadd.s32 $0xFFFFFC00  }
0x2bc: {  	_ =	swait.ge [sflag:s4], $0x400  }
0x2bd: {  	[sflag:s4] =	ssyncset.done $0x0;
	v31 =	vld [tilespmem:$0x1FD30]  }
0x2be: {  	[sflag:s4] =	ssyncadd.s32 $0xFFFFFC00  }
0x2bf: {  	v28 =	vld.idx.msk [tilespmem:v33+s7+$0x0], $0xffff  }
0x2c0: {  	v29 =	vld.idx.msk [tilespmem:v33+s8+$0x0], $0xffff;
	_ =	sdelay $0x4  }
0x2c1: {  	v28 =	vadd.f32 v29, v28;
	v31 =	vld.idx.msk [tilespmem:v31+s8+$0x0], $0xffff;
	_ =	sdelay $0x1  }
0x2c2: {  	v29 =	vmul.f32 $1.000000010e-01, v28;
	_ =	sdelay $0x1  }
0x2c3: {  	v28 =	vmax.f32 v28, v29  }
0x2c4: {  	v28 =	vsub.f32 v28, v31;
	_ =	sdelay $0x1  }
0x2c5: {  	v28 =	vmul.f32 $1.442695020e+00, v28;
	_ =	sdelay $0x1  }
0x2c6: {  	v29 =	vor.u32 s21, v20;
	(erf) = vpow2.f32 v28;
	_ =	sdelay $0x2  }
0x2c7: {  	v31 =	vld [tilespmem:$0x1FD40];
	_ =	sdelay $0x1  }
0x2c8: {  	v28 =	vld.idx.msk [tilespmem:v29+s13+$0x0], $0xffff;
	_ =	sdelay $0x3  }
0x2c9: {  	v29 =	vpop (erf)  }
0x2ca: {  	v28 =	vmul.f32 v29, v28  }
0x2cb: {  	[tilespmem:v31+s17+$0x0] =	vst.idx.msk $0xffff, v29;
	v31 =	vld [tilespmem:$0x1FD50]  }
0x2cc: {  	[tilespmem:v33+s10+$0x0] =	vst.idx.msk $0xffff, v28  }
0x2cd: {  	v28 =	vld.idx.msk [tilespmem:v37+s7+$0x0], $0xffff  }
0x2ce: {  	v29 =	vld.idx.msk [tilespmem:v37+s8+$0x0], $0xffff;
	_ =	sdelay $0x4  }
0x2cf: {  	v31 =	vld.idx.msk [tilespmem:v31+s8+$0x0], $0xffff;
	v28 =	vadd.f32 v29, v28;
	_ =	sdelay $0x1  }
0x2d0: {  	v29 =	vmul.f32 $1.000000010e-01, v28;
	_ =	sdelay $0x1  }
0x2d1: {  	v28 =	vmax.f32 v28, v29  }
0x2d2: {  	v28 =	vsub.f32 v28, v31;
	_ =	sdelay $0x1  }
0x2d3: {  	v28 =	vmul.f32 $1.442695020e+00, v28;
	_ =	sdelay $0x1  }
0x2d4: {  	v29 =	vor.u32 s21, v21;
	(erf) = vpow2.f32 v28;
	_ =	sdelay $0x2  }
0x2d5: {  	v31 =	vld [tilespmem:$0x1FD60];
	_ =	sdelay $0x1  }
0x2d6: {  	v28 =	vld.idx.msk [tilespmem:v29+s13+$0x0], $0xffff;
	_ =	sdelay $0x3  }
0x2d7: {  	v29 =	vpop (erf)  }
0x2d8: {  	v28 =	vmul.f32 v29, v28  }
0x2d9: {  	[tilespmem:v31+s17+$0x0] =	vst.idx.msk $0xffff, v29;
	v31 =	vld [tilespmem:$0x1FD70]  }
0x2da: {  	[tilespmem:v37+s10+$0x0] =	vst.idx.msk $0xffff, v28  }
0x2db: {  	v28 =	vld.idx.msk [tilespmem:v41+s7+$0x0], $0xffff  }
0x2dc: {  	v29 =	vld.idx.msk [tilespmem:v41+s8+$0x0], $0xffff;
	_ =	sdelay $0x4  }
0x2dd: {  	v31 =	vld.idx.msk [tilespmem:v31+s8+$0x0], $0xffff;
	v28 =	vadd.f32 v29, v28;
	_ =	sdelay $0x1  }
0x2de: {  	v29 =	vmul.f32 $1.000000010e-01, v28;
	_ =	sdelay $0x1  }
0x2df: {  	v28 =	vmax.f32 v28, v29  }
0x2e0: {  	v28 =	vsub.f32 v28, v31;
	_ =	sdelay $0x1  }
0x2e1: {  	v28 =	vmul.f32 $1.442695020e+00, v28;
	_ =	sdelay $0x1  }
0x2e2: {  	v29 =	vor.u32 s21, v22;
	(erf) = vpow2.f32 v28;
	_ =	sdelay $0x2  }
0x2e3: {  	v31 =	vld [tilespmem:$0x1FD80];
	_ =	sdelay $0x1  }
0x2e4: {  	v28 =	vld.idx.msk [tilespmem:v29+s13+$0x0], $0xffff;
	_ =	sdelay $0x3  }
0x2e5: {  	v29 =	vpop (erf)  }
0x2e6: {  	v28 =	vmul.f32 v29, v28  }
0x2e7: {  	[tilespmem:v31+s17+$0x0] =	vst.idx.msk $0xffff, v29  }
0x2e8: {  	[tilespmem:v41+s10+$0x0] =	vst.idx.msk $0xffff, v28  }
0x2e9: {  	v28 =	vld.idx.msk [tilespmem:v44+s7+$0x0], $0xffff  }
0x2ea: {  	v29 =	vld.idx.msk [tilespmem:v44+s8+$0x0], $0xffff;
	_ =	sdelay $0x4  }
0x2eb: {  	v31 =	vld.idx.msk [tilespmem:v12+s8+$0x0], $0xffff;
	v28 =	vadd.f32 v29, v28;
	_ =	sdelay $0x1  }
0x2ec: {  	v29 =	vmul.f32 $1.000000010e-01, v28;
	_ =	sdelay $0x1  }
0x2ed: {  	v28 =	vmax.f32 v28, v29  }
0x2ee: {  	v28 =	vsub.f32 v28, v31;
	_ =	sdelay $0x1  }
0x2ef: {  	v28 =	vmul.f32 $1.442695020e+00, v28;
	_ =	sdelay $0x1  }
0x2f0: {  	v29 =	vor.u32 s21, v23;
	(erf) = vpow2.f32 v28;
	_ =	sdelay $0x2  }
0x2f1: {  	v31 =	vld [tilespmem:$0x1FD90];
	_ =	sdelay $0x1  }
0x2f2: {  	v28 =	vld.idx.msk [tilespmem:v29+s13+$0x0], $0xffff;
	_ =	sdelay $0x3  }
0x2f3: {  	v29 =	vpop (erf)  }
0x2f4: {  	v28 =	vmul.f32 v29, v28  }
0x2f5: {  	[tilespmem:v31+s17+$0x0] =	vst.idx.msk $0xffff, v29;
	v31 =	vld [tilespmem:$0x1FDA0]  }
0x2f6: {  	[tilespmem:v44+s10+$0x0] =	vst.idx.msk $0xffff, v28  }
0x2f7: {  	v28 =	vld.idx.msk [tilespmem:v46+s7+$0x0], $0xffff  }
0x2f8: {  	v29 =	vld.idx.msk [tilespmem:v46+s8+$0x0], $0xffff;
	_ =	sdelay $0x4  }
0x2f9: {  	v31 =	vld.idx.msk [tilespmem:v31+s8+$0x0], $0xffff;
	v28 =	vadd.f32 v29, v28;
	_ =	sdelay $0x1  }
0x2fa: {  	v29 =	vmul.f32 $1.000000010e-01, v28;
	_ =	sdelay $0x1  }
0x2fb: {  	v28 =	vmax.f32 v28, v29  }
0x2fc: {  	v28 =	vsub.f32 v28, v31;
	_ =	sdelay $0x1  }
0x2fd: {  	v28 =	vmul.f32 $1.442695020e+00, v28;
	_ =	sdelay $0x1  }
0x2fe: {  	v29 =	vor.u32 s21, v25;
	(erf) = vpow2.f32 v28;
	_ =	sdelay $0x2  }
0x2ff: {  	v31 =	vld [tilespmem:$0x1FDB0];
	_ =	sdelay $0x1  }
0x300: {  	v28 =	vld.idx.msk [tilespmem:v29+s13+$0x0], $0xffff;
	_ =	sdelay $0x3  }
0x301: {  	v29 =	vpop (erf)  }
0x302: {  	v28 =	vmul.f32 v29, v28  }
0x303: {  	[tilespmem:v31+s17+$0x0] =	vst.idx.msk $0xffff, v29;
	v31 =	vld [tilespmem:$0x1FDC0]  }
0x304: {  	[tilespmem:v46+s10+$0x0] =	vst.idx.msk $0xffff, v28  }
0x305: {  	v28 =	vld.idx.msk [tilespmem:v49+s7+$0x0], $0xffff  }
0x306: {  	v29 =	vld.idx.msk [tilespmem:v49+s8+$0x0], $0xffff;
	_ =	sdelay $0x4  }
0x307: {  	v31 =	vld.idx.msk [tilespmem:v31+s8+$0x0], $0xffff;
	v28 =	vadd.f32 v29, v28;
	_ =	sdelay $0x1  }
0x308: {  	v29 =	vmul.f32 $1.000000010e-01, v28;
	_ =	sdelay $0x1  }
0x309: {  	v28 =	vmax.f32 v28, v29  }
0x30a: {  	v28 =	vsub.f32 v28, v31;
	_ =	sdelay $0x1  }
0x30b: {  	v28 =	vmul.f32 $1.442695020e+00, v28;
	_ =	sdelay $0x1  }
0x30c: {  	v29 =	vor.u32 s21, v26;
	(erf) = vpow2.f32 v28;
	_ =	sdelay $0x2  }
0x30d: {  	v31 =	vld [tilespmem:$0x1FDD0];
	_ =	sdelay $0x1  }
0x30e: {  	v28 =	vld.idx.msk [tilespmem:v29+s13+$0x0], $0xffff;
	_ =	sdelay $0x3  }
0x30f: {  	v29 =	vpop (erf)  }
0x310: {  	v28 =	vmul.f32 v29, v28  }
0x311: {  	[tilespmem:v31+s17+$0x0] =	vst.idx.msk $0xffff, v29;
	v31 =	vld [tilespmem:$0x1FDE0]  }
0x312: {  	[tilespmem:v49+s10+$0x0] =	vst.idx.msk $0xffff, v28  }
0x313: {  	v28 =	vld.idx.msk [tilespmem:v52+s7+$0x0], $0xffff  }
0x314: {  	v29 =	vld.idx.msk [tilespmem:v52+s8+$0x0], $0xffff;
	_ =	sdelay $0x4  }
0x315: {  	v31 =	vld.idx.msk [tilespmem:v31+s8+$0x0], $0xffff;
	v28 =	vadd.f32 v29, v28;
	_ =	sdelay $0x1  }
0x316: {  	v29 =	vmul.f32 $1.000000010e-01, v28;
	_ =	sdelay $0x1  }
0x317: {  	v28 =	vmax.f32 v28, v29  }
0x318: {  	v28 =	vsub.f32 v28, v31;
	_ =	sdelay $0x1  }
0x319: {  	v28 =	vmul.f32 $1.442695020e+00, v28  }
0x31a: {  	v29 =	vor.u32 $0x18, v20  }
0x31b: {  	v29 =	vor.u32 s21, v29;
	(erf) = vpow2.f32 v28;
	_ =	sdelay $0x2  }
0x31c: {  	v31 =	vld [tilespmem:$0x1FDF0];
	_ =	sdelay $0x1  }
0x31d: {  	v28 =	vld.idx.msk [tilespmem:v29+s13+$0x0], $0xffff;
	_ =	sdelay $0x3  }
0x31e: {  	v29 =	vpop (erf)  }
0x31f: {  	v28 =	vmul.f32 v29, v28  }
0x320: {  	[tilespmem:v31+s17+$0x0] =	vst.idx.msk $0xffff, v29;
	v31 =	vld [tilespmem:$0x1FE00]  }
0x321: {  	[tilespmem:v52+s10+$0x0] =	vst.idx.msk $0xffff, v28  }
0x322: {  	v28 =	vld.idx.msk [tilespmem:v55+s7+$0x0], $0xffff  }
0x323: {  	v29 =	vld.idx.msk [tilespmem:v55+s8+$0x0], $0xffff;
	_ =	sdelay $0x4  }
0x324: {  	v31 =	vld.idx.msk [tilespmem:v31+s8+$0x0], $0xffff;
	v28 =	vadd.f32 v29, v28;
	_ =	sdelay $0x1  }
0x325: {  	v29 =	vmul.f32 $1.000000010e-01, v28;
	_ =	sdelay $0x1  }
0x326: {  	v28 =	vmax.f32 v28, v29  }
0x327: {  	v28 =	vsub.f32 v28, v31;
	_ =	sdelay $0x1  }
0x328: {  	v28 =	vmul.f32 $1.442695020e+00, v28  }
0x329: {  	v29 =	vor.u32 $0x1C, v20  }
0x32a: {  	v29 =	vor.u32 s21, v29;
	(erf) = vpow2.f32 v28;
	_ =	sdelay $0x2  }
0x32b: {  	v31 =	vld [tilespmem:$0x1FE10];
	_ =	sdelay $0x1  }
0x32c: {  	v28 =	vld.idx.msk [tilespmem:v29+s13+$0x0], $0xffff;
	_ =	sdelay $0x3  }
0x32d: {  	v29 =	vpop (erf)  }
0x32e: {  	v28 =	vmul.f32 v29, v28  }
0x32f: {  	[tilespmem:v31+s17+$0x0] =	vst.idx.msk $0xffff, v29;
	v31 =	vld [tilespmem:$0x1FE20]  }
0x330: {  	[tilespmem:v55+s10+$0x0] =	vst.idx.msk $0xffff, v28  }
0x331: {  	v28 =	vld.idx.msk [tilespmem:v58+s7+$0x0], $0xffff  }
0x332: {  	v29 =	vld.idx.msk [tilespmem:v58+s8+$0x0], $0xffff;
	_ =	sdelay $0x4  }
0x333: {  	v31 =	vld.idx.msk [tilespmem:v31+s8+$0x0], $0xffff;
	v28 =	vadd.f32 v29, v28;
	_ =	sdelay $0x1  }
0x334: {  	v29 =	vmul.f32 $1.000000010e-01, v28;
	_ =	sdelay $0x1  }
0x335: {  	v28 =	vmax.f32 v28, v29  }
0x336: {  	v28 =	vsub.f32 v28, v31;
	_ =	sdelay $0x1  }
0x337: {  	v28 =	vmul.f32 $1.442695020e+00, v28  }
0x338: {  	v29 =	vor.u32 $0x20, v20  }
0x339: {  	v29 =	vor.u32 s21, v29;
	(erf) = vpow2.f32 v28;
	_ =	sdelay $0x2  }
0x33a: {  	v31 =	vld [tilespmem:$0x1FE30];
	_ =	sdelay $0x1  }
0x33b: {  	v28 =	vld.idx.msk [tilespmem:v29+s13+$0x0], $0xffff;
	_ =	sdelay $0x3  }
0x33c: {  	v29 =	vpop (erf)  }
0x33d: {  	v28 =	vmul.f32 v29, v28  }
0x33e: {  	[tilespmem:v31+s17+$0x0] =	vst.idx.msk $0xffff, v29;
	v31 =	vld [tilespmem:$0x1FE40]  }
0x33f: {  	[tilespmem:v58+s10+$0x0] =	vst.idx.msk $0xffff, v28  }
0x340: {  	v28 =	vld.idx.msk [tilespmem:v61+s7+$0x0], $0xffff  }
0x341: {  	v29 =	vld.idx.msk [tilespmem:v61+s8+$0x0], $0xffff;
	_ =	sdelay $0x4  }
0x342: {  	v31 =	vld.idx.msk [tilespmem:v31+s8+$0x0], $0xffff;
	v28 =	vadd.f32 v29, v28;
	_ =	sdelay $0x1  }
0x343: {  	v29 =	vmul.f32 $1.000000010e-01, v28;
	_ =	sdelay $0x1  }
0x344: {  	v28 =	vmax.f32 v28, v29  }
0x345: {  	v28 =	vsub.f32 v28, v31;
	_ =	sdelay $0x1  }
0x346: {  	v28 =	vmul.f32 $1.442695020e+00, v28  }
0x347: {  	v29 =	vor.u32 $0x24, v20  }
0x348: {  	v29 =	vor.u32 s21, v29;
	(erf) = vpow2.f32 v28;
	_ =	sdelay $0x2  }
0x349: {  	v31 =	vld [tilespmem:$0x1FE50];
	_ =	sdelay $0x1  }
0x34a: {  	v28 =	vld.idx.msk [tilespmem:v29+s13+$0x0], $0xffff;
	_ =	sdelay $0x3  }
0x34b: {  	v29 =	vpop (erf)  }
0x34c: {  	v28 =	vmul.f32 v29, v28  }
0x34d: {  	[tilespmem:v31+s17+$0x0] =	vst.idx.msk $0xffff, v29;
	v31 =	vld [tilespmem:$0x1FE60]  }
0x34e: {  	[tilespmem:v61+s10+$0x0] =	vst.idx.msk $0xffff, v28  }
0x34f: {  	v28 =	vld.idx.msk [tilespmem:v1+s7+$0x0], $0xffff  }
0x350: {  	v29 =	vld.idx.msk [tilespmem:v1+s8+$0x0], $0xffff;
	_ =	sdelay $0x4  }
0x351: {  	v31 =	vld.idx.msk [tilespmem:v31+s8+$0x0], $0xffff;
	v28 =	vadd.f32 v29, v28;
	_ =	sdelay $0x1  }
0x352: {  	v29 =	vmul.f32 $1.000000010e-01, v28;
	_ =	sdelay $0x1  }
0x353: {  	v28 =	vmax.f32 v28, v29  }
0x354: {  	v28 =	vsub.f32 v28, v31;
	_ =	sdelay $0x1  }
0x355: {  	v28 =	vmul.f32 $1.442695020e+00, v28  }
0x356: {  	v29 =	vor.u32 $0x28, v20  }
0x357: {  	v29 =	vor.u32 s21, v29;
	(erf) = vpow2.f32 v28;
	_ =	sdelay $0x2  }
0x358: {  	v31 =	vld [tilespmem:$0x1FE70];
	_ =	sdelay $0x1  }
0x359: {  	v28 =	vld.idx.msk [tilespmem:v29+s13+$0x0], $0xffff;
	_ =	sdelay $0x3  }
0x35a: {  	v29 =	vpop (erf)  }
0x35b: {  	v28 =	vmul.f32 v29, v28  }
0x35c: {  	[tilespmem:v31+s17+$0x0] =	vst.idx.msk $0xffff, v29;
	v31 =	vld [tilespmem:$0x1FE80]  }
0x35d: {  	[tilespmem:v1+s10+$0x0] =	vst.idx.msk $0xffff, v28  }
0x35e: {  	v28 =	vld.idx.msk [tilespmem:v4+s7+$0x0], $0xffff  }
0x35f: {  	v29 =	vld.idx.msk [tilespmem:v4+s8+$0x0], $0xffff;
	_ =	sdelay $0x4  }
0x360: {  	v31 =	vld.idx.msk [tilespmem:v31+s8+$0x0], $0xffff;
	v28 =	vadd.f32 v29, v28;
	_ =	sdelay $0x1  }
0x361: {  	v29 =	vmul.f32 $1.000000010e-01, v28;
	_ =	sdelay $0x1  }
0x362: {  	v28 =	vmax.f32 v28, v29  }
0x363: {  	v28 =	vsub.f32 v28, v31;
	_ =	sdelay $0x1  }
0x364: {  	v28 =	vmul.f32 $1.442695020e+00, v28  }
0x365: {  	v29 =	vor.u32 $0x2C, v20  }
0x366: {  	v29 =	vor.u32 s21, v29;
	(erf) = vpow2.f32 v28;
	_ =	sdelay $0x2  }
0x367: {  	v31 =	vld [tilespmem:$0x1FE90];
	_ =	sdelay $0x1  }
0x368: {  	v28 =	vld.idx.msk [tilespmem:v29+s13+$0x0], $0xffff;
	_ =	sdelay $0x3  }
0x369: {  	v29 =	vpop (erf)  }
0x36a: {  	v28 =	vmul.f32 v29, v28  }
0x36b: {  	[tilespmem:v31+s17+$0x0] =	vst.idx.msk $0xffff, v29;
	v31 =	vld [tilespmem:$0x1FEA0]  }
0x36c: {  	[tilespmem:v4+s10+$0x0] =	vst.idx.msk $0xffff, v28  }
0x36d: {  	v28 =	vld.idx.msk [tilespmem:v7+s7+$0x0], $0xffff  }
0x36e: {  	v29 =	vld.idx.msk [tilespmem:v7+s8+$0x0], $0xffff;
	_ =	sdelay $0x4  }
0x36f: {  	v31 =	vld.idx.msk [tilespmem:v31+s8+$0x0], $0xffff;
	v28 =	vadd.f32 v29, v28;
	_ =	sdelay $0x1  }
0x370: {  	v29 =	vmul.f32 $1.000000010e-01, v28;
	_ =	sdelay $0x1  }
0x371: {  	v28 =	vmax.f32 v28, v29  }
0x372: {  	v28 =	vsub.f32 v28, v31;
	_ =	sdelay $0x1  }
0x373: {  	v28 =	vmul.f32 $1.442695020e+00, v28  }
0x374: {  	v29 =	vor.u32 $0x30, v20  }
0x375: {  	v29 =	vor.u32 s21, v29;
	(erf) = vpow2.f32 v28;
	_ =	sdelay $0x2  }
0x376: {  	v31 =	vld [tilespmem:$0x1FEB0];
	_ =	sdelay $0x1  }
0x377: {  	v28 =	vld.idx.msk [tilespmem:v29+s13+$0x0], $0xffff;
	_ =	sdelay $0x3  }
0x378: {  	v29 =	vpop (erf)  }
0x379: {  	v28 =	vmul.f32 v29, v28  }
0x37a: {  	[tilespmem:v31+s17+$0x0] =	vst.idx.msk $0xffff, v29;
	v31 =	vld [tilespmem:$0x1FEC0]  }
0x37b: {  	[tilespmem:v7+s10+$0x0] =	vst.idx.msk $0xffff, v28  }
0x37c: {  	v28 =	vld.idx.msk [tilespmem:v10+s7+$0x0], $0xffff  }
0x37d: {  	v29 =	vld.idx.msk [tilespmem:v10+s8+$0x0], $0xffff;
	_ =	sdelay $0x4  }
0x37e: {  	v31 =	vld.idx.msk [tilespmem:v31+s8+$0x0], $0xffff;
	v28 =	vadd.f32 v29, v28;
	_ =	sdelay $0x1  }
0x37f: {  	v29 =	vmul.f32 $1.000000010e-01, v28;
	_ =	sdelay $0x1  }
0x380: {  	v28 =	vmax.f32 v28, v29  }
0x381: {  	v28 =	vsub.f32 v28, v31;
	_ =	sdelay $0x1  }
0x382: {  	v28 =	vmul.f32 $1.442695020e+00, v28  }
0x383: {  	v29 =	vor.u32 $0x34, v20  }
0x384: {  	v29 =	vor.u32 s21, v29;
	(erf) = vpow2.f32 v28;
	_ =	sdelay $0x2  }
0x385: {  	v31 =	vld [tilespmem:$0x1FED0];
	_ =	sdelay $0x1  }
0x386: {  	v28 =	vld.idx.msk [tilespmem:v29+s13+$0x0], $0xffff;
	_ =	sdelay $0x3  }
0x387: {  	v29 =	vpop (erf)  }
0x388: {  	v28 =	vmul.f32 v29, v28  }
0x389: {  	[tilespmem:v31+s17+$0x0] =	vst.idx.msk $0xffff, v29;
	v31 =	vld [tilespmem:$0x1FEE0]  }
0x38a: {  	[tilespmem:v10+s10+$0x0] =	vst.idx.msk $0xffff, v28  }
0x38b: {  	v28 =	vld.idx.msk [tilespmem:v13+s7+$0x0], $0xffff  }
0x38c: {  	v29 =	vld.idx.msk [tilespmem:v13+s8+$0x0], $0xffff;
	_ =	sdelay $0x4  }
0x38d: {  	v31 =	vld.idx.msk [tilespmem:v31+s8+$0x0], $0xffff;
	v28 =	vadd.f32 v29, v28;
	_ =	sdelay $0x1  }
0x38e: {  	v29 =	vmul.f32 $1.000000010e-01, v28;
	_ =	sdelay $0x1  }
0x38f: {  	v28 =	vmax.f32 v28, v29  }
0x390: {  	v28 =	vsub.f32 v28, v31;
	_ =	sdelay $0x1  }
0x391: {  	v28 =	vmul.f32 $1.442695020e+00, v28  }
0x392: {  	v29 =	vor.u32 $0x38, v20  }
0x393: {  	v29 =	vor.u32 s21, v29;
	(erf) = vpow2.f32 v28;
	_ =	sdelay $0x2  }
0x394: {  	v31 =	vld [tilespmem:$0x1FEF0];
	_ =	sdelay $0x1  }
0x395: {  	v28 =	vld.idx.msk [tilespmem:v29+s13+$0x0], $0xffff;
	_ =	sdelay $0x3  }
0x396: {  	v29 =	vpop (erf)  }
0x397: {  	v28 =	vmul.f32 v29, v28  }
0x398: {  	[tilespmem:v31+s17+$0x0] =	vst.idx.msk $0xffff, v29;
	v31 =	vld [tilespmem:$0x1FF00]  }
0x399: {  	[tilespmem:v13+s10+$0x0] =	vst.idx.msk $0xffff, v28  }
0x39a: {  	v28 =	vld.idx.msk [tilespmem:v16+s7+$0x0], $0xffff  }
0x39b: {  	v29 =	vld.idx.msk [tilespmem:v16+s8+$0x0], $0xffff;
	_ =	sdelay $0x4  }
0x39c: {  	v31 =	vld.idx.msk [tilespmem:v31+s8+$0x0], $0xffff;
	v28 =	vadd.f32 v29, v28;
	_ =	sdelay $0x1  }
0x39d: {  	v29 =	vmul.f32 $1.000000010e-01, v28;
	_ =	sdelay $0x1  }
0x39e: {  	v28 =	vmax.f32 v28, v29  }
0x39f: {  	v28 =	vsub.f32 v28, v31;
	_ =	sdelay $0x1  }
0x3a0: {  	v28 =	vmul.f32 $1.442695020e+00, v28  }
0x3a1: {  	v29 =	vor.u32 $0x3C, v20  }
0x3a2: {  	v29 =	vor.u32 s21, v29;
	(erf) = vpow2.f32 v28;
	_ =	sdelay $0x2  }
0x3a3: {  	v31 =	vld [tilespmem:$0x1FF10];
	_ =	sdelay $0x1  }
0x3a4: {  	v28 =	vld.idx.msk [tilespmem:v29+s13+$0x0], $0xffff;
	_ =	sdelay $0x3  }
0x3a5: {  	v29 =	vpop (erf)  }
0x3a6: {  	v28 =	vmul.f32 v29, v28  }
0x3a7: {  	[tilespmem:v31+s17+$0x0] =	vst.idx.msk $0xffff, v29;
	v31 =	vld [tilespmem:$0x1FF20]  }
0x3a8: {  	[tilespmem:v16+s10+$0x0] =	vst.idx.msk $0xffff, v28  }
0x3a9: {  	v28 =	vld.idx.msk [tilespmem:v19+s7+$0x0], $0xffff  }
0x3aa: {  	v29 =	vld.idx.msk [tilespmem:v19+s8+$0x0], $0xffff;
	_ =	sdelay $0x4  }
0x3ab: {  	v31 =	vld.idx.msk [tilespmem:v31+s8+$0x0], $0xffff;
	v28 =	vadd.f32 v29, v28;
	_ =	sdelay $0x1  }
0x3ac: {  	v32 =	vimm.s32 $0x23B;
	v29 =	vmul.f32 $1.000000010e-01, v28  }
0x3ad: {  	v32 =	vsel vm3, $0x220, v32  }
0x3ae: {  	v28 =	vmax.f32 v28, v29;
	v29 =	vsel vm4, $0x221, v32  }
0x3af: {  	v28 =	vsub.f32 v28, v31;
	v29 =	vsel vm5, $0x222, v29  }
0x3b0: {  	v29 =	vsel vm6, $0x223, v29  }
0x3b1: {  	v28 =	vmul.f32 $1.442695020e+00, v28;
	v29 =	vsel vm7, $0x228, v29  }
0x3b2: {  	v31 =	vor.u32 $0x40, v20;
	v29 =	vsel vm8, $0x229, v29  }
0x3b3: {  	v31 =	vor.u32 s21, v31;
	(erf) = vpow2.f32 v28;
	v28 =	vsel vm9, $0x22A, v29  }
0x3b4: {  	v28 =	vsel vm10, $0x22B, v28  }
0x3b5: {  	v28 =	vsel vm11, $0x230, v28  }
0x3b6: {  	v39 =	vld [tilespmem:$0x1FF30];
	v28 =	vsel vm12, $0x231, v28  }
0x3b7: {  	v28 =	vsel vm13, $0x232, v28  }
0x3b8: {  	v29 =	vld.idx.msk [tilespmem:v31+s13+$0x0], $0xffff;
	v28 =	vsel vm14, $0x233, v28  }
0x3b9: {  	v28 =	vsel vm0, $0x238, v28  }
0x3ba: {  	v28 =	vsel vm1, $0x239, v28  }
0x3bb: {  	v28 =	vsel vm2, $0x23A, v28  }
0x3bc: {  	v31 =	vpop (erf)  }
0x3bd: {  	v29 =	vmul.f32 v31, v29  }
0x3be: {  	v40 =	vld [tilespmem:$0x1FF40];
	[tilespmem:v39+s17+$0x0] =	vst.idx.msk $0xffff, v31  }
0x3bf: {  	[tilespmem:v19+s10+$0x0] =	vst.idx.msk $0xffff, v29  }
0x3c0: {  	v29 =	vld.idx.msk [tilespmem:v28+s7+$0x0], $0xffff  }
0x3c1: {  	v31 =	vld.idx.msk [tilespmem:v28+s8+$0x0], $0xffff;
	_ =	sdelay $0x4  }
0x3c2: {  	v32 =	vld.idx.msk [tilespmem:v40+s8+$0x0], $0xffff;
	v29 =	vadd.f32 v31, v29;
	_ =	sdelay $0x1  }
0x3c3: {  	v31 =	vmul.f32 $1.000000010e-01, v29;
	_ =	sdelay $0x1  }
0x3c4: {  	v29 =	vmax.f32 v29, v31  }
0x3c5: {  	v29 =	vsub.f32 v29, v32;
	_ =	sdelay $0x1  }
0x3c6: {  	v29 =	vmul.f32 $1.442695020e+00, v29  }
0x3c7: {  	v31 =	vor.u32 $0x44, v20  }
0x3c8: {  	v31 =	vor.u32 s21, v31;
	(erf) = vpow2.f32 v29;
	_ =	sdelay $0x2  }
0x3c9: {  	v38 =	vld [tilespmem:$0x1FF50];
	_ =	sdelay $0x1  }
0x3ca: {  	v29 =	vld.idx.msk [tilespmem:v31+s13+$0x0], $0xffff;
	_ =	sdelay $0x3  }
0x3cb: {  	v31 =	vpop (erf)  }
0x3cc: {  	v29 =	vmul.f32 v31, v29  }
0x3cd: {  	[tilespmem:v38+s17+$0x0] =	vst.idx.msk $0xffff, v31;
	v31 =	vld [tilespmem:$0x1FF60]  }
0x3ce: {  	[tilespmem:v28+s10+$0x0] =	vst.idx.msk $0xffff, v29  }
0x3cf: {  	v28 =	vld.idx.msk [tilespmem:v24+s7+$0x0], $0xffff  }
0x3d0: {  	v29 =	vld.idx.msk [tilespmem:v24+s8+$0x0], $0xffff;
	_ =	sdelay $0x4  }
0x3d1: {  	v31 =	vld.idx.msk [tilespmem:v31+s8+$0x0], $0xffff;
	v28 =	vadd.f32 v29, v28;
	_ =	sdelay $0x1  }
0x3d2: {  	v29 =	vmul.f32 $1.000000010e-01, v28;
	_ =	sdelay $0x1  }
0x3d3: {  	v28 =	vmax.f32 v28, v29  }
0x3d4: {  	v28 =	vsub.f32 v28, v31;
	_ =	sdelay $0x1  }
0x3d5: {  	v28 =	vmul.f32 $1.442695020e+00, v28  }
0x3d6: {  	v29 =	vor.u32 $0x48, v20  }
0x3d7: {  	v29 =	vor.u32 s21, v29;
	(erf) = vpow2.f32 v28;
	_ =	sdelay $0x2  }
0x3d8: {  	v31 =	vld [tilespmem:$0x1FF70];
	_ =	sdelay $0x1  }
0x3d9: {  	v28 =	vld.idx.msk [tilespmem:v29+s13+$0x0], $0xffff;
	_ =	sdelay $0x3  }
0x3da: {  	v29 =	vpop (erf)  }
0x3db: {  	v28 =	vmul.f32 v29, v28  }
0x3dc: {  	[tilespmem:v31+s17+$0x0] =	vst.idx.msk $0xffff, v29;
	v31 =	vld [tilespmem:$0x1FF80]  }
0x3dd: {  	[tilespmem:v24+s10+$0x0] =	vst.idx.msk $0xffff, v28  }
0x3de: {  	v28 =	vld.idx.msk [tilespmem:v27+s7+$0x0], $0xffff  }
0x3df: {  	v29 =	vld.idx.msk [tilespmem:v27+s8+$0x0], $0xffff;
	_ =	sdelay $0x4  }
0x3e0: {  	v31 =	vld.idx.msk [tilespmem:v31+s8+$0x0], $0xffff;
	v28 =	vadd.f32 v29, v28;
	_ =	sdelay $0x1  }
0x3e1: {  	v29 =	vmul.f32 $1.000000010e-01, v28;
	_ =	sdelay $0x1  }
0x3e2: {  	v28 =	vmax.f32 v28, v29  }
0x3e3: {  	v28 =	vsub.f32 v28, v31;
	_ =	sdelay $0x1  }
0x3e4: {  	v28 =	vmul.f32 $1.442695020e+00, v28  }
0x3e5: {  	v29 =	vor.u32 $0x4C, v20  }
0x3e6: {  	v29 =	vor.u32 s21, v29;
	(erf) = vpow2.f32 v28;
	_ =	sdelay $0x2  }
0x3e7: {  	v31 =	vld [tilespmem:$0x1FF90];
	_ =	sdelay $0x1  }
0x3e8: {  	v28 =	vld.idx.msk [tilespmem:v29+s13+$0x0], $0xffff;
	_ =	sdelay $0x3  }
0x3e9: {  	v29 =	vpop (erf)  }
0x3ea: {  	v28 =	vmul.f32 v29, v28  }
0x3eb: {  	[tilespmem:v31+s17+$0x0] =	vst.idx.msk $0xffff, v29;
	v31 =	vld [tilespmem:$0x1FFA0]  }
0x3ec: {  	[tilespmem:v27+s10+$0x0] =	vst.idx.msk $0xffff, v28  }
0x3ed: {  	v28 =	vld.idx.msk [tilespmem:v30+s7+$0x0], $0xffff  }
0x3ee: {  	v29 =	vld.idx.msk [tilespmem:v30+s8+$0x0], $0xffff;
	_ =	sdelay $0x4  }
0x3ef: {  	v31 =	vld.idx.msk [tilespmem:v31+s8+$0x0], $0xffff;
	v28 =	vadd.f32 v29, v28;
	_ =	sdelay $0x1  }
0x3f0: {  	v29 =	vmul.f32 $1.000000010e-01, v28;
	_ =	sdelay $0x1  }
0x3f1: {  	v28 =	vmax.f32 v28, v29  }
0x3f2: {  	v28 =	vsub.f32 v28, v31;
	_ =	sdelay $0x1  }
0x3f3: {  	v28 =	vmul.f32 $1.442695020e+00, v28  }
0x3f4: {  	v29 =	vor.u32 $0x50, v20  }
0x3f5: {  	v29 =	vor.u32 s21, v29;
	(erf) = vpow2.f32 v28;
	_ =	sdelay $0x2  }
0x3f6: {  	v31 =	vld [tilespmem:$0x1FFB0];
	_ =	sdelay $0x1  }
0x3f7: {  	v28 =	vld.idx.msk [tilespmem:v29+s13+$0x0], $0xffff;
	_ =	sdelay $0x3  }
0x3f8: {  	v29 =	vpop (erf)  }
0x3f9: {  	v28 =	vmul.f32 v29, v28  }
0x3fa: {  	[tilespmem:v31+s17+$0x0] =	vst.idx.msk $0xffff, v29;
	v31 =	vld [tilespmem:$0x1FFC0]  }
0x3fb: {  	[tilespmem:v30+s10+$0x0] =	vst.idx.msk $0xffff, v28  }
0x3fc: {  	v28 =	vld.idx.msk [tilespmem:v36+s7+$0x0], $0xffff  }
0x3fd: {  	v29 =	vld.idx.msk [tilespmem:v36+s8+$0x0], $0xffff;
	_ =	sdelay $0x4  }
0x3fe: {  	v31 =	vld.idx.msk [tilespmem:v31+s8+$0x0], $0xffff;
	v28 =	vadd.f32 v29, v28;
	_ =	sdelay $0x1  }
0x3ff: {  	v29 =	vmul.f32 $1.000000010e-01, v28;
	_ =	sdelay $0x1  }
0x400: {  	v28 =	vmax.f32 v28, v29  }
0x401: {  	v28 =	vsub.f32 v28, v31;
	_ =	sdelay $0x1  }
0x402: {  	v28 =	vmul.f32 $1.442695020e+00, v28  }
0x403: {  	v29 =	vor.u32 $0x54, v20  }
0x404: {  	v29 =	vor.u32 s21, v29;
	(erf) = vpow2.f32 v28;
	_ =	sdelay $0x2  }
0x405: {  	v31 =	vld [tilespmem:$0x1FFD0];
	_ =	sdelay $0x1  }
0x406: {  	v28 =	vld.idx.msk [tilespmem:v29+s13+$0x0], $0xffff;
	_ =	sdelay $0x3  }
0x407: {  	v29 =	vpop (erf)  }
0x408: {  	v28 =	vmul.f32 v29, v28  }
0x409: {  	[tilespmem:v31+s17+$0x0] =	vst.idx.msk $0xffff, v29;
	v31 =	vld [tilespmem:$0x1FFE0]  }
0x40a: {  	[tilespmem:v36+s10+$0x0] =	vst.idx.msk $0xffff, v28  }
0x40b: {  	v28 =	vld.idx.msk [tilespmem:v35+s7+$0x0], $0xffff  }
0x40c: {  	v29 =	vld.idx.msk [tilespmem:v35+s8+$0x0], $0xffff;
	_ =	sdelay $0x4  }
0x40d: {  	v31 =	vld.idx.msk [tilespmem:v31+s8+$0x0], $0xffff;
	v28 =	vadd.f32 v29, v28;
	_ =	sdelay $0x1  }
0x40e: {  	v29 =	vmul.f32 $1.000000010e-01, v28;
	_ =	sdelay $0x1  }
0x40f: {  	v28 =	vmax.f32 v28, v29  }
0x410: {  	v28 =	vsub.f32 v28, v31;
	_ =	sdelay $0x1  }
0x411: {  	v28 =	vmul.f32 $1.442695020e+00, v28  }
0x412: {  	v29 =	vor.u32 $0x58, v20  }
0x413: {  	v29 =	vor.u32 s21, v29;
	(erf) = vpow2.f32 v28;
	_ =	sdelay $0x2  }
0x414: {  	v31 =	vld [tilespmem:$0x1FFF0];
	_ =	sdelay $0x1  }
0x415: {  	v28 =	vld.idx.msk [tilespmem:v29+s13+$0x0], $0xffff;
	_ =	sdelay $0x3  }
0x416: {  	v29 =	vpop (erf)  }
0x417: {  	v28 =	vmul.f32 v29, v28  }
0x418: {  	[tilespmem:v31+s17+$0x0] =	vst.idx.msk $0xffff, v29  }
0x419: {  	[tilespmem:v35+s10+$0x0] =	vst.idx.msk $0xffff, v28  }
0x41a: {  	v28 =	vld.idx.msk [tilespmem:v42+s7+$0x0], $0xffff  }
0x41b: {  	v29 =	vld.idx.msk [tilespmem:v42+s8+$0x0], $0xffff;
	_ =	sdelay $0x4  }
0x41c: {  	v31 =	vld.idx.msk [tilespmem:v43+s8+$0x0], $0xffff;
	v28 =	vadd.f32 v29, v28;
	_ =	sdelay $0x1  }
0x41d: {  	v29 =	vmul.f32 $1.000000010e-01, v28;
	_ =	sdelay $0x1  }
0x41e: {  	v28 =	vmax.f32 v28, v29  }
0x41f: {  	v28 =	vsub.f32 v28, v31;
	_ =	sdelay $0x1  }
0x420: {  	v28 =	vmul.f32 $1.442695020e+00, v28  }
0x421: {  	v29 =	vor.u32 $0x5C, v20  }
0x422: {  	v29 =	vor.u32 s21, v29;
	(erf) = vpow2.f32 v28;
	_ =	sdelay $0x4  }
0x423: {  	v28 =	vld.idx.msk [tilespmem:v29+s13+$0x0], $0xffff;
	_ =	sdelay $0x3  }
0x424: {  	v29 =	vpop (erf)  }
0x425: {  	v28 =	vmul.f32 v29, v28  }
0x426: {  	[tilespmem:v45+s17+$0x0] =	vst.idx.msk $0xffff, v29  }
0x427: {  	[tilespmem:v42+s10+$0x0] =	vst.idx.msk $0xffff, v28  }
0x428: {  	v28 =	vld.idx.msk [tilespmem:v47+s7+$0x0], $0xffff  }
0x429: {  	v29 =	vld.idx.msk [tilespmem:v47+s8+$0x0], $0xffff;
	_ =	sdelay $0x4  }
0x42a: {  	v31 =	vld.idx.msk [tilespmem:v48+s8+$0x0], $0xffff;
	v28 =	vadd.f32 v29, v28;
	_ =	sdelay $0x1  }
0x42b: {  	v29 =	vmul.f32 $1.000000010e-01, v28;
	_ =	sdelay $0x1  }
0x42c: {  	v28 =	vmax.f32 v28, v29  }
0x42d: {  	v28 =	vsub.f32 v28, v31;
	_ =	sdelay $0x1  }
0x42e: {  	v28 =	vmul.f32 $1.442695020e+00, v28  }
0x42f: {  	v29 =	vor.u32 $0x60, v20  }
0x430: {  	v29 =	vor.u32 s21, v29;
	(erf) = vpow2.f32 v28;
	_ =	sdelay $0x4  }
0x431: {  	v28 =	vld.idx.msk [tilespmem:v29+s13+$0x0], $0xffff;
	_ =	sdelay $0x3  }
0x432: {  	v29 =	vpop (erf)  }
0x433: {  	v28 =	vmul.f32 v29, v28  }
0x434: {  	[tilespmem:v50+s17+$0x0] =	vst.idx.msk $0xffff, v29  }
0x435: {  	[tilespmem:v47+s10+$0x0] =	vst.idx.msk $0xffff, v28  }
0x436: {  	v28 =	vld.idx.msk [tilespmem:v51+s7+$0x0], $0xffff  }
0x437: {  	v29 =	vld.idx.msk [tilespmem:v51+s8+$0x0], $0xffff;
	_ =	sdelay $0x4  }
0x438: {  	v31 =	vld.idx.msk [tilespmem:v53+s8+$0x0], $0xffff;
	v28 =	vadd.f32 v29, v28;
	_ =	sdelay $0x1  }
0x439: {  	v39 =	vimm.s32 $0x35B;
	v29 =	vmul.f32 $1.000000010e-01, v28  }
0x43a: {  	v32 =	vsel vm3, $0x340, v39  }
0x43b: {  	v28 =	vmax.f32 v28, v29;
	v29 =	vsel vm4, $0x341, v32  }
0x43c: {  	v28 =	vsub.f32 v28, v31;
	v29 =	vsel vm5, $0x342, v29  }
0x43d: {  	v29 =	vsel vm6, $0x343, v29  }
0x43e: {  	v28 =	vmul.f32 $1.442695020e+00, v28;
	v29 =	vsel vm7, $0x348, v29  }
0x43f: {  	v31 =	vor.u32 $0x64, v20;
	v29 =	vsel vm8, $0x349, v29  }
0x440: {  	v31 =	vor.u32 s21, v31;
	(erf) = vpow2.f32 v28;
	v28 =	vsel vm9, $0x34A, v29  }
0x441: {  	v28 =	vsel vm10, $0x34B, v28  }
0x442: {  	v28 =	vsel vm11, $0x350, v28  }
0x443: {  	v28 =	vsel vm12, $0x351, v28  }
0x444: {  	v28 =	vsel vm13, $0x352, v28  }
0x445: {  	v29 =	vld.idx.msk [tilespmem:v31+s13+$0x0], $0xffff;
	v28 =	vsel vm14, $0x353, v28  }
0x446: {  	v28 =	vsel vm0, $0x358, v28  }
0x447: {  	v28 =	vsel vm1, $0x359, v28  }
0x448: {  	v28 =	vsel vm2, $0x35A, v28  }
0x449: {  	v31 =	vpop (erf)  }
0x44a: {  	v29 =	vmul.f32 v31, v29  }
0x44b: {  	[tilespmem:v54+s17+$0x0] =	vst.idx.msk $0xffff, v31  }
0x44c: {  	[tilespmem:v51+s10+$0x0] =	vst.idx.msk $0xffff, v29  }
0x44d: {  	v29 =	vld.idx.msk [tilespmem:v28+s7+$0x0], $0xffff  }
0x44e: {  	v31 =	vld.idx.msk [tilespmem:v28+s8+$0x0], $0xffff;
	_ =	sdelay $0x4  }
0x44f: {  	v40 =	vld.idx.msk [tilespmem:v56+s8+$0x0], $0xffff;
	v29 =	vadd.f32 v31, v29;
	_ =	sdelay $0x1  }
0x450: {  	v31 =	vmul.f32 $1.000000010e-01, v29;
	_ =	sdelay $0x1  }
0x451: {  	v29 =	vmax.f32 v29, v31  }
0x452: {  	v29 =	vsub.f32 v29, v40;
	_ =	sdelay $0x1  }
0x453: {  	v29 =	vmul.f32 $1.442695020e+00, v29  }
0x454: {  	v31 =	vor.u32 $0x68, v20  }
0x455: {  	v31 =	vor.u32 s21, v31;
	(erf) = vpow2.f32 v29;
	_ =	sdelay $0x4  }
0x456: {  	v29 =	vld.idx.msk [tilespmem:v31+s13+$0x0], $0xffff;
	_ =	sdelay $0x3  }
0x457: {  	v31 =	vpop (erf)  }
0x458: {  	v29 =	vmul.f32 v31, v29  }
0x459: {  	[tilespmem:v57+s17+$0x0] =	vst.idx.msk $0xffff, v31  }
0x45a: {  	[tilespmem:v28+s10+$0x0] =	vst.idx.msk $0xffff, v29  }
0x45b: {  	v28 =	vld.idx.msk [tilespmem:v59+s7+$0x0], $0xffff  }
0x45c: {  	v29 =	vld.idx.msk [tilespmem:v59+s8+$0x0], $0xffff;
	_ =	sdelay $0x4  }
0x45d: {  	v31 =	vld.idx.msk [tilespmem:v60+s8+$0x0], $0xffff;
	v28 =	vadd.f32 v29, v28;
	_ =	sdelay $0x1  }
0x45e: {  	v29 =	vmul.f32 $1.000000010e-01, v28;
	_ =	sdelay $0x1  }
0x45f: {  	v28 =	vmax.f32 v28, v29  }
0x460: {  	v28 =	vsub.f32 v28, v31;
	_ =	sdelay $0x1  }
0x461: {  	v28 =	vmul.f32 $1.442695020e+00, v28  }
0x462: {  	v29 =	vor.u32 $0x6C, v20  }
0x463: {  	v29 =	vor.u32 s21, v29;
	(erf) = vpow2.f32 v28;
	_ =	sdelay $0x4  }
0x464: {  	v28 =	vld.idx.msk [tilespmem:v29+s13+$0x0], $0xffff;
	_ =	sdelay $0x3  }
0x465: {  	v29 =	vpop (erf)  }
0x466: {  	v28 =	vmul.f32 v29, v28  }
0x467: {  	[tilespmem:v62+s17+$0x0] =	vst.idx.msk $0xffff, v29  }
0x468: {  	[tilespmem:v59+s10+$0x0] =	vst.idx.msk $0xffff, v28  }
0x469: {  	v28 =	vld.idx.msk [tilespmem:v63+s7+$0x0], $0xffff  }
0x46a: {  	v29 =	vld.idx.msk [tilespmem:v63+s8+$0x0], $0xffff;
	_ =	sdelay $0x4  }
0x46b: {  	v31 =	vld.idx.msk [tilespmem:v2+s8+$0x0], $0xffff;
	v28 =	vadd.f32 v29, v28;
	_ =	sdelay $0x1  }
0x46c: {  	v29 =	vmul.f32 $1.000000010e-01, v28;
	_ =	sdelay $0x1  }
0x46d: {  	v28 =	vmax.f32 v28, v29  }
0x46e: {  	v28 =	vsub.f32 v28, v31;
	_ =	sdelay $0x1  }
0x46f: {  	v28 =	vmul.f32 $1.442695020e+00, v28  }
0x470: {  	v29 =	vor.u32 $0x70, v20  }
0x471: {  	v29 =	vor.u32 s21, v29;
	(erf) = vpow2.f32 v28;
	_ =	sdelay $0x4  }
0x472: {  	v28 =	vld.idx.msk [tilespmem:v29+s13+$0x0], $0xffff;
	_ =	sdelay $0x3  }
0x473: {  	v29 =	vpop (erf)  }
0x474: {  	v28 =	vmul.f32 v29, v28  }
0x475: {  	[tilespmem:v3+s17+$0x0] =	vst.idx.msk $0xffff, v29  }
0x476: {  	[tilespmem:v63+s10+$0x0] =	vst.idx.msk $0xffff, v28  }
0x477: {  	v28 =	vld.idx.msk [tilespmem:v5+s7+$0x0], $0xffff  }
0x478: {  	v29 =	vld.idx.msk [tilespmem:v5+s8+$0x0], $0xffff;
	_ =	sdelay $0x4  }
0x479: {  	v31 =	vld.idx.msk [tilespmem:v6+s8+$0x0], $0xffff;
	v28 =	vadd.f32 v29, v28;
	_ =	sdelay $0x1  }
0x47a: {  	v29 =	vmul.f32 $1.000000010e-01, v28;
	_ =	sdelay $0x1  }
0x47b: {  	v28 =	vmax.f32 v28, v29  }
0x47c: {  	v28 =	vsub.f32 v28, v31;
	_ =	sdelay $0x1  }
0x47d: {  	v28 =	vmul.f32 $1.442695020e+00, v28  }
0x47e: {  	v29 =	vor.u32 $0x74, v20  }
0x47f: {  	v29 =	vor.u32 s21, v29;
	(erf) = vpow2.f32 v28;
	_ =	sdelay $0x4  }
0x480: {  	v28 =	vld.idx.msk [tilespmem:v29+s13+$0x0], $0xffff;
	_ =	sdelay $0x3  }
0x481: {  	v29 =	vpop (erf)  }
0x482: {  	v28 =	vmul.f32 v29, v28  }
0x483: {  	[tilespmem:v8+s17+$0x0] =	vst.idx.msk $0xffff, v29  }
0x484: {  	[tilespmem:v5+s10+$0x0] =	vst.idx.msk $0xffff, v28  }
0x485: {  	v28 =	vld.idx.msk [tilespmem:v9+s7+$0x0], $0xffff  }
0x486: {  	v29 =	vld.idx.msk [tilespmem:v9+s8+$0x0], $0xffff;
	_ =	sdelay $0x4  }
0x487: {  	v31 =	vld.idx.msk [tilespmem:v11+s8+$0x0], $0xffff;
	v28 =	vadd.f32 v29, v28;
	_ =	sdelay $0x1  }
0x488: {  	v29 =	vmul.f32 $1.000000010e-01, v28;
	_ =	sdelay $0x1  }
0x489: {  	v28 =	vmax.f32 v28, v29  }
0x48a: {  	v28 =	vsub.f32 v28, v31;
	_ =	sdelay $0x1  }
0x48b: {  	v28 =	vmul.f32 $1.442695020e+00, v28  }
0x48c: {  	v29 =	vor.u32 $0x78, v20  }
0x48d: {  	v29 =	vor.u32 s21, v29;
	(erf) = vpow2.f32 v28;
	_ =	sdelay $0x4  }
0x48e: {  	v28 =	vld.idx.msk [tilespmem:v29+s13+$0x0], $0xffff;
	_ =	sdelay $0x3  }
0x48f: {  	v29 =	vpop (erf)  }
0x490: {  	v28 =	vmul.f32 v29, v28  }
0x491: {  	[tilespmem:v14+s17+$0x0] =	vst.idx.msk $0xffff, v29  }
0x492: {  	[tilespmem:v9+s10+$0x0] =	vst.idx.msk $0xffff, v28  }
0x493: {  	v28 =	vld.idx.msk [tilespmem:v15+s7+$0x0], $0xffff  }
0x494: {  	v29 =	vld.idx.msk [tilespmem:v15+s8+$0x0], $0xffff;
	_ =	sdelay $0x4  }
0x495: {  	v31 =	vld.idx.msk [tilespmem:v17+s8+$0x0], $0xffff;
	v28 =	vadd.f32 v29, v28;
	_ =	sdelay $0x1  }
0x496: {  	v29 =	vmul.f32 $1.000000010e-01, v28;
	_ =	sdelay $0x1  }
0x497: {  	v28 =	vmax.f32 v28, v29  }
0x498: {  	v28 =	vsub.f32 v28, v31;
	_ =	sdelay $0x1  }
0x499: {  	v28 =	vmul.f32 $1.442695020e+00, v28  }
0x49a: {  	v29 =	vor.u32 $0x7C, v20  }
0x49b: {  	v29 =	vor.u32 s21, v29;
	(erf) = vpow2.f32 v28;
	_ =	sdelay $0x4  }
0x49c: {  	v28 =	vld.idx.msk [tilespmem:v29+s13+$0x0], $0xffff;
	_ =	sdelay $0x3  }
0x49d: {  	v29 =	vpop (erf)  }
0x49e: {  	v28 =	vmul.f32 v29, v28  }
0x49f: {  	[tilespmem:v18+s17+$0x0] =	vst.idx.msk $0xffff, v29  }
0x4a0: {  	s21 =	simm.s32 $0x0;
	[tilespmem:v15+s10+$0x0] =	vst.idx.msk $0xffff, v28  }
.LBB2_4:
0x4a1: {  	v28 =	vor.u32 s21, v0  }
0x4a2: {  	v31 =	vshll.u32 v28, $0x3  }
0x4a3: {  	v29 =	vshll.u32 v28, $0x6;
	_ =	sdelay $0x3  }
0x4a4: {  	v32 =	vld.idx.msk [tilespmem:v31+s10+$0x0], $0xffff  }
0x4a5: {  	v38 =	vld.idx.msk [tilespmem:v29+s6+$0x0], $0xffff  }
0x4a6: {  	v28 =	vmul.u32 $0x48, v28;
	_ =	sdelay $0x1  }
0x4a7: {  	v34 =	vor.u32 $0x1, v29;
	_ =	sdelay $0x1  }
0x4a8: {  	v38 =	vmul.f32 v38, v32;
	_ =	sdelay $0x1  }
0x4a9: {  	[tilespmem:v28+s17+$0x0] =	vst.idx.msk $0xffff, v38  }
0x4aa: {  	v34 =	vld.idx.msk [tilespmem:v34+s6+$0x0], $0xffff;
	_ =	sdelay $0x1  }
0x4ab: {  	v38 =	vor.u32 $0x1, v28  }
0x4ac: {  	v39 =	vor.u32 $0x2, v29;
	_ =	sdelay $0x1  }
0x4ad: {  	v34 =	vmul.f32 v34, v32;
	_ =	sdelay $0x1  }
0x4ae: {  	[tilespmem:v38+s17+$0x0] =	vst.idx.msk $0xffff, v34  }
0x4af: {  	v34 =	vld.idx.msk [tilespmem:v39+s6+$0x0], $0xffff;
	_ =	sdelay $0x1  }
0x4b0: {  	v38 =	vor.u32 $0x2, v28  }
0x4b1: {  	v39 =	vor.u32 $0x3, v29;
	_ =	sdelay $0x1  }
0x4b2: {  	v34 =	vmul.f32 v34, v32;
	_ =	sdelay $0x1  }
0x4b3: {  	[tilespmem:v38+s17+$0x0] =	vst.idx.msk $0xffff, v34  }
0x4b4: {  	v34 =	vld.idx.msk [tilespmem:v39+s6+$0x0], $0xffff;
	_ =	sdelay $0x1  }
0x4b5: {  	v38 =	vor.u32 $0x3, v28  }
0x4b6: {  	v39 =	vor.u32 $0x4, v29;
	_ =	sdelay $0x1  }
0x4b7: {  	v34 =	vmul.f32 v34, v32;
	_ =	sdelay $0x1  }
0x4b8: {  	[tilespmem:v38+s17+$0x0] =	vst.idx.msk $0xffff, v34  }
0x4b9: {  	v34 =	vld.idx.msk [tilespmem:v39+s6+$0x0], $0xffff;
	_ =	sdelay $0x1  }
0x4ba: {  	v38 =	vor.u32 $0x4, v28  }
0x4bb: {  	v39 =	vor.u32 $0x5, v29;
	_ =	sdelay $0x1  }
0x4bc: {  	v34 =	vmul.f32 v34, v32;
	_ =	sdelay $0x1  }
0x4bd: {  	[tilespmem:v38+s17+$0x0] =	vst.idx.msk $0xffff, v34  }
0x4be: {  	v34 =	vld.idx.msk [tilespmem:v39+s6+$0x0], $0xffff;
	_ =	sdelay $0x1  }
0x4bf: {  	v38 =	vor.u32 $0x5, v28  }
0x4c0: {  	v39 =	vor.u32 $0x6, v29;
	_ =	sdelay $0x1  }
0x4c1: {  	v34 =	vmul.f32 v34, v32;
	_ =	sdelay $0x1  }
0x4c2: {  	[tilespmem:v38+s17+$0x0] =	vst.idx.msk $0xffff, v34  }
0x4c3: {  	v34 =	vld.idx.msk [tilespmem:v39+s6+$0x0], $0xffff;
	_ =	sdelay $0x1  }
0x4c4: {  	v38 =	vor.u32 $0x6, v28  }
0x4c5: {  	v39 =	vor.u32 $0x7, v29;
	_ =	sdelay $0x1  }
0x4c6: {  	v34 =	vmul.f32 v34, v32;
	_ =	sdelay $0x1  }
0x4c7: {  	[tilespmem:v38+s17+$0x0] =	vst.idx.msk $0xffff, v34  }
0x4c8: {  	v34 =	vld.idx.msk [tilespmem:v39+s6+$0x0], $0xffff;
	_ =	sdelay $0x1  }
0x4c9: {  	v38 =	vor.u32 $0x7, v28  }
0x4ca: {  	v39 =	vor.u32 $0x8, v29;
	_ =	sdelay $0x1  }
0x4cb: {  	v34 =	vmul.f32 v34, v32;
	_ =	sdelay $0x1  }
0x4cc: {  	[tilespmem:v38+s17+$0x0] =	vst.idx.msk $0xffff, v34  }
0x4cd: {  	v34 =	vld.idx.msk [tilespmem:v39+s6+$0x0], $0xffff;
	_ =	sdelay $0x1  }
0x4ce: {  	v38 =	vadd.s32 $0x8, v28  }
0x4cf: {  	v39 =	vor.u32 $0x9, v29;
	_ =	sdelay $0x1  }
0x4d0: {  	v34 =	vmul.f32 v34, v32;
	_ =	sdelay $0x1  }
0x4d1: {  	[tilespmem:v38+s17+$0x0] =	vst.idx.msk $0xffff, v34  }
0x4d2: {  	v34 =	vld.idx.msk [tilespmem:v39+s6+$0x0], $0xffff;
	_ =	sdelay $0x1  }
0x4d3: {  	v38 =	vadd.s32 $0x9, v28  }
0x4d4: {  	v39 =	vor.u32 $0xA, v29;
	_ =	sdelay $0x1  }
0x4d5: {  	v34 =	vmul.f32 v34, v32;
	_ =	sdelay $0x1  }
0x4d6: {  	[tilespmem:v38+s17+$0x0] =	vst.idx.msk $0xffff, v34  }
0x4d7: {  	v34 =	vld.idx.msk [tilespmem:v39+s6+$0x0], $0xffff;
	_ =	sdelay $0x1  }
0x4d8: {  	v38 =	vadd.s32 $0xA, v28  }
0x4d9: {  	v39 =	vor.u32 $0xB, v29;
	_ =	sdelay $0x1  }
0x4da: {  	v34 =	vmul.f32 v34, v32;
	_ =	sdelay $0x1  }
0x4db: {  	[tilespmem:v38+s17+$0x0] =	vst.idx.msk $0xffff, v34  }
0x4dc: {  	v34 =	vld.idx.msk [tilespmem:v39+s6+$0x0], $0xffff;
	_ =	sdelay $0x1  }
0x4dd: {  	v38 =	vadd.s32 $0xB, v28  }
0x4de: {  	v39 =	vor.u32 $0xC, v29;
	_ =	sdelay $0x1  }
0x4df: {  	v34 =	vmul.f32 v34, v32;
	_ =	sdelay $0x1  }
0x4e0: {  	[tilespmem:v38+s17+$0x0] =	vst.idx.msk $0xffff, v34  }
0x4e1: {  	v34 =	vld.idx.msk [tilespmem:v39+s6+$0x0], $0xffff;
	_ =	sdelay $0x1  }
0x4e2: {  	v38 =	vadd.s32 $0xC, v28  }
0x4e3: {  	v39 =	vor.u32 $0xD, v29;
	_ =	sdelay $0x1  }
0x4e4: {  	v34 =	vmul.f32 v34, v32;
	_ =	sdelay $0x1  }
0x4e5: {  	[tilespmem:v38+s17+$0x0] =	vst.idx.msk $0xffff, v34  }
0x4e6: {  	v34 =	vld.idx.msk [tilespmem:v39+s6+$0x0], $0xffff;
	_ =	sdelay $0x1  }
0x4e7: {  	v38 =	vadd.s32 $0xD, v28  }
0x4e8: {  	v39 =	vor.u32 $0xE, v29;
	_ =	sdelay $0x1  }
0x4e9: {  	v34 =	vmul.f32 v34, v32;
	_ =	sdelay $0x1  }
0x4ea: {  	[tilespmem:v38+s17+$0x0] =	vst.idx.msk $0xffff, v34  }
0x4eb: {  	v34 =	vld.idx.msk [tilespmem:v39+s6+$0x0], $0xffff;
	_ =	sdelay $0x1  }
0x4ec: {  	v38 =	vadd.s32 $0xE, v28  }
0x4ed: {  	v39 =	vor.u32 $0xF, v29;
	_ =	sdelay $0x1  }
0x4ee: {  	v34 =	vmul.f32 v34, v32;
	_ =	sdelay $0x1  }
0x4ef: {  	[tilespmem:v38+s17+$0x0] =	vst.idx.msk $0xffff, v34  }
0x4f0: {  	v34 =	vld.idx.msk [tilespmem:v39+s6+$0x0], $0xffff;
	_ =	sdelay $0x1  }
0x4f1: {  	v38 =	vadd.s32 $0xF, v28  }
0x4f2: {  	v39 =	vor.u32 $0x1, v31  }
0x4f3: {  	v40 =	vor.u32 $0x10, v29  }
0x4f4: {  	v32 =	vmul.f32 v34, v32;
	_ =	sdelay $0x1  }
0x4f5: {  	[tilespmem:v38+s17+$0x0] =	vst.idx.msk $0xffff, v32  }
0x4f6: {  	v32 =	vld.idx.msk [tilespmem:v39+s10+$0x0], $0xffff  }
0x4f7: {  	v34 =	vld.idx.msk [tilespmem:v40+s6+$0x0], $0xffff;
	_ =	sdelay $0x1  }
0x4f8: {  	v38 =	vadd.s32 $0x10, v28  }
0x4f9: {  	v39 =	vor.u32 $0x11, v29;
	_ =	sdelay $0x1  }
0x4fa: {  	v34 =	vmul.f32 v34, v32;
	_ =	sdelay $0x1  }
0x4fb: {  	[tilespmem:v38+s17+$0x0] =	vst.idx.msk $0xffff, v34  }
0x4fc: {  	v34 =	vld.idx.msk [tilespmem:v39+s6+$0x0], $0xffff;
	_ =	sdelay $0x1  }
0x4fd: {  	v38 =	vadd.s32 $0x11, v28  }
0x4fe: {  	v39 =	vor.u32 $0x12, v29;
	_ =	sdelay $0x1  }
0x4ff: {  	v34 =	vmul.f32 v34, v32;
	_ =	sdelay $0x1  }
0x500: {  	[tilespmem:v38+s17+$0x0] =	vst.idx.msk $0xffff, v34  }
0x501: {  	v34 =	vld.idx.msk [tilespmem:v39+s6+$0x0], $0xffff;
	_ =	sdelay $0x1  }
0x502: {  	v38 =	vadd.s32 $0x12, v28  }
0x503: {  	v39 =	vor.u32 $0x13, v29;
	_ =	sdelay $0x1  }
0x504: {  	v34 =	vmul.f32 v34, v32;
	_ =	sdelay $0x1  }
0x505: {  	[tilespmem:v38+s17+$0x0] =	vst.idx.msk $0xffff, v34  }
0x506: {  	v34 =	vld.idx.msk [tilespmem:v39+s6+$0x0], $0xffff;
	_ =	sdelay $0x1  }
0x507: {  	v38 =	vadd.s32 $0x13, v28  }
0x508: {  	v39 =	vor.u32 $0x14, v29;
	_ =	sdelay $0x1  }
0x509: {  	v34 =	vmul.f32 v34, v32;
	_ =	sdelay $0x1  }
0x50a: {  	[tilespmem:v38+s17+$0x0] =	vst.idx.msk $0xffff, v34  }
0x50b: {  	v34 =	vld.idx.msk [tilespmem:v39+s6+$0x0], $0xffff;
	_ =	sdelay $0x1  }
0x50c: {  	v38 =	vadd.s32 $0x14, v28  }
0x50d: {  	v39 =	vor.u32 $0x15, v29;
	_ =	sdelay $0x1  }
0x50e: {  	v34 =	vmul.f32 v34, v32;
	_ =	sdelay $0x1  }
0x50f: {  	[tilespmem:v38+s17+$0x0] =	vst.idx.msk $0xffff, v34  }
0x510: {  	v34 =	vld.idx.msk [tilespmem:v39+s6+$0x0], $0xffff;
	_ =	sdelay $0x1  }
0x511: {  	v38 =	vadd.s32 $0x15, v28  }
0x512: {  	v39 =	vor.u32 $0x16, v29;
	_ =	sdelay $0x1  }
0x513: {  	v34 =	vmul.f32 v34, v32;
	_ =	sdelay $0x1  }
0x514: {  	[tilespmem:v38+s17+$0x0] =	vst.idx.msk $0xffff, v34  }
0x515: {  	v34 =	vld.idx.msk [tilespmem:v39+s6+$0x0], $0xffff;
	_ =	sdelay $0x1  }
0x516: {  	v38 =	vadd.s32 $0x16, v28  }
0x517: {  	v39 =	vor.u32 $0x17, v29;
	_ =	sdelay $0x1  }
0x518: {  	v34 =	vmul.f32 v34, v32;
	_ =	sdelay $0x1  }
0x519: {  	[tilespmem:v38+s17+$0x0] =	vst.idx.msk $0xffff, v34  }
0x51a: {  	v34 =	vld.idx.msk [tilespmem:v39+s6+$0x0], $0xffff;
	_ =	sdelay $0x1  }
0x51b: {  	v38 =	vadd.s32 $0x17, v28  }
0x51c: {  	v39 =	vor.u32 $0x18, v29;
	_ =	sdelay $0x1  }
0x51d: {  	v34 =	vmul.f32 v34, v32;
	_ =	sdelay $0x1  }
0x51e: {  	[tilespmem:v38+s17+$0x0] =	vst.idx.msk $0xffff, v34  }
0x51f: {  	v34 =	vld.idx.msk [tilespmem:v39+s6+$0x0], $0xffff;
	_ =	sdelay $0x1  }
0x520: {  	v38 =	vadd.s32 $0x18, v28  }
0x521: {  	v39 =	vor.u32 $0x19, v29;
	_ =	sdelay $0x1  }
0x522: {  	v34 =	vmul.f32 v34, v32;
	_ =	sdelay $0x1  }
0x523: {  	[tilespmem:v38+s17+$0x0] =	vst.idx.msk $0xffff, v34  }
0x524: {  	v34 =	vld.idx.msk [tilespmem:v39+s6+$0x0], $0xffff;
	_ =	sdelay $0x1  }
0x525: {  	v38 =	vadd.s32 $0x19, v28  }
0x526: {  	v39 =	vor.u32 $0x1A, v29;
	_ =	sdelay $0x1  }
0x527: {  	v34 =	vmul.f32 v34, v32;
	_ =	sdelay $0x1  }
0x528: {  	[tilespmem:v38+s17+$0x0] =	vst.idx.msk $0xffff, v34  }
0x529: {  	v34 =	vld.idx.msk [tilespmem:v39+s6+$0x0], $0xffff;
	_ =	sdelay $0x1  }
0x52a: {  	v38 =	vadd.s32 $0x1A, v28  }
0x52b: {  	v39 =	vor.u32 $0x1B, v29;
	_ =	sdelay $0x1  }
0x52c: {  	v34 =	vmul.f32 v34, v32;
	_ =	sdelay $0x1  }
0x52d: {  	[tilespmem:v38+s17+$0x0] =	vst.idx.msk $0xffff, v34  }
0x52e: {  	v34 =	vld.idx.msk [tilespmem:v39+s6+$0x0], $0xffff;
	_ =	sdelay $0x1  }
0x52f: {  	v38 =	vadd.s32 $0x1B, v28  }
0x530: {  	v39 =	vor.u32 $0x1C, v29;
	_ =	sdelay $0x1  }
0x531: {  	v34 =	vmul.f32 v34, v32;
	_ =	sdelay $0x1  }
0x532: {  	[tilespmem:v38+s17+$0x0] =	vst.idx.msk $0xffff, v34  }
0x533: {  	v34 =	vld.idx.msk [tilespmem:v39+s6+$0x0], $0xffff;
	_ =	sdelay $0x1  }
0x534: {  	v38 =	vadd.s32 $0x1C, v28  }
0x535: {  	v39 =	vor.u32 $0x1D, v29;
	_ =	sdelay $0x1  }
0x536: {  	v34 =	vmul.f32 v34, v32;
	_ =	sdelay $0x1  }
0x537: {  	[tilespmem:v38+s17+$0x0] =	vst.idx.msk $0xffff, v34  }
0x538: {  	v34 =	vld.idx.msk [tilespmem:v39+s6+$0x0], $0xffff;
	_ =	sdelay $0x1  }
0x539: {  	v38 =	vadd.s32 $0x1D, v28  }
0x53a: {  	v39 =	vor.u32 $0x1E, v29;
	_ =	sdelay $0x1  }
0x53b: {  	v34 =	vmul.f32 v34, v32;
	_ =	sdelay $0x1  }
0x53c: {  	[tilespmem:v38+s17+$0x0] =	vst.idx.msk $0xffff, v34  }
0x53d: {  	v34 =	vld.idx.msk [tilespmem:v39+s6+$0x0], $0xffff;
	_ =	sdelay $0x1  }
0x53e: {  	v38 =	vadd.s32 $0x1E, v28  }
0x53f: {  	v39 =	vor.u32 $0x1F, v29;
	_ =	sdelay $0x1  }
0x540: {  	v34 =	vmul.f32 v34, v32;
	_ =	sdelay $0x1  }
0x541: {  	[tilespmem:v38+s17+$0x0] =	vst.idx.msk $0xffff, v34  }
0x542: {  	v34 =	vld.idx.msk [tilespmem:v39+s6+$0x0], $0xffff;
	_ =	sdelay $0x1  }
0x543: {  	v38 =	vadd.s32 $0x1F, v28  }
0x544: {  	v39 =	vor.u32 $0x2, v31  }
0x545: {  	v40 =	vor.u32 $0x20, v29  }
0x546: {  	v32 =	vmul.f32 v34, v32;
	_ =	sdelay $0x1  }
0x547: {  	[tilespmem:v38+s17+$0x0] =	vst.idx.msk $0xffff, v32  }
0x548: {  	v32 =	vld.idx.msk [tilespmem:v39+s10+$0x0], $0xffff  }
0x549: {  	v34 =	vld.idx.msk [tilespmem:v40+s6+$0x0], $0xffff;
	_ =	sdelay $0x1  }
0x54a: {  	v38 =	vadd.s32 $0x20, v28  }
0x54b: {  	v39 =	vor.u32 $0x21, v29;
	_ =	sdelay $0x1  }
0x54c: {  	v34 =	vmul.f32 v34, v32;
	_ =	sdelay $0x1  }
0x54d: {  	[tilespmem:v38+s17+$0x0] =	vst.idx.msk $0xffff, v34  }
0x54e: {  	v34 =	vld.idx.msk [tilespmem:v39+s6+$0x0], $0xffff;
	_ =	sdelay $0x1  }
0x54f: {  	v38 =	vadd.s32 $0x21, v28  }
0x550: {  	v39 =	vor.u32 $0x22, v29;
	_ =	sdelay $0x1  }
0x551: {  	v34 =	vmul.f32 v34, v32;
	_ =	sdelay $0x1  }
0x552: {  	[tilespmem:v38+s17+$0x0] =	vst.idx.msk $0xffff, v34  }
0x553: {  	v34 =	vld.idx.msk [tilespmem:v39+s6+$0x0], $0xffff;
	_ =	sdelay $0x1  }
0x554: {  	v38 =	vadd.s32 $0x22, v28  }
0x555: {  	v39 =	vor.u32 $0x23, v29;
	_ =	sdelay $0x1  }
0x556: {  	v34 =	vmul.f32 v34, v32;
	_ =	sdelay $0x1  }
0x557: {  	[tilespmem:v38+s17+$0x0] =	vst.idx.msk $0xffff, v34  }
0x558: {  	v34 =	vld.idx.msk [tilespmem:v39+s6+$0x0], $0xffff;
	_ =	sdelay $0x1  }
0x559: {  	v38 =	vadd.s32 $0x23, v28  }
0x55a: {  	v39 =	vor.u32 $0x24, v29;
	_ =	sdelay $0x1  }
0x55b: {  	v34 =	vmul.f32 v34, v32;
	_ =	sdelay $0x1  }
0x55c: {  	[tilespmem:v38+s17+$0x0] =	vst.idx.msk $0xffff, v34  }
0x55d: {  	v34 =	vld.idx.msk [tilespmem:v39+s6+$0x0], $0xffff;
	_ =	sdelay $0x1  }
0x55e: {  	v38 =	vadd.s32 $0x24, v28  }
0x55f: {  	v39 =	vor.u32 $0x25, v29;
	_ =	sdelay $0x1  }
0x560: {  	v34 =	vmul.f32 v34, v32;
	_ =	sdelay $0x1  }
0x561: {  	[tilespmem:v38+s17+$0x0] =	vst.idx.msk $0xffff, v34  }
0x562: {  	v34 =	vld.idx.msk [tilespmem:v39+s6+$0x0], $0xffff;
	_ =	sdelay $0x1  }
0x563: {  	v38 =	vadd.s32 $0x25, v28  }
0x564: {  	v39 =	vor.u32 $0x26, v29;
	_ =	sdelay $0x1  }
0x565: {  	v34 =	vmul.f32 v34, v32;
	_ =	sdelay $0x1  }
0x566: {  	[tilespmem:v38+s17+$0x0] =	vst.idx.msk $0xffff, v34  }
0x567: {  	v34 =	vld.idx.msk [tilespmem:v39+s6+$0x0], $0xffff;
	_ =	sdelay $0x1  }
0x568: {  	v38 =	vadd.s32 $0x26, v28  }
0x569: {  	v39 =	vor.u32 $0x27, v29;
	_ =	sdelay $0x1  }
0x56a: {  	v34 =	vmul.f32 v34, v32;
	_ =	sdelay $0x1  }
0x56b: {  	[tilespmem:v38+s17+$0x0] =	vst.idx.msk $0xffff, v34  }
0x56c: {  	v34 =	vld.idx.msk [tilespmem:v39+s6+$0x0], $0xffff;
	_ =	sdelay $0x1  }
0x56d: {  	v38 =	vadd.s32 $0x27, v28  }
0x56e: {  	v39 =	vor.u32 $0x28, v29;
	_ =	sdelay $0x1  }
0x56f: {  	v34 =	vmul.f32 v34, v32;
	_ =	sdelay $0x1  }
0x570: {  	[tilespmem:v38+s17+$0x0] =	vst.idx.msk $0xffff, v34  }
0x571: {  	v34 =	vld.idx.msk [tilespmem:v39+s6+$0x0], $0xffff;
	_ =	sdelay $0x1  }
0x572: {  	v38 =	vadd.s32 $0x28, v28  }
0x573: {  	v39 =	vor.u32 $0x29, v29;
	_ =	sdelay $0x1  }
0x574: {  	v34 =	vmul.f32 v34, v32;
	_ =	sdelay $0x1  }
0x575: {  	[tilespmem:v38+s17+$0x0] =	vst.idx.msk $0xffff, v34  }
0x576: {  	v34 =	vld.idx.msk [tilespmem:v39+s6+$0x0], $0xffff;
	_ =	sdelay $0x1  }
0x577: {  	v38 =	vadd.s32 $0x29, v28  }
0x578: {  	v39 =	vor.u32 $0x2A, v29;
	_ =	sdelay $0x1  }
0x579: {  	v34 =	vmul.f32 v34, v32;
	_ =	sdelay $0x1  }
0x57a: {  	[tilespmem:v38+s17+$0x0] =	vst.idx.msk $0xffff, v34  }
0x57b: {  	v34 =	vld.idx.msk [tilespmem:v39+s6+$0x0], $0xffff;
	_ =	sdelay $0x1  }
0x57c: {  	v38 =	vadd.s32 $0x2A, v28  }
0x57d: {  	v39 =	vor.u32 $0x2B, v29;
	_ =	sdelay $0x1  }
0x57e: {  	v34 =	vmul.f32 v34, v32;
	_ =	sdelay $0x1  }
0x57f: {  	[tilespmem:v38+s17+$0x0] =	vst.idx.msk $0xffff, v34  }
0x580: {  	v34 =	vld.idx.msk [tilespmem:v39+s6+$0x0], $0xffff;
	_ =	sdelay $0x1  }
0x581: {  	v38 =	vadd.s32 $0x2B, v28  }
0x582: {  	v39 =	vor.u32 $0x2C, v29;
	_ =	sdelay $0x1  }
0x583: {  	v34 =	vmul.f32 v34, v32;
	_ =	sdelay $0x1  }
0x584: {  	[tilespmem:v38+s17+$0x0] =	vst.idx.msk $0xffff, v34  }
0x585: {  	v34 =	vld.idx.msk [tilespmem:v39+s6+$0x0], $0xffff;
	_ =	sdelay $0x1  }
0x586: {  	v38 =	vadd.s32 $0x2C, v28  }
0x587: {  	v39 =	vor.u32 $0x2D, v29;
	_ =	sdelay $0x1  }
0x588: {  	v34 =	vmul.f32 v34, v32;
	_ =	sdelay $0x1  }
0x589: {  	[tilespmem:v38+s17+$0x0] =	vst.idx.msk $0xffff, v34  }
0x58a: {  	v34 =	vld.idx.msk [tilespmem:v39+s6+$0x0], $0xffff;
	_ =	sdelay $0x1  }
0x58b: {  	v38 =	vadd.s32 $0x2D, v28  }
0x58c: {  	v39 =	vor.u32 $0x2E, v29;
	_ =	sdelay $0x1  }
0x58d: {  	v34 =	vmul.f32 v34, v32;
	_ =	sdelay $0x1  }
0x58e: {  	[tilespmem:v38+s17+$0x0] =	vst.idx.msk $0xffff, v34  }
0x58f: {  	v34 =	vld.idx.msk [tilespmem:v39+s6+$0x0], $0xffff;
	_ =	sdelay $0x1  }
0x590: {  	v38 =	vadd.s32 $0x2E, v28  }
0x591: {  	v39 =	vor.u32 $0x2F, v29;
	_ =	sdelay $0x1  }
0x592: {  	v34 =	vmul.f32 v34, v32;
	_ =	sdelay $0x1  }
0x593: {  	[tilespmem:v38+s17+$0x0] =	vst.idx.msk $0xffff, v34  }
0x594: {  	v34 =	vld.idx.msk [tilespmem:v39+s6+$0x0], $0xffff;
	_ =	sdelay $0x1  }
0x595: {  	v38 =	vadd.s32 $0x2F, v28  }
0x596: {  	v31 =	vor.u32 $0x3, v31  }
0x597: {  	v39 =	vor.u32 $0x30, v29  }
0x598: {  	v32 =	vmul.f32 v34, v32;
	_ =	sdelay $0x1  }
0x599: {  	[tilespmem:v38+s17+$0x0] =	vst.idx.msk $0xffff, v32  }
0x59a: {  	v31 =	vld.idx.msk [tilespmem:v31+s10+$0x0], $0xffff  }
0x59b: {  	v32 =	vld.idx.msk [tilespmem:v39+s6+$0x0], $0xffff;
	_ =	sdelay $0x1  }
0x59c: {  	v34 =	vadd.s32 $0x30, v28  }
0x59d: {  	v40 =	vor.u32 $0x31, v29;
	_ =	sdelay $0x1  }
0x59e: {  	v32 =	vmul.f32 v32, v31;
	_ =	sdelay $0x1  }
0x59f: {  	[tilespmem:v34+s17+$0x0] =	vst.idx.msk $0xffff, v32  }
0x5a0: {  	v32 =	vld.idx.msk [tilespmem:v40+s6+$0x0], $0xffff;
	_ =	sdelay $0x1  }
0x5a1: {  	v34 =	vadd.s32 $0x31, v28  }
0x5a2: {  	v40 =	vor.u32 $0x32, v29;
	_ =	sdelay $0x1  }
0x5a3: {  	v32 =	vmul.f32 v32, v31;
	_ =	sdelay $0x1  }
0x5a4: {  	[tilespmem:v34+s17+$0x0] =	vst.idx.msk $0xffff, v32  }
0x5a5: {  	v32 =	vld.idx.msk [tilespmem:v40+s6+$0x0], $0xffff;
	_ =	sdelay $0x1  }
0x5a6: {  	v34 =	vadd.s32 $0x32, v28  }
0x5a7: {  	v40 =	vor.u32 $0x33, v29;
	_ =	sdelay $0x1  }
0x5a8: {  	v32 =	vmul.f32 v32, v31;
	_ =	sdelay $0x1  }
0x5a9: {  	[tilespmem:v34+s17+$0x0] =	vst.idx.msk $0xffff, v32  }
0x5aa: {  	v32 =	vld.idx.msk [tilespmem:v40+s6+$0x0], $0xffff;
	_ =	sdelay $0x1  }
0x5ab: {  	v34 =	vadd.s32 $0x33, v28  }
0x5ac: {  	v40 =	vor.u32 $0x34, v29;
	_ =	sdelay $0x1  }
0x5ad: {  	v32 =	vmul.f32 v32, v31;
	_ =	sdelay $0x1  }
0x5ae: {  	[tilespmem:v34+s17+$0x0] =	vst.idx.msk $0xffff, v32  }
0x5af: {  	v32 =	vld.idx.msk [tilespmem:v40+s6+$0x0], $0xffff;
	_ =	sdelay $0x1  }
0x5b0: {  	v34 =	vadd.s32 $0x34, v28  }
0x5b1: {  	v40 =	vor.u32 $0x35, v29;
	_ =	sdelay $0x1  }
0x5b2: {  	v32 =	vmul.f32 v32, v31;
	_ =	sdelay $0x1  }
0x5b3: {  	[tilespmem:v34+s17+$0x0] =	vst.idx.msk $0xffff, v32  }
0x5b4: {  	v32 =	vld.idx.msk [tilespmem:v40+s6+$0x0], $0xffff;
	_ =	sdelay $0x1  }
0x5b5: {  	v34 =	vadd.s32 $0x35, v28  }
0x5b6: {  	v40 =	vor.u32 $0x36, v29;
	_ =	sdelay $0x1  }
0x5b7: {  	v32 =	vmul.f32 v32, v31;
	_ =	sdelay $0x1  }
0x5b8: {  	[tilespmem:v34+s17+$0x0] =	vst.idx.msk $0xffff, v32  }
0x5b9: {  	v32 =	vld.idx.msk [tilespmem:v40+s6+$0x0], $0xffff;
	_ =	sdelay $0x1  }
0x5ba: {  	v34 =	vadd.s32 $0x36, v28  }
0x5bb: {  	v40 =	vor.u32 $0x37, v29;
	_ =	sdelay $0x1  }
0x5bc: {  	v32 =	vmul.f32 v32, v31;
	_ =	sdelay $0x1  }
0x5bd: {  	[tilespmem:v34+s17+$0x0] =	vst.idx.msk $0xffff, v32  }
0x5be: {  	v32 =	vld.idx.msk [tilespmem:v40+s6+$0x0], $0xffff;
	_ =	sdelay $0x1  }
0x5bf: {  	v34 =	vadd.s32 $0x37, v28  }
0x5c0: {  	v40 =	vor.u32 $0x38, v29;
	_ =	sdelay $0x1  }
0x5c1: {  	v32 =	vmul.f32 v32, v31;
	_ =	sdelay $0x1  }
0x5c2: {  	[tilespmem:v34+s17+$0x0] =	vst.idx.msk $0xffff, v32  }
0x5c3: {  	v32 =	vld.idx.msk [tilespmem:v40+s6+$0x0], $0xffff;
	_ =	sdelay $0x1  }
0x5c4: {  	v34 =	vadd.s32 $0x38, v28  }
0x5c5: {  	v40 =	vor.u32 $0x39, v29;
	_ =	sdelay $0x1  }
0x5c6: {  	v32 =	vmul.f32 v32, v31;
	_ =	sdelay $0x1  }
0x5c7: {  	[tilespmem:v34+s17+$0x0] =	vst.idx.msk $0xffff, v32  }
0x5c8: {  	v32 =	vld.idx.msk [tilespmem:v40+s6+$0x0], $0xffff;
	_ =	sdelay $0x1  }
0x5c9: {  	v34 =	vadd.s32 $0x39, v28  }
0x5ca: {  	v40 =	vor.u32 $0x3A, v29;
	_ =	sdelay $0x1  }
0x5cb: {  	v32 =	vmul.f32 v32, v31;
	_ =	sdelay $0x1  }
0x5cc: {  	[tilespmem:v34+s17+$0x0] =	vst.idx.msk $0xffff, v32  }
0x5cd: {  	v32 =	vld.idx.msk [tilespmem:v40+s6+$0x0], $0xffff;
	_ =	sdelay $0x1  }
0x5ce: {  	v34 =	vadd.s32 $0x3A, v28  }
0x5cf: {  	v40 =	vor.u32 $0x3B, v29;
	_ =	sdelay $0x1  }
0x5d0: {  	v32 =	vmul.f32 v32, v31;
	_ =	sdelay $0x1  }
0x5d1: {  	[tilespmem:v34+s17+$0x0] =	vst.idx.msk $0xffff, v32  }
0x5d2: {  	v32 =	vld.idx.msk [tilespmem:v40+s6+$0x0], $0xffff;
	_ =	sdelay $0x1  }
0x5d3: {  	v34 =	vadd.s32 $0x3B, v28  }
0x5d4: {  	v40 =	vor.u32 $0x3C, v29;
	_ =	sdelay $0x1  }
0x5d5: {  	v32 =	vmul.f32 v32, v31;
	_ =	sdelay $0x1  }
0x5d6: {  	[tilespmem:v34+s17+$0x0] =	vst.idx.msk $0xffff, v32  }
0x5d7: {  	v32 =	vld.idx.msk [tilespmem:v40+s6+$0x0], $0xffff;
	_ =	sdelay $0x1  }
0x5d8: {  	v34 =	vadd.s32 $0x3C, v28  }
0x5d9: {  	v40 =	vor.u32 $0x3D, v29;
	_ =	sdelay $0x1  }
0x5da: {  	v32 =	vmul.f32 v32, v31;
	_ =	sdelay $0x1  }
0x5db: {  	[tilespmem:v34+s17+$0x0] =	vst.idx.msk $0xffff, v32  }
0x5dc: {  	v32 =	vld.idx.msk [tilespmem:v40+s6+$0x0], $0xffff;
	_ =	sdelay $0x1  }
0x5dd: {  	v34 =	vadd.s32 $0x3D, v28  }
0x5de: {  	v40 =	vor.u32 $0x3E, v29;
	_ =	sdelay $0x1  }
0x5df: {  	v32 =	vmul.f32 v32, v31;
	_ =	sdelay $0x1  }
0x5e0: {  	[tilespmem:v34+s17+$0x0] =	vst.idx.msk $0xffff, v32  }
0x5e1: {  	v32 =	vld.idx.msk [tilespmem:v40+s6+$0x0], $0xffff;
	_ =	sdelay $0x1  }
0x5e2: {  	v40 =	vadd.s32 $0x3E, v28  }
0x5e3: {  	v29 =	vor.u32 $0x3F, v29;
	_ =	sdelay $0x1  }
0x5e4: {  	v32 =	vmul.f32 v32, v31;
	_ =	sdelay $0x1  }
0x5e5: {  	[tilespmem:v40+s17+$0x0] =	vst.idx.msk $0xffff, v32  }
0x5e6: {  	v29 =	vld.idx.msk [tilespmem:v29+s6+$0x0], $0xffff;
	_ =	sdelay $0x1  }
0x5e7: {  	p3 =	sne.s32 s21, $0x70;
	v28 =	vadd.s32 $0x3F, v28  }
.Ltmp0:
0x5e8: {  	_ = 	snop;
	(pc) =	sbr.rel @p3 .LBB2_4-.Ltmp0, $3  }
0x5e9: {  	_ = 	snop  }
0x5ea: {  	v29 =	vmul.f32 v29, v31;
	_ =	sdelay $0x1  }
0x5eb: {  	s21 =	sadd.s32 $0x10, s21;
	[tilespmem:v28+s17+$0x0] =	vst.idx.msk $0xffff, v29  }
0x5ec: {  	s19 =	sadd.s32 $0x1, s19  }
0x5ed: {  	p3 =	sne.s32 s19, $0x10  }
.Ltmp1:
0x5ee: {  	_ = 	snop;
	(pc) =	sbr.rel @p3 .LBB2_3-.Ltmp1, $4  }
0x5ef: {  	[spmem:s18] =	stream.indirect.scatter.add.f32 [tilespmem:s17], [sflag:$0x4], $0x48, s20, s5, $0xb8;
	[tilespmem:$0x19790] =	vst v63  }
0x5f0: {  	_ =	swait.ge [sflag:s29], $0x2400  }
0x5f1: {  	[sflag:s29] =	ssyncset.done $0x0  }
0x5f2: {  	[sflag:s29] =	ssyncadd.s32 $0xFFFFDC00  }
0x5f3: {  	s16 =	sadd.s32 $0x1, s16  }
0x5f4: {  	p3 =	sne.s32 s16, $0x14  }
.Ltmp2:
0x5f5: {  	_ = 	snop;
	(pc) =	sbr.rel @p3 .LBB2_2-.Ltmp2, $1  }
0x5f6: {  	_ =	sdelay $0x3  }
0x5f7: {  	[bflag:$0x0] =	sbarrier.arrive $0xFFFF  }
0x5f8: {  	s16 =	sld [smem:$0x7F8];
	_ =	sdelay $0x2  }
0x5f9: {  	[tilespmem:s28], [sflag:$0x4] =	stream.linear.gather [spmem:s16], $0x3840, $0x38;
	[tilespmem:$0x19790] =	vst v63  }
0x5fa: {  	_ =	swait.ge [sflag:s29], $0x3840  }
0x5fb: {  	[sflag:s29] =	ssyncset.done $0x0  }
0x5fc: {  	s19 =	rddreg [dreg:$0x12];
	[sflag:s29] =	ssyncadd.s32 $0xFFFFC7C0  }
0x5fd: {  	[hbm4b:s19+s0] =	stream.linear.scatter [tilespmem:s28], [sflag:$0x4], $0x3840, $0x38;
	[tilespmem:$0x19790] =	vst v63  }
0x5fe: {  	_ =	swait.ge [sflag:s29], $0x3840  }
0x5ff: {  	s20 =	sld [smem:$0x7F9]  }
0x600: {  	[sflag:s29] =	ssyncset.done $0x0  }
0x601: {  	[sflag:s29] =	ssyncadd.s32 $0xFFFFC7C0  }
0x602: {  	[tilespmem:s28], [sflag:$0x4] =	stream.linear.gather [spmem:s20], $0x3840, $0x38;
	[tilespmem:$0x19790] =	vst v63  }
0x603: {  	_ =	swait.ge [sflag:s29], $0x3840  }
0x604: {  	[sflag:s29] =	ssyncset.done $0x0  }
0x605: {  	s21 =	rddreg [dreg:$0x13];
	[sflag:s29] =	ssyncadd.s32 $0xFFFFC7C0  }
0x606: {  	[hbm4b:s21+s0] =	stream.linear.scatter [tilespmem:s28], [sflag:$0x4], $0x3840, $0x38;
	[tilespmem:$0x19790] =	vst v63  }
0x607: {  	_ =	swait.ge [sflag:s29], $0x3840  }
0x608: {  	s19 =	sld [smem:$0x7FA]  }
0x609: {  	[sflag:s29] =	ssyncset.done $0x0  }
0x60a: {  	[sflag:s29] =	ssyncadd.s32 $0xFFFFC7C0  }
0x60b: {  	[tilespmem:s28], [sflag:$0x4] =	stream.linear.gather [spmem:s19], $0x3840, $0x38;
	[tilespmem:$0x19790] =	vst v63  }
0x60c: {  	_ =	swait.ge [sflag:s29], $0x3840  }
0x60d: {  	[sflag:s29] =	ssyncset.done $0x0  }
0x60e: {  	s20 =	rddreg [dreg:$0x14];
	[sflag:s29] =	ssyncadd.s32 $0xFFFFC7C0  }
0x60f: {  	[hbm4b:s20+s0] =	stream.linear.scatter [tilespmem:s28], [sflag:$0x4], $0x3840, $0x38;
	[tilespmem:$0x19790] =	vst v63  }
0x610: {  	_ =	swait.ge [sflag:s29], $0x3840  }
0x611: {  	s19 =	sld [smem:$0x7FB]  }
0x612: {  	[sflag:s29] =	ssyncset.done $0x0  }
0x613: {  	s16 =	simm.s32 @!p0 $0x15290;
	[sflag:s29] =	ssyncadd.s32 $0xFFFFC7C0  }
0x614: {  	[tilespmem:s16], [sflag:$0x4] =	stream.linear.gather @!p0 [spmem:s19], $0x3840, $0x38;
	[tilespmem:$0x19790] =	vst v63  }
0x615: {  	s19 =	simm.s32 @!p0 $0x4  }
0x616: {  	_ =	swait.ge @!p0 [sflag:s19], $0x3840  }
0x617: {  	[sflag:s19] =	ssyncset.done @!p0 $0x0  }
0x618: {  	s20 =	simm.s32 @!p0 $0x0;
	s21 =	rddreg [dreg:$0x15];
	[sflag:s19] =	ssyncadd.s32 @!p0 $0xFFFFC7C0  }
0x619: {  	[hbm4b:s21+s20] =	stream.linear.scatter @!p0 [tilespmem:s16], [sflag:$0x4], $0x3840, $0x38;
	[tilespmem:$0x19790] =	vst v63  }
0x61a: {  	_ =	swait.ge @!p0 [sflag:s19], $0x3840  }
0x61b: {  	s21 =	sld [smem:$0x7FC];
	_ =	sdelay $0x1  }
0x61c: {  	s12 =	sadd.s32 $0x1, s12  }
0x61d: {  	p3 =	sne.s32 s12, s21  }
.Ltmp3:
0x61e: {  	_ = 	snop;
	(pc) =	sbr.rel @p3 .LBB2_1-.Ltmp3, $3  }
0x61f: {  	_ =	sdelay $0x1  }
0x620: {  	[sflag:s19] =	ssyncset.done @!p0 $0x0  }
0x621: {  	[sflag:s19] =	ssyncadd.s32 @!p0 $0xFFFFC7C0  }
0x622: {  	_ =	sfence.sel $0x180000  }
0x623: {  	[bflag:$0x0] =	sbarrier.arrive $0xFFFF  }
0x624: {  	_ =	strace $0x90000047  }
0x625: {  	s0 =	stileid.u32;
	[bflag:$0x2] =	sbarrier.arrive $0xFFFF  }
0x626: {  	p0 =	sne.s32 s0, $0x0;
	s0 =	rddreg [dreg:$0x6]  }
0x627: {  	s0 =	sadd.s32 @!p0 $0x100000, s0  }
0x628: {  	[sflag:s0] =	ssyncadd.tile.s32 @!p0 $0x1;
	_ =	shalt  }
.Lfunc_end2:
_tile_overlayer_lowered:
.L_overlay_start_2:
0x629: {  	(tag) =	ssettag $0x2  }
0x62a: {  	s0 =	rddreg [dreg:$0x0];
	s2 =	stileid.u32  }
0x62b: {  	s1 =	rddreg [dreg:$0x1];
	p0 =	sne.s32 s2, $0x0  }
0x62c: {  	s3 =	rddreg [dreg:$0x2];
	[bflag:$0x3] =	sbarrier.arrive $0xFFFF;
	s2 =	simm.s32 @!p0 $0x1C04  }
0x62d: {  	[timem:s3], [sflag:s2] =	dma.local @!p0 [hbm:s0], s1  }
0x62e: {  	s0 =	simm.s32 @!p0 $0x4  }
0x62f: {  	_ =	swait.ge @!p0 [sflag:s0], s1  }
0x630: {  	s1 =	ssub.s32 @!p0 $0x0, s1;
	[sflag:s0] =	ssyncset.done @!p0 $0x0  }
0x631: {  	[sflag:s0] =	ssyncadd.s32 @!p0 s1  }
0x632: {  	[bflag:$0x3] =	sbarrier.arrive $0xFFFF  }
0x633: {  	_ =	shalt  }

</sc_bundles>
